<compile_context>
chip_gen: v7x
topology: tpu7x:2x2x1
jax: 0.10.2.dev20260603
libtpu: 0.0.44.dev20260713+nightly
codegen_flags: <defaults>
</compile_context>

<pallas_src>
import functools
import jax
import jax.numpy as jnp
from jax import lax
from jax.experimental import pallas as pl
from jax.experimental.pallas import tpu as pltpu
from jax.experimental.pallas import tpu_sc as plsc

B = 4
N = 20000
C = 21
NEG = -1e9
THR = 0.3
IOU_THR = 0.5
K = 100
KP = 112
BLK = 160
NBLK = 125
NBLKP = 128
RCH = 32
MBLK = 112
MTOT = 2352
LANES = 16
CP = 32



def _tc_decode_body(rel_ref, anch_ref, boxes_ref):
    ay1 = anch_ref[0]
    ax1 = anch_ref[1]
    ay2 = anch_ref[2]
    ax2 = anch_ref[3]
    ycenter_a = (ay1 + ay2) / 2.0
    xcenter_a = (ax1 + ax2) / 2.0
    ha = ay2 - ay1
    wa = ax2 - ax1
    ty = rel_ref[0] / 10.0
    tx = rel_ref[1] / 10.0
    th = rel_ref[2] / 5.0
    tw = rel_ref[3] / 5.0
    h = jnp.exp(th) * ha
    w = jnp.exp(tw) * wa
    yc = ty * ha + ycenter_a
    xc = tx * wa + xcenter_a
    boxes_ref[0] = jnp.clip(yc - h / 2.0, 0.0, 512.0)
    boxes_ref[1] = jnp.clip(xc - w / 2.0, 0.0, 512.0)
    boxes_ref[2] = jnp.clip(yc + h / 2.0, 0.0, 512.0)
    boxes_ref[3] = jnp.clip(xc + w / 2.0, 0.0, 512.0)


def _tc_scores_body(sc_ref, probs_ref, bmax_ref, barg_ref):
    p = 1.0 / (1.0 + jnp.exp(-sc_ref[...]))
    pt = jnp.where(p > THR, p, NEG)
    probs_ref[...] = pt
    pt3 = pt.reshape(RCH, NBLK, BLK)
    m = jnp.max(pt3, axis=-1)
    lane = lax.broadcasted_iota(jnp.int32, (RCH, NBLK, BLK), 2)
    il = jnp.min(jnp.where(pt3 == m[..., None], lane, _BIG_I), axis=-1)
    row = lax.broadcasted_iota(jnp.int32, (RCH, NBLK), 1)
    padf = jnp.full((RCH, 128 - NBLK), NEG, jnp.float32)
    padi = jnp.zeros((RCH, 128 - NBLK), jnp.int32)
    bmax_ref[...] = jnp.concatenate([m, padf], axis=-1)
    barg_ref[...] = jnp.concatenate([il + row * BLK, padi], axis=-1)


def _tc_stage(rel_q, anch_q, scores_q):
    boxes = pl.pallas_call(
        _tc_decode_body,
        out_shape=jax.ShapeDtypeStruct((4, B, N), jnp.float32),
    )(rel_q, anch_q)
    probs, bmax, barg = pl.pallas_call(
        _tc_scores_body,
        grid=(B * CP // RCH,),
        in_specs=[pl.BlockSpec((RCH, N), lambda i: (i, 0))],
        out_specs=[
            pl.BlockSpec((RCH, N), lambda i: (i, 0)),
            pl.BlockSpec((RCH, 128), lambda i: (i, 0)),
            pl.BlockSpec((RCH, 128), lambda i: (i, 0)),
        ],
        out_shape=[
            jax.ShapeDtypeStruct((B * CP, N), jnp.float32),
            jax.ShapeDtypeStruct((B * CP, 128), jnp.float32),
            jax.ShapeDtypeStruct((B * CP, 128), jnp.int32),
        ],
    )(scores_q)
    return boxes, probs, bmax, barg



_IOTA = functools.partial(lax.iota, jnp.int32, LANES)
_BIG_I = 1 << 30


def _vex_i(ref, idx):
    base = (idx // LANES) * LANES
    v = ref[pl.ds(base, LANES)]
    return lax.reduce_sum(jnp.where(_IOTA() == idx - base, v, 0), (0,))


def _vbro(ref, idx):
    base = (idx // LANES) * LANES
    v = ref[pl.ds(base, LANES)]
    lanes = jnp.full((LANES,), idx - base, jnp.int32)
    return v.at[lanes].get(mode="promise_in_bounds")


def _vset(ref, idx, val):
    base = (idx // LANES) * LANES
    v = ref[pl.ds(base, LANES)]
    ref[pl.ds(base, LANES)] = jnp.where(_IOTA() == idx - base, val, v)


def _scan_range(ref, start, nslices, unroll=False):
    def step(i, carry):
        vmax, vidx = carry
        off = start + i * LANES
        v = ref[pl.ds(off, LANES)]
        take = v > vmax
        return (jnp.where(take, v, vmax),
                jnp.where(take, off + _IOTA(), vidx))
    carry = (jnp.full((LANES,), NEG, jnp.float32), jnp.zeros((LANES,), jnp.int32))
    if unroll:
        for i in range(nslices):
            carry = step(i, carry)
        vmax, vidx = carry
    else:
        vmax, vidx = lax.fori_loop(0, nslices, step, carry)
    m = lax.reduce_max(vmax, (0,))
    idx = lax.reduce_min(jnp.where(vmax == m, vidx, _BIG_I), (0,))
    return m, idx


def _find_global(bm, nslices):
    return _scan_range(bm, 0, nslices, unroll=True)


def _nms_class(pv, py1, px1, py2, px2, bm, ba, sy1, sx1, sy2, sx2, ssc):
    zeros16 = jnp.zeros((LANES,), jnp.float32)
    negs16 = jnp.full((LANES,), NEG, jnp.float32)

    def init_sel(i, _):
        off = pl.ds(i * LANES, LANES)
        sy1[off] = zeros16
        sx1[off] = zeros16
        sy2[off] = zeros16
        sx2[off] = zeros16
        ssc[off] = negs16
        return 0
    lax.fori_loop(0, KP // LANES, init_sel, 0)

    g0, gb0 = _find_global(bm, NBLKP // LANES)

    def nms_cond(carry):
        nsel, gmax, _ = carry
        return (nsel < K) & (gmax > 0.0)

    def nms_body(carry):
        nsel, gmax, gblk = carry
        idx = _vex_i(ba, gblk)
        by1 = _vbro(py1, idx)
        bx1 = _vbro(px1, idx)
        by2 = _vbro(py2, idx)
        bx2 = _vbro(px2, idx)
        a1 = (by2 - by1) * (bx2 - bx1)

        def iou_step(i, acc):
            off = pl.ds(i * LANES, LANES)
            vy1 = sy1[off]
            vx1 = sx1[off]
            vy2 = sy2[off]
            vx2 = sx2[off]
            yy1 = jnp.maximum(by1, vy1)
            xx1 = jnp.maximum(bx1, vx1)
            yy2 = jnp.minimum(by2, vy2)
            xx2 = jnp.minimum(bx2, vx2)
            inter = (jnp.maximum(yy2 - yy1, 0.0)
                     * jnp.maximum(xx2 - xx1, 0.0))
            a2 = (vy2 - vy1) * (vx2 - vx1)
            iou = inter / (a1 + a2 - inter + 1e-8)
            return acc | (iou > IOU_THR)
        supm = jnp.zeros((LANES,), jnp.bool_)
        for i in range(KP // LANES):
            supm = iou_step(i, supm)
        sup = jnp.any(supm)

        _vset(sy1, nsel, jnp.where(sup, 0.0, by1))
        _vset(sx1, nsel, jnp.where(sup, 0.0, bx1))
        _vset(sy2, nsel, jnp.where(sup, 0.0, by2))
        _vset(sx2, nsel, jnp.where(sup, 0.0, bx2))
        _vset(ssc, nsel, jnp.where(sup, NEG, gmax))
        nsel = nsel + jnp.where(sup, 0, 1)

        _vset(pv, idx, NEG)
        m, fidx = _scan_range(pv, gblk * BLK, BLK // LANES, unroll=True)
        _vset(bm, gblk, m)
        _vset(ba, gblk, fidx)
        gmax2, gblk2 = _find_global(bm, NBLKP // LANES)
        return nsel, gmax2, gblk2

    lax.while_loop(nms_cond, nms_body, (jnp.int32(0), g0, gb0))


def _merge_batch(mc_y1, mc_x1, mc_y2, mc_x2, mc_sc, mbm, mba,
                 st_bx, st_sc, st_lb, st_nv):
    zeros16 = jnp.zeros((LANES,), jnp.float32)

    def init_mblk(b, _):
        m, idx = _scan_range(mc_sc, b * MBLK, MBLK // LANES)
        _vset(mbm, b, m)
        _vset(mba, b, idx)
        return 0
    lax.fori_loop(0, MTOT // MBLK, init_mblk, 0)

    def pad_mblk(i, _):
        _vset(mbm, MTOT // MBLK + i, NEG)
        _vset(mba, MTOT // MBLK + i, 0)
        return 0
    lax.fori_loop(0, 2 * LANES - MTOT // MBLK, pad_mblk, 0)

    def sel_step(i, nv):
        s, blk = _find_global(mbm, 2)
        f = _vex_i(mba, blk)
        valid = s > NEG / 2.0
        cc = f // KP
        by1 = _vbro(mc_y1, f)
        bx1 = _vbro(mc_x1, f)
        by2 = _vbro(mc_y2, f)
        bx2 = _vbro(mc_x2, f)
        sw = jnp.where(valid, s, 0.0)
        lw = jnp.where(valid, cc.astype(jnp.float32), 0.0)
        _vset(st_sc, i, sw)
        _vset(st_lb, i, lw)
        base = (i * 4 // LANES) * LANES
        off = i * 4 - base
        io = _IOTA()
        v = st_bx[pl.ds(base, LANES)]
        v = jnp.where(io == off, jnp.where(valid, by1, 0.0), v)
        v = jnp.where(io == off + 1, jnp.where(valid, bx1, 0.0), v)
        v = jnp.where(io == off + 2, jnp.where(valid, by2, 0.0), v)
        v = jnp.where(io == off + 3, jnp.where(valid, bx2, 0.0), v)
        st_bx[pl.ds(base, LANES)] = v
        _vset(mc_sc, f, NEG)
        m, fidx = _scan_range(mc_sc, blk * MBLK, MBLK // LANES, unroll=True)
        _vset(mbm, blk, m)
        _vset(mba, blk, fidx)
        return nv + jnp.where(valid, 1, 0)
    nv = lax.fori_loop(0, K, sel_step, jnp.int32(0))

    def pad_out(i, _):
        _vset(st_sc, K + i, 0.0)
        _vset(st_lb, K + i, 0.0)
        return 0
    lax.fori_loop(0, KP - K, pad_out, 0)

    def pad_bx(i, _):
        st_bx[pl.ds(K * 4 + i * LANES, LANES)] = zeros16
        return 0
    lax.fori_loop(0, (KP - K) * 4 // LANES, pad_bx, 0)

    st_nv[pl.ds(0, LANES)] = jnp.where(_IOTA() == 0, nv, 0)


def _sc_body(probs_hbm, boxes_hbm, bmax_hbm, barg_hbm, oboxes, oscores, olabels, onv,
             py1, px1, py2, px2, pv, bm, ba,
             sy1, sx1, sy2, sx2, ssc,
             sh_y1, sh_x1, sh_y2, sh_x2, sh_sc,
             mc_y1, mc_x1, mc_y2, mc_x2, mc_sc,
             mbm, mba, st_bx, st_sc, st_lb, st_nv):
    cidx = lax.axis_index("c")
    sidx = lax.axis_index("s")
    batch = cidx * 2 + sidx // 8
    j = sidx % 8
    bb = sidx // 8

    pltpu.sync_copy(boxes_hbm.at[0, batch], py1)
    pltpu.sync_copy(boxes_hbm.at[1, batch], px1)
    pltpu.sync_copy(boxes_hbm.at[2, batch], py2)
    pltpu.sync_copy(boxes_hbm.at[3, batch], px2)

    zeros16 = jnp.zeros((LANES,), jnp.float32)
    negs16 = jnp.full((LANES,), NEG, jnp.float32)

    for t in range(3):
        c = j + 8 * t

        @pl.when(c < C)
        def _():
            pltpu.sync_copy(probs_hbm.at[batch * CP + c], pv)
            pltpu.sync_copy(bmax_hbm.at[batch * CP + c], bm)
            pltpu.sync_copy(barg_hbm.at[batch * CP + c], ba.at[pl.ds(0, 128)])
            _nms_class(pv, py1, px1, py2, px2, bm, ba, sy1, sx1, sy2, sx2, ssc)
            sh_off = bb * (C * KP + 16) + c * KP
            pltpu.sync_copy(sy1, sh_y1.at[pl.ds(sh_off, KP)])
            pltpu.sync_copy(sx1, sh_x1.at[pl.ds(sh_off, KP)])
            pltpu.sync_copy(sy2, sh_y2.at[pl.ds(sh_off, KP)])
            pltpu.sync_copy(sx2, sh_x2.at[pl.ds(sh_off, KP)])
            pltpu.sync_copy(ssc, sh_sc.at[pl.ds(sh_off, KP)])

    plsc.subcore_barrier()

    @pl.when(j == 5)
    def _():
        sh_b = bb * (C * KP + 16)
        pltpu.sync_copy(sh_y1.at[pl.ds(sh_b, C * KP + 16)], mc_y1)
        pltpu.sync_copy(sh_x1.at[pl.ds(sh_b, C * KP + 16)], mc_x1)
        pltpu.sync_copy(sh_y2.at[pl.ds(sh_b, C * KP + 16)], mc_y2)
        pltpu.sync_copy(sh_x2.at[pl.ds(sh_b, C * KP + 16)], mc_x2)
        pltpu.sync_copy(sh_sc.at[pl.ds(sh_b, C * KP)], mc_sc)

        _merge_batch(mc_y1, mc_x1, mc_y2, mc_x2, mc_sc, mbm, mba,
                     st_bx, st_sc, st_lb, st_nv)

        pltpu.sync_copy(st_bx, oboxes.at[batch])
        pltpu.sync_copy(st_sc, oscores.at[batch])
        pltpu.sync_copy(st_lb, olabels.at[batch])
        pltpu.sync_copy(st_nv, onv.at[batch])


def _sc_stage(probs, boxes_t, bmax, barg):
    mesh = plsc.VectorSubcoreMesh(core_axis_name="c", subcore_axis_name="s")
    f = pl.kernel(
        _sc_body,
        out_type=[
            jax.ShapeDtypeStruct((B, KP * 4), jnp.float32),
            jax.ShapeDtypeStruct((B, KP), jnp.float32),
            jax.ShapeDtypeStruct((B, KP), jnp.float32),
            jax.ShapeDtypeStruct((B, LANES), jnp.int32),
        ],
        mesh=mesh,
        compiler_params=pltpu.CompilerParams(needs_layout_passes=False),
        scratch_types=[
            pltpu.VMEM((N + 16,), jnp.float32),
            pltpu.VMEM((N + 16,), jnp.float32),
            pltpu.VMEM((N + 16,), jnp.float32),
            pltpu.VMEM((N + 16,), jnp.float32),
            pltpu.VMEM((N,), jnp.float32),
            pltpu.VMEM((128,), jnp.float32),
            pltpu.VMEM((128,), jnp.int32),
            pltpu.VMEM((KP,), jnp.float32),
            pltpu.VMEM((KP,), jnp.float32),
            pltpu.VMEM((KP,), jnp.float32),
            pltpu.VMEM((KP,), jnp.float32),
            pltpu.VMEM((KP,), jnp.float32),
            pltpu.VMEM_SHARED((2 * (C * KP + 16),), jnp.float32),
            pltpu.VMEM_SHARED((2 * (C * KP + 16),), jnp.float32),
            pltpu.VMEM_SHARED((2 * (C * KP + 16),), jnp.float32),
            pltpu.VMEM_SHARED((2 * (C * KP + 16),), jnp.float32),
            pltpu.VMEM_SHARED((2 * (C * KP + 16),), jnp.float32),
            pltpu.VMEM((MTOT + 16,), jnp.float32),
            pltpu.VMEM((MTOT + 16,), jnp.float32),
            pltpu.VMEM((MTOT + 16,), jnp.float32),
            pltpu.VMEM((MTOT + 16,), jnp.float32),
            pltpu.VMEM((MTOT,), jnp.float32),
            pltpu.VMEM((2 * LANES,), jnp.float32),
            pltpu.VMEM((3 * LANES,), jnp.int32),
            pltpu.VMEM((KP * 4,), jnp.float32),
            pltpu.VMEM((KP,), jnp.float32),
            pltpu.VMEM((KP,), jnp.float32),
            pltpu.VMEM((LANES,), jnp.int32),
        ],
    )
    return f(probs, boxes_t, bmax, barg)


def kernel(rel_codes, scores, anchors):
    rel_q = jnp.transpose(rel_codes, (2, 0, 1))
    anch_q = jnp.transpose(anchors, (1, 0))
    scores_p = jnp.pad(scores, ((0, 0), (0, 0), (0, CP - C)))
    scores_q = jnp.transpose(scores_p, (0, 2, 1)).reshape(B * CP, N)
    boxes3d, probs, bmax, barg = _tc_stage(rel_q, anch_q, scores_q)
    boxes_t = jnp.pad(boxes3d, ((0, 0), (0, 0), (0, 16)))
    bx, sc, lb, nv = _sc_stage(probs, boxes_t, bmax, barg)
    out_boxes = bx.reshape(B, KP, 4)[:, :K, :]
    out_scores = sc[:, :K]
    out_labels = lb[:, :K]
    num_valid = nv[:, 0]
    return out_boxes, out_scores, out_labels, num_valid

# --- scband reference (transcript-rebuilt; emitter-appended) ---
"""Pipeline reference for scband-ssdpost-process-17051020165417 (READ-ONLY COPY).

The authoritative reference and input builder live on the scoring server;
editing this copy changes nothing except your own understanding.
"""

import jax, jax.numpy as jnp
import numpy as np

BATCH = 4
N_BOXES = 20000
N_LABELS = 21
IMG = (512.0, 512.0)
SCALES = (10.0, 10.0, 5.0, 5.0)
SCORE_THR = 0.3
IOU_THR = 0.5
MAX_DET = 100
NEG = -1e9


def setup_inputs(seed: int = 0) -> dict:
    key = jax.random.key(seed)
    k1, k2, k3, k4, k5 = jax.random.split(key, 5)
    rel_codes = jax.random.normal(k1, (BATCH, N_BOXES, 4), dtype=jnp.float32)
    scores = jax.random.normal(k2, (BATCH, N_BOXES, N_LABELS), dtype=jnp.float32)
    # anchors: (n_boxes, 4) corners (ymin, xmin, ymax, xmax) inside the 512x512 image
    cy = jax.random.uniform(k3, (N_BOXES,), minval=0.0, maxval=IMG[0])
    cx = jax.random.uniform(k4, (N_BOXES,), minval=0.0, maxval=IMG[1])
    hw = jax.random.uniform(k5, (N_BOXES, 2), minval=16.0, maxval=128.0)
    anchors = jnp.stack([cy - hw[:, 0] / 2, cx - hw[:, 1] / 2,
                         cy + hw[:, 0] / 2, cx + hw[:, 1] / 2], axis=-1).astype(jnp.float32)
    return {"rel_codes": rel_codes, "scores": scores, "anchors": anchors}


def _decode(rel_codes, anchors):
    # FasterRCNNBoxDecode with clip window (0, 0, H, W)
    ycenter_a = (anchors[:, 0] + anchors[:, 2]) / 2.0
    xcenter_a = (anchors[:, 1] + anchors[:, 3]) / 2.0
    ha = anchors[:, 2] - anchors[:, 0]
    wa = anchors[:, 3] - anchors[:, 1]
    ty = rel_codes[..., 0] / SCALES[0]
    tx = rel_codes[..., 1] / SCALES[1]
    th = rel_codes[..., 2] / SCALES[2]
    tw = rel_codes[..., 3] / SCALES[3]
    h = jnp.exp(th) * ha
    w = jnp.exp(tw) * wa
    yc = ty * ha + ycenter_a
    xc = tx * wa + xcenter_a
    ymin = jnp.clip(yc - h / 2.0, 0.0, IMG[0])
    xmin = jnp.clip(xc - w / 2.0, 0.0, IMG[1])
    ymax = jnp.clip(yc + h / 2.0, 0.0, IMG[0])
    xmax = jnp.clip(xc + w / 2.0, 0.0, IMG[1])
    return jnp.stack([ymin, xmin, ymax, xmax], axis=-1)


def _iou(box, boxes):
    yy1 = jnp.maximum(box[0], boxes[:, 0])
    xx1 = jnp.maximum(box[1], boxes[:, 1])
    yy2 = jnp.minimum(box[2], boxes[:, 2])
    xx2 = jnp.minimum(box[3], boxes[:, 3])
    inter = jnp.maximum(yy2 - yy1, 0.0) * jnp.maximum(xx2 - xx1, 0.0)
    a1 = (box[2] - box[0]) * (box[3] - box[1])
    a2 = (boxes[:, 2] - boxes[:, 0]) * (boxes[:, 3] - boxes[:, 1])
    return inter / (a1 + a2 - inter + 1e-8)


def _nms_single(boxes, s):
    # greedy per-class NMS, boxes (N,4), s (N,)
    s = jnp.where(s > SCORE_THR, s, NEG)

    def step(carry, _):
        sc_arr = carry
        idx = jnp.argmax(sc_arr)
        sel_sc = sc_arr[idx]
        b = boxes[idx]
        sup = _iou(b, boxes) > IOU_THR
        sc_arr = jnp.where(sup, NEG, sc_arr)
        sc_arr = sc_arr.at[idx].set(NEG)
        return sc_arr, (idx, sel_sc)

    _, (sel_idx, sel_sc) = jax.lax.scan(step, s, None, length=MAX_DET)
    return sel_idx, sel_sc


def _combined_nms(boxes, scores):
    # boxes (B,N,4), scores (B,N,C) -> same semantics as tf.image.combined_non_max_suppression
    B = boxes.shape[0]
    C = scores.shape[-1]
    sc_t = jnp.transpose(scores, (0, 2, 1))  # (B,C,N)
    nms_c = jax.vmap(_nms_single, in_axes=(None, 0))
    nms_bc = jax.vmap(nms_c, in_axes=(0, 0))
    sel_idx, sel_sc = nms_bc(boxes, sc_t)  # (B,C,K)
    flat_idx = sel_idx.reshape(B, C * MAX_DET)
    flat_sc = sel_sc.reshape(B, C * MAX_DET)
    flat_boxes = jnp.take_along_axis(boxes, flat_idx[..., None], axis=1)  # (B,C*K,4)
    labels = jnp.tile(jnp.arange(C, dtype=jnp.float32)[:, None], (1, MAX_DET)).reshape(-1)
    top_sc, top_i = jax.lax.top_k(flat_sc, MAX_DET)
    out_boxes = jnp.take_along_axis(flat_boxes, top_i[..., None], axis=1)
    out_labels = labels[top_i]
    valid = top_sc > (NEG / 2.0)
    out_scores = jnp.where(valid, top_sc, 0.0)
    out_boxes = jnp.where(valid[..., None], out_boxes, 0.0)
    out_labels = jnp.where(valid, out_labels, 0.0)
    num_valid = jnp.sum(valid, axis=1).astype(jnp.int32)
    return out_boxes, out_scores, out_labels, num_valid


def reference(rel_codes, scores, anchors):
    probs = jax.nn.sigmoid(scores)  # score_converter = sigmoid, remove_background = False
    decoded = _decode(rel_codes, anchors)
    return _combined_nms(decoded, probs)

if __name__ == "__main__":
    import jax
    _d = setup_inputs()
    print(jax.jit(kernel)(*tuple(_d.values())))

</pallas_src>

<mosaic_0001>
#map = affine_map<(d0, d1) -> (0, 0)>
#map1 = affine_map<(d0, d1) -> (0, 0, 0)>
module attributes {stable_mosaic.version = 14 : i64} {
  func.func @_sc_body(%arg0: i32, %arg1: i32, %arg2: memref<128x20000xf32, #tpu.memory_space<hbm>>, %arg3: memref<4x4x20016xf32, #tpu.memory_space<hbm>>, %arg4: memref<128x128xf32, #tpu.memory_space<hbm>>, %arg5: memref<128x128xi32, #tpu.memory_space<hbm>>, %arg6: memref<4x448xf32, #tpu.memory_space<hbm>>, %arg7: memref<4x112xf32, #tpu.memory_space<hbm>>, %arg8: memref<4x112xf32, #tpu.memory_space<hbm>>, %arg9: memref<4x16xi32, #tpu.memory_space<hbm>>, %arg10: memref<20016xf32, #tpu.memory_space<vmem>>, %arg11: memref<20016xf32, #tpu.memory_space<vmem>>, %arg12: memref<20016xf32, #tpu.memory_space<vmem>>, %arg13: memref<20016xf32, #tpu.memory_space<vmem>>, %arg14: memref<20000xf32, #tpu.memory_space<vmem>>, %arg15: memref<128xf32, #tpu.memory_space<vmem>>, %arg16: memref<128xi32, #tpu.memory_space<vmem>>, %arg17: memref<112xf32, #tpu.memory_space<vmem>>, %arg18: memref<112xf32, #tpu.memory_space<vmem>>, %arg19: memref<112xf32, #tpu.memory_space<vmem>>, %arg20: memref<112xf32, #tpu.memory_space<vmem>>, %arg21: memref<112xf32, #tpu.memory_space<vmem>>, %arg22: memref<4736xf32, #tpu.memory_space<vmem_shared>>, %arg23: memref<4736xf32, #tpu.memory_space<vmem_shared>>, %arg24: memref<4736xf32, #tpu.memory_space<vmem_shared>>, %arg25: memref<4736xf32, #tpu.memory_space<vmem_shared>>, %arg26: memref<4736xf32, #tpu.memory_space<vmem_shared>>, %arg27: memref<2368xf32, #tpu.memory_space<vmem>>, %arg28: memref<2368xf32, #tpu.memory_space<vmem>>, %arg29: memref<2368xf32, #tpu.memory_space<vmem>>, %arg30: memref<2368xf32, #tpu.memory_space<vmem>>, %arg31: memref<2352xf32, #tpu.memory_space<vmem>>, %arg32: memref<32xf32, #tpu.memory_space<vmem>>, %arg33: memref<48xi32, #tpu.memory_space<vmem>>, %arg34: memref<448xf32, #tpu.memory_space<vmem>>, %arg35: memref<112xf32, #tpu.memory_space<vmem>>, %arg36: memref<112xf32, #tpu.memory_space<vmem>>, %arg37: memref<16xi32, #tpu.memory_space<vmem>>) attributes {dimension_semantics = [#tpu.dimension_semantics<core_parallel>, #tpu.dimension_semantics<subcore_parallel>], iteration_bounds = array<i64: 2, 16>, scalar_prefetch = 0 : i64, scratch_operands = 28 : i64, tpu.core_type = #tpu.core_type<sc_vector_subcore>, window_params = [{transform_indices = #map}, {transform_indices = #map1}, {transform_indices = #map}, {transform_indices = #map}, {transform_indices = #map}, {transform_indices = #map}, {transform_indices = #map}, {transform_indices = #map}]} {
    %mul3A = arith.constant 2 : i32
    %mul3A_0 = arith.muli %arg0, %mul3A : i32
    %jit3A = arith.constant 8 : i32
    %div3A = arith.divsi %arg1, %jit3A : i32
    %sign3A = arith.constant 0 : i32
    %sign3A_1 = arith.cmpi sgt, %arg1, %sign3A : i32
    %sign3A_2 = arith.extui %sign3A_1 : i1 to i32
    %sign3A_3 = arith.constant 0 : i32
    %sign3A_4 = arith.cmpi slt, %arg1, %sign3A_3 : i32
    %sign3A_5 = arith.extui %sign3A_4 : i1 to i32
    %sign3A_6 = arith.subi %sign3A_2, %sign3A_5 : i32
    %sign3A_7 = arith.constant 0 : i32
    %sign3A_8 = arith.cmpi sgt, %jit3A, %sign3A_7 : i32
    %sign3A_9 = arith.extui %sign3A_8 : i1 to i32
    %sign3A_10 = arith.constant 0 : i32
    %sign3A_11 = arith.cmpi slt, %jit3A, %sign3A_10 : i32
    %sign3A_12 = arith.extui %sign3A_11 : i1 to i32
    %sign3A_13 = arith.subi %sign3A_9, %sign3A_12 : i32
    %ne3A = arith.cmpi ne, %sign3A_6, %sign3A_13 : i32
    %rem3A = arith.remsi %arg1, %jit3A : i32
    %ne3A_14 = arith.constant 0 : i32
    %ne3A_15 = arith.cmpi ne, %rem3A, %ne3A_14 : i32
    %and3A = arith.andi %ne3A, %ne3A_15 : i1
    %sub3A = arith.constant 1 : i32
    %sub3A_16 = arith.subi %div3A, %sub3A : i32
    %select_n3A = arith.select %and3A, %sub3A_16, %div3A : i32
    %add3A = arith.addi %mul3A_0, %select_n3A : i32
    %jit3A_17 = arith.constant 8 : i32
    %eq3A = arith.constant 0 : i32
    %eq3A_18 = arith.cmpi eq, %jit3A_17, %eq3A : i32
    %jit3A_19 = arith.constant 1 : i32
    %select_n3A_20 = arith.select %eq3A_18, %jit3A_19, %jit3A_17 : i32
    %rem3A_21 = arith.remsi %arg1, %select_n3A_20 : i32
    %ne3A_22 = arith.constant 0 : i32
    %ne3A_23 = arith.cmpi ne, %rem3A_21, %ne3A_22 : i32
    %lt3A = arith.constant 0 : i32
    %lt3A_24 = arith.cmpi slt, %rem3A_21, %lt3A : i32
    %lt3A_25 = arith.constant 0 : i32
    %lt3A_26 = arith.cmpi slt, %select_n3A_20, %lt3A_25 : i32
    %ne3A_27 = arith.xori %lt3A_24, %lt3A_26 : i1
    %and3A_28 = arith.andi %ne3A_27, %ne3A_23 : i1
    %add3A_29 = arith.addi %rem3A_21, %select_n3A_20 : i32
    %select_n3A_30 = arith.select %and3A_28, %add3A_29, %rem3A_21 : i32
    %jit3A_31 = arith.constant 8 : i32
    %div3A_32 = arith.divsi %arg1, %jit3A_31 : i32
    %sign3A_33 = arith.constant 0 : i32
    %sign3A_34 = arith.cmpi sgt, %arg1, %sign3A_33 : i32
    %sign3A_35 = arith.extui %sign3A_34 : i1 to i32
    %sign3A_36 = arith.constant 0 : i32
    %sign3A_37 = arith.cmpi slt, %arg1, %sign3A_36 : i32
    %sign3A_38 = arith.extui %sign3A_37 : i1 to i32
    %sign3A_39 = arith.subi %sign3A_35, %sign3A_38 : i32
    %sign3A_40 = arith.constant 0 : i32
    %sign3A_41 = arith.cmpi sgt, %jit3A_31, %sign3A_40 : i32
    %sign3A_42 = arith.extui %sign3A_41 : i1 to i32
    %sign3A_43 = arith.constant 0 : i32
    %sign3A_44 = arith.cmpi slt, %jit3A_31, %sign3A_43 : i32
    %sign3A_45 = arith.extui %sign3A_44 : i1 to i32
    %sign3A_46 = arith.subi %sign3A_42, %sign3A_45 : i32
    %ne3A_47 = arith.cmpi ne, %sign3A_39, %sign3A_46 : i32
    %rem3A_48 = arith.remsi %arg1, %jit3A_31 : i32
    %ne3A_49 = arith.constant 0 : i32
    %ne3A_50 = arith.cmpi ne, %rem3A_48, %ne3A_49 : i32
    %and3A_51 = arith.andi %ne3A_47, %ne3A_50 : i1
    %sub3A_52 = arith.constant 1 : i32
    %sub3A_53 = arith.subi %div3A_32, %sub3A_52 : i32
    %select_n3A_54 = arith.select %and3A_51, %sub3A_53, %div3A_32 : i32
    %run_scoped3A = arith.constant 0 : i32
    "tpu.region"() ({
      %run_scoped3A_85 = tpu.sem_alloc : memref<!tpu.dma_semaphore, #tpu.memory_space<semaphore_mem>>
      %dma_start3A = arith.constant 0 : i32
      %dma_start3A_86 = tpu.memref_slice %arg3[%run_scoped3A, %add3A, %dma_start3A] : memref<4x4x20016xf32, #tpu.memory_space<hbm>> -> memref<1x1x20016xf32, #tpu.memory_space<hbm>>
      %dma_start3A_87 = tpu.memref_squeeze %dma_start3A_86 : memref<1x1x20016xf32, #tpu.memory_space<hbm>> -> memref<20016xf32, #tpu.memory_space<hbm>>
      %dma_start3A_88 = arith.constant 0 : i32
      %dma_start3A_89 = tpu.memref_slice %arg3[%run_scoped3A, %add3A, %dma_start3A_88] : memref<4x4x20016xf32, #tpu.memory_space<hbm>> -> memref<1x1x20016xf32, #tpu.memory_space<hbm>>
      %dma_start3A_90 = tpu.memref_squeeze %dma_start3A_89 : memref<1x1x20016xf32, #tpu.memory_space<hbm>> -> memref<20016xf32, #tpu.memory_space<hbm>>
      tpu.enqueue_dma source(%dma_start3A_90 : memref<20016xf32, #tpu.memory_space<hbm>>) target(%arg10 : memref<20016xf32, #tpu.memory_space<vmem>>) target_semaphore(%run_scoped3A_85 : memref<!tpu.dma_semaphore, #tpu.memory_space<semaphore_mem>>)
      %dma_wait3A = arith.constant 0 : i32
      %dma_wait3A_91 = tpu.memref_slice %arg3[%run_scoped3A, %add3A, %dma_wait3A] : memref<4x4x20016xf32, #tpu.memory_space<hbm>> -> memref<1x1x20016xf32, #tpu.memory_space<hbm>>
      %dma_wait3A_92 = tpu.memref_squeeze %dma_wait3A_91 : memref<1x1x20016xf32, #tpu.memory_space<hbm>> -> memref<20016xf32, #tpu.memory_space<hbm>>
      %dma_wait3A_93 = arith.constant 0 : i32
      %dma_wait3A_94 = tpu.memref_slice %arg3[%run_scoped3A, %add3A, %dma_wait3A_93] : memref<4x4x20016xf32, #tpu.memory_space<hbm>> -> memref<1x1x20016xf32, #tpu.memory_space<hbm>>
      %dma_wait3A_95 = tpu.memref_squeeze %dma_wait3A_94 : memref<1x1x20016xf32, #tpu.memory_space<hbm>> -> memref<20016xf32, #tpu.memory_space<hbm>>
      tpu.wait_dma2 semaphore(%run_scoped3A_85 : memref<!tpu.dma_semaphore, #tpu.memory_space<semaphore_mem>>) src(%dma_wait3A_95 : memref<20016xf32, #tpu.memory_space<hbm>>) dst(%arg10 : memref<20016xf32, #tpu.memory_space<vmem>>)
      tpu.yield
    }) : () -> ()
    %run_scoped3A_55 = arith.constant 1 : i32
    "tpu.region"() ({
      %run_scoped3A_85 = tpu.sem_alloc : memref<!tpu.dma_semaphore, #tpu.memory_space<semaphore_mem>>
      %dma_start3A = arith.constant 0 : i32
      %dma_start3A_86 = tpu.memref_slice %arg3[%run_scoped3A_55, %add3A, %dma_start3A] : memref<4x4x20016xf32, #tpu.memory_space<hbm>> -> memref<1x1x20016xf32, #tpu.memory_space<hbm>>
      %dma_start3A_87 = tpu.memref_squeeze %dma_start3A_86 : memref<1x1x20016xf32, #tpu.memory_space<hbm>> -> memref<20016xf32, #tpu.memory_space<hbm>>
      %dma_start3A_88 = arith.constant 0 : i32
      %dma_start3A_89 = tpu.memref_slice %arg3[%run_scoped3A_55, %add3A, %dma_start3A_88] : memref<4x4x20016xf32, #tpu.memory_space<hbm>> -> memref<1x1x20016xf32, #tpu.memory_space<hbm>>
      %dma_start3A_90 = tpu.memref_squeeze %dma_start3A_89 : memref<1x1x20016xf32, #tpu.memory_space<hbm>> -> memref<20016xf32, #tpu.memory_space<hbm>>
      tpu.enqueue_dma source(%dma_start3A_90 : memref<20016xf32, #tpu.memory_space<hbm>>) target(%arg11 : memref<20016xf32, #tpu.memory_space<vmem>>) target_semaphore(%run_scoped3A_85 : memref<!tpu.dma_semaphore, #tpu.memory_space<semaphore_mem>>)
      %dma_wait3A = arith.constant 0 : i32
      %dma_wait3A_91 = tpu.memref_slice %arg3[%run_scoped3A_55, %add3A, %dma_wait3A] : memref<4x4x20016xf32, #tpu.memory_space<hbm>> -> memref<1x1x20016xf32, #tpu.memory_space<hbm>>
      %dma_wait3A_92 = tpu.memref_squeeze %dma_wait3A_91 : memref<1x1x20016xf32, #tpu.memory_space<hbm>> -> memref<20016xf32, #tpu.memory_space<hbm>>
      %dma_wait3A_93 = arith.constant 0 : i32
      %dma_wait3A_94 = tpu.memref_slice %arg3[%run_scoped3A_55, %add3A, %dma_wait3A_93] : memref<4x4x20016xf32, #tpu.memory_space<hbm>> -> memref<1x1x20016xf32, #tpu.memory_space<hbm>>
      %dma_wait3A_95 = tpu.memref_squeeze %dma_wait3A_94 : memref<1x1x20016xf32, #tpu.memory_space<hbm>> -> memref<20016xf32, #tpu.memory_space<hbm>>
      tpu.wait_dma2 semaphore(%run_scoped3A_85 : memref<!tpu.dma_semaphore, #tpu.memory_space<semaphore_mem>>) src(%dma_wait3A_95 : memref<20016xf32, #tpu.memory_space<hbm>>) dst(%arg11 : memref<20016xf32, #tpu.memory_space<vmem>>)
      tpu.yield
    }) : () -> ()
    %run_scoped3A_56 = arith.constant 2 : i32
    "tpu.region"() ({
      %run_scoped3A_85 = tpu.sem_alloc : memref<!tpu.dma_semaphore, #tpu.memory_space<semaphore_mem>>
      %dma_start3A = arith.constant 0 : i32
      %dma_start3A_86 = tpu.memref_slice %arg3[%run_scoped3A_56, %add3A, %dma_start3A] : memref<4x4x20016xf32, #tpu.memory_space<hbm>> -> memref<1x1x20016xf32, #tpu.memory_space<hbm>>
      %dma_start3A_87 = tpu.memref_squeeze %dma_start3A_86 : memref<1x1x20016xf32, #tpu.memory_space<hbm>> -> memref<20016xf32, #tpu.memory_space<hbm>>
      %dma_start3A_88 = arith.constant 0 : i32
      %dma_start3A_89 = tpu.memref_slice %arg3[%run_scoped3A_56, %add3A, %dma_start3A_88] : memref<4x4x20016xf32, #tpu.memory_space<hbm>> -> memref<1x1x20016xf32, #tpu.memory_space<hbm>>
      %dma_start3A_90 = tpu.memref_squeeze %dma_start3A_89 : memref<1x1x20016xf32, #tpu.memory_space<hbm>> -> memref<20016xf32, #tpu.memory_space<hbm>>
      tpu.enqueue_dma source(%dma_start3A_90 : memref<20016xf32, #tpu.memory_space<hbm>>) target(%arg12 : memref<20016xf32, #tpu.memory_space<vmem>>) target_semaphore(%run_scoped3A_85 : memref<!tpu.dma_semaphore, #tpu.memory_space<semaphore_mem>>)
      %dma_wait3A = arith.constant 0 : i32
      %dma_wait3A_91 = tpu.memref_slice %arg3[%run_scoped3A_56, %add3A, %dma_wait3A] : memref<4x4x20016xf32, #tpu.memory_space<hbm>> -> memref<1x1x20016xf32, #tpu.memory_space<hbm>>
      %dma_wait3A_92 = tpu.memref_squeeze %dma_wait3A_91 : memref<1x1x20016xf32, #tpu.memory_space<hbm>> -> memref<20016xf32, #tpu.memory_space<hbm>>
      %dma_wait3A_93 = arith.constant 0 : i32
      %dma_wait3A_94 = tpu.memref_slice %arg3[%run_scoped3A_56, %add3A, %dma_wait3A_93] : memref<4x4x20016xf32, #tpu.memory_space<hbm>> -> memref<1x1x20016xf32, #tpu.memory_space<hbm>>
      %dma_wait3A_95 = tpu.memref_squeeze %dma_wait3A_94 : memref<1x1x20016xf32, #tpu.memory_space<hbm>> -> memref<20016xf32, #tpu.memory_space<hbm>>
      tpu.wait_dma2 semaphore(%run_scoped3A_85 : memref<!tpu.dma_semaphore, #tpu.memory_space<semaphore_mem>>) src(%dma_wait3A_95 : memref<20016xf32, #tpu.memory_space<hbm>>) dst(%arg12 : memref<20016xf32, #tpu.memory_space<vmem>>)
      tpu.yield
    }) : () -> ()
    %run_scoped3A_57 = arith.constant 3 : i32
    "tpu.region"() ({
      %run_scoped3A_85 = tpu.sem_alloc : memref<!tpu.dma_semaphore, #tpu.memory_space<semaphore_mem>>
      %dma_start3A = arith.constant 0 : i32
      %dma_start3A_86 = tpu.memref_slice %arg3[%run_scoped3A_57, %add3A, %dma_start3A] : memref<4x4x20016xf32, #tpu.memory_space<hbm>> -> memref<1x1x20016xf32, #tpu.memory_space<hbm>>
      %dma_start3A_87 = tpu.memref_squeeze %dma_start3A_86 : memref<1x1x20016xf32, #tpu.memory_space<hbm>> -> memref<20016xf32, #tpu.memory_space<hbm>>
      %dma_start3A_88 = arith.constant 0 : i32
      %dma_start3A_89 = tpu.memref_slice %arg3[%run_scoped3A_57, %add3A, %dma_start3A_88] : memref<4x4x20016xf32, #tpu.memory_space<hbm>> -> memref<1x1x20016xf32, #tpu.memory_space<hbm>>
      %dma_start3A_90 = tpu.memref_squeeze %dma_start3A_89 : memref<1x1x20016xf32, #tpu.memory_space<hbm>> -> memref<20016xf32, #tpu.memory_space<hbm>>
      tpu.enqueue_dma source(%dma_start3A_90 : memref<20016xf32, #tpu.memory_space<hbm>>) target(%arg13 : memref<20016xf32, #tpu.memory_space<vmem>>) target_semaphore(%run_scoped3A_85 : memref<!tpu.dma_semaphore, #tpu.memory_space<semaphore_mem>>)
      %dma_wait3A = arith.constant 0 : i32
      %dma_wait3A_91 = tpu.memref_slice %arg3[%run_scoped3A_57, %add3A, %dma_wait3A] : memref<4x4x20016xf32, #tpu.memory_space<hbm>> -> memref<1x1x20016xf32, #tpu.memory_space<hbm>>
      %dma_wait3A_92 = tpu.memref_squeeze %dma_wait3A_91 : memref<1x1x20016xf32, #tpu.memory_space<hbm>> -> memref<20016xf32, #tpu.memory_space<hbm>>
      %dma_wait3A_93 = arith.constant 0 : i32
      %dma_wait3A_94 = tpu.memref_slice %arg3[%run_scoped3A_57, %add3A, %dma_wait3A_93] : memref<4x4x20016xf32, #tpu.memory_space<hbm>> -> memref<1x1x20016xf32, #tpu.memory_space<hbm>>
      %dma_wait3A_95 = tpu.memref_squeeze %dma_wait3A_94 : memref<1x1x20016xf32, #tpu.memory_space<hbm>> -> memref<20016xf32, #tpu.memory_space<hbm>>
      tpu.wait_dma2 semaphore(%run_scoped3A_85 : memref<!tpu.dma_semaphore, #tpu.memory_space<semaphore_mem>>) src(%dma_wait3A_95 : memref<20016xf32, #tpu.memory_space<hbm>>) dst(%arg13 : memref<20016xf32, #tpu.memory_space<vmem>>)
      tpu.yield
    }) : () -> ()
    %broadcast_in_dim3A = arith.constant 0.000000e+00 : f32
    %broadcast_in_dim3A_58 = vector.broadcast %broadcast_in_dim3A : f32 to vector<16xf32>
    %broadcast_in_dim3A_59 = arith.constant -1.000000e+09 : f32
    %broadcast_in_dim3A_60 = vector.broadcast %broadcast_in_dim3A_59 : f32 to vector<16xf32>
    %add3A_61 = arith.constant 0 : i32
    %add3A_62 = arith.addi %select_n3A_30, %add3A_61 : i32
    %lt3A_63 = arith.constant 21 : i32
    %lt3A_64 = arith.cmpi slt, %add3A_62, %lt3A_63 : i32
    %convert_element_type3A = arith.extui %lt3A_64 : i1 to i32
    %cond3A = arith.constant 0 : i32
    %cond3A_65 = arith.cmpi ne, %convert_element_type3A, %cond3A : i32
    scf.if %cond3A_65 {
      %mul3A_85 = arith.constant 32 : i32
      %mul3A_86 = arith.muli %add3A, %mul3A_85 : i32
      %add3A_87 = arith.addi %mul3A_86, %add3A_62 : i32
      "tpu.region"() ({
        %run_scoped3A_198 = tpu.sem_alloc : memref<!tpu.dma_semaphore, #tpu.memory_space<semaphore_mem>>
        %dma_start3A = arith.constant 0 : i32
        %dma_start3A_199 = tpu.memref_slice %arg2[%add3A_87, %dma_start3A] : memref<128x20000xf32, #tpu.memory_space<hbm>> -> memref<1x20000xf32, #tpu.memory_space<hbm>>
        %dma_start3A_200 = tpu.memref_squeeze %dma_start3A_199 : memref<1x20000xf32, #tpu.memory_space<hbm>> -> memref<20000xf32, #tpu.memory_space<hbm>>
        %dma_start3A_201 = arith.constant 0 : i32
        %dma_start3A_202 = tpu.memref_slice %arg2[%add3A_87, %dma_start3A_201] : memref<128x20000xf32, #tpu.memory_space<hbm>> -> memref<1x20000xf32, #tpu.memory_space<hbm>>
        %dma_start3A_203 = tpu.memref_squeeze %dma_start3A_202 : memref<1x20000xf32, #tpu.memory_space<hbm>> -> memref<20000xf32, #tpu.memory_space<hbm>>
        tpu.enqueue_dma source(%dma_start3A_203 : memref<20000xf32, #tpu.memory_space<hbm>>) target(%arg14 : memref<20000xf32, #tpu.memory_space<vmem>>) target_semaphore(%run_scoped3A_198 : memref<!tpu.dma_semaphore, #tpu.memory_space<semaphore_mem>>)
        %dma_wait3A = arith.constant 0 : i32
        %dma_wait3A_204 = tpu.memref_slice %arg2[%add3A_87, %dma_wait3A] : memref<128x20000xf32, #tpu.memory_space<hbm>> -> memref<1x20000xf32, #tpu.memory_space<hbm>>
        %dma_wait3A_205 = tpu.memref_squeeze %dma_wait3A_204 : memref<1x20000xf32, #tpu.memory_space<hbm>> -> memref<20000xf32, #tpu.memory_space<hbm>>
        %dma_wait3A_206 = arith.constant 0 : i32
        %dma_wait3A_207 = tpu.memref_slice %arg2[%add3A_87, %dma_wait3A_206] : memref<128x20000xf32, #tpu.memory_space<hbm>> -> memref<1x20000xf32, #tpu.memory_space<hbm>>
        %dma_wait3A_208 = tpu.memref_squeeze %dma_wait3A_207 : memref<1x20000xf32, #tpu.memory_space<hbm>> -> memref<20000xf32, #tpu.memory_space<hbm>>
        tpu.wait_dma2 semaphore(%run_scoped3A_198 : memref<!tpu.dma_semaphore, #tpu.memory_space<semaphore_mem>>) src(%dma_wait3A_208 : memref<20000xf32, #tpu.memory_space<hbm>>) dst(%arg14 : memref<20000xf32, #tpu.memory_space<vmem>>)
        tpu.yield
      }) : () -> ()
      %mul3A_88 = arith.constant 32 : i32
      %mul3A_89 = arith.muli %add3A, %mul3A_88 : i32
      %add3A_90 = arith.addi %mul3A_89, %add3A_62 : i32
      "tpu.region"() ({
        %run_scoped3A_198 = tpu.sem_alloc : memref<!tpu.dma_semaphore, #tpu.memory_space<semaphore_mem>>
        %dma_start3A = arith.constant 0 : i32
        %dma_start3A_199 = tpu.memref_slice %arg4[%add3A_90, %dma_start3A] : memref<128x128xf32, #tpu.memory_space<hbm>> -> memref<1x128xf32, #tpu.memory_space<hbm>>
        %dma_start3A_200 = tpu.memref_squeeze %dma_start3A_199 : memref<1x128xf32, #tpu.memory_space<hbm>> -> memref<128xf32, #tpu.memory_space<hbm>>
        %dma_start3A_201 = arith.constant 0 : i32
        %dma_start3A_202 = tpu.memref_slice %arg4[%add3A_90, %dma_start3A_201] : memref<128x128xf32, #tpu.memory_space<hbm>> -> memref<1x128xf32, #tpu.memory_space<hbm>>
        %dma_start3A_203 = tpu.memref_squeeze %dma_start3A_202 : memref<1x128xf32, #tpu.memory_space<hbm>> -> memref<128xf32, #tpu.memory_space<hbm>>
        tpu.enqueue_dma source(%dma_start3A_203 : memref<128xf32, #tpu.memory_space<hbm>>) target(%arg15 : memref<128xf32, #tpu.memory_space<vmem>>) target_semaphore(%run_scoped3A_198 : memref<!tpu.dma_semaphore, #tpu.memory_space<semaphore_mem>>)
        %dma_wait3A = arith.constant 0 : i32
        %dma_wait3A_204 = tpu.memref_slice %arg4[%add3A_90, %dma_wait3A] : memref<128x128xf32, #tpu.memory_space<hbm>> -> memref<1x128xf32, #tpu.memory_space<hbm>>
        %dma_wait3A_205 = tpu.memref_squeeze %dma_wait3A_204 : memref<1x128xf32, #tpu.memory_space<hbm>> -> memref<128xf32, #tpu.memory_space<hbm>>
        %dma_wait3A_206 = arith.constant 0 : i32
        %dma_wait3A_207 = tpu.memref_slice %arg4[%add3A_90, %dma_wait3A_206] : memref<128x128xf32, #tpu.memory_space<hbm>> -> memref<1x128xf32, #tpu.memory_space<hbm>>
        %dma_wait3A_208 = tpu.memref_squeeze %dma_wait3A_207 : memref<1x128xf32, #tpu.memory_space<hbm>> -> memref<128xf32, #tpu.memory_space<hbm>>
        tpu.wait_dma2 semaphore(%run_scoped3A_198 : memref<!tpu.dma_semaphore, #tpu.memory_space<semaphore_mem>>) src(%dma_wait3A_208 : memref<128xf32, #tpu.memory_space<hbm>>) dst(%arg15 : memref<128xf32, #tpu.memory_space<vmem>>)
        tpu.yield
      }) : () -> ()
      %mul3A_91 = arith.constant 32 : i32
      %mul3A_92 = arith.muli %add3A, %mul3A_91 : i32
      %add3A_93 = arith.addi %mul3A_92, %add3A_62 : i32
      "tpu.region"() ({
        %run_scoped3A_198 = tpu.sem_alloc : memref<!tpu.dma_semaphore, #tpu.memory_space<semaphore_mem>>
        %dma_start3A = arith.constant 0 : i32
        %dma_start3A_199 = tpu.memref_slice %arg16[%dma_start3A] : memref<128xi32, #tpu.memory_space<vmem>> -> memref<128xi32, #tpu.memory_space<vmem>>
        %dma_start3A_200 = arith.constant 0 : i32
        %dma_start3A_201 = tpu.memref_slice %arg5[%add3A_93, %dma_start3A_200] : memref<128x128xi32, #tpu.memory_space<hbm>> -> memref<1x128xi32, #tpu.memory_space<hbm>>
        %dma_start3A_202 = tpu.memref_squeeze %dma_start3A_201 : memref<1x128xi32, #tpu.memory_space<hbm>> -> memref<128xi32, #tpu.memory_space<hbm>>
        %dma_start3A_203 = arith.constant 0 : i32
        %dma_start3A_204 = tpu.memref_slice %arg16[%dma_start3A_203] : memref<128xi32, #tpu.memory_space<vmem>> -> memref<128xi32, #tpu.memory_space<vmem>>
        %dma_start3A_205 = arith.constant 0 : i32
        %dma_start3A_206 = tpu.memref_slice %arg5[%add3A_93, %dma_start3A_205] : memref<128x128xi32, #tpu.memory_space<hbm>> -> memref<1x128xi32, #tpu.memory_space<hbm>>
        %dma_start3A_207 = tpu.memref_squeeze %dma_start3A_206 : memref<1x128xi32, #tpu.memory_space<hbm>> -> memref<128xi32, #tpu.memory_space<hbm>>
        tpu.enqueue_dma source(%dma_start3A_207 : memref<128xi32, #tpu.memory_space<hbm>>) target(%dma_start3A_204 : memref<128xi32, #tpu.memory_space<vmem>>) target_semaphore(%run_scoped3A_198 : memref<!tpu.dma_semaphore, #tpu.memory_space<semaphore_mem>>)
        %dma_wait3A = arith.constant 0 : i32
        %dma_wait3A_208 = tpu.memref_slice %arg16[%dma_wait3A] : memref<128xi32, #tpu.memory_space<vmem>> -> memref<128xi32, #tpu.memory_space<vmem>>
        %dma_wait3A_209 = arith.constant 0 : i32
        %dma_wait3A_210 = tpu.memref_slice %arg5[%add3A_93, %dma_wait3A_209] : memref<128x128xi32, #tpu.memory_space<hbm>> -> memref<1x128xi32, #tpu.memory_space<hbm>>
        %dma_wait3A_211 = tpu.memref_squeeze %dma_wait3A_210 : memref<1x128xi32, #tpu.memory_space<hbm>> -> memref<128xi32, #tpu.memory_space<hbm>>
        %dma_wait3A_212 = arith.constant 0 : i32
        %dma_wait3A_213 = tpu.memref_slice %arg16[%dma_wait3A_212] : memref<128xi32, #tpu.memory_space<vmem>> -> memref<128xi32, #tpu.memory_space<vmem>>
        %dma_wait3A_214 = arith.constant 0 : i32
        %dma_wait3A_215 = tpu.memref_slice %arg5[%add3A_93, %dma_wait3A_214] : memref<128x128xi32, #tpu.memory_space<hbm>> -> memref<1x128xi32, #tpu.memory_space<hbm>>
        %dma_wait3A_216 = tpu.memref_squeeze %dma_wait3A_215 : memref<1x128xi32, #tpu.memory_space<hbm>> -> memref<128xi32, #tpu.memory_space<hbm>>
        tpu.wait_dma2 semaphore(%run_scoped3A_198 : memref<!tpu.dma_semaphore, #tpu.memory_space<semaphore_mem>>) src(%dma_wait3A_216 : memref<128xi32, #tpu.memory_space<hbm>>) dst(%dma_wait3A_213 : memref<128xi32, #tpu.memory_space<vmem>>)
        tpu.yield
      }) : () -> ()
      %broadcast_in_dim3A_94 = arith.constant 0.000000e+00 : f32
      %broadcast_in_dim3A_95 = vector.broadcast %broadcast_in_dim3A_94 : f32 to vector<16xf32>
      %broadcast_in_dim3A_96 = arith.constant -1.000000e+09 : f32
      %broadcast_in_dim3A_97 = vector.broadcast %broadcast_in_dim3A_96 : f32 to vector<16xf32>
      %scan3A = arith.constant 0 : i32
      %scan3A_98 = arith.constant 0 : i32
      %scan3A_99 = arith.constant 7 : i32
      %scan3A_100 = arith.addi %scan3A_98, %scan3A_99 : i32
      %scan3A_101 = arith.constant 1 : i32
      %scan3A_102 = scf.for %scan3A_198 = %scan3A_98 to %scan3A_100 step %scan3A_101 iter_args(%scan3A_199 = %scan3A) -> (i32)  : i32 {
        %mul3A_200 = arith.constant 16 : i32
        %mul3A_201 = arith.muli %scan3A_198, %mul3A_200 : i32
        %swap3A = arith.index_cast %mul3A_201 : i32 to index
        %swap3A_202 = tpu.vector_load %arg17[%swap3A] {strides = array<i32>} : memref<112xf32, #tpu.memory_space<vmem>>, vector<16xf32>,
        tpu.vector_store %arg17[%swap3A], %broadcast_in_dim3A_95 {strides = array<i32>} : memref<112xf32, #tpu.memory_space<vmem>>, vector<16xf32>,
        %swap3A_203 = arith.index_cast %mul3A_201 : i32 to index
        %swap3A_204 = tpu.vector_load %arg18[%swap3A_203] {strides = array<i32>} : memref<112xf32, #tpu.memory_space<vmem>>, vector<16xf32>,
        tpu.vector_store %arg18[%swap3A_203], %broadcast_in_dim3A_95 {strides = array<i32>} : memref<112xf32, #tpu.memory_space<vmem>>, vector<16xf32>,
        %swap3A_205 = arith.index_cast %mul3A_201 : i32 to index
        %swap3A_206 = tpu.vector_load %arg19[%swap3A_205] {strides = array<i32>} : memref<112xf32, #tpu.memory_space<vmem>>, vector<16xf32>,
        tpu.vector_store %arg19[%swap3A_205], %broadcast_in_dim3A_95 {strides = array<i32>} : memref<112xf32, #tpu.memory_space<vmem>>, vector<16xf32>,
        %swap3A_207 = arith.index_cast %mul3A_201 : i32 to index
        %swap3A_208 = tpu.vector_load %arg20[%swap3A_207] {strides = array<i32>} : memref<112xf32, #tpu.memory_space<vmem>>, vector<16xf32>,
        tpu.vector_store %arg20[%swap3A_207], %broadcast_in_dim3A_95 {strides = array<i32>} : memref<112xf32, #tpu.memory_space<vmem>>, vector<16xf32>,
        %swap3A_209 = arith.index_cast %mul3A_201 : i32 to index
        %swap3A_210 = tpu.vector_load %arg21[%swap3A_209] {strides = array<i32>} : memref<112xf32, #tpu.memory_space<vmem>>, vector<16xf32>,
        tpu.vector_store %arg21[%swap3A_209], %broadcast_in_dim3A_97 {strides = array<i32>} : memref<112xf32, #tpu.memory_space<vmem>>, vector<16xf32>,
        %scan3A_211 = arith.constant 0 : i32
        scf.yield %scan3A_211 : i32
      }
      %scan3A_103 = arith.constant 7 : i32
      %broadcast_in_dim3A_104 = arith.constant -1.000000e+09 : f32
      %broadcast_in_dim3A_105 = vector.broadcast %broadcast_in_dim3A_104 : f32 to vector<16xf32>
      %broadcast_in_dim3A_106 = arith.constant 0 : i32
      %broadcast_in_dim3A_107 = vector.broadcast %broadcast_in_dim3A_106 : i32 to vector<16xi32>
      %get3A = arith.constant 0 : index
      %get3A_108 = tpu.vector_load %arg15[%get3A] {strides = array<i32>} : memref<128xf32, #tpu.memory_space<vmem>>, vector<16xf32>,
      %gt3A = arith.cmpf ogt, %get3A_108, %broadcast_in_dim3A_105 : vector<16xf32>
      %select_n3A_109 = arith.select %gt3A, %get3A_108, %broadcast_in_dim3A_105 : vector<16xi1>, vector<16xf32>
      %iota3A = tpu.iota {dimensions = array<i32: 0>} : vector<16xi32>
      %add3A_110 = arith.constant 0 : i32
      %add3A_111 = vector.broadcast %add3A_110 : i32 to vector<16xi32>
      %add3A_112 = arith.addi %add3A_111, %iota3A : vector<16xi32>
      %select_n3A_113 = arith.select %gt3A, %add3A_112, %broadcast_in_dim3A_107 : vector<16xi1>, vector<16xi32>
      %get3A_114 = arith.constant 16 : index
      %get3A_115 = tpu.vector_load %arg15[%get3A_114] {strides = array<i32>} : memref<128xf32, #tpu.memory_space<vmem>>, vector<16xf32>,
      %gt3A_116 = arith.cmpf ogt, %get3A_115, %select_n3A_109 : vector<16xf32>
      %select_n3A_117 = arith.select %gt3A_116, %get3A_115, %select_n3A_109 : vector<16xi1>, vector<16xf32>
      %iota3A_118 = tpu.iota {dimensions = array<i32: 0>} : vector<16xi32>
      %add3A_119 = arith.constant 16 : i32
      %add3A_120 = vector.broadcast %add3A_119 : i32 to vector<16xi32>
      %add3A_121 = arith.addi %add3A_120, %iota3A_118 : vector<16xi32>
      %select_n3A_122 = arith.select %gt3A_116, %add3A_121, %select_n3A_113 : vector<16xi1>, vector<16xi32>
      %get3A_123 = arith.constant 32 : index
      %get3A_124 = tpu.vector_load %arg15[%get3A_123] {strides = array<i32>} : memref<128xf32, #tpu.memory_space<vmem>>, vector<16xf32>,
      %gt3A_125 = arith.cmpf ogt, %get3A_124, %select_n3A_117 : vector<16xf32>
      %select_n3A_126 = arith.select %gt3A_125, %get3A_124, %select_n3A_117 : vector<16xi1>, vector<16xf32>
      %iota3A_127 = tpu.iota {dimensions = array<i32: 0>} : vector<16xi32>
      %add3A_128 = arith.constant 32 : i32
      %add3A_129 = vector.broadcast %add3A_128 : i32 to vector<16xi32>
      %add3A_130 = arith.addi %add3A_129, %iota3A_127 : vector<16xi32>
      %select_n3A_131 = arith.select %gt3A_125, %add3A_130, %select_n3A_122 : vector<16xi1>, vector<16xi32>
      %get3A_132 = arith.constant 48 : index
      %get3A_133 = tpu.vector_load %arg15[%get3A_132] {strides = array<i32>} : memref<128xf32, #tpu.memory_space<vmem>>, vector<16xf32>,
      %gt3A_134 = arith.cmpf ogt, %get3A_133, %select_n3A_126 : vector<16xf32>
      %select_n3A_135 = arith.select %gt3A_134, %get3A_133, %select_n3A_126 : vector<16xi1>, vector<16xf32>
      %iota3A_136 = tpu.iota {dimensions = array<i32: 0>} : vector<16xi32>
      %add3A_137 = arith.constant 48 : i32
      %add3A_138 = vector.broadcast %add3A_137 : i32 to vector<16xi32>
      %add3A_139 = arith.addi %add3A_138, %iota3A_136 : vector<16xi32>
      %select_n3A_140 = arith.select %gt3A_134, %add3A_139, %select_n3A_131 : vector<16xi1>, vector<16xi32>
      %get3A_141 = arith.constant 64 : index
      %get3A_142 = tpu.vector_load %arg15[%get3A_141] {strides = array<i32>} : memref<128xf32, #tpu.memory_space<vmem>>, vector<16xf32>,
      %gt3A_143 = arith.cmpf ogt, %get3A_142, %select_n3A_135 : vector<16xf32>
      %select_n3A_144 = arith.select %gt3A_143, %get3A_142, %select_n3A_135 : vector<16xi1>, vector<16xf32>
      %iota3A_145 = tpu.iota {dimensions = array<i32: 0>} : vector<16xi32>
      %add3A_146 = arith.constant 64 : i32
      %add3A_147 = vector.broadcast %add3A_146 : i32 to vector<16xi32>
      %add3A_148 = arith.addi %add3A_147, %iota3A_145 : vector<16xi32>
      %select_n3A_149 = arith.select %gt3A_143, %add3A_148, %select_n3A_140 : vector<16xi1>, vector<16xi32>
      %get3A_150 = arith.constant 80 : index
      %get3A_151 = tpu.vector_load %arg15[%get3A_150] {strides = array<i32>} : memref<128xf32, #tpu.memory_space<vmem>>, vector<16xf32>,
      %gt3A_152 = arith.cmpf ogt, %get3A_151, %select_n3A_144 : vector<16xf32>
      %select_n3A_153 = arith.select %gt3A_152, %get3A_151, %select_n3A_144 : vector<16xi1>, vector<16xf32>
      %iota3A_154 = tpu.iota {dimensions = array<i32: 0>} : vector<16xi32>
      %add3A_155 = arith.constant 80 : i32
      %add3A_156 = vector.broadcast %add3A_155 : i32 to vector<16xi32>
      %add3A_157 = arith.addi %add3A_156, %iota3A_154 : vector<16xi32>
      %select_n3A_158 = arith.select %gt3A_152, %add3A_157, %select_n3A_149 : vector<16xi1>, vector<16xi32>
      %get3A_159 = arith.constant 96 : index
      %get3A_160 = tpu.vector_load %arg15[%get3A_159] {strides = array<i32>} : memref<128xf32, #tpu.memory_space<vmem>>, vector<16xf32>,
      %gt3A_161 = arith.cmpf ogt, %get3A_160, %select_n3A_153 : vector<16xf32>
      %select_n3A_162 = arith.select %gt3A_161, %get3A_160, %select_n3A_153 : vector<16xi1>, vector<16xf32>
      %iota3A_163 = tpu.iota {dimensions = array<i32: 0>} : vector<16xi32>
      %add3A_164 = arith.constant 96 : i32
      %add3A_165 = vector.broadcast %add3A_164 : i32 to vector<16xi32>
      %add3A_166 = arith.addi %add3A_165, %iota3A_163 : vector<16xi32>
      %select_n3A_167 = arith.select %gt3A_161, %add3A_166, %select_n3A_158 : vector<16xi1>, vector<16xi32>
      %get3A_168 = arith.constant 112 : index
      %get3A_169 = tpu.vector_load %arg15[%get3A_168] {strides = array<i32>} : memref<128xf32, #tpu.memory_space<vmem>>, vector<16xf32>,
      %gt3A_170 = arith.cmpf ogt, %get3A_169, %select_n3A_162 : vector<16xf32>
      %select_n3A_171 = arith.select %gt3A_170, %get3A_169, %select_n3A_162 : vector<16xi1>, vector<16xf32>
      %iota3A_172 = tpu.iota {dimensions = array<i32: 0>} : vector<16xi32>
      %add3A_173 = arith.constant 112 : i32
      %add3A_174 = vector.broadcast %add3A_173 : i32 to vector<16xi32>
      %add3A_175 = arith.addi %add3A_174, %iota3A_172 : vector<16xi32>
      %select_n3A_176 = arith.select %gt3A_170, %add3A_175, %select_n3A_167 : vector<16xi1>, vector<16xi32>
      %reduce_max3A = arith.constant true
      %reduce_max3A_177 = vector.broadcast %reduce_max3A : i1 to vector<16xi1>
      %reduce_max3A_178 = tpu.scan <max>, %select_n3A_171 masked %reduce_max3A_177 : vector<16xf32>, vector<16xi1> -> vector<16xf32>
      %reduce_max3A_179 = vector.extract %reduce_max3A_178[15] : f32 from vector<16xf32>
      %eq3A_180 = vector.broadcast %reduce_max3A_179 : f32 to vector<16xf32>
      %eq3A_181 = arith.cmpf oeq, %select_n3A_171, %eq3A_180 : vector<16xf32>
      %jit3A_182 = arith.constant 1073741824 : i32
      %broadcast_in_dim3A_183 = vector.broadcast %jit3A_182 : i32 to vector<16xi32>
      %select_n3A_184 = arith.select %eq3A_181, %select_n3A_176, %broadcast_in_dim3A_183 : vector<16xi1>, vector<16xi32>
      %reduce_min3A = arith.constant true
      %reduce_min3A_185 = vector.broadcast %reduce_min3A : i1 to vector<16xi1>
      %reduce_min3A_186 = arith.constant -2147483648 : i32
      %reduce_min3A_187 = vector.broadcast %reduce_min3A_186 : i32 to vector<16xi32>
      %reduce_min3A_188 = arith.xori %select_n3A_184, %reduce_min3A_187 : vector<16xi32>
      %reduce_min3A_189 = tpu.scan <min>, %reduce_min3A_188 masked %reduce_min3A_185 : vector<16xi32>, vector<16xi1> -> vector<16xi32>
      %reduce_min3A_190 = arith.xori %reduce_min3A_189, %reduce_min3A_187 : vector<16xi32>
      %reduce_min3A_191 = vector.extract %reduce_min3A_190[15] : i32 from vector<16xi32>
      %while3A = arith.constant 0 : i32
      %while3A_192:3 = scf.while (%while3A_198 = %while3A, %while3A_199 = %reduce_max3A_179, %while3A_200 = %reduce_min3A_191) : (i32, f32, i32) -> (i32, f32, i32) {
        %lt3A_201 = arith.constant 100 : i32
        %lt3A_202 = arith.cmpi slt, %while3A_198, %lt3A_201 : i32
        %gt3A_203 = arith.constant 0.000000e+00 : f32
        %gt3A_204 = arith.cmpf ogt, %while3A_199, %gt3A_203 : f32
        %and3A_205 = arith.andi %lt3A_202, %gt3A_204 : i1
        scf.condition(%and3A_205) %while3A_198, %while3A_199, %while3A_200 : i32, f32, i32
      } do {
      ^bb0(%while3A_198: i32, %while3A_199: f32, %while3A_200: i32):
        %jit3A_201 = arith.constant 16 : i32
        %div3A_202 = arith.divsi %while3A_200, %jit3A_201 : i32
        %sign3A_203 = arith.constant 0 : i32
        %sign3A_204 = arith.cmpi sgt, %while3A_200, %sign3A_203 : i32
        %sign3A_205 = arith.extui %sign3A_204 : i1 to i32
        %sign3A_206 = arith.constant 0 : i32
        %sign3A_207 = arith.cmpi slt, %while3A_200, %sign3A_206 : i32
        %sign3A_208 = arith.extui %sign3A_207 : i1 to i32
        %sign3A_209 = arith.subi %sign3A_205, %sign3A_208 : i32
        %sign3A_210 = arith.constant 0 : i32
        %sign3A_211 = arith.cmpi sgt, %jit3A_201, %sign3A_210 : i32
        %sign3A_212 = arith.extui %sign3A_211 : i1 to i32
        %sign3A_213 = arith.constant 0 : i32
        %sign3A_214 = arith.cmpi slt, %jit3A_201, %sign3A_213 : i32
        %sign3A_215 = arith.extui %sign3A_214 : i1 to i32
        %sign3A_216 = arith.subi %sign3A_212, %sign3A_215 : i32
        %ne3A_217 = arith.cmpi ne, %sign3A_209, %sign3A_216 : i32
        %rem3A_218 = arith.remsi %while3A_200, %jit3A_201 : i32
        %ne3A_219 = arith.constant 0 : i32
        %ne3A_220 = arith.cmpi ne, %rem3A_218, %ne3A_219 : i32
        %and3A_221 = arith.andi %ne3A_217, %ne3A_220 : i1
        %sub3A_222 = arith.constant 1 : i32
        %sub3A_223 = arith.subi %div3A_202, %sub3A_222 : i32
        %select_n3A_224 = arith.select %and3A_221, %sub3A_223, %div3A_202 : i32
        %mul3A_225 = arith.constant 16 : i32
        %mul3A_226 = arith.muli %select_n3A_224, %mul3A_225 : i32
        %get3A_227 = arith.index_cast %mul3A_226 : i32 to index
        %get3A_228 = tpu.vector_load %arg16[%get3A_227] {strides = array<i32>} : memref<128xi32, #tpu.memory_space<vmem>>, vector<16xi32>,
        %iota3A_229 = tpu.iota {dimensions = array<i32: 0>} : vector<16xi32>
        %sub3A_230 = arith.subi %while3A_200, %mul3A_226 : i32
        %eq3A_231 = vector.broadcast %sub3A_230 : i32 to vector<16xi32>
        %eq3A_232 = arith.cmpi eq, %iota3A_229, %eq3A_231 : vector<16xi32>
        %jit3A_233 = arith.constant 0 : i32
        %broadcast_in_dim3A_234 = vector.broadcast %jit3A_233 : i32 to vector<16xi32>
        %select_n3A_235 = arith.select %eq3A_232, %get3A_228, %broadcast_in_dim3A_234 : vector<16xi1>, vector<16xi32>
        %reduce_sum3A = arith.constant true
        %reduce_sum3A_236 = vector.broadcast %reduce_sum3A : i1 to vector<16xi1>
        %reduce_sum3A_237 = tpu.scan <sum>, %select_n3A_235 masked %reduce_sum3A_236 : vector<16xi32>, vector<16xi1> -> vector<16xi32>
        %reduce_sum3A_238 = vector.extract %reduce_sum3A_237[15] : i32 from vector<16xi32>
        %jit3A_239 = arith.constant 16 : i32
        %div3A_240 = arith.divsi %reduce_sum3A_238, %jit3A_239 : i32
        %sign3A_241 = arith.constant 0 : i32
        %sign3A_242 = arith.cmpi sgt, %reduce_sum3A_238, %sign3A_241 : i32
        %sign3A_243 = arith.extui %sign3A_242 : i1 to i32
        %sign3A_244 = arith.constant 0 : i32
        %sign3A_245 = arith.cmpi slt, %reduce_sum3A_238, %sign3A_244 : i32
        %sign3A_246 = arith.extui %sign3A_245 : i1 to i32
        %sign3A_247 = arith.subi %sign3A_243, %sign3A_246 : i32
        %sign3A_248 = arith.constant 0 : i32
        %sign3A_249 = arith.cmpi sgt, %jit3A_239, %sign3A_248 : i32
        %sign3A_250 = arith.extui %sign3A_249 : i1 to i32
        %sign3A_251 = arith.constant 0 : i32
        %sign3A_252 = arith.cmpi slt, %jit3A_239, %sign3A_251 : i32
        %sign3A_253 = arith.extui %sign3A_252 : i1 to i32
        %sign3A_254 = arith.subi %sign3A_250, %sign3A_253 : i32
        %ne3A_255 = arith.cmpi ne, %sign3A_247, %sign3A_254 : i32
        %rem3A_256 = arith.remsi %reduce_sum3A_238, %jit3A_239 : i32
        %ne3A_257 = arith.constant 0 : i32
        %ne3A_258 = arith.cmpi ne, %rem3A_256, %ne3A_257 : i32
        %and3A_259 = arith.andi %ne3A_255, %ne3A_258 : i1
        %sub3A_260 = arith.constant 1 : i32
        %sub3A_261 = arith.subi %div3A_240, %sub3A_260 : i32
        %select_n3A_262 = arith.select %and3A_259, %sub3A_261, %div3A_240 : i32
        %mul3A_263 = arith.constant 16 : i32
        %mul3A_264 = arith.muli %select_n3A_262, %mul3A_263 : i32
        %get3A_265 = arith.index_cast %mul3A_264 : i32 to index
        %get3A_266 = tpu.vector_load %arg10[%get3A_265] {strides = array<i32>} : memref<20016xf32, #tpu.memory_space<vmem>>, vector<16xf32>,
        %sub3A_267 = arith.subi %reduce_sum3A_238, %mul3A_264 : i32
        %broadcast_in_dim3A_268 = vector.broadcast %sub3A_267 : i32 to vector<16xi32>
        %lt3A_269 = arith.constant 0 : i32
        %lt3A_270 = vector.broadcast %lt3A_269 : i32 to vector<16xi32>
        %lt3A_271 = arith.cmpi slt, %broadcast_in_dim3A_268, %lt3A_270 : vector<16xi32>
        %add3A_272 = arith.constant 16 : i32
        %add3A_273 = vector.broadcast %add3A_272 : i32 to vector<16xi32>
        %add3A_274 = arith.addi %broadcast_in_dim3A_268, %add3A_273 : vector<16xi32>
        %select_n3A_275 = arith.select %lt3A_271, %add3A_274, %broadcast_in_dim3A_268 : vector<16xi1>, vector<16xi32>
        %broadcast_in_dim3A_276 = vector.shape_cast %select_n3A_275 : vector<16xi32> to vector<16x1xi32>
        %gather3A = vector.shape_cast %broadcast_in_dim3A_276 : vector<16x1xi32> to vector<16xi32>
        %gather3A_277 = tpu.dynamic_gather %get3A_266[%gather3A] in [0] : vector<16xf32>, vector<16xi32> -> vector<16xf32>
        %jit3A_278 = arith.constant 16 : i32
        %div3A_279 = arith.divsi %reduce_sum3A_238, %jit3A_278 : i32
        %sign3A_280 = arith.constant 0 : i32
        %sign3A_281 = arith.cmpi sgt, %reduce_sum3A_238, %sign3A_280 : i32
        %sign3A_282 = arith.extui %sign3A_281 : i1 to i32
        %sign3A_283 = arith.constant 0 : i32
        %sign3A_284 = arith.cmpi slt, %reduce_sum3A_238, %sign3A_283 : i32
        %sign3A_285 = arith.extui %sign3A_284 : i1 to i32
        %sign3A_286 = arith.subi %sign3A_282, %sign3A_285 : i32
        %sign3A_287 = arith.constant 0 : i32
        %sign3A_288 = arith.cmpi sgt, %jit3A_278, %sign3A_287 : i32
        %sign3A_289 = arith.extui %sign3A_288 : i1 to i32
        %sign3A_290 = arith.constant 0 : i32
        %sign3A_291 = arith.cmpi slt, %jit3A_278, %sign3A_290 : i32
        %sign3A_292 = arith.extui %sign3A_291 : i1 to i32
        %sign3A_293 = arith.subi %sign3A_289, %sign3A_292 : i32
        %ne3A_294 = arith.cmpi ne, %sign3A_286, %sign3A_293 : i32
        %rem3A_295 = arith.remsi %reduce_sum3A_238, %jit3A_278 : i32
        %ne3A_296 = arith.constant 0 : i32
        %ne3A_297 = arith.cmpi ne, %rem3A_295, %ne3A_296 : i32
        %and3A_298 = arith.andi %ne3A_294, %ne3A_297 : i1
        %sub3A_299 = arith.constant 1 : i32
        %sub3A_300 = arith.subi %div3A_279, %sub3A_299 : i32
        %select_n3A_301 = arith.select %and3A_298, %sub3A_300, %div3A_279 : i32
        %mul3A_302 = arith.constant 16 : i32
        %mul3A_303 = arith.muli %select_n3A_301, %mul3A_302 : i32
        %get3A_304 = arith.index_cast %mul3A_303 : i32 to index
        %get3A_305 = tpu.vector_load %arg11[%get3A_304] {strides = array<i32>} : memref<20016xf32, #tpu.memory_space<vmem>>, vector<16xf32>,
        %sub3A_306 = arith.subi %reduce_sum3A_238, %mul3A_303 : i32
        %broadcast_in_dim3A_307 = vector.broadcast %sub3A_306 : i32 to vector<16xi32>
        %lt3A_308 = arith.constant 0 : i32
        %lt3A_309 = vector.broadcast %lt3A_308 : i32 to vector<16xi32>
        %lt3A_310 = arith.cmpi slt, %broadcast_in_dim3A_307, %lt3A_309 : vector<16xi32>
        %add3A_311 = arith.constant 16 : i32
        %add3A_312 = vector.broadcast %add3A_311 : i32 to vector<16xi32>
        %add3A_313 = arith.addi %broadcast_in_dim3A_307, %add3A_312 : vector<16xi32>
        %select_n3A_314 = arith.select %lt3A_310, %add3A_313, %broadcast_in_dim3A_307 : vector<16xi1>, vector<16xi32>
        %broadcast_in_dim3A_315 = vector.shape_cast %select_n3A_314 : vector<16xi32> to vector<16x1xi32>
        %gather3A_316 = vector.shape_cast %broadcast_in_dim3A_315 : vector<16x1xi32> to vector<16xi32>
        %gather3A_317 = tpu.dynamic_gather %get3A_305[%gather3A_316] in [0] : vector<16xf32>, vector<16xi32> -> vector<16xf32>
        %jit3A_318 = arith.constant 16 : i32
        %div3A_319 = arith.divsi %reduce_sum3A_238, %jit3A_318 : i32
        %sign3A_320 = arith.constant 0 : i32
        %sign3A_321 = arith.cmpi sgt, %reduce_sum3A_238, %sign3A_320 : i32
        %sign3A_322 = arith.extui %sign3A_321 : i1 to i32
        %sign3A_323 = arith.constant 0 : i32
        %sign3A_324 = arith.cmpi slt, %reduce_sum3A_238, %sign3A_323 : i32
        %sign3A_325 = arith.extui %sign3A_324 : i1 to i32
        %sign3A_326 = arith.subi %sign3A_322, %sign3A_325 : i32
        %sign3A_327 = arith.constant 0 : i32
        %sign3A_328 = arith.cmpi sgt, %jit3A_318, %sign3A_327 : i32
        %sign3A_329 = arith.extui %sign3A_328 : i1 to i32
        %sign3A_330 = arith.constant 0 : i32
        %sign3A_331 = arith.cmpi slt, %jit3A_318, %sign3A_330 : i32
        %sign3A_332 = arith.extui %sign3A_331 : i1 to i32
        %sign3A_333 = arith.subi %sign3A_329, %sign3A_332 : i32
        %ne3A_334 = arith.cmpi ne, %sign3A_326, %sign3A_333 : i32
        %rem3A_335 = arith.remsi %reduce_sum3A_238, %jit3A_318 : i32
        %ne3A_336 = arith.constant 0 : i32
        %ne3A_337 = arith.cmpi ne, %rem3A_335, %ne3A_336 : i32
        %and3A_338 = arith.andi %ne3A_334, %ne3A_337 : i1
        %sub3A_339 = arith.constant 1 : i32
        %sub3A_340 = arith.subi %div3A_319, %sub3A_339 : i32
        %select_n3A_341 = arith.select %and3A_338, %sub3A_340, %div3A_319 : i32
        %mul3A_342 = arith.constant 16 : i32
        %mul3A_343 = arith.muli %select_n3A_341, %mul3A_342 : i32
        %get3A_344 = arith.index_cast %mul3A_343 : i32 to index
        %get3A_345 = tpu.vector_load %arg12[%get3A_344] {strides = array<i32>} : memref<20016xf32, #tpu.memory_space<vmem>>, vector<16xf32>,
        %sub3A_346 = arith.subi %reduce_sum3A_238, %mul3A_343 : i32
        %broadcast_in_dim3A_347 = vector.broadcast %sub3A_346 : i32 to vector<16xi32>
        %lt3A_348 = arith.constant 0 : i32
        %lt3A_349 = vector.broadcast %lt3A_348 : i32 to vector<16xi32>
        %lt3A_350 = arith.cmpi slt, %broadcast_in_dim3A_347, %lt3A_349 : vector<16xi32>
        %add3A_351 = arith.constant 16 : i32
        %add3A_352 = vector.broadcast %add3A_351 : i32 to vector<16xi32>
        %add3A_353 = arith.addi %broadcast_in_dim3A_347, %add3A_352 : vector<16xi32>
        %select_n3A_354 = arith.select %lt3A_350, %add3A_353, %broadcast_in_dim3A_347 : vector<16xi1>, vector<16xi32>
        %broadcast_in_dim3A_355 = vector.shape_cast %select_n3A_354 : vector<16xi32> to vector<16x1xi32>
        %gather3A_356 = vector.shape_cast %broadcast_in_dim3A_355 : vector<16x1xi32> to vector<16xi32>
        %gather3A_357 = tpu.dynamic_gather %get3A_345[%gather3A_356] in [0] : vector<16xf32>, vector<16xi32> -> vector<16xf32>
        %jit3A_358 = arith.constant 16 : i32
        %div3A_359 = arith.divsi %reduce_sum3A_238, %jit3A_358 : i32
        %sign3A_360 = arith.constant 0 : i32
        %sign3A_361 = arith.cmpi sgt, %reduce_sum3A_238, %sign3A_360 : i32
        %sign3A_362 = arith.extui %sign3A_361 : i1 to i32
        %sign3A_363 = arith.constant 0 : i32
        %sign3A_364 = arith.cmpi slt, %reduce_sum3A_238, %sign3A_363 : i32
        %sign3A_365 = arith.extui %sign3A_364 : i1 to i32
        %sign3A_366 = arith.subi %sign3A_362, %sign3A_365 : i32
        %sign3A_367 = arith.constant 0 : i32
        %sign3A_368 = arith.cmpi sgt, %jit3A_358, %sign3A_367 : i32
        %sign3A_369 = arith.extui %sign3A_368 : i1 to i32
        %sign3A_370 = arith.constant 0 : i32
        %sign3A_371 = arith.cmpi slt, %jit3A_358, %sign3A_370 : i32
        %sign3A_372 = arith.extui %sign3A_371 : i1 to i32
        %sign3A_373 = arith.subi %sign3A_369, %sign3A_372 : i32
        %ne3A_374 = arith.cmpi ne, %sign3A_366, %sign3A_373 : i32
        %rem3A_375 = arith.remsi %reduce_sum3A_238, %jit3A_358 : i32
        %ne3A_376 = arith.constant 0 : i32
        %ne3A_377 = arith.cmpi ne, %rem3A_375, %ne3A_376 : i32
        %and3A_378 = arith.andi %ne3A_374, %ne3A_377 : i1
        %sub3A_379 = arith.constant 1 : i32
        %sub3A_380 = arith.subi %div3A_359, %sub3A_379 : i32
        %select_n3A_381 = arith.select %and3A_378, %sub3A_380, %div3A_359 : i32
        %mul3A_382 = arith.constant 16 : i32
        %mul3A_383 = arith.muli %select_n3A_381, %mul3A_382 : i32
        %get3A_384 = arith.index_cast %mul3A_383 : i32 to index
        %get3A_385 = tpu.vector_load %arg13[%get3A_384] {strides = array<i32>} : memref<20016xf32, #tpu.memory_space<vmem>>, vector<16xf32>,
        %sub3A_386 = arith.subi %reduce_sum3A_238, %mul3A_383 : i32
        %broadcast_in_dim3A_387 = vector.broadcast %sub3A_386 : i32 to vector<16xi32>
        %lt3A_388 = arith.constant 0 : i32
        %lt3A_389 = vector.broadcast %lt3A_388 : i32 to vector<16xi32>
        %lt3A_390 = arith.cmpi slt, %broadcast_in_dim3A_387, %lt3A_389 : vector<16xi32>
        %add3A_391 = arith.constant 16 : i32
        %add3A_392 = vector.broadcast %add3A_391 : i32 to vector<16xi32>
        %add3A_393 = arith.addi %broadcast_in_dim3A_387, %add3A_392 : vector<16xi32>
        %select_n3A_394 = arith.select %lt3A_390, %add3A_393, %broadcast_in_dim3A_387 : vector<16xi1>, vector<16xi32>
        %broadcast_in_dim3A_395 = vector.shape_cast %select_n3A_394 : vector<16xi32> to vector<16x1xi32>
        %gather3A_396 = vector.shape_cast %broadcast_in_dim3A_395 : vector<16x1xi32> to vector<16xi32>
        %gather3A_397 = tpu.dynamic_gather %get3A_385[%gather3A_396] in [0] : vector<16xf32>, vector<16xi32> -> vector<16xf32>
        %sub3A_398 = arith.subf %gather3A_357, %gather3A_277 : vector<16xf32>
        %sub3A_399 = arith.subf %gather3A_397, %gather3A_317 : vector<16xf32>
        %mul3A_400 = arith.mulf %sub3A_398, %sub3A_399 : vector<16xf32>
        %broadcast_in_dim3A_401 = arith.constant false
        %broadcast_in_dim3A_402 = vector.broadcast %broadcast_in_dim3A_401 : i1 to vector<16xi1>
        %get3A_403 = arith.constant 0 : index
        %get3A_404 = tpu.vector_load %arg17[%get3A_403] {strides = array<i32>} : memref<112xf32, #tpu.memory_space<vmem>>, vector<16xf32>,
        %get3A_405 = arith.constant 0 : index
        %get3A_406 = tpu.vector_load %arg18[%get3A_405] {strides = array<i32>} : memref<112xf32, #tpu.memory_space<vmem>>, vector<16xf32>,
        %get3A_407 = arith.constant 0 : index
        %get3A_408 = tpu.vector_load %arg19[%get3A_407] {strides = array<i32>} : memref<112xf32, #tpu.memory_space<vmem>>, vector<16xf32>,
        %get3A_409 = arith.constant 0 : index
        %get3A_410 = tpu.vector_load %arg20[%get3A_409] {strides = array<i32>} : memref<112xf32, #tpu.memory_space<vmem>>, vector<16xf32>,
        %max3A = arith.maximumf %gather3A_277, %get3A_404 : vector<16xf32>
        %max3A_411 = arith.maximumf %gather3A_317, %get3A_406 : vector<16xf32>
        %min3A = arith.minimumf %gather3A_357, %get3A_408 : vector<16xf32>
        %min3A_412 = arith.minimumf %gather3A_397, %get3A_410 : vector<16xf32>
        %sub3A_413 = arith.subf %min3A, %max3A : vector<16xf32>
        %max3A_414 = arith.constant 0.000000e+00 : f32
        %max3A_415 = vector.broadcast %max3A_414 : f32 to vector<16xf32>
        %max3A_416 = arith.maximumf %sub3A_413, %max3A_415 : vector<16xf32>
        %sub3A_417 = arith.subf %min3A_412, %max3A_411 : vector<16xf32>
        %max3A_418 = arith.constant 0.000000e+00 : f32
        %max3A_419 = vector.broadcast %max3A_418 : f32 to vector<16xf32>
        %max3A_420 = arith.maximumf %sub3A_417, %max3A_419 : vector<16xf32>
        %mul3A_421 = arith.mulf %max3A_416, %max3A_420 : vector<16xf32>
        %sub3A_422 = arith.subf %get3A_408, %get3A_404 : vector<16xf32>
        %sub3A_423 = arith.subf %get3A_410, %get3A_406 : vector<16xf32>
        %mul3A_424 = arith.mulf %sub3A_422, %sub3A_423 : vector<16xf32>
        %add3A_425 = arith.addf %mul3A_400, %mul3A_424 : vector<16xf32>
        %sub3A_426 = arith.subf %add3A_425, %mul3A_421 : vector<16xf32>
        %add3A_427 = arith.constant 9.99999993E-9 : f32
        %add3A_428 = vector.broadcast %add3A_427 : f32 to vector<16xf32>
        %add3A_429 = arith.addf %sub3A_426, %add3A_428 : vector<16xf32>
        %div3A_430 = arith.divf %mul3A_421, %add3A_429 : vector<16xf32>
        %gt3A_431 = arith.constant 5.000000e-01 : f32
        %gt3A_432 = vector.broadcast %gt3A_431 : f32 to vector<16xf32>
        %gt3A_433 = arith.cmpf ogt, %div3A_430, %gt3A_432 : vector<16xf32>
        %or3A = arith.ori %broadcast_in_dim3A_402, %gt3A_433 : vector<16xi1>
        %get3A_434 = arith.constant 16 : index
        %get3A_435 = tpu.vector_load %arg17[%get3A_434] {strides = array<i32>} : memref<112xf32, #tpu.memory_space<vmem>>, vector<16xf32>,
        %get3A_436 = arith.constant 16 : index
        %get3A_437 = tpu.vector_load %arg18[%get3A_436] {strides = array<i32>} : memref<112xf32, #tpu.memory_space<vmem>>, vector<16xf32>,
        %get3A_438 = arith.constant 16 : index
        %get3A_439 = tpu.vector_load %arg19[%get3A_438] {strides = array<i32>} : memref<112xf32, #tpu.memory_space<vmem>>, vector<16xf32>,
        %get3A_440 = arith.constant 16 : index
        %get3A_441 = tpu.vector_load %arg20[%get3A_440] {strides = array<i32>} : memref<112xf32, #tpu.memory_space<vmem>>, vector<16xf32>,
        %max3A_442 = arith.maximumf %gather3A_277, %get3A_435 : vector<16xf32>
        %max3A_443 = arith.maximumf %gather3A_317, %get3A_437 : vector<16xf32>
        %min3A_444 = arith.minimumf %gather3A_357, %get3A_439 : vector<16xf32>
        %min3A_445 = arith.minimumf %gather3A_397, %get3A_441 : vector<16xf32>
        %sub3A_446 = arith.subf %min3A_444, %max3A_442 : vector<16xf32>
        %max3A_447 = arith.constant 0.000000e+00 : f32
        %max3A_448 = vector.broadcast %max3A_447 : f32 to vector<16xf32>
        %max3A_449 = arith.maximumf %sub3A_446, %max3A_448 : vector<16xf32>
        %sub3A_450 = arith.subf %min3A_445, %max3A_443 : vector<16xf32>
        %max3A_451 = arith.constant 0.000000e+00 : f32
        %max3A_452 = vector.broadcast %max3A_451 : f32 to vector<16xf32>
        %max3A_453 = arith.maximumf %sub3A_450, %max3A_452 : vector<16xf32>
        %mul3A_454 = arith.mulf %max3A_449, %max3A_453 : vector<16xf32>
        %sub3A_455 = arith.subf %get3A_439, %get3A_435 : vector<16xf32>
        %sub3A_456 = arith.subf %get3A_441, %get3A_437 : vector<16xf32>
        %mul3A_457 = arith.mulf %sub3A_455, %sub3A_456 : vector<16xf32>
        %add3A_458 = arith.addf %mul3A_400, %mul3A_457 : vector<16xf32>
        %sub3A_459 = arith.subf %add3A_458, %mul3A_454 : vector<16xf32>
        %add3A_460 = arith.constant 9.99999993E-9 : f32
        %add3A_461 = vector.broadcast %add3A_460 : f32 to vector<16xf32>
        %add3A_462 = arith.addf %sub3A_459, %add3A_461 : vector<16xf32>
        %div3A_463 = arith.divf %mul3A_454, %add3A_462 : vector<16xf32>
        %gt3A_464 = arith.constant 5.000000e-01 : f32
        %gt3A_465 = vector.broadcast %gt3A_464 : f32 to vector<16xf32>
        %gt3A_466 = arith.cmpf ogt, %div3A_463, %gt3A_465 : vector<16xf32>
        %or3A_467 = arith.ori %or3A, %gt3A_466 : vector<16xi1>
        %get3A_468 = arith.constant 32 : index
        %get3A_469 = tpu.vector_load %arg17[%get3A_468] {strides = array<i32>} : memref<112xf32, #tpu.memory_space<vmem>>, vector<16xf32>,
        %get3A_470 = arith.constant 32 : index
        %get3A_471 = tpu.vector_load %arg18[%get3A_470] {strides = array<i32>} : memref<112xf32, #tpu.memory_space<vmem>>, vector<16xf32>,
        %get3A_472 = arith.constant 32 : index
        %get3A_473 = tpu.vector_load %arg19[%get3A_472] {strides = array<i32>} : memref<112xf32, #tpu.memory_space<vmem>>, vector<16xf32>,
        %get3A_474 = arith.constant 32 : index
        %get3A_475 = tpu.vector_load %arg20[%get3A_474] {strides = array<i32>} : memref<112xf32, #tpu.memory_space<vmem>>, vector<16xf32>,
        %max3A_476 = arith.maximumf %gather3A_277, %get3A_469 : vector<16xf32>
        %max3A_477 = arith.maximumf %gather3A_317, %get3A_471 : vector<16xf32>
        %min3A_478 = arith.minimumf %gather3A_357, %get3A_473 : vector<16xf32>
        %min3A_479 = arith.minimumf %gather3A_397, %get3A_475 : vector<16xf32>
        %sub3A_480 = arith.subf %min3A_478, %max3A_476 : vector<16xf32>
        %max3A_481 = arith.constant 0.000000e+00 : f32
        %max3A_482 = vector.broadcast %max3A_481 : f32 to vector<16xf32>
        %max3A_483 = arith.maximumf %sub3A_480, %max3A_482 : vector<16xf32>
        %sub3A_484 = arith.subf %min3A_479, %max3A_477 : vector<16xf32>
        %max3A_485 = arith.constant 0.000000e+00 : f32
        %max3A_486 = vector.broadcast %max3A_485 : f32 to vector<16xf32>
        %max3A_487 = arith.maximumf %sub3A_484, %max3A_486 : vector<16xf32>
        %mul3A_488 = arith.mulf %max3A_483, %max3A_487 : vector<16xf32>
        %sub3A_489 = arith.subf %get3A_473, %get3A_469 : vector<16xf32>
        %sub3A_490 = arith.subf %get3A_475, %get3A_471 : vector<16xf32>
        %mul3A_491 = arith.mulf %sub3A_489, %sub3A_490 : vector<16xf32>
        %add3A_492 = arith.addf %mul3A_400, %mul3A_491 : vector<16xf32>
        %sub3A_493 = arith.subf %add3A_492, %mul3A_488 : vector<16xf32>
        %add3A_494 = arith.constant 9.99999993E-9 : f32
        %add3A_495 = vector.broadcast %add3A_494 : f32 to vector<16xf32>
        %add3A_496 = arith.addf %sub3A_493, %add3A_495 : vector<16xf32>
        %div3A_497 = arith.divf %mul3A_488, %add3A_496 : vector<16xf32>
        %gt3A_498 = arith.constant 5.000000e-01 : f32
        %gt3A_499 = vector.broadcast %gt3A_498 : f32 to vector<16xf32>
        %gt3A_500 = arith.cmpf ogt, %div3A_497, %gt3A_499 : vector<16xf32>
        %or3A_501 = arith.ori %or3A_467, %gt3A_500 : vector<16xi1>
        %get3A_502 = arith.constant 48 : index
        %get3A_503 = tpu.vector_load %arg17[%get3A_502] {strides = array<i32>} : memref<112xf32, #tpu.memory_space<vmem>>, vector<16xf32>,
        %get3A_504 = arith.constant 48 : index
        %get3A_505 = tpu.vector_load %arg18[%get3A_504] {strides = array<i32>} : memref<112xf32, #tpu.memory_space<vmem>>, vector<16xf32>,
        %get3A_506 = arith.constant 48 : index
        %get3A_507 = tpu.vector_load %arg19[%get3A_506] {strides = array<i32>} : memref<112xf32, #tpu.memory_space<vmem>>, vector<16xf32>,
        %get3A_508 = arith.constant 48 : index
        %get3A_509 = tpu.vector_load %arg20[%get3A_508] {strides = array<i32>} : memref<112xf32, #tpu.memory_space<vmem>>, vector<16xf32>,
        %max3A_510 = arith.maximumf %gather3A_277, %get3A_503 : vector<16xf32>
        %max3A_511 = arith.maximumf %gather3A_317, %get3A_505 : vector<16xf32>
        %min3A_512 = arith.minimumf %gather3A_357, %get3A_507 : vector<16xf32>
        %min3A_513 = arith.minimumf %gather3A_397, %get3A_509 : vector<16xf32>
        %sub3A_514 = arith.subf %min3A_512, %max3A_510 : vector<16xf32>
        %max3A_515 = arith.constant 0.000000e+00 : f32
        %max3A_516 = vector.broadcast %max3A_515 : f32 to vector<16xf32>
        %max3A_517 = arith.maximumf %sub3A_514, %max3A_516 : vector<16xf32>
        %sub3A_518 = arith.subf %min3A_513, %max3A_511 : vector<16xf32>
        %max3A_519 = arith.constant 0.000000e+00 : f32
        %max3A_520 = vector.broadcast %max3A_519 : f32 to vector<16xf32>
        %max3A_521 = arith.maximumf %sub3A_518, %max3A_520 : vector<16xf32>
        %mul3A_522 = arith.mulf %max3A_517, %max3A_521 : vector<16xf32>
        %sub3A_523 = arith.subf %get3A_507, %get3A_503 : vector<16xf32>
        %sub3A_524 = arith.subf %get3A_509, %get3A_505 : vector<16xf32>
        %mul3A_525 = arith.mulf %sub3A_523, %sub3A_524 : vector<16xf32>
        %add3A_526 = arith.addf %mul3A_400, %mul3A_525 : vector<16xf32>
        %sub3A_527 = arith.subf %add3A_526, %mul3A_522 : vector<16xf32>
        %add3A_528 = arith.constant 9.99999993E-9 : f32
        %add3A_529 = vector.broadcast %add3A_528 : f32 to vector<16xf32>
        %add3A_530 = arith.addf %sub3A_527, %add3A_529 : vector<16xf32>
        %div3A_531 = arith.divf %mul3A_522, %add3A_530 : vector<16xf32>
        %gt3A_532 = arith.constant 5.000000e-01 : f32
        %gt3A_533 = vector.broadcast %gt3A_532 : f32 to vector<16xf32>
        %gt3A_534 = arith.cmpf ogt, %div3A_531, %gt3A_533 : vector<16xf32>
        %or3A_535 = arith.ori %or3A_501, %gt3A_534 : vector<16xi1>
        %get3A_536 = arith.constant 64 : index
        %get3A_537 = tpu.vector_load %arg17[%get3A_536] {strides = array<i32>} : memref<112xf32, #tpu.memory_space<vmem>>, vector<16xf32>,
        %get3A_538 = arith.constant 64 : index
        %get3A_539 = tpu.vector_load %arg18[%get3A_538] {strides = array<i32>} : memref<112xf32, #tpu.memory_space<vmem>>, vector<16xf32>,
        %get3A_540 = arith.constant 64 : index
        %get3A_541 = tpu.vector_load %arg19[%get3A_540] {strides = array<i32>} : memref<112xf32, #tpu.memory_space<vmem>>, vector<16xf32>,
        %get3A_542 = arith.constant 64 : index
        %get3A_543 = tpu.vector_load %arg20[%get3A_542] {strides = array<i32>} : memref<112xf32, #tpu.memory_space<vmem>>, vector<16xf32>,
        %max3A_544 = arith.maximumf %gather3A_277, %get3A_537 : vector<16xf32>
        %max3A_545 = arith.maximumf %gather3A_317, %get3A_539 : vector<16xf32>
        %min3A_546 = arith.minimumf %gather3A_357, %get3A_541 : vector<16xf32>
        %min3A_547 = arith.minimumf %gather3A_397, %get3A_543 : vector<16xf32>
        %sub3A_548 = arith.subf %min3A_546, %max3A_544 : vector<16xf32>
        %max3A_549 = arith.constant 0.000000e+00 : f32
        %max3A_550 = vector.broadcast %max3A_549 : f32 to vector<16xf32>
        %max3A_551 = arith.maximumf %sub3A_548, %max3A_550 : vector<16xf32>
        %sub3A_552 = arith.subf %min3A_547, %max3A_545 : vector<16xf32>
        %max3A_553 = arith.constant 0.000000e+00 : f32
        %max3A_554 = vector.broadcast %max3A_553 : f32 to vector<16xf32>
        %max3A_555 = arith.maximumf %sub3A_552, %max3A_554 : vector<16xf32>
        %mul3A_556 = arith.mulf %max3A_551, %max3A_555 : vector<16xf32>
        %sub3A_557 = arith.subf %get3A_541, %get3A_537 : vector<16xf32>
        %sub3A_558 = arith.subf %get3A_543, %get3A_539 : vector<16xf32>
        %mul3A_559 = arith.mulf %sub3A_557, %sub3A_558 : vector<16xf32>
        %add3A_560 = arith.addf %mul3A_400, %mul3A_559 : vector<16xf32>
        %sub3A_561 = arith.subf %add3A_560, %mul3A_556 : vector<16xf32>
        %add3A_562 = arith.constant 9.99999993E-9 : f32
        %add3A_563 = vector.broadcast %add3A_562 : f32 to vector<16xf32>
        %add3A_564 = arith.addf %sub3A_561, %add3A_563 : vector<16xf32>
        %div3A_565 = arith.divf %mul3A_556, %add3A_564 : vector<16xf32>
        %gt3A_566 = arith.constant 5.000000e-01 : f32
        %gt3A_567 = vector.broadcast %gt3A_566 : f32 to vector<16xf32>
        %gt3A_568 = arith.cmpf ogt, %div3A_565, %gt3A_567 : vector<16xf32>
        %or3A_569 = arith.ori %or3A_535, %gt3A_568 : vector<16xi1>
        %get3A_570 = arith.constant 80 : index
        %get3A_571 = tpu.vector_load %arg17[%get3A_570] {strides = array<i32>} : memref<112xf32, #tpu.memory_space<vmem>>, vector<16xf32>,
        %get3A_572 = arith.constant 80 : index
        %get3A_573 = tpu.vector_load %arg18[%get3A_572] {strides = array<i32>} : memref<112xf32, #tpu.memory_space<vmem>>, vector<16xf32>,
        %get3A_574 = arith.constant 80 : index
        %get3A_575 = tpu.vector_load %arg19[%get3A_574] {strides = array<i32>} : memref<112xf32, #tpu.memory_space<vmem>>, vector<16xf32>,
        %get3A_576 = arith.constant 80 : index
        %get3A_577 = tpu.vector_load %arg20[%get3A_576] {strides = array<i32>} : memref<112xf32, #tpu.memory_space<vmem>>, vector<16xf32>,
        %max3A_578 = arith.maximumf %gather3A_277, %get3A_571 : vector<16xf32>
        %max3A_579 = arith.maximumf %gather3A_317, %get3A_573 : vector<16xf32>
        %min3A_580 = arith.minimumf %gather3A_357, %get3A_575 : vector<16xf32>
        %min3A_581 = arith.minimumf %gather3A_397, %get3A_577 : vector<16xf32>
        %sub3A_582 = arith.subf %min3A_580, %max3A_578 : vector<16xf32>
        %max3A_583 = arith.constant 0.000000e+00 : f32
        %max3A_584 = vector.broadcast %max3A_583 : f32 to vector<16xf32>
        %max3A_585 = arith.maximumf %sub3A_582, %max3A_584 : vector<16xf32>
        %sub3A_586 = arith.subf %min3A_581, %max3A_579 : vector<16xf32>
        %max3A_587 = arith.constant 0.000000e+00 : f32
        %max3A_588 = vector.broadcast %max3A_587 : f32 to vector<16xf32>
        %max3A_589 = arith.maximumf %sub3A_586, %max3A_588 : vector<16xf32>
        %mul3A_590 = arith.mulf %max3A_585, %max3A_589 : vector<16xf32>
        %sub3A_591 = arith.subf %get3A_575, %get3A_571 : vector<16xf32>
        %sub3A_592 = arith.subf %get3A_577, %get3A_573 : vector<16xf32>
        %mul3A_593 = arith.mulf %sub3A_591, %sub3A_592 : vector<16xf32>
        %add3A_594 = arith.addf %mul3A_400, %mul3A_593 : vector<16xf32>
        %sub3A_595 = arith.subf %add3A_594, %mul3A_590 : vector<16xf32>
        %add3A_596 = arith.constant 9.99999993E-9 : f32
        %add3A_597 = vector.broadcast %add3A_596 : f32 to vector<16xf32>
        %add3A_598 = arith.addf %sub3A_595, %add3A_597 : vector<16xf32>
        %div3A_599 = arith.divf %mul3A_590, %add3A_598 : vector<16xf32>
        %gt3A_600 = arith.constant 5.000000e-01 : f32
        %gt3A_601 = vector.broadcast %gt3A_600 : f32 to vector<16xf32>
        %gt3A_602 = arith.cmpf ogt, %div3A_599, %gt3A_601 : vector<16xf32>
        %or3A_603 = arith.ori %or3A_569, %gt3A_602 : vector<16xi1>
        %get3A_604 = arith.constant 96 : index
        %get3A_605 = tpu.vector_load %arg17[%get3A_604] {strides = array<i32>} : memref<112xf32, #tpu.memory_space<vmem>>, vector<16xf32>,
        %get3A_606 = arith.constant 96 : index
        %get3A_607 = tpu.vector_load %arg18[%get3A_606] {strides = array<i32>} : memref<112xf32, #tpu.memory_space<vmem>>, vector<16xf32>,
        %get3A_608 = arith.constant 96 : index
        %get3A_609 = tpu.vector_load %arg19[%get3A_608] {strides = array<i32>} : memref<112xf32, #tpu.memory_space<vmem>>, vector<16xf32>,
        %get3A_610 = arith.constant 96 : index
        %get3A_611 = tpu.vector_load %arg20[%get3A_610] {strides = array<i32>} : memref<112xf32, #tpu.memory_space<vmem>>, vector<16xf32>,
        %max3A_612 = arith.maximumf %gather3A_277, %get3A_605 : vector<16xf32>
        %max3A_613 = arith.maximumf %gather3A_317, %get3A_607 : vector<16xf32>
        %min3A_614 = arith.minimumf %gather3A_357, %get3A_609 : vector<16xf32>
        %min3A_615 = arith.minimumf %gather3A_397, %get3A_611 : vector<16xf32>
        %sub3A_616 = arith.subf %min3A_614, %max3A_612 : vector<16xf32>
        %max3A_617 = arith.constant 0.000000e+00 : f32
        %max3A_618 = vector.broadcast %max3A_617 : f32 to vector<16xf32>
        %max3A_619 = arith.maximumf %sub3A_616, %max3A_618 : vector<16xf32>
        %sub3A_620 = arith.subf %min3A_615, %max3A_613 : vector<16xf32>
        %max3A_621 = arith.constant 0.000000e+00 : f32
        %max3A_622 = vector.broadcast %max3A_621 : f32 to vector<16xf32>
        %max3A_623 = arith.maximumf %sub3A_620, %max3A_622 : vector<16xf32>
        %mul3A_624 = arith.mulf %max3A_619, %max3A_623 : vector<16xf32>
        %sub3A_625 = arith.subf %get3A_609, %get3A_605 : vector<16xf32>
        %sub3A_626 = arith.subf %get3A_611, %get3A_607 : vector<16xf32>
        %mul3A_627 = arith.mulf %sub3A_625, %sub3A_626 : vector<16xf32>
        %add3A_628 = arith.addf %mul3A_400, %mul3A_627 : vector<16xf32>
        %sub3A_629 = arith.subf %add3A_628, %mul3A_624 : vector<16xf32>
        %add3A_630 = arith.constant 9.99999993E-9 : f32
        %add3A_631 = vector.broadcast %add3A_630 : f32 to vector<16xf32>
        %add3A_632 = arith.addf %sub3A_629, %add3A_631 : vector<16xf32>
        %div3A_633 = arith.divf %mul3A_624, %add3A_632 : vector<16xf32>
        %gt3A_634 = arith.constant 5.000000e-01 : f32
        %gt3A_635 = vector.broadcast %gt3A_634 : f32 to vector<16xf32>
        %gt3A_636 = arith.cmpf ogt, %div3A_633, %gt3A_635 : vector<16xf32>
        %or3A_637 = arith.ori %or3A_603, %gt3A_636 : vector<16xi1>
        %reduce_or3A = arith.constant 1.000000e+00 : f32
        %reduce_or3A_638 = arith.constant 0.000000e+00 : f32
        %reduce_or3A_639 = vector.broadcast %reduce_or3A : f32 to vector<16xf32>
        %reduce_or3A_640 = vector.broadcast %reduce_or3A_638 : f32 to vector<16xf32>
        %reduce_or3A_641 = arith.select %or3A_637, %reduce_or3A_639, %reduce_or3A_640 : vector<16xi1>, vector<16xf32>
        %reduce_or3A_642 = arith.constant true
        %reduce_or3A_643 = vector.broadcast %reduce_or3A_642 : i1 to vector<16xi1>
        %reduce_or3A_644 = tpu.scan <max>, %reduce_or3A_641 masked %reduce_or3A_643 : vector<16xf32>, vector<16xi1> -> vector<16xf32>
        %reduce_or3A_645 = vector.extract %reduce_or3A_644[15] : f32 from vector<16xf32>
        %reduce_or3A_646 = arith.constant 0.000000e+00 : f32
        %reduce_or3A_647 = arith.cmpf ogt, %reduce_or3A_645, %reduce_or3A_646 : f32
        %jit3A_648 = arith.constant 0.000000e+00 : f32
        %broadcast_in_dim3A_649 = vector.broadcast %jit3A_648 : f32 to vector<16xf32>
        %select_n3A_650 = arith.select %reduce_or3A_647, %broadcast_in_dim3A_649, %gather3A_277 : vector<16xf32>
        %jit3A_651 = arith.constant 16 : i32
        %div3A_652 = arith.divsi %while3A_198, %jit3A_651 : i32
        %sign3A_653 = arith.constant 0 : i32
        %sign3A_654 = arith.cmpi sgt, %while3A_198, %sign3A_653 : i32
        %sign3A_655 = arith.extui %sign3A_654 : i1 to i32
        %sign3A_656 = arith.constant 0 : i32
        %sign3A_657 = arith.cmpi slt, %while3A_198, %sign3A_656 : i32
        %sign3A_658 = arith.extui %sign3A_657 : i1 to i32
        %sign3A_659 = arith.subi %sign3A_655, %sign3A_658 : i32
        %sign3A_660 = arith.constant 0 : i32
        %sign3A_661 = arith.cmpi sgt, %jit3A_651, %sign3A_660 : i32
        %sign3A_662 = arith.extui %sign3A_661 : i1 to i32
        %sign3A_663 = arith.constant 0 : i32
        %sign3A_664 = arith.cmpi slt, %jit3A_651, %sign3A_663 : i32
        %sign3A_665 = arith.extui %sign3A_664 : i1 to i32
        %sign3A_666 = arith.subi %sign3A_662, %sign3A_665 : i32
        %ne3A_667 = arith.cmpi ne, %sign3A_659, %sign3A_666 : i32
        %rem3A_668 = arith.remsi %while3A_198, %jit3A_651 : i32
        %ne3A_669 = arith.constant 0 : i32
        %ne3A_670 = arith.cmpi ne, %rem3A_668, %ne3A_669 : i32
        %and3A_671 = arith.andi %ne3A_667, %ne3A_670 : i1
        %sub3A_672 = arith.constant 1 : i32
        %sub3A_673 = arith.subi %div3A_652, %sub3A_672 : i32
        %select_n3A_674 = arith.select %and3A_671, %sub3A_673, %div3A_652 : i32
        %mul3A_675 = arith.constant 16 : i32
        %mul3A_676 = arith.muli %select_n3A_674, %mul3A_675 : i32
        %get3A_677 = arith.index_cast %mul3A_676 : i32 to index
        %get3A_678 = tpu.vector_load %arg17[%get3A_677] {strides = array<i32>} : memref<112xf32, #tpu.memory_space<vmem>>, vector<16xf32>,
        %iota3A_679 = tpu.iota {dimensions = array<i32: 0>} : vector<16xi32>
        %sub3A_680 = arith.subi %while3A_198, %mul3A_676 : i32
        %eq3A_681 = vector.broadcast %sub3A_680 : i32 to vector<16xi32>
        %eq3A_682 = arith.cmpi eq, %iota3A_679, %eq3A_681 : vector<16xi32>
        %select_n3A_683 = arith.select %eq3A_682, %select_n3A_650, %get3A_678 : vector<16xi1>, vector<16xf32>
        %swap3A = arith.index_cast %mul3A_676 : i32 to index
        %swap3A_684 = tpu.vector_load %arg17[%swap3A] {strides = array<i32>} : memref<112xf32, #tpu.memory_space<vmem>>, vector<16xf32>,
        tpu.vector_store %arg17[%swap3A], %select_n3A_683 {strides = array<i32>} : memref<112xf32, #tpu.memory_space<vmem>>, vector<16xf32>,
        %jit3A_685 = arith.constant 0.000000e+00 : f32
        %broadcast_in_dim3A_686 = vector.broadcast %jit3A_685 : f32 to vector<16xf32>
        %select_n3A_687 = arith.select %reduce_or3A_647, %broadcast_in_dim3A_686, %gather3A_317 : vector<16xf32>
        %jit3A_688 = arith.constant 16 : i32
        %div3A_689 = arith.divsi %while3A_198, %jit3A_688 : i32
        %sign3A_690 = arith.constant 0 : i32
        %sign3A_691 = arith.cmpi sgt, %while3A_198, %sign3A_690 : i32
        %sign3A_692 = arith.extui %sign3A_691 : i1 to i32
        %sign3A_693 = arith.constant 0 : i32
        %sign3A_694 = arith.cmpi slt, %while3A_198, %sign3A_693 : i32
        %sign3A_695 = arith.extui %sign3A_694 : i1 to i32
        %sign3A_696 = arith.subi %sign3A_692, %sign3A_695 : i32
        %sign3A_697 = arith.constant 0 : i32
        %sign3A_698 = arith.cmpi sgt, %jit3A_688, %sign3A_697 : i32
        %sign3A_699 = arith.extui %sign3A_698 : i1 to i32
        %sign3A_700 = arith.constant 0 : i32
        %sign3A_701 = arith.cmpi slt, %jit3A_688, %sign3A_700 : i32
        %sign3A_702 = arith.extui %sign3A_701 : i1 to i32
        %sign3A_703 = arith.subi %sign3A_699, %sign3A_702 : i32
        %ne3A_704 = arith.cmpi ne, %sign3A_696, %sign3A_703 : i32
        %rem3A_705 = arith.remsi %while3A_198, %jit3A_688 : i32
        %ne3A_706 = arith.constant 0 : i32
        %ne3A_707 = arith.cmpi ne, %rem3A_705, %ne3A_706 : i32
        %and3A_708 = arith.andi %ne3A_704, %ne3A_707 : i1
        %sub3A_709 = arith.constant 1 : i32
        %sub3A_710 = arith.subi %div3A_689, %sub3A_709 : i32
        %select_n3A_711 = arith.select %and3A_708, %sub3A_710, %div3A_689 : i32
        %mul3A_712 = arith.constant 16 : i32
        %mul3A_713 = arith.muli %select_n3A_711, %mul3A_712 : i32
        %get3A_714 = arith.index_cast %mul3A_713 : i32 to index
        %get3A_715 = tpu.vector_load %arg18[%get3A_714] {strides = array<i32>} : memref<112xf32, #tpu.memory_space<vmem>>, vector<16xf32>,
        %iota3A_716 = tpu.iota {dimensions = array<i32: 0>} : vector<16xi32>
        %sub3A_717 = arith.subi %while3A_198, %mul3A_713 : i32
        %eq3A_718 = vector.broadcast %sub3A_717 : i32 to vector<16xi32>
        %eq3A_719 = arith.cmpi eq, %iota3A_716, %eq3A_718 : vector<16xi32>
        %select_n3A_720 = arith.select %eq3A_719, %select_n3A_687, %get3A_715 : vector<16xi1>, vector<16xf32>
        %swap3A_721 = arith.index_cast %mul3A_713 : i32 to index
        %swap3A_722 = tpu.vector_load %arg18[%swap3A_721] {strides = array<i32>} : memref<112xf32, #tpu.memory_space<vmem>>, vector<16xf32>,
        tpu.vector_store %arg18[%swap3A_721], %select_n3A_720 {strides = array<i32>} : memref<112xf32, #tpu.memory_space<vmem>>, vector<16xf32>,
        %jit3A_723 = arith.constant 0.000000e+00 : f32
        %broadcast_in_dim3A_724 = vector.broadcast %jit3A_723 : f32 to vector<16xf32>
        %select_n3A_725 = arith.select %reduce_or3A_647, %broadcast_in_dim3A_724, %gather3A_357 : vector<16xf32>
        %jit3A_726 = arith.constant 16 : i32
        %div3A_727 = arith.divsi %while3A_198, %jit3A_726 : i32
        %sign3A_728 = arith.constant 0 : i32
        %sign3A_729 = arith.cmpi sgt, %while3A_198, %sign3A_728 : i32
        %sign3A_730 = arith.extui %sign3A_729 : i1 to i32
        %sign3A_731 = arith.constant 0 : i32
        %sign3A_732 = arith.cmpi slt, %while3A_198, %sign3A_731 : i32
        %sign3A_733 = arith.extui %sign3A_732 : i1 to i32
        %sign3A_734 = arith.subi %sign3A_730, %sign3A_733 : i32
        %sign3A_735 = arith.constant 0 : i32
        %sign3A_736 = arith.cmpi sgt, %jit3A_726, %sign3A_735 : i32
        %sign3A_737 = arith.extui %sign3A_736 : i1 to i32
        %sign3A_738 = arith.constant 0 : i32
        %sign3A_739 = arith.cmpi slt, %jit3A_726, %sign3A_738 : i32
        %sign3A_740 = arith.extui %sign3A_739 : i1 to i32
        %sign3A_741 = arith.subi %sign3A_737, %sign3A_740 : i32
        %ne3A_742 = arith.cmpi ne, %sign3A_734, %sign3A_741 : i32
        %rem3A_743 = arith.remsi %while3A_198, %jit3A_726 : i32
        %ne3A_744 = arith.constant 0 : i32
        %ne3A_745 = arith.cmpi ne, %rem3A_743, %ne3A_744 : i32
        %and3A_746 = arith.andi %ne3A_742, %ne3A_745 : i1
        %sub3A_747 = arith.constant 1 : i32
        %sub3A_748 = arith.subi %div3A_727, %sub3A_747 : i32
        %select_n3A_749 = arith.select %and3A_746, %sub3A_748, %div3A_727 : i32
        %mul3A_750 = arith.constant 16 : i32
        %mul3A_751 = arith.muli %select_n3A_749, %mul3A_750 : i32
        %get3A_752 = arith.index_cast %mul3A_751 : i32 to index
        %get3A_753 = tpu.vector_load %arg19[%get3A_752] {strides = array<i32>} : memref<112xf32, #tpu.memory_space<vmem>>, vector<16xf32>,
        %iota3A_754 = tpu.iota {dimensions = array<i32: 0>} : vector<16xi32>
        %sub3A_755 = arith.subi %while3A_198, %mul3A_751 : i32
        %eq3A_756 = vector.broadcast %sub3A_755 : i32 to vector<16xi32>
        %eq3A_757 = arith.cmpi eq, %iota3A_754, %eq3A_756 : vector<16xi32>
        %select_n3A_758 = arith.select %eq3A_757, %select_n3A_725, %get3A_753 : vector<16xi1>, vector<16xf32>
        %swap3A_759 = arith.index_cast %mul3A_751 : i32 to index
        %swap3A_760 = tpu.vector_load %arg19[%swap3A_759] {strides = array<i32>} : memref<112xf32, #tpu.memory_space<vmem>>, vector<16xf32>,
        tpu.vector_store %arg19[%swap3A_759], %select_n3A_758 {strides = array<i32>} : memref<112xf32, #tpu.memory_space<vmem>>, vector<16xf32>,
        %jit3A_761 = arith.constant 0.000000e+00 : f32
        %broadcast_in_dim3A_762 = vector.broadcast %jit3A_761 : f32 to vector<16xf32>
        %select_n3A_763 = arith.select %reduce_or3A_647, %broadcast_in_dim3A_762, %gather3A_397 : vector<16xf32>
        %jit3A_764 = arith.constant 16 : i32
        %div3A_765 = arith.divsi %while3A_198, %jit3A_764 : i32
        %sign3A_766 = arith.constant 0 : i32
        %sign3A_767 = arith.cmpi sgt, %while3A_198, %sign3A_766 : i32
        %sign3A_768 = arith.extui %sign3A_767 : i1 to i32
        %sign3A_769 = arith.constant 0 : i32
        %sign3A_770 = arith.cmpi slt, %while3A_198, %sign3A_769 : i32
        %sign3A_771 = arith.extui %sign3A_770 : i1 to i32
        %sign3A_772 = arith.subi %sign3A_768, %sign3A_771 : i32
        %sign3A_773 = arith.constant 0 : i32
        %sign3A_774 = arith.cmpi sgt, %jit3A_764, %sign3A_773 : i32
        %sign3A_775 = arith.extui %sign3A_774 : i1 to i32
        %sign3A_776 = arith.constant 0 : i32
        %sign3A_777 = arith.cmpi slt, %jit3A_764, %sign3A_776 : i32
        %sign3A_778 = arith.extui %sign3A_777 : i1 to i32
        %sign3A_779 = arith.subi %sign3A_775, %sign3A_778 : i32
        %ne3A_780 = arith.cmpi ne, %sign3A_772, %sign3A_779 : i32
        %rem3A_781 = arith.remsi %while3A_198, %jit3A_764 : i32
        %ne3A_782 = arith.constant 0 : i32
        %ne3A_783 = arith.cmpi ne, %rem3A_781, %ne3A_782 : i32
        %and3A_784 = arith.andi %ne3A_780, %ne3A_783 : i1
        %sub3A_785 = arith.constant 1 : i32
        %sub3A_786 = arith.subi %div3A_765, %sub3A_785 : i32
        %select_n3A_787 = arith.select %and3A_784, %sub3A_786, %div3A_765 : i32
        %mul3A_788 = arith.constant 16 : i32
        %mul3A_789 = arith.muli %select_n3A_787, %mul3A_788 : i32
        %get3A_790 = arith.index_cast %mul3A_789 : i32 to index
        %get3A_791 = tpu.vector_load %arg20[%get3A_790] {strides = array<i32>} : memref<112xf32, #tpu.memory_space<vmem>>, vector<16xf32>,
        %iota3A_792 = tpu.iota {dimensions = array<i32: 0>} : vector<16xi32>
        %sub3A_793 = arith.subi %while3A_198, %mul3A_789 : i32
        %eq3A_794 = vector.broadcast %sub3A_793 : i32 to vector<16xi32>
        %eq3A_795 = arith.cmpi eq, %iota3A_792, %eq3A_794 : vector<16xi32>
        %select_n3A_796 = arith.select %eq3A_795, %select_n3A_763, %get3A_791 : vector<16xi1>, vector<16xf32>
        %swap3A_797 = arith.index_cast %mul3A_789 : i32 to index
        %swap3A_798 = tpu.vector_load %arg20[%swap3A_797] {strides = array<i32>} : memref<112xf32, #tpu.memory_space<vmem>>, vector<16xf32>,
        tpu.vector_store %arg20[%swap3A_797], %select_n3A_796 {strides = array<i32>} : memref<112xf32, #tpu.memory_space<vmem>>, vector<16xf32>,
        %jit3A_799 = arith.constant -1.000000e+09 : f32
        %select_n3A_800 = arith.select %reduce_or3A_647, %jit3A_799, %while3A_199 : f32
        %jit3A_801 = arith.constant 16 : i32
        %div3A_802 = arith.divsi %while3A_198, %jit3A_801 : i32
        %sign3A_803 = arith.constant 0 : i32
        %sign3A_804 = arith.cmpi sgt, %while3A_198, %sign3A_803 : i32
        %sign3A_805 = arith.extui %sign3A_804 : i1 to i32
        %sign3A_806 = arith.constant 0 : i32
        %sign3A_807 = arith.cmpi slt, %while3A_198, %sign3A_806 : i32
        %sign3A_808 = arith.extui %sign3A_807 : i1 to i32
        %sign3A_809 = arith.subi %sign3A_805, %sign3A_808 : i32
        %sign3A_810 = arith.constant 0 : i32
        %sign3A_811 = arith.cmpi sgt, %jit3A_801, %sign3A_810 : i32
        %sign3A_812 = arith.extui %sign3A_811 : i1 to i32
        %sign3A_813 = arith.constant 0 : i32
        %sign3A_814 = arith.cmpi slt, %jit3A_801, %sign3A_813 : i32
        %sign3A_815 = arith.extui %sign3A_814 : i1 to i32
        %sign3A_816 = arith.subi %sign3A_812, %sign3A_815 : i32
        %ne3A_817 = arith.cmpi ne, %sign3A_809, %sign3A_816 : i32
        %rem3A_818 = arith.remsi %while3A_198, %jit3A_801 : i32
        %ne3A_819 = arith.constant 0 : i32
        %ne3A_820 = arith.cmpi ne, %rem3A_818, %ne3A_819 : i32
        %and3A_821 = arith.andi %ne3A_817, %ne3A_820 : i1
        %sub3A_822 = arith.constant 1 : i32
        %sub3A_823 = arith.subi %div3A_802, %sub3A_822 : i32
        %select_n3A_824 = arith.select %and3A_821, %sub3A_823, %div3A_802 : i32
        %mul3A_825 = arith.constant 16 : i32
        %mul3A_826 = arith.muli %select_n3A_824, %mul3A_825 : i32
        %get3A_827 = arith.index_cast %mul3A_826 : i32 to index
        %get3A_828 = tpu.vector_load %arg21[%get3A_827] {strides = array<i32>} : memref<112xf32, #tpu.memory_space<vmem>>, vector<16xf32>,
        %iota3A_829 = tpu.iota {dimensions = array<i32: 0>} : vector<16xi32>
        %sub3A_830 = arith.subi %while3A_198, %mul3A_826 : i32
        %eq3A_831 = vector.broadcast %sub3A_830 : i32 to vector<16xi32>
        %eq3A_832 = arith.cmpi eq, %iota3A_829, %eq3A_831 : vector<16xi32>
        %broadcast_in_dim3A_833 = vector.broadcast %select_n3A_800 : f32 to vector<16xf32>
        %select_n3A_834 = arith.select %eq3A_832, %broadcast_in_dim3A_833, %get3A_828 : vector<16xi1>, vector<16xf32>
        %swap3A_835 = arith.index_cast %mul3A_826 : i32 to index
        %swap3A_836 = tpu.vector_load %arg21[%swap3A_835] {strides = array<i32>} : memref<112xf32, #tpu.memory_space<vmem>>, vector<16xf32>,
        tpu.vector_store %arg21[%swap3A_835], %select_n3A_834 {strides = array<i32>} : memref<112xf32, #tpu.memory_space<vmem>>, vector<16xf32>,
        %jit3A_837 = arith.constant 0 : i32
        %jit3A_838 = arith.constant 1 : i32
        %select_n3A_839 = arith.select %reduce_or3A_647, %jit3A_837, %jit3A_838 : i32
        %add3A_840 = arith.addi %while3A_198, %select_n3A_839 : i32
        %jit3A_841 = arith.constant 16 : i32
        %div3A_842 = arith.divsi %reduce_sum3A_238, %jit3A_841 : i32
        %sign3A_843 = arith.constant 0 : i32
        %sign3A_844 = arith.cmpi sgt, %reduce_sum3A_238, %sign3A_843 : i32
        %sign3A_845 = arith.extui %sign3A_844 : i1 to i32
        %sign3A_846 = arith.constant 0 : i32
        %sign3A_847 = arith.cmpi slt, %reduce_sum3A_238, %sign3A_846 : i32
        %sign3A_848 = arith.extui %sign3A_847 : i1 to i32
        %sign3A_849 = arith.subi %sign3A_845, %sign3A_848 : i32
        %sign3A_850 = arith.constant 0 : i32
        %sign3A_851 = arith.cmpi sgt, %jit3A_841, %sign3A_850 : i32
        %sign3A_852 = arith.extui %sign3A_851 : i1 to i32
        %sign3A_853 = arith.constant 0 : i32
        %sign3A_854 = arith.cmpi slt, %jit3A_841, %sign3A_853 : i32
        %sign3A_855 = arith.extui %sign3A_854 : i1 to i32
        %sign3A_856 = arith.subi %sign3A_852, %sign3A_855 : i32
        %ne3A_857 = arith.cmpi ne, %sign3A_849, %sign3A_856 : i32
        %rem3A_858 = arith.remsi %reduce_sum3A_238, %jit3A_841 : i32
        %ne3A_859 = arith.constant 0 : i32
        %ne3A_860 = arith.cmpi ne, %rem3A_858, %ne3A_859 : i32
        %and3A_861 = arith.andi %ne3A_857, %ne3A_860 : i1
        %sub3A_862 = arith.constant 1 : i32
        %sub3A_863 = arith.subi %div3A_842, %sub3A_862 : i32
        %select_n3A_864 = arith.select %and3A_861, %sub3A_863, %div3A_842 : i32
        %mul3A_865 = arith.constant 16 : i32
        %mul3A_866 = arith.muli %select_n3A_864, %mul3A_865 : i32
        %get3A_867 = arith.index_cast %mul3A_866 : i32 to index
        %get3A_868 = tpu.vector_load %arg14[%get3A_867] {strides = array<i32>} : memref<20000xf32, #tpu.memory_space<vmem>>, vector<16xf32>,
        %iota3A_869 = tpu.iota {dimensions = array<i32: 0>} : vector<16xi32>
        %sub3A_870 = arith.subi %reduce_sum3A_238, %mul3A_866 : i32
        %eq3A_871 = vector.broadcast %sub3A_870 : i32 to vector<16xi32>
        %eq3A_872 = arith.cmpi eq, %iota3A_869, %eq3A_871 : vector<16xi32>
        %jit3A_873 = arith.constant -1.000000e+09 : f32
        %broadcast_in_dim3A_874 = vector.broadcast %jit3A_873 : f32 to vector<16xf32>
        %select_n3A_875 = arith.select %eq3A_872, %broadcast_in_dim3A_874, %get3A_868 : vector<16xi1>, vector<16xf32>
        %swap3A_876 = arith.index_cast %mul3A_866 : i32 to index
        %swap3A_877 = tpu.vector_load %arg14[%swap3A_876] {strides = array<i32>} : memref<20000xf32, #tpu.memory_space<vmem>>, vector<16xf32>,
        tpu.vector_store %arg14[%swap3A_876], %select_n3A_875 {strides = array<i32>} : memref<20000xf32, #tpu.memory_space<vmem>>, vector<16xf32>,
        %mul3A_878 = arith.constant 160 : i32
        %mul3A_879 = arith.muli %while3A_200, %mul3A_878 : i32
        %broadcast_in_dim3A_880 = arith.constant -1.000000e+09 : f32
        %broadcast_in_dim3A_881 = vector.broadcast %broadcast_in_dim3A_880 : f32 to vector<16xf32>
        %broadcast_in_dim3A_882 = arith.constant 0 : i32
        %broadcast_in_dim3A_883 = vector.broadcast %broadcast_in_dim3A_882 : i32 to vector<16xi32>
        %add3A_884 = arith.constant 0 : i32
        %add3A_885 = arith.addi %mul3A_879, %add3A_884 : i32
        %get3A_886 = arith.index_cast %add3A_885 : i32 to index
        %get3A_887 = tpu.vector_load %arg14[%get3A_886] {strides = array<i32>} : memref<20000xf32, #tpu.memory_space<vmem>>, vector<16xf32>,
        %gt3A_888 = arith.cmpf ogt, %get3A_887, %broadcast_in_dim3A_881 : vector<16xf32>
        %select_n3A_889 = arith.select %gt3A_888, %get3A_887, %broadcast_in_dim3A_881 : vector<16xi1>, vector<16xf32>
        %iota3A_890 = tpu.iota {dimensions = array<i32: 0>} : vector<16xi32>
        %add3A_891 = vector.broadcast %add3A_885 : i32 to vector<16xi32>
        %add3A_892 = arith.addi %add3A_891, %iota3A_890 : vector<16xi32>
        %select_n3A_893 = arith.select %gt3A_888, %add3A_892, %broadcast_in_dim3A_883 : vector<16xi1>, vector<16xi32>
        %add3A_894 = arith.constant 16 : i32
        %add3A_895 = arith.addi %mul3A_879, %add3A_894 : i32
        %get3A_896 = arith.index_cast %add3A_895 : i32 to index
        %get3A_897 = tpu.vector_load %arg14[%get3A_896] {strides = array<i32>} : memref<20000xf32, #tpu.memory_space<vmem>>, vector<16xf32>,
        %gt3A_898 = arith.cmpf ogt, %get3A_897, %select_n3A_889 : vector<16xf32>
        %select_n3A_899 = arith.select %gt3A_898, %get3A_897, %select_n3A_889 : vector<16xi1>, vector<16xf32>
        %iota3A_900 = tpu.iota {dimensions = array<i32: 0>} : vector<16xi32>
        %add3A_901 = vector.broadcast %add3A_895 : i32 to vector<16xi32>
        %add3A_902 = arith.addi %add3A_901, %iota3A_900 : vector<16xi32>
        %select_n3A_903 = arith.select %gt3A_898, %add3A_902, %select_n3A_893 : vector<16xi1>, vector<16xi32>
        %add3A_904 = arith.constant 32 : i32
        %add3A_905 = arith.addi %mul3A_879, %add3A_904 : i32
        %get3A_906 = arith.index_cast %add3A_905 : i32 to index
        %get3A_907 = tpu.vector_load %arg14[%get3A_906] {strides = array<i32>} : memref<20000xf32, #tpu.memory_space<vmem>>, vector<16xf32>,
        %gt3A_908 = arith.cmpf ogt, %get3A_907, %select_n3A_899 : vector<16xf32>
        %select_n3A_909 = arith.select %gt3A_908, %get3A_907, %select_n3A_899 : vector<16xi1>, vector<16xf32>
        %iota3A_910 = tpu.iota {dimensions = array<i32: 0>} : vector<16xi32>
        %add3A_911 = vector.broadcast %add3A_905 : i32 to vector<16xi32>
        %add3A_912 = arith.addi %add3A_911, %iota3A_910 : vector<16xi32>
        %select_n3A_913 = arith.select %gt3A_908, %add3A_912, %select_n3A_903 : vector<16xi1>, vector<16xi32>
        %add3A_914 = arith.constant 48 : i32
        %add3A_915 = arith.addi %mul3A_879, %add3A_914 : i32
        %get3A_916 = arith.index_cast %add3A_915 : i32 to index
        %get3A_917 = tpu.vector_load %arg14[%get3A_916] {strides = array<i32>} : memref<20000xf32, #tpu.memory_space<vmem>>, vector<16xf32>,
        %gt3A_918 = arith.cmpf ogt, %get3A_917, %select_n3A_909 : vector<16xf32>
        %select_n3A_919 = arith.select %gt3A_918, %get3A_917, %select_n3A_909 : vector<16xi1>, vector<16xf32>
        %iota3A_920 = tpu.iota {dimensions = array<i32: 0>} : vector<16xi32>
        %add3A_921 = vector.broadcast %add3A_915 : i32 to vector<16xi32>
        %add3A_922 = arith.addi %add3A_921, %iota3A_920 : vector<16xi32>
        %select_n3A_923 = arith.select %gt3A_918, %add3A_922, %select_n3A_913 : vector<16xi1>, vector<16xi32>
        %add3A_924 = arith.constant 64 : i32
        %add3A_925 = arith.addi %mul3A_879, %add3A_924 : i32
        %get3A_926 = arith.index_cast %add3A_925 : i32 to index
        %get3A_927 = tpu.vector_load %arg14[%get3A_926] {strides = array<i32>} : memref<20000xf32, #tpu.memory_space<vmem>>, vector<16xf32>,
        %gt3A_928 = arith.cmpf ogt, %get3A_927, %select_n3A_919 : vector<16xf32>
        %select_n3A_929 = arith.select %gt3A_928, %get3A_927, %select_n3A_919 : vector<16xi1>, vector<16xf32>
        %iota3A_930 = tpu.iota {dimensions = array<i32: 0>} : vector<16xi32>
        %add3A_931 = vector.broadcast %add3A_925 : i32 to vector<16xi32>
        %add3A_932 = arith.addi %add3A_931, %iota3A_930 : vector<16xi32>
        %select_n3A_933 = arith.select %gt3A_928, %add3A_932, %select_n3A_923 : vector<16xi1>, vector<16xi32>
        %add3A_934 = arith.constant 80 : i32
        %add3A_935 = arith.addi %mul3A_879, %add3A_934 : i32
        %get3A_936 = arith.index_cast %add3A_935 : i32 to index
        %get3A_937 = tpu.vector_load %arg14[%get3A_936] {strides = array<i32>} : memref<20000xf32, #tpu.memory_space<vmem>>, vector<16xf32>,
        %gt3A_938 = arith.cmpf ogt, %get3A_937, %select_n3A_929 : vector<16xf32>
        %select_n3A_939 = arith.select %gt3A_938, %get3A_937, %select_n3A_929 : vector<16xi1>, vector<16xf32>
        %iota3A_940 = tpu.iota {dimensions = array<i32: 0>} : vector<16xi32>
        %add3A_941 = vector.broadcast %add3A_935 : i32 to vector<16xi32>
        %add3A_942 = arith.addi %add3A_941, %iota3A_940 : vector<16xi32>
        %select_n3A_943 = arith.select %gt3A_938, %add3A_942, %select_n3A_933 : vector<16xi1>, vector<16xi32>
        %add3A_944 = arith.constant 96 : i32
        %add3A_945 = arith.addi %mul3A_879, %add3A_944 : i32
        %get3A_946 = arith.index_cast %add3A_945 : i32 to index
        %get3A_947 = tpu.vector_load %arg14[%get3A_946] {strides = array<i32>} : memref<20000xf32, #tpu.memory_space<vmem>>, vector<16xf32>,
        %gt3A_948 = arith.cmpf ogt, %get3A_947, %select_n3A_939 : vector<16xf32>
        %select_n3A_949 = arith.select %gt3A_948, %get3A_947, %select_n3A_939 : vector<16xi1>, vector<16xf32>
        %iota3A_950 = tpu.iota {dimensions = array<i32: 0>} : vector<16xi32>
        %add3A_951 = vector.broadcast %add3A_945 : i32 to vector<16xi32>
        %add3A_952 = arith.addi %add3A_951, %iota3A_950 : vector<16xi32>
        %select_n3A_953 = arith.select %gt3A_948, %add3A_952, %select_n3A_943 : vector<16xi1>, vector<16xi32>
        %add3A_954 = arith.constant 112 : i32
        %add3A_955 = arith.addi %mul3A_879, %add3A_954 : i32
        %get3A_956 = arith.index_cast %add3A_955 : i32 to index
        %get3A_957 = tpu.vector_load %arg14[%get3A_956] {strides = array<i32>} : memref<20000xf32, #tpu.memory_space<vmem>>, vector<16xf32>,
        %gt3A_958 = arith.cmpf ogt, %get3A_957, %select_n3A_949 : vector<16xf32>
        %select_n3A_959 = arith.select %gt3A_958, %get3A_957, %select_n3A_949 : vector<16xi1>, vector<16xf32>
        %iota3A_960 = tpu.iota {dimensions = array<i32: 0>} : vector<16xi32>
        %add3A_961 = vector.broadcast %add3A_955 : i32 to vector<16xi32>
        %add3A_962 = arith.addi %add3A_961, %iota3A_960 : vector<16xi32>
        %select_n3A_963 = arith.select %gt3A_958, %add3A_962, %select_n3A_953 : vector<16xi1>, vector<16xi32>
        %add3A_964 = arith.constant 128 : i32
        %add3A_965 = arith.addi %mul3A_879, %add3A_964 : i32
        %get3A_966 = arith.index_cast %add3A_965 : i32 to index
        %get3A_967 = tpu.vector_load %arg14[%get3A_966] {strides = array<i32>} : memref<20000xf32, #tpu.memory_space<vmem>>, vector<16xf32>,
        %gt3A_968 = arith.cmpf ogt, %get3A_967, %select_n3A_959 : vector<16xf32>
        %select_n3A_969 = arith.select %gt3A_968, %get3A_967, %select_n3A_959 : vector<16xi1>, vector<16xf32>
        %iota3A_970 = tpu.iota {dimensions = array<i32: 0>} : vector<16xi32>
        %add3A_971 = vector.broadcast %add3A_965 : i32 to vector<16xi32>
        %add3A_972 = arith.addi %add3A_971, %iota3A_970 : vector<16xi32>
        %select_n3A_973 = arith.select %gt3A_968, %add3A_972, %select_n3A_963 : vector<16xi1>, vector<16xi32>
        %add3A_974 = arith.constant 144 : i32
        %add3A_975 = arith.addi %mul3A_879, %add3A_974 : i32
        %get3A_976 = arith.index_cast %add3A_975 : i32 to index
        %get3A_977 = tpu.vector_load %arg14[%get3A_976] {strides = array<i32>} : memref<20000xf32, #tpu.memory_space<vmem>>, vector<16xf32>,
        %gt3A_978 = arith.cmpf ogt, %get3A_977, %select_n3A_969 : vector<16xf32>
        %select_n3A_979 = arith.select %gt3A_978, %get3A_977, %select_n3A_969 : vector<16xi1>, vector<16xf32>
        %iota3A_980 = tpu.iota {dimensions = array<i32: 0>} : vector<16xi32>
        %add3A_981 = vector.broadcast %add3A_975 : i32 to vector<16xi32>
        %add3A_982 = arith.addi %add3A_981, %iota3A_980 : vector<16xi32>
        %select_n3A_983 = arith.select %gt3A_978, %add3A_982, %select_n3A_973 : vector<16xi1>, vector<16xi32>
        %reduce_max3A_984 = arith.constant true
        %reduce_max3A_985 = vector.broadcast %reduce_max3A_984 : i1 to vector<16xi1>
        %reduce_max3A_986 = tpu.scan <max>, %select_n3A_979 masked %reduce_max3A_985 : vector<16xf32>, vector<16xi1> -> vector<16xf32>
        %reduce_max3A_987 = vector.extract %reduce_max3A_986[15] : f32 from vector<16xf32>
        %eq3A_988 = vector.broadcast %reduce_max3A_987 : f32 to vector<16xf32>
        %eq3A_989 = arith.cmpf oeq, %select_n3A_979, %eq3A_988 : vector<16xf32>
        %jit3A_990 = arith.constant 1073741824 : i32
        %broadcast_in_dim3A_991 = vector.broadcast %jit3A_990 : i32 to vector<16xi32>
        %select_n3A_992 = arith.select %eq3A_989, %select_n3A_983, %broadcast_in_dim3A_991 : vector<16xi1>, vector<16xi32>
        %reduce_min3A_993 = arith.constant true
        %reduce_min3A_994 = vector.broadcast %reduce_min3A_993 : i1 to vector<16xi1>
        %reduce_min3A_995 = arith.constant -2147483648 : i32
        %reduce_min3A_996 = vector.broadcast %reduce_min3A_995 : i32 to vector<16xi32>
        %reduce_min3A_997 = arith.xori %select_n3A_992, %reduce_min3A_996 : vector<16xi32>
        %reduce_min3A_998 = tpu.scan <min>, %reduce_min3A_997 masked %reduce_min3A_994 : vector<16xi32>, vector<16xi1> -> vector<16xi32>
        %reduce_min3A_999 = arith.xori %reduce_min3A_998, %reduce_min3A_996 : vector<16xi32>
        %reduce_min3A_1000 = vector.extract %reduce_min3A_999[15] : i32 from vector<16xi32>
        %jit3A_1001 = arith.constant 16 : i32
        %div3A_1002 = arith.divsi %while3A_200, %jit3A_1001 : i32
        %sign3A_1003 = arith.constant 0 : i32
        %sign3A_1004 = arith.cmpi sgt, %while3A_200, %sign3A_1003 : i32
        %sign3A_1005 = arith.extui %sign3A_1004 : i1 to i32
        %sign3A_1006 = arith.constant 0 : i32
        %sign3A_1007 = arith.cmpi slt, %while3A_200, %sign3A_1006 : i32
        %sign3A_1008 = arith.extui %sign3A_1007 : i1 to i32
        %sign3A_1009 = arith.subi %sign3A_1005, %sign3A_1008 : i32
        %sign3A_1010 = arith.constant 0 : i32
        %sign3A_1011 = arith.cmpi sgt, %jit3A_1001, %sign3A_1010 : i32
        %sign3A_1012 = arith.extui %sign3A_1011 : i1 to i32
        %sign3A_1013 = arith.constant 0 : i32
        %sign3A_1014 = arith.cmpi slt, %jit3A_1001, %sign3A_1013 : i32
        %sign3A_1015 = arith.extui %sign3A_1014 : i1 to i32
        %sign3A_1016 = arith.subi %sign3A_1012, %sign3A_1015 : i32
        %ne3A_1017 = arith.cmpi ne, %sign3A_1009, %sign3A_1016 : i32
        %rem3A_1018 = arith.remsi %while3A_200, %jit3A_1001 : i32
        %ne3A_1019 = arith.constant 0 : i32
        %ne3A_1020 = arith.cmpi ne, %rem3A_1018, %ne3A_1019 : i32
        %and3A_1021 = arith.andi %ne3A_1017, %ne3A_1020 : i1
        %sub3A_1022 = arith.constant 1 : i32
        %sub3A_1023 = arith.subi %div3A_1002, %sub3A_1022 : i32
        %select_n3A_1024 = arith.select %and3A_1021, %sub3A_1023, %div3A_1002 : i32
        %mul3A_1025 = arith.constant 16 : i32
        %mul3A_1026 = arith.muli %select_n3A_1024, %mul3A_1025 : i32
        %get3A_1027 = arith.index_cast %mul3A_1026 : i32 to index
        %get3A_1028 = tpu.vector_load %arg15[%get3A_1027] {strides = array<i32>} : memref<128xf32, #tpu.memory_space<vmem>>, vector<16xf32>,
        %iota3A_1029 = tpu.iota {dimensions = array<i32: 0>} : vector<16xi32>
        %sub3A_1030 = arith.subi %while3A_200, %mul3A_1026 : i32
        %eq3A_1031 = vector.broadcast %sub3A_1030 : i32 to vector<16xi32>
        %eq3A_1032 = arith.cmpi eq, %iota3A_1029, %eq3A_1031 : vector<16xi32>
        %broadcast_in_dim3A_1033 = vector.broadcast %reduce_max3A_987 : f32 to vector<16xf32>
        %select_n3A_1034 = arith.select %eq3A_1032, %broadcast_in_dim3A_1033, %get3A_1028 : vector<16xi1>, vector<16xf32>
        %swap3A_1035 = arith.index_cast %mul3A_1026 : i32 to index
        %swap3A_1036 = tpu.vector_load %arg15[%swap3A_1035] {strides = array<i32>} : memref<128xf32, #tpu.memory_space<vmem>>, vector<16xf32>,
        tpu.vector_store %arg15[%swap3A_1035], %select_n3A_1034 {strides = array<i32>} : memref<128xf32, #tpu.memory_space<vmem>>, vector<16xf32>,
        %jit3A_1037 = arith.constant 16 : i32
        %div3A_1038 = arith.divsi %while3A_200, %jit3A_1037 : i32
        %sign3A_1039 = arith.constant 0 : i32
        %sign3A_1040 = arith.cmpi sgt, %while3A_200, %sign3A_1039 : i32
        %sign3A_1041 = arith.extui %sign3A_1040 : i1 to i32
        %sign3A_1042 = arith.constant 0 : i32
        %sign3A_1043 = arith.cmpi slt, %while3A_200, %sign3A_1042 : i32
        %sign3A_1044 = arith.extui %sign3A_1043 : i1 to i32
        %sign3A_1045 = arith.subi %sign3A_1041, %sign3A_1044 : i32
        %sign3A_1046 = arith.constant 0 : i32
        %sign3A_1047 = arith.cmpi sgt, %jit3A_1037, %sign3A_1046 : i32
        %sign3A_1048 = arith.extui %sign3A_1047 : i1 to i32
        %sign3A_1049 = arith.constant 0 : i32
        %sign3A_1050 = arith.cmpi slt, %jit3A_1037, %sign3A_1049 : i32
        %sign3A_1051 = arith.extui %sign3A_1050 : i1 to i32
        %sign3A_1052 = arith.subi %sign3A_1048, %sign3A_1051 : i32
        %ne3A_1053 = arith.cmpi ne, %sign3A_1045, %sign3A_1052 : i32
        %rem3A_1054 = arith.remsi %while3A_200, %jit3A_1037 : i32
        %ne3A_1055 = arith.constant 0 : i32
        %ne3A_1056 = arith.cmpi ne, %rem3A_1054, %ne3A_1055 : i32
        %and3A_1057 = arith.andi %ne3A_1053, %ne3A_1056 : i1
        %sub3A_1058 = arith.constant 1 : i32
        %sub3A_1059 = arith.subi %div3A_1038, %sub3A_1058 : i32
        %select_n3A_1060 = arith.select %and3A_1057, %sub3A_1059, %div3A_1038 : i32
        %mul3A_1061 = arith.constant 16 : i32
        %mul3A_1062 = arith.muli %select_n3A_1060, %mul3A_1061 : i32
        %get3A_1063 = arith.index_cast %mul3A_1062 : i32 to index
        %get3A_1064 = tpu.vector_load %arg16[%get3A_1063] {strides = array<i32>} : memref<128xi32, #tpu.memory_space<vmem>>, vector<16xi32>,
        %iota3A_1065 = tpu.iota {dimensions = array<i32: 0>} : vector<16xi32>
        %sub3A_1066 = arith.subi %while3A_200, %mul3A_1062 : i32
        %eq3A_1067 = vector.broadcast %sub3A_1066 : i32 to vector<16xi32>
        %eq3A_1068 = arith.cmpi eq, %iota3A_1065, %eq3A_1067 : vector<16xi32>
        %broadcast_in_dim3A_1069 = vector.broadcast %reduce_min3A_1000 : i32 to vector<16xi32>
        %select_n3A_1070 = arith.select %eq3A_1068, %broadcast_in_dim3A_1069, %get3A_1064 : vector<16xi1>, vector<16xi32>
        %swap3A_1071 = arith.index_cast %mul3A_1062 : i32 to index
        %swap3A_1072 = tpu.vector_load %arg16[%swap3A_1071] {strides = array<i32>} : memref<128xi32, #tpu.memory_space<vmem>>, vector<16xi32>,
        tpu.vector_store %arg16[%swap3A_1071], %select_n3A_1070 {strides = array<i32>} : memref<128xi32, #tpu.memory_space<vmem>>, vector<16xi32>,
        %broadcast_in_dim3A_1073 = arith.constant -1.000000e+09 : f32
        %broadcast_in_dim3A_1074 = vector.broadcast %broadcast_in_dim3A_1073 : f32 to vector<16xf32>
        %broadcast_in_dim3A_1075 = arith.constant 0 : i32
        %broadcast_in_dim3A_1076 = vector.broadcast %broadcast_in_dim3A_1075 : i32 to vector<16xi32>
        %get3A_1077 = arith.constant 0 : index
        %get3A_1078 = tpu.vector_load %arg15[%get3A_1077] {strides = array<i32>} : memref<128xf32, #tpu.memory_space<vmem>>, vector<16xf32>,
        %gt3A_1079 = arith.cmpf ogt, %get3A_1078, %broadcast_in_dim3A_1074 : vector<16xf32>
        %select_n3A_1080 = arith.select %gt3A_1079, %get3A_1078, %broadcast_in_dim3A_1074 : vector<16xi1>, vector<16xf32>
        %iota3A_1081 = tpu.iota {dimensions = array<i32: 0>} : vector<16xi32>
        %add3A_1082 = arith.constant 0 : i32
        %add3A_1083 = vector.broadcast %add3A_1082 : i32 to vector<16xi32>
        %add3A_1084 = arith.addi %add3A_1083, %iota3A_1081 : vector<16xi32>
        %select_n3A_1085 = arith.select %gt3A_1079, %add3A_1084, %broadcast_in_dim3A_1076 : vector<16xi1>, vector<16xi32>
        %get3A_1086 = arith.constant 16 : index
        %get3A_1087 = tpu.vector_load %arg15[%get3A_1086] {strides = array<i32>} : memref<128xf32, #tpu.memory_space<vmem>>, vector<16xf32>,
        %gt3A_1088 = arith.cmpf ogt, %get3A_1087, %select_n3A_1080 : vector<16xf32>
        %select_n3A_1089 = arith.select %gt3A_1088, %get3A_1087, %select_n3A_1080 : vector<16xi1>, vector<16xf32>
        %iota3A_1090 = tpu.iota {dimensions = array<i32: 0>} : vector<16xi32>
        %add3A_1091 = arith.constant 16 : i32
        %add3A_1092 = vector.broadcast %add3A_1091 : i32 to vector<16xi32>
        %add3A_1093 = arith.addi %add3A_1092, %iota3A_1090 : vector<16xi32>
        %select_n3A_1094 = arith.select %gt3A_1088, %add3A_1093, %select_n3A_1085 : vector<16xi1>, vector<16xi32>
        %get3A_1095 = arith.constant 32 : index
        %get3A_1096 = tpu.vector_load %arg15[%get3A_1095] {strides = array<i32>} : memref<128xf32, #tpu.memory_space<vmem>>, vector<16xf32>,
        %gt3A_1097 = arith.cmpf ogt, %get3A_1096, %select_n3A_1089 : vector<16xf32>
        %select_n3A_1098 = arith.select %gt3A_1097, %get3A_1096, %select_n3A_1089 : vector<16xi1>, vector<16xf32>
        %iota3A_1099 = tpu.iota {dimensions = array<i32: 0>} : vector<16xi32>
        %add3A_1100 = arith.constant 32 : i32
        %add3A_1101 = vector.broadcast %add3A_1100 : i32 to vector<16xi32>
        %add3A_1102 = arith.addi %add3A_1101, %iota3A_1099 : vector<16xi32>
        %select_n3A_1103 = arith.select %gt3A_1097, %add3A_1102, %select_n3A_1094 : vector<16xi1>, vector<16xi32>
        %get3A_1104 = arith.constant 48 : index
        %get3A_1105 = tpu.vector_load %arg15[%get3A_1104] {strides = array<i32>} : memref<128xf32, #tpu.memory_space<vmem>>, vector<16xf32>,
        %gt3A_1106 = arith.cmpf ogt, %get3A_1105, %select_n3A_1098 : vector<16xf32>
        %select_n3A_1107 = arith.select %gt3A_1106, %get3A_1105, %select_n3A_1098 : vector<16xi1>, vector<16xf32>
        %iota3A_1108 = tpu.iota {dimensions = array<i32: 0>} : vector<16xi32>
        %add3A_1109 = arith.constant 48 : i32
        %add3A_1110 = vector.broadcast %add3A_1109 : i32 to vector<16xi32>
        %add3A_1111 = arith.addi %add3A_1110, %iota3A_1108 : vector<16xi32>
        %select_n3A_1112 = arith.select %gt3A_1106, %add3A_1111, %select_n3A_1103 : vector<16xi1>, vector<16xi32>
        %get3A_1113 = arith.constant 64 : index
        %get3A_1114 = tpu.vector_load %arg15[%get3A_1113] {strides = array<i32>} : memref<128xf32, #tpu.memory_space<vmem>>, vector<16xf32>,
        %gt3A_1115 = arith.cmpf ogt, %get3A_1114, %select_n3A_1107 : vector<16xf32>
        %select_n3A_1116 = arith.select %gt3A_1115, %get3A_1114, %select_n3A_1107 : vector<16xi1>, vector<16xf32>
        %iota3A_1117 = tpu.iota {dimensions = array<i32: 0>} : vector<16xi32>
        %add3A_1118 = arith.constant 64 : i32
        %add3A_1119 = vector.broadcast %add3A_1118 : i32 to vector<16xi32>
        %add3A_1120 = arith.addi %add3A_1119, %iota3A_1117 : vector<16xi32>
        %select_n3A_1121 = arith.select %gt3A_1115, %add3A_1120, %select_n3A_1112 : vector<16xi1>, vector<16xi32>
        %get3A_1122 = arith.constant 80 : index
        %get3A_1123 = tpu.vector_load %arg15[%get3A_1122] {strides = array<i32>} : memref<128xf32, #tpu.memory_space<vmem>>, vector<16xf32>,
        %gt3A_1124 = arith.cmpf ogt, %get3A_1123, %select_n3A_1116 : vector<16xf32>
        %select_n3A_1125 = arith.select %gt3A_1124, %get3A_1123, %select_n3A_1116 : vector<16xi1>, vector<16xf32>
        %iota3A_1126 = tpu.iota {dimensions = array<i32: 0>} : vector<16xi32>
        %add3A_1127 = arith.constant 80 : i32
        %add3A_1128 = vector.broadcast %add3A_1127 : i32 to vector<16xi32>
        %add3A_1129 = arith.addi %add3A_1128, %iota3A_1126 : vector<16xi32>
        %select_n3A_1130 = arith.select %gt3A_1124, %add3A_1129, %select_n3A_1121 : vector<16xi1>, vector<16xi32>
        %get3A_1131 = arith.constant 96 : index
        %get3A_1132 = tpu.vector_load %arg15[%get3A_1131] {strides = array<i32>} : memref<128xf32, #tpu.memory_space<vmem>>, vector<16xf32>,
        %gt3A_1133 = arith.cmpf ogt, %get3A_1132, %select_n3A_1125 : vector<16xf32>
        %select_n3A_1134 = arith.select %gt3A_1133, %get3A_1132, %select_n3A_1125 : vector<16xi1>, vector<16xf32>
        %iota3A_1135 = tpu.iota {dimensions = array<i32: 0>} : vector<16xi32>
        %add3A_1136 = arith.constant 96 : i32
        %add3A_1137 = vector.broadcast %add3A_1136 : i32 to vector<16xi32>
        %add3A_1138 = arith.addi %add3A_1137, %iota3A_1135 : vector<16xi32>
        %select_n3A_1139 = arith.select %gt3A_1133, %add3A_1138, %select_n3A_1130 : vector<16xi1>, vector<16xi32>
        %get3A_1140 = arith.constant 112 : index
        %get3A_1141 = tpu.vector_load %arg15[%get3A_1140] {strides = array<i32>} : memref<128xf32, #tpu.memory_space<vmem>>, vector<16xf32>,
        %gt3A_1142 = arith.cmpf ogt, %get3A_1141, %select_n3A_1134 : vector<16xf32>
        %select_n3A_1143 = arith.select %gt3A_1142, %get3A_1141, %select_n3A_1134 : vector<16xi1>, vector<16xf32>
        %iota3A_1144 = tpu.iota {dimensions = array<i32: 0>} : vector<16xi32>
        %add3A_1145 = arith.constant 112 : i32
        %add3A_1146 = vector.broadcast %add3A_1145 : i32 to vector<16xi32>
        %add3A_1147 = arith.addi %add3A_1146, %iota3A_1144 : vector<16xi32>
        %select_n3A_1148 = arith.select %gt3A_1142, %add3A_1147, %select_n3A_1139 : vector<16xi1>, vector<16xi32>
        %reduce_max3A_1149 = arith.constant true
        %reduce_max3A_1150 = vector.broadcast %reduce_max3A_1149 : i1 to vector<16xi1>
        %reduce_max3A_1151 = tpu.scan <max>, %select_n3A_1143 masked %reduce_max3A_1150 : vector<16xf32>, vector<16xi1> -> vector<16xf32>
        %reduce_max3A_1152 = vector.extract %reduce_max3A_1151[15] : f32 from vector<16xf32>
        %eq3A_1153 = vector.broadcast %reduce_max3A_1152 : f32 to vector<16xf32>
        %eq3A_1154 = arith.cmpf oeq, %select_n3A_1143, %eq3A_1153 : vector<16xf32>
        %jit3A_1155 = arith.constant 1073741824 : i32
        %broadcast_in_dim3A_1156 = vector.broadcast %jit3A_1155 : i32 to vector<16xi32>
        %select_n3A_1157 = arith.select %eq3A_1154, %select_n3A_1148, %broadcast_in_dim3A_1156 : vector<16xi1>, vector<16xi32>
        %reduce_min3A_1158 = arith.constant true
        %reduce_min3A_1159 = vector.broadcast %reduce_min3A_1158 : i1 to vector<16xi1>
        %reduce_min3A_1160 = arith.constant -2147483648 : i32
        %reduce_min3A_1161 = vector.broadcast %reduce_min3A_1160 : i32 to vector<16xi32>
        %reduce_min3A_1162 = arith.xori %select_n3A_1157, %reduce_min3A_1161 : vector<16xi32>
        %reduce_min3A_1163 = tpu.scan <min>, %reduce_min3A_1162 masked %reduce_min3A_1159 : vector<16xi32>, vector<16xi1> -> vector<16xi32>
        %reduce_min3A_1164 = arith.xori %reduce_min3A_1163, %reduce_min3A_1161 : vector<16xi32>
        %reduce_min3A_1165 = vector.extract %reduce_min3A_1164[15] : i32 from vector<16xi32>
        scf.yield %add3A_840, %reduce_max3A_1152, %reduce_min3A_1165 : i32, f32, i32
      }
      %mul3A_193 = arith.constant 2368 : i32
      %mul3A_194 = arith.muli %select_n3A_54, %mul3A_193 : i32
      %mul3A_195 = arith.constant 112 : i32
      %mul3A_196 = arith.muli %add3A_62, %mul3A_195 : i32
      %add3A_197 = arith.addi %mul3A_194, %mul3A_196 : i32
      "tpu.region"() ({
        %run_scoped3A_198 = tpu.sem_alloc : memref<!tpu.dma_semaphore, #tpu.memory_space<semaphore_mem>>
        %dma_start3A = tpu.memref_slice %arg22[%add3A_197] : memref<4736xf32, #tpu.memory_space<vmem_shared>> -> memref<112xf32, #tpu.memory_space<vmem_shared>>
        %dma_start3A_199 = tpu.memref_slice %arg22[%add3A_197] : memref<4736xf32, #tpu.memory_space<vmem_shared>> -> memref<112xf32, #tpu.memory_space<vmem_shared>>
        tpu.enqueue_dma source(%arg17 : memref<112xf32, #tpu.memory_space<vmem>>) target(%dma_start3A_199 : memref<112xf32, #tpu.memory_space<vmem_shared>>) target_semaphore(%run_scoped3A_198 : memref<!tpu.dma_semaphore, #tpu.memory_space<semaphore_mem>>)
        %dma_wait3A = tpu.memref_slice %arg22[%add3A_197] : memref<4736xf32, #tpu.memory_space<vmem_shared>> -> memref<112xf32, #tpu.memory_space<vmem_shared>>
        %dma_wait3A_200 = tpu.memref_slice %arg22[%add3A_197] : memref<4736xf32, #tpu.memory_space<vmem_shared>> -> memref<112xf32, #tpu.memory_space<vmem_shared>>
        tpu.wait_dma2 semaphore(%run_scoped3A_198 : memref<!tpu.dma_semaphore, #tpu.memory_space<semaphore_mem>>) src(%arg17 : memref<112xf32, #tpu.memory_space<vmem>>) dst(%dma_wait3A_200 : memref<112xf32, #tpu.memory_space<vmem_shared>>)
        tpu.yield
      }) : () -> ()
      "tpu.region"() ({
        %run_scoped3A_198 = tpu.sem_alloc : memref<!tpu.dma_semaphore, #tpu.memory_space<semaphore_mem>>
        %dma_start3A = tpu.memref_slice %arg23[%add3A_197] : memref<4736xf32, #tpu.memory_space<vmem_shared>> -> memref<112xf32, #tpu.memory_space<vmem_shared>>
        %dma_start3A_199 = tpu.memref_slice %arg23[%add3A_197] : memref<4736xf32, #tpu.memory_space<vmem_shared>> -> memref<112xf32, #tpu.memory_space<vmem_shared>>
        tpu.enqueue_dma source(%arg18 : memref<112xf32, #tpu.memory_space<vmem>>) target(%dma_start3A_199 : memref<112xf32, #tpu.memory_space<vmem_shared>>) target_semaphore(%run_scoped3A_198 : memref<!tpu.dma_semaphore, #tpu.memory_space<semaphore_mem>>)
        %dma_wait3A = tpu.memref_slice %arg23[%add3A_197] : memref<4736xf32, #tpu.memory_space<vmem_shared>> -> memref<112xf32, #tpu.memory_space<vmem_shared>>
        %dma_wait3A_200 = tpu.memref_slice %arg23[%add3A_197] : memref<4736xf32, #tpu.memory_space<vmem_shared>> -> memref<112xf32, #tpu.memory_space<vmem_shared>>
        tpu.wait_dma2 semaphore(%run_scoped3A_198 : memref<!tpu.dma_semaphore, #tpu.memory_space<semaphore_mem>>) src(%arg18 : memref<112xf32, #tpu.memory_space<vmem>>) dst(%dma_wait3A_200 : memref<112xf32, #tpu.memory_space<vmem_shared>>)
        tpu.yield
      }) : () -> ()
      "tpu.region"() ({
        %run_scoped3A_198 = tpu.sem_alloc : memref<!tpu.dma_semaphore, #tpu.memory_space<semaphore_mem>>
        %dma_start3A = tpu.memref_slice %arg24[%add3A_197] : memref<4736xf32, #tpu.memory_space<vmem_shared>> -> memref<112xf32, #tpu.memory_space<vmem_shared>>
        %dma_start3A_199 = tpu.memref_slice %arg24[%add3A_197] : memref<4736xf32, #tpu.memory_space<vmem_shared>> -> memref<112xf32, #tpu.memory_space<vmem_shared>>
        tpu.enqueue_dma source(%arg19 : memref<112xf32, #tpu.memory_space<vmem>>) target(%dma_start3A_199 : memref<112xf32, #tpu.memory_space<vmem_shared>>) target_semaphore(%run_scoped3A_198 : memref<!tpu.dma_semaphore, #tpu.memory_space<semaphore_mem>>)
        %dma_wait3A = tpu.memref_slice %arg24[%add3A_197] : memref<4736xf32, #tpu.memory_space<vmem_shared>> -> memref<112xf32, #tpu.memory_space<vmem_shared>>
        %dma_wait3A_200 = tpu.memref_slice %arg24[%add3A_197] : memref<4736xf32, #tpu.memory_space<vmem_shared>> -> memref<112xf32, #tpu.memory_space<vmem_shared>>
        tpu.wait_dma2 semaphore(%run_scoped3A_198 : memref<!tpu.dma_semaphore, #tpu.memory_space<semaphore_mem>>) src(%arg19 : memref<112xf32, #tpu.memory_space<vmem>>) dst(%dma_wait3A_200 : memref<112xf32, #tpu.memory_space<vmem_shared>>)
        tpu.yield
      }) : () -> ()
      "tpu.region"() ({
        %run_scoped3A_198 = tpu.sem_alloc : memref<!tpu.dma_semaphore, #tpu.memory_space<semaphore_mem>>
        %dma_start3A = tpu.memref_slice %arg25[%add3A_197] : memref<4736xf32, #tpu.memory_space<vmem_shared>> -> memref<112xf32, #tpu.memory_space<vmem_shared>>
        %dma_start3A_199 = tpu.memref_slice %arg25[%add3A_197] : memref<4736xf32, #tpu.memory_space<vmem_shared>> -> memref<112xf32, #tpu.memory_space<vmem_shared>>
        tpu.enqueue_dma source(%arg20 : memref<112xf32, #tpu.memory_space<vmem>>) target(%dma_start3A_199 : memref<112xf32, #tpu.memory_space<vmem_shared>>) target_semaphore(%run_scoped3A_198 : memref<!tpu.dma_semaphore, #tpu.memory_space<semaphore_mem>>)
        %dma_wait3A = tpu.memref_slice %arg25[%add3A_197] : memref<4736xf32, #tpu.memory_space<vmem_shared>> -> memref<112xf32, #tpu.memory_space<vmem_shared>>
        %dma_wait3A_200 = tpu.memref_slice %arg25[%add3A_197] : memref<4736xf32, #tpu.memory_space<vmem_shared>> -> memref<112xf32, #tpu.memory_space<vmem_shared>>
        tpu.wait_dma2 semaphore(%run_scoped3A_198 : memref<!tpu.dma_semaphore, #tpu.memory_space<semaphore_mem>>) src(%arg20 : memref<112xf32, #tpu.memory_space<vmem>>) dst(%dma_wait3A_200 : memref<112xf32, #tpu.memory_space<vmem_shared>>)
        tpu.yield
      }) : () -> ()
      "tpu.region"() ({
        %run_scoped3A_198 = tpu.sem_alloc : memref<!tpu.dma_semaphore, #tpu.memory_space<semaphore_mem>>
        %dma_start3A = tpu.memref_slice %arg26[%add3A_197] : memref<4736xf32, #tpu.memory_space<vmem_shared>> -> memref<112xf32, #tpu.memory_space<vmem_shared>>
        %dma_start3A_199 = tpu.memref_slice %arg26[%add3A_197] : memref<4736xf32, #tpu.memory_space<vmem_shared>> -> memref<112xf32, #tpu.memory_space<vmem_shared>>
        tpu.enqueue_dma source(%arg21 : memref<112xf32, #tpu.memory_space<vmem>>) target(%dma_start3A_199 : memref<112xf32, #tpu.memory_space<vmem_shared>>) target_semaphore(%run_scoped3A_198 : memref<!tpu.dma_semaphore, #tpu.memory_space<semaphore_mem>>)
        %dma_wait3A = tpu.memref_slice %arg26[%add3A_197] : memref<4736xf32, #tpu.memory_space<vmem_shared>> -> memref<112xf32, #tpu.memory_space<vmem_shared>>
        %dma_wait3A_200 = tpu.memref_slice %arg26[%add3A_197] : memref<4736xf32, #tpu.memory_space<vmem_shared>> -> memref<112xf32, #tpu.memory_space<vmem_shared>>
        tpu.wait_dma2 semaphore(%run_scoped3A_198 : memref<!tpu.dma_semaphore, #tpu.memory_space<semaphore_mem>>) src(%arg21 : memref<112xf32, #tpu.memory_space<vmem>>) dst(%dma_wait3A_200 : memref<112xf32, #tpu.memory_space<vmem_shared>>)
        tpu.yield
      }) : () -> ()
    } else {
    }
    %add3A_66 = arith.constant 8 : i32
    %add3A_67 = arith.addi %select_n3A_30, %add3A_66 : i32
    %lt3A_68 = arith.constant 21 : i32
    %lt3A_69 = arith.cmpi slt, %add3A_67, %lt3A_68 : i32
    %convert_element_type3A_70 = arith.extui %lt3A_69 : i1 to i32
    %cond3A_71 = arith.constant 0 : i32
    %cond3A_72 = arith.cmpi ne, %convert_element_type3A_70, %cond3A_71 : i32
    scf.if %cond3A_72 {
      %mul3A_85 = arith.constant 32 : i32
      %mul3A_86 = arith.muli %add3A, %mul3A_85 : i32
      %add3A_87 = arith.addi %mul3A_86, %add3A_67 : i32
      "tpu.region"() ({
        %run_scoped3A_198 = tpu.sem_alloc : memref<!tpu.dma_semaphore, #tpu.memory_space<semaphore_mem>>
        %dma_start3A = arith.constant 0 : i32
        %dma_start3A_199 = tpu.memref_slice %arg2[%add3A_87, %dma_start3A] : memref<128x20000xf32, #tpu.memory_space<hbm>> -> memref<1x20000xf32, #tpu.memory_space<hbm>>
        %dma_start3A_200 = tpu.memref_squeeze %dma_start3A_199 : memref<1x20000xf32, #tpu.memory_space<hbm>> -> memref<20000xf32, #tpu.memory_space<hbm>>
        %dma_start3A_201 = arith.constant 0 : i32
        %dma_start3A_202 = tpu.memref_slice %arg2[%add3A_87, %dma_start3A_201] : memref<128x20000xf32, #tpu.memory_space<hbm>> -> memref<1x20000xf32, #tpu.memory_space<hbm>>
        %dma_start3A_203 = tpu.memref_squeeze %dma_start3A_202 : memref<1x20000xf32, #tpu.memory_space<hbm>> -> memref<20000xf32, #tpu.memory_space<hbm>>
        tpu.enqueue_dma source(%dma_start3A_203 : memref<20000xf32, #tpu.memory_space<hbm>>) target(%arg14 : memref<20000xf32, #tpu.memory_space<vmem>>) target_semaphore(%run_scoped3A_198 : memref<!tpu.dma_semaphore, #tpu.memory_space<semaphore_mem>>)
        %dma_wait3A = arith.constant 0 : i32
        %dma_wait3A_204 = tpu.memref_slice %arg2[%add3A_87, %dma_wait3A] : memref<128x20000xf32, #tpu.memory_space<hbm>> -> memref<1x20000xf32, #tpu.memory_space<hbm>>
        %dma_wait3A_205 = tpu.memref_squeeze %dma_wait3A_204 : memref<1x20000xf32, #tpu.memory_space<hbm>> -> memref<20000xf32, #tpu.memory_space<hbm>>
        %dma_wait3A_206 = arith.constant 0 : i32
        %dma_wait3A_207 = tpu.memref_slice %arg2[%add3A_87, %dma_wait3A_206] : memref<128x20000xf32, #tpu.memory_space<hbm>> -> memref<1x20000xf32, #tpu.memory_space<hbm>>
        %dma_wait3A_208 = tpu.memref_squeeze %dma_wait3A_207 : memref<1x20000xf32, #tpu.memory_space<hbm>> -> memref<20000xf32, #tpu.memory_space<hbm>>
        tpu.wait_dma2 semaphore(%run_scoped3A_198 : memref<!tpu.dma_semaphore, #tpu.memory_space<semaphore_mem>>) src(%dma_wait3A_208 : memref<20000xf32, #tpu.memory_space<hbm>>) dst(%arg14 : memref<20000xf32, #tpu.memory_space<vmem>>)
        tpu.yield
      }) : () -> ()
      %mul3A_88 = arith.constant 32 : i32
      %mul3A_89 = arith.muli %add3A, %mul3A_88 : i32
      %add3A_90 = arith.addi %mul3A_89, %add3A_67 : i32
      "tpu.region"() ({
        %run_scoped3A_198 = tpu.sem_alloc : memref<!tpu.dma_semaphore, #tpu.memory_space<semaphore_mem>>
        %dma_start3A = arith.constant 0 : i32
        %dma_start3A_199 = tpu.memref_slice %arg4[%add3A_90, %dma_start3A] : memref<128x128xf32, #tpu.memory_space<hbm>> -> memref<1x128xf32, #tpu.memory_space<hbm>>
        %dma_start3A_200 = tpu.memref_squeeze %dma_start3A_199 : memref<1x128xf32, #tpu.memory_space<hbm>> -> memref<128xf32, #tpu.memory_space<hbm>>
        %dma_start3A_201 = arith.constant 0 : i32
        %dma_start3A_202 = tpu.memref_slice %arg4[%add3A_90, %dma_start3A_201] : memref<128x128xf32, #tpu.memory_space<hbm>> -> memref<1x128xf32, #tpu.memory_space<hbm>>
        %dma_start3A_203 = tpu.memref_squeeze %dma_start3A_202 : memref<1x128xf32, #tpu.memory_space<hbm>> -> memref<128xf32, #tpu.memory_space<hbm>>
        tpu.enqueue_dma source(%dma_start3A_203 : memref<128xf32, #tpu.memory_space<hbm>>) target(%arg15 : memref<128xf32, #tpu.memory_space<vmem>>) target_semaphore(%run_scoped3A_198 : memref<!tpu.dma_semaphore, #tpu.memory_space<semaphore_mem>>)
        %dma_wait3A = arith.constant 0 : i32
        %dma_wait3A_204 = tpu.memref_slice %arg4[%add3A_90, %dma_wait3A] : memref<128x128xf32, #tpu.memory_space<hbm>> -> memref<1x128xf32, #tpu.memory_space<hbm>>
        %dma_wait3A_205 = tpu.memref_squeeze %dma_wait3A_204 : memref<1x128xf32, #tpu.memory_space<hbm>> -> memref<128xf32, #tpu.memory_space<hbm>>
        %dma_wait3A_206 = arith.constant 0 : i32
        %dma_wait3A_207 = tpu.memref_slice %arg4[%add3A_90, %dma_wait3A_206] : memref<128x128xf32, #tpu.memory_space<hbm>> -> memref<1x128xf32, #tpu.memory_space<hbm>>
        %dma_wait3A_208 = tpu.memref_squeeze %dma_wait3A_207 : memref<1x128xf32, #tpu.memory_space<hbm>> -> memref<128xf32, #tpu.memory_space<hbm>>
        tpu.wait_dma2 semaphore(%run_scoped3A_198 : memref<!tpu.dma_semaphore, #tpu.memory_space<semaphore_mem>>) src(%dma_wait3A_208 : memref<128xf32, #tpu.memory_space<hbm>>) dst(%arg15 : memref<128xf32, #tpu.memory_space<vmem>>)
        tpu.yield
      }) : () -> ()
      %mul3A_91 = arith.constant 32 : i32
      %mul3A_92 = arith.muli %add3A, %mul3A_91 : i32
      %add3A_93 = arith.addi %mul3A_92, %add3A_67 : i32
      "tpu.region"() ({
        %run_scoped3A_198 = tpu.sem_alloc : memref<!tpu.dma_semaphore, #tpu.memory_space<semaphore_mem>>
        %dma_start3A = arith.constant 0 : i32
        %dma_start3A_199 = tpu.memref_slice %arg16[%dma_start3A] : memref<128xi32, #tpu.memory_space<vmem>> -> memref<128xi32, #tpu.memory_space<vmem>>
        %dma_start3A_200 = arith.constant 0 : i32
        %dma_start3A_201 = tpu.memref_slice %arg5[%add3A_93, %dma_start3A_200] : memref<128x128xi32, #tpu.memory_space<hbm>> -> memref<1x128xi32, #tpu.memory_space<hbm>>
        %dma_start3A_202 = tpu.memref_squeeze %dma_start3A_201 : memref<1x128xi32, #tpu.memory_space<hbm>> -> memref<128xi32, #tpu.memory_space<hbm>>
        %dma_start3A_203 = arith.constant 0 : i32
        %dma_start3A_204 = tpu.memref_slice %arg16[%dma_start3A_203] : memref<128xi32, #tpu.memory_space<vmem>> -> memref<128xi32, #tpu.memory_space<vmem>>
        %dma_start3A_205 = arith.constant 0 : i32
        %dma_start3A_206 = tpu.memref_slice %arg5[%add3A_93, %dma_start3A_205] : memref<128x128xi32, #tpu.memory_space<hbm>> -> memref<1x128xi32, #tpu.memory_space<hbm>>
        %dma_start3A_207 = tpu.memref_squeeze %dma_start3A_206 : memref<1x128xi32, #tpu.memory_space<hbm>> -> memref<128xi32, #tpu.memory_space<hbm>>
        tpu.enqueue_dma source(%dma_start3A_207 : memref<128xi32, #tpu.memory_space<hbm>>) target(%dma_start3A_204 : memref<128xi32, #tpu.memory_space<vmem>>) target_semaphore(%run_scoped3A_198 : memref<!tpu.dma_semaphore, #tpu.memory_space<semaphore_mem>>)
        %dma_wait3A = arith.constant 0 : i32
        %dma_wait3A_208 = tpu.memref_slice %arg16[%dma_wait3A] : memref<128xi32, #tpu.memory_space<vmem>> -> memref<128xi32, #tpu.memory_space<vmem>>
        %dma_wait3A_209 = arith.constant 0 : i32
        %dma_wait3A_210 = tpu.memref_slice %arg5[%add3A_93, %dma_wait3A_209] : memref<128x128xi32, #tpu.memory_space<hbm>> -> memref<1x128xi32, #tpu.memory_space<hbm>>
        %dma_wait3A_211 = tpu.memref_squeeze %dma_wait3A_210 : memref<1x128xi32, #tpu.memory_space<hbm>> -> memref<128xi32, #tpu.memory_space<hbm>>
        %dma_wait3A_212 = arith.constant 0 : i32
        %dma_wait3A_213 = tpu.memref_slice %arg16[%dma_wait3A_212] : memref<128xi32, #tpu.memory_space<vmem>> -> memref<128xi32, #tpu.memory_space<vmem>>
        %dma_wait3A_214 = arith.constant 0 : i32
        %dma_wait3A_215 = tpu.memref_slice %arg5[%add3A_93, %dma_wait3A_214] : memref<128x128xi32, #tpu.memory_space<hbm>> -> memref<1x128xi32, #tpu.memory_space<hbm>>
        %dma_wait3A_216 = tpu.memref_squeeze %dma_wait3A_215 : memref<1x128xi32, #tpu.memory_space<hbm>> -> memref<128xi32, #tpu.memory_space<hbm>>
        tpu.wait_dma2 semaphore(%run_scoped3A_198 : memref<!tpu.dma_semaphore, #tpu.memory_space<semaphore_mem>>) src(%dma_wait3A_216 : memref<128xi32, #tpu.memory_space<hbm>>) dst(%dma_wait3A_213 : memref<128xi32, #tpu.memory_space<vmem>>)
        tpu.yield
      }) : () -> ()
      %broadcast_in_dim3A_94 = arith.constant 0.000000e+00 : f32
      %broadcast_in_dim3A_95 = vector.broadcast %broadcast_in_dim3A_94 : f32 to vector<16xf32>
      %broadcast_in_dim3A_96 = arith.constant -1.000000e+09 : f32
      %broadcast_in_dim3A_97 = vector.broadcast %broadcast_in_dim3A_96 : f32 to vector<16xf32>
      %scan3A = arith.constant 0 : i32
      %scan3A_98 = arith.constant 0 : i32
      %scan3A_99 = arith.constant 7 : i32
      %scan3A_100 = arith.addi %scan3A_98, %scan3A_99 : i32
      %scan3A_101 = arith.constant 1 : i32
      %scan3A_102 = scf.for %scan3A_198 = %scan3A_98 to %scan3A_100 step %scan3A_101 iter_args(%scan3A_199 = %scan3A) -> (i32)  : i32 {
        %mul3A_200 = arith.constant 16 : i32
        %mul3A_201 = arith.muli %scan3A_198, %mul3A_200 : i32
        %swap3A = arith.index_cast %mul3A_201 : i32 to index
        %swap3A_202 = tpu.vector_load %arg17[%swap3A] {strides = array<i32>} : memref<112xf32, #tpu.memory_space<vmem>>, vector<16xf32>,
        tpu.vector_store %arg17[%swap3A], %broadcast_in_dim3A_95 {strides = array<i32>} : memref<112xf32, #tpu.memory_space<vmem>>, vector<16xf32>,
        %swap3A_203 = arith.index_cast %mul3A_201 : i32 to index
        %swap3A_204 = tpu.vector_load %arg18[%swap3A_203] {strides = array<i32>} : memref<112xf32, #tpu.memory_space<vmem>>, vector<16xf32>,
        tpu.vector_store %arg18[%swap3A_203], %broadcast_in_dim3A_95 {strides = array<i32>} : memref<112xf32, #tpu.memory_space<vmem>>, vector<16xf32>,
        %swap3A_205 = arith.index_cast %mul3A_201 : i32 to index
        %swap3A_206 = tpu.vector_load %arg19[%swap3A_205] {strides = array<i32>} : memref<112xf32, #tpu.memory_space<vmem>>, vector<16xf32>,
        tpu.vector_store %arg19[%swap3A_205], %broadcast_in_dim3A_95 {strides = array<i32>} : memref<112xf32, #tpu.memory_space<vmem>>, vector<16xf32>,
        %swap3A_207 = arith.index_cast %mul3A_201 : i32 to index
        %swap3A_208 = tpu.vector_load %arg20[%swap3A_207] {strides = array<i32>} : memref<112xf32, #tpu.memory_space<vmem>>, vector<16xf32>,
        tpu.vector_store %arg20[%swap3A_207], %broadcast_in_dim3A_95 {strides = array<i32>} : memref<112xf32, #tpu.memory_space<vmem>>, vector<16xf32>,
        %swap3A_209 = arith.index_cast %mul3A_201 : i32 to index
        %swap3A_210 = tpu.vector_load %arg21[%swap3A_209] {strides = array<i32>} : memref<112xf32, #tpu.memory_space<vmem>>, vector<16xf32>,
        tpu.vector_store %arg21[%swap3A_209], %broadcast_in_dim3A_97 {strides = array<i32>} : memref<112xf32, #tpu.memory_space<vmem>>, vector<16xf32>,
        %scan3A_211 = arith.constant 0 : i32
        scf.yield %scan3A_211 : i32
      }
      %scan3A_103 = arith.constant 7 : i32
      %broadcast_in_dim3A_104 = arith.constant -1.000000e+09 : f32
      %broadcast_in_dim3A_105 = vector.broadcast %broadcast_in_dim3A_104 : f32 to vector<16xf32>
      %broadcast_in_dim3A_106 = arith.constant 0 : i32
      %broadcast_in_dim3A_107 = vector.broadcast %broadcast_in_dim3A_106 : i32 to vector<16xi32>
      %get3A = arith.constant 0 : index
      %get3A_108 = tpu.vector_load %arg15[%get3A] {strides = array<i32>} : memref<128xf32, #tpu.memory_space<vmem>>, vector<16xf32>,
      %gt3A = arith.cmpf ogt, %get3A_108, %broadcast_in_dim3A_105 : vector<16xf32>
      %select_n3A_109 = arith.select %gt3A, %get3A_108, %broadcast_in_dim3A_105 : vector<16xi1>, vector<16xf32>
      %iota3A = tpu.iota {dimensions = array<i32: 0>} : vector<16xi32>
      %add3A_110 = arith.constant 0 : i32
      %add3A_111 = vector.broadcast %add3A_110 : i32 to vector<16xi32>
      %add3A_112 = arith.addi %add3A_111, %iota3A : vector<16xi32>
      %select_n3A_113 = arith.select %gt3A, %add3A_112, %broadcast_in_dim3A_107 : vector<16xi1>, vector<16xi32>
      %get3A_114 = arith.constant 16 : index
      %get3A_115 = tpu.vector_load %arg15[%get3A_114] {strides = array<i32>} : memref<128xf32, #tpu.memory_space<vmem>>, vector<16xf32>,
      %gt3A_116 = arith.cmpf ogt, %get3A_115, %select_n3A_109 : vector<16xf32>
      %select_n3A_117 = arith.select %gt3A_116, %get3A_115, %select_n3A_109 : vector<16xi1>, vector<16xf32>
      %iota3A_118 = tpu.iota {dimensions = array<i32: 0>} : vector<16xi32>
      %add3A_119 = arith.constant 16 : i32
      %add3A_120 = vector.broadcast %add3A_119 : i32 to vector<16xi32>
      %add3A_121 = arith.addi %add3A_120, %iota3A_118 : vector<16xi32>
      %select_n3A_122 = arith.select %gt3A_116, %add3A_121, %select_n3A_113 : vector<16xi1>, vector<16xi32>
      %get3A_123 = arith.constant 32 : index
      %get3A_124 = tpu.vector_load %arg15[%get3A_123] {strides = array<i32>} : memref<128xf32, #tpu.memory_space<vmem>>, vector<16xf32>,
      %gt3A_125 = arith.cmpf ogt, %get3A_124, %select_n3A_117 : vector<16xf32>
      %select_n3A_126 = arith.select %gt3A_125, %get3A_124, %select_n3A_117 : vector<16xi1>, vector<16xf32>
      %iota3A_127 = tpu.iota {dimensions = array<i32: 0>} : vector<16xi32>
      %add3A_128 = arith.constant 32 : i32
      %add3A_129 = vector.broadcast %add3A_128 : i32 to vector<16xi32>
      %add3A_130 = arith.addi %add3A_129, %iota3A_127 : vector<16xi32>
      %select_n3A_131 = arith.select %gt3A_125, %add3A_130, %select_n3A_122 : vector<16xi1>, vector<16xi32>
      %get3A_132 = arith.constant 48 : index
      %get3A_133 = tpu.vector_load %arg15[%get3A_132] {strides = array<i32>} : memref<128xf32, #tpu.memory_space<vmem>>, vector<16xf32>,
      %gt3A_134 = arith.cmpf ogt, %get3A_133, %select_n3A_126 : vector<16xf32>
      %select_n3A_135 = arith.select %gt3A_134, %get3A_133, %select_n3A_126 : vector<16xi1>, vector<16xf32>
      %iota3A_136 = tpu.iota {dimensions = array<i32: 0>} : vector<16xi32>
      %add3A_137 = arith.constant 48 : i32
      %add3A_138 = vector.broadcast %add3A_137 : i32 to vector<16xi32>
      %add3A_139 = arith.addi %add3A_138, %iota3A_136 : vector<16xi32>
      %select_n3A_140 = arith.select %gt3A_134, %add3A_139, %select_n3A_131 : vector<16xi1>, vector<16xi32>
      %get3A_141 = arith.constant 64 : index
      %get3A_142 = tpu.vector_load %arg15[%get3A_141] {strides = array<i32>} : memref<128xf32, #tpu.memory_space<vmem>>, vector<16xf32>,
      %gt3A_143 = arith.cmpf ogt, %get3A_142, %select_n3A_135 : vector<16xf32>
      %select_n3A_144 = arith.select %gt3A_143, %get3A_142, %select_n3A_135 : vector<16xi1>, vector<16xf32>
      %iota3A_145 = tpu.iota {dimensions = array<i32: 0>} : vector<16xi32>
      %add3A_146 = arith.constant 64 : i32
      %add3A_147 = vector.broadcast %add3A_146 : i32 to vector<16xi32>
      %add3A_148 = arith.addi %add3A_147, %iota3A_145 : vector<16xi32>
      %select_n3A_149 = arith.select %gt3A_143, %add3A_148, %select_n3A_140 : vector<16xi1>, vector<16xi32>
      %get3A_150 = arith.constant 80 : index
      %get3A_151 = tpu.vector_load %arg15[%get3A_150] {strides = array<i32>} : memref<128xf32, #tpu.memory_space<vmem>>, vector<16xf32>,
      %gt3A_152 = arith.cmpf ogt, %get3A_151, %select_n3A_144 : vector<16xf32>
      %select_n3A_153 = arith.select %gt3A_152, %get3A_151, %select_n3A_144 : vector<16xi1>, vector<16xf32>
      %iota3A_154 = tpu.iota {dimensions = array<i32: 0>} : vector<16xi32>
      %add3A_155 = arith.constant 80 : i32
      %add3A_156 = vector.broadcast %add3A_155 : i32 to vector<16xi32>
      %add3A_157 = arith.addi %add3A_156, %iota3A_154 : vector<16xi32>
      %select_n3A_158 = arith.select %gt3A_152, %add3A_157, %select_n3A_149 : vector<16xi1>, vector<16xi32>
      %get3A_159 = arith.constant 96 : index
      %get3A_160 = tpu.vector_load %arg15[%get3A_159] {strides = array<i32>} : memref<128xf32, #tpu.memory_space<vmem>>, vector<16xf32>,
      %gt3A_161 = arith.cmpf ogt, %get3A_160, %select_n3A_153 : vector<16xf32>
      %select_n3A_162 = arith.select %gt3A_161, %get3A_160, %select_n3A_153 : vector<16xi1>, vector<16xf32>
      %iota3A_163 = tpu.iota {dimensions = array<i32: 0>} : vector<16xi32>
      %add3A_164 = arith.constant 96 : i32
      %add3A_165 = vector.broadcast %add3A_164 : i32 to vector<16xi32>
      %add3A_166 = arith.addi %add3A_165, %iota3A_163 : vector<16xi32>
      %select_n3A_167 = arith.select %gt3A_161, %add3A_166, %select_n3A_158 : vector<16xi1>, vector<16xi32>
      %get3A_168 = arith.constant 112 : index
      %get3A_169 = tpu.vector_load %arg15[%get3A_168] {strides = array<i32>} : memref<128xf32, #tpu.memory_space<vmem>>, vector<16xf32>,
      %gt3A_170 = arith.cmpf ogt, %get3A_169, %select_n3A_162 : vector<16xf32>
      %select_n3A_171 = arith.select %gt3A_170, %get3A_169, %select_n3A_162 : vector<16xi1>, vector<16xf32>
      %iota3A_172 = tpu.iota {dimensions = array<i32: 0>} : vector<16xi32>
      %add3A_173 = arith.constant 112 : i32
      %add3A_174 = vector.broadcast %add3A_173 : i32 to vector<16xi32>
      %add3A_175 = arith.addi %add3A_174, %iota3A_172 : vector<16xi32>
      %select_n3A_176 = arith.select %gt3A_170, %add3A_175, %select_n3A_167 : vector<16xi1>, vector<16xi32>
      %reduce_max3A = arith.constant true
      %reduce_max3A_177 = vector.broadcast %reduce_max3A : i1 to vector<16xi1>
      %reduce_max3A_178 = tpu.scan <max>, %select_n3A_171 masked %reduce_max3A_177 : vector<16xf32>, vector<16xi1> -> vector<16xf32>
      %reduce_max3A_179 = vector.extract %reduce_max3A_178[15] : f32 from vector<16xf32>
      %eq3A_180 = vector.broadcast %reduce_max3A_179 : f32 to vector<16xf32>
      %eq3A_181 = arith.cmpf oeq, %select_n3A_171, %eq3A_180 : vector<16xf32>
      %jit3A_182 = arith.constant 1073741824 : i32
      %broadcast_in_dim3A_183 = vector.broadcast %jit3A_182 : i32 to vector<16xi32>
      %select_n3A_184 = arith.select %eq3A_181, %select_n3A_176, %broadcast_in_dim3A_183 : vector<16xi1>, vector<16xi32>
      %reduce_min3A = arith.constant true
      %reduce_min3A_185 = vector.broadcast %reduce_min3A : i1 to vector<16xi1>
      %reduce_min3A_186 = arith.constant -2147483648 : i32
      %reduce_min3A_187 = vector.broadcast %reduce_min3A_186 : i32 to vector<16xi32>
      %reduce_min3A_188 = arith.xori %select_n3A_184, %reduce_min3A_187 : vector<16xi32>
      %reduce_min3A_189 = tpu.scan <min>, %reduce_min3A_188 masked %reduce_min3A_185 : vector<16xi32>, vector<16xi1> -> vector<16xi32>
      %reduce_min3A_190 = arith.xori %reduce_min3A_189, %reduce_min3A_187 : vector<16xi32>
      %reduce_min3A_191 = vector.extract %reduce_min3A_190[15] : i32 from vector<16xi32>
      %while3A = arith.constant 0 : i32
      %while3A_192:3 = scf.while (%while3A_198 = %while3A, %while3A_199 = %reduce_max3A_179, %while3A_200 = %reduce_min3A_191) : (i32, f32, i32) -> (i32, f32, i32) {
        %lt3A_201 = arith.constant 100 : i32
        %lt3A_202 = arith.cmpi slt, %while3A_198, %lt3A_201 : i32
        %gt3A_203 = arith.constant 0.000000e+00 : f32
        %gt3A_204 = arith.cmpf ogt, %while3A_199, %gt3A_203 : f32
        %and3A_205 = arith.andi %lt3A_202, %gt3A_204 : i1
        scf.condition(%and3A_205) %while3A_198, %while3A_199, %while3A_200 : i32, f32, i32
      } do {
      ^bb0(%while3A_198: i32, %while3A_199: f32, %while3A_200: i32):
        %jit3A_201 = arith.constant 16 : i32
        %div3A_202 = arith.divsi %while3A_200, %jit3A_201 : i32
        %sign3A_203 = arith.constant 0 : i32
        %sign3A_204 = arith.cmpi sgt, %while3A_200, %sign3A_203 : i32
        %sign3A_205 = arith.extui %sign3A_204 : i1 to i32
        %sign3A_206 = arith.constant 0 : i32
        %sign3A_207 = arith.cmpi slt, %while3A_200, %sign3A_206 : i32
        %sign3A_208 = arith.extui %sign3A_207 : i1 to i32
        %sign3A_209 = arith.subi %sign3A_205, %sign3A_208 : i32
        %sign3A_210 = arith.constant 0 : i32
        %sign3A_211 = arith.cmpi sgt, %jit3A_201, %sign3A_210 : i32
        %sign3A_212 = arith.extui %sign3A_211 : i1 to i32
        %sign3A_213 = arith.constant 0 : i32
        %sign3A_214 = arith.cmpi slt, %jit3A_201, %sign3A_213 : i32
        %sign3A_215 = arith.extui %sign3A_214 : i1 to i32
        %sign3A_216 = arith.subi %sign3A_212, %sign3A_215 : i32
        %ne3A_217 = arith.cmpi ne, %sign3A_209, %sign3A_216 : i32
        %rem3A_218 = arith.remsi %while3A_200, %jit3A_201 : i32
        %ne3A_219 = arith.constant 0 : i32
        %ne3A_220 = arith.cmpi ne, %rem3A_218, %ne3A_219 : i32
        %and3A_221 = arith.andi %ne3A_217, %ne3A_220 : i1
        %sub3A_222 = arith.constant 1 : i32
        %sub3A_223 = arith.subi %div3A_202, %sub3A_222 : i32
        %select_n3A_224 = arith.select %and3A_221, %sub3A_223, %div3A_202 : i32
        %mul3A_225 = arith.constant 16 : i32
        %mul3A_226 = arith.muli %select_n3A_224, %mul3A_225 : i32
        %get3A_227 = arith.index_cast %mul3A_226 : i32 to index
        %get3A_228 = tpu.vector_load %arg16[%get3A_227] {strides = array<i32>} : memref<128xi32, #tpu.memory_space<vmem>>, vector<16xi32>,
        %iota3A_229 = tpu.iota {dimensions = array<i32: 0>} : vector<16xi32>
        %sub3A_230 = arith.subi %while3A_200, %mul3A_226 : i32
        %eq3A_231 = vector.broadcast %sub3A_230 : i32 to vector<16xi32>
        %eq3A_232 = arith.cmpi eq, %iota3A_229, %eq3A_231 : vector<16xi32>
        %jit3A_233 = arith.constant 0 : i32
        %broadcast_in_dim3A_234 = vector.broadcast %jit3A_233 : i32 to vector<16xi32>
        %select_n3A_235 = arith.select %eq3A_232, %get3A_228, %broadcast_in_dim3A_234 : vector<16xi1>, vector<16xi32>
        %reduce_sum3A = arith.constant true
        %reduce_sum3A_236 = vector.broadcast %reduce_sum3A : i1 to vector<16xi1>
        %reduce_sum3A_237 = tpu.scan <sum>, %select_n3A_235 masked %reduce_sum3A_236 : vector<16xi32>, vector<16xi1> -> vector<16xi32>
        %reduce_sum3A_238 = vector.extract %reduce_sum3A_237[15] : i32 from vector<16xi32>
        %jit3A_239 = arith.constant 16 : i32
        %div3A_240 = arith.divsi %reduce_sum3A_238, %jit3A_239 : i32
        %sign3A_241 = arith.constant 0 : i32
        %sign3A_242 = arith.cmpi sgt, %reduce_sum3A_238, %sign3A_241 : i32
        %sign3A_243 = arith.extui %sign3A_242 : i1 to i32
        %sign3A_244 = arith.constant 0 : i32
        %sign3A_245 = arith.cmpi slt, %reduce_sum3A_238, %sign3A_244 : i32
        %sign3A_246 = arith.extui %sign3A_245 : i1 to i32
        %sign3A_247 = arith.subi %sign3A_243, %sign3A_246 : i32
        %sign3A_248 = arith.constant 0 : i32
        %sign3A_249 = arith.cmpi sgt, %jit3A_239, %sign3A_248 : i32
        %sign3A_250 = arith.extui %sign3A_249 : i1 to i32
        %sign3A_251 = arith.constant 0 : i32
        %sign3A_252 = arith.cmpi slt, %jit3A_239, %sign3A_251 : i32
        %sign3A_253 = arith.extui %sign3A_252 : i1 to i32
        %sign3A_254 = arith.subi %sign3A_250, %sign3A_253 : i32
        %ne3A_255 = arith.cmpi ne, %sign3A_247, %sign3A_254 : i32
        %rem3A_256 = arith.remsi %reduce_sum3A_238, %jit3A_239 : i32
        %ne3A_257 = arith.constant 0 : i32
        %ne3A_258 = arith.cmpi ne, %rem3A_256, %ne3A_257 : i32
        %and3A_259 = arith.andi %ne3A_255, %ne3A_258 : i1
        %sub3A_260 = arith.constant 1 : i32
        %sub3A_261 = arith.subi %div3A_240, %sub3A_260 : i32
        %select_n3A_262 = arith.select %and3A_259, %sub3A_261, %div3A_240 : i32
        %mul3A_263 = arith.constant 16 : i32
        %mul3A_264 = arith.muli %select_n3A_262, %mul3A_263 : i32
        %get3A_265 = arith.index_cast %mul3A_264 : i32 to index
        %get3A_266 = tpu.vector_load %arg10[%get3A_265] {strides = array<i32>} : memref<20016xf32, #tpu.memory_space<vmem>>, vector<16xf32>,
        %sub3A_267 = arith.subi %reduce_sum3A_238, %mul3A_264 : i32
        %broadcast_in_dim3A_268 = vector.broadcast %sub3A_267 : i32 to vector<16xi32>
        %lt3A_269 = arith.constant 0 : i32
        %lt3A_270 = vector.broadcast %lt3A_269 : i32 to vector<16xi32>
        %lt3A_271 = arith.cmpi slt, %broadcast_in_dim3A_268, %lt3A_270 : vector<16xi32>
        %add3A_272 = arith.constant 16 : i32
        %add3A_273 = vector.broadcast %add3A_272 : i32 to vector<16xi32>
        %add3A_274 = arith.addi %broadcast_in_dim3A_268, %add3A_273 : vector<16xi32>
        %select_n3A_275 = arith.select %lt3A_271, %add3A_274, %broadcast_in_dim3A_268 : vector<16xi1>, vector<16xi32>
        %broadcast_in_dim3A_276 = vector.shape_cast %select_n3A_275 : vector<16xi32> to vector<16x1xi32>
        %gather3A = vector.shape_cast %broadcast_in_dim3A_276 : vector<16x1xi32> to vector<16xi32>
        %gather3A_277 = tpu.dynamic_gather %get3A_266[%gather3A] in [0] : vector<16xf32>, vector<16xi32> -> vector<16xf32>
        %jit3A_278 = arith.constant 16 : i32
        %div3A_279 = arith.divsi %reduce_sum3A_238, %jit3A_278 : i32
        %sign3A_280 = arith.constant 0 : i32
        %sign3A_281 = arith.cmpi sgt, %reduce_sum3A_238, %sign3A_280 : i32
        %sign3A_282 = arith.extui %sign3A_281 : i1 to i32
        %sign3A_283 = arith.constant 0 : i32
        %sign3A_284 = arith.cmpi slt, %reduce_sum3A_238, %sign3A_283 : i32
        %sign3A_285 = arith.extui %sign3A_284 : i1 to i32
        %sign3A_286 = arith.subi %sign3A_282, %sign3A_285 : i32
        %sign3A_287 = arith.constant 0 : i32
        %sign3A_288 = arith.cmpi sgt, %jit3A_278, %sign3A_287 : i32
        %sign3A_289 = arith.extui %sign3A_288 : i1 to i32
        %sign3A_290 = arith.constant 0 : i32
        %sign3A_291 = arith.cmpi slt, %jit3A_278, %sign3A_290 : i32
        %sign3A_292 = arith.extui %sign3A_291 : i1 to i32
        %sign3A_293 = arith.subi %sign3A_289, %sign3A_292 : i32
        %ne3A_294 = arith.cmpi ne, %sign3A_286, %sign3A_293 : i32
        %rem3A_295 = arith.remsi %reduce_sum3A_238, %jit3A_278 : i32
        %ne3A_296 = arith.constant 0 : i32
        %ne3A_297 = arith.cmpi ne, %rem3A_295, %ne3A_296 : i32
        %and3A_298 = arith.andi %ne3A_294, %ne3A_297 : i1
        %sub3A_299 = arith.constant 1 : i32
        %sub3A_300 = arith.subi %div3A_279, %sub3A_299 : i32
        %select_n3A_301 = arith.select %and3A_298, %sub3A_300, %div3A_279 : i32
        %mul3A_302 = arith.constant 16 : i32
        %mul3A_303 = arith.muli %select_n3A_301, %mul3A_302 : i32
        %get3A_304 = arith.index_cast %mul3A_303 : i32 to index
        %get3A_305 = tpu.vector_load %arg11[%get3A_304] {strides = array<i32>} : memref<20016xf32, #tpu.memory_space<vmem>>, vector<16xf32>,
        %sub3A_306 = arith.subi %reduce_sum3A_238, %mul3A_303 : i32
        %broadcast_in_dim3A_307 = vector.broadcast %sub3A_306 : i32 to vector<16xi32>
        %lt3A_308 = arith.constant 0 : i32
        %lt3A_309 = vector.broadcast %lt3A_308 : i32 to vector<16xi32>
        %lt3A_310 = arith.cmpi slt, %broadcast_in_dim3A_307, %lt3A_309 : vector<16xi32>
        %add3A_311 = arith.constant 16 : i32
        %add3A_312 = vector.broadcast %add3A_311 : i32 to vector<16xi32>
        %add3A_313 = arith.addi %broadcast_in_dim3A_307, %add3A_312 : vector<16xi32>
        %select_n3A_314 = arith.select %lt3A_310, %add3A_313, %broadcast_in_dim3A_307 : vector<16xi1>, vector<16xi32>
        %broadcast_in_dim3A_315 = vector.shape_cast %select_n3A_314 : vector<16xi32> to vector<16x1xi32>
        %gather3A_316 = vector.shape_cast %broadcast_in_dim3A_315 : vector<16x1xi32> to vector<16xi32>
        %gather3A_317 = tpu.dynamic_gather %get3A_305[%gather3A_316] in [0] : vector<16xf32>, vector<16xi32> -> vector<16xf32>
        %jit3A_318 = arith.constant 16 : i32
        %div3A_319 = arith.divsi %reduce_sum3A_238, %jit3A_318 : i32
        %sign3A_320 = arith.constant 0 : i32
        %sign3A_321 = arith.cmpi sgt, %reduce_sum3A_238, %sign3A_320 : i32
        %sign3A_322 = arith.extui %sign3A_321 : i1 to i32
        %sign3A_323 = arith.constant 0 : i32
        %sign3A_324 = arith.cmpi slt, %reduce_sum3A_238, %sign3A_323 : i32
        %sign3A_325 = arith.extui %sign3A_324 : i1 to i32
        %sign3A_326 = arith.subi %sign3A_322, %sign3A_325 : i32
        %sign3A_327 = arith.constant 0 : i32
        %sign3A_328 = arith.cmpi sgt, %jit3A_318, %sign3A_327 : i32
        %sign3A_329 = arith.extui %sign3A_328 : i1 to i32
        %sign3A_330 = arith.constant 0 : i32
        %sign3A_331 = arith.cmpi slt, %jit3A_318, %sign3A_330 : i32
        %sign3A_332 = arith.extui %sign3A_331 : i1 to i32
        %sign3A_333 = arith.subi %sign3A_329, %sign3A_332 : i32
        %ne3A_334 = arith.cmpi ne, %sign3A_326, %sign3A_333 : i32
        %rem3A_335 = arith.remsi %reduce_sum3A_238, %jit3A_318 : i32
        %ne3A_336 = arith.constant 0 : i32
        %ne3A_337 = arith.cmpi ne, %rem3A_335, %ne3A_336 : i32
        %and3A_338 = arith.andi %ne3A_334, %ne3A_337 : i1
        %sub3A_339 = arith.constant 1 : i32
        %sub3A_340 = arith.subi %div3A_319, %sub3A_339 : i32
        %select_n3A_341 = arith.select %and3A_338, %sub3A_340, %div3A_319 : i32
        %mul3A_342 = arith.constant 16 : i32
        %mul3A_343 = arith.muli %select_n3A_341, %mul3A_342 : i32
        %get3A_344 = arith.index_cast %mul3A_343 : i32 to index
        %get3A_345 = tpu.vector_load %arg12[%get3A_344] {strides = array<i32>} : memref<20016xf32, #tpu.memory_space<vmem>>, vector<16xf32>,
        %sub3A_346 = arith.subi %reduce_sum3A_238, %mul3A_343 : i32
        %broadcast_in_dim3A_347 = vector.broadcast %sub3A_346 : i32 to vector<16xi32>
        %lt3A_348 = arith.constant 0 : i32
        %lt3A_349 = vector.broadcast %lt3A_348 : i32 to vector<16xi32>
        %lt3A_350 = arith.cmpi slt, %broadcast_in_dim3A_347, %lt3A_349 : vector<16xi32>
        %add3A_351 = arith.constant 16 : i32
        %add3A_352 = vector.broadcast %add3A_351 : i32 to vector<16xi32>
        %add3A_353 = arith.addi %broadcast_in_dim3A_347, %add3A_352 : vector<16xi32>
        %select_n3A_354 = arith.select %lt3A_350, %add3A_353, %broadcast_in_dim3A_347 : vector<16xi1>, vector<16xi32>
        %broadcast_in_dim3A_355 = vector.shape_cast %select_n3A_354 : vector<16xi32> to vector<16x1xi32>
        %gather3A_356 = vector.shape_cast %broadcast_in_dim3A_355 : vector<16x1xi32> to vector<16xi32>
        %gather3A_357 = tpu.dynamic_gather %get3A_345[%gather3A_356] in [0] : vector<16xf32>, vector<16xi32> -> vector<16xf32>
        %jit3A_358 = arith.constant 16 : i32
        %div3A_359 = arith.divsi %reduce_sum3A_238, %jit3A_358 : i32
        %sign3A_360 = arith.constant 0 : i32
        %sign3A_361 = arith.cmpi sgt, %reduce_sum3A_238, %sign3A_360 : i32
        %sign3A_362 = arith.extui %sign3A_361 : i1 to i32
        %sign3A_363 = arith.constant 0 : i32
        %sign3A_364 = arith.cmpi slt, %reduce_sum3A_238, %sign3A_363 : i32
        %sign3A_365 = arith.extui %sign3A_364 : i1 to i32
        %sign3A_366 = arith.subi %sign3A_362, %sign3A_365 : i32
        %sign3A_367 = arith.constant 0 : i32
        %sign3A_368 = arith.cmpi sgt, %jit3A_358, %sign3A_367 : i32
        %sign3A_369 = arith.extui %sign3A_368 : i1 to i32
        %sign3A_370 = arith.constant 0 : i32
        %sign3A_371 = arith.cmpi slt, %jit3A_358, %sign3A_370 : i32
        %sign3A_372 = arith.extui %sign3A_371 : i1 to i32
        %sign3A_373 = arith.subi %sign3A_369, %sign3A_372 : i32
        %ne3A_374 = arith.cmpi ne, %sign3A_366, %sign3A_373 : i32
        %rem3A_375 = arith.remsi %reduce_sum3A_238, %jit3A_358 : i32
        %ne3A_376 = arith.constant 0 : i32
        %ne3A_377 = arith.cmpi ne, %rem3A_375, %ne3A_376 : i32
        %and3A_378 = arith.andi %ne3A_374, %ne3A_377 : i1
        %sub3A_379 = arith.constant 1 : i32
        %sub3A_380 = arith.subi %div3A_359, %sub3A_379 : i32
        %select_n3A_381 = arith.select %and3A_378, %sub3A_380, %div3A_359 : i32
        %mul3A_382 = arith.constant 16 : i32
        %mul3A_383 = arith.muli %select_n3A_381, %mul3A_382 : i32
        %get3A_384 = arith.index_cast %mul3A_383 : i32 to index
        %get3A_385 = tpu.vector_load %arg13[%get3A_384] {strides = array<i32>} : memref<20016xf32, #tpu.memory_space<vmem>>, vector<16xf32>,
        %sub3A_386 = arith.subi %reduce_sum3A_238, %mul3A_383 : i32
        %broadcast_in_dim3A_387 = vector.broadcast %sub3A_386 : i32 to vector<16xi32>
        %lt3A_388 = arith.constant 0 : i32
        %lt3A_389 = vector.broadcast %lt3A_388 : i32 to vector<16xi32>
        %lt3A_390 = arith.cmpi slt, %broadcast_in_dim3A_387, %lt3A_389 : vector<16xi32>
        %add3A_391 = arith.constant 16 : i32
        %add3A_392 = vector.broadcast %add3A_391 : i32 to vector<16xi32>
        %add3A_393 = arith.addi %broadcast_in_dim3A_387, %add3A_392 : vector<16xi32>
        %select_n3A_394 = arith.select %lt3A_390, %add3A_393, %broadcast_in_dim3A_387 : vector<16xi1>, vector<16xi32>
        %broadcast_in_dim3A_395 = vector.shape_cast %select_n3A_394 : vector<16xi32> to vector<16x1xi32>
        %gather3A_396 = vector.shape_cast %broadcast_in_dim3A_395 : vector<16x1xi32> to vector<16xi32>
        %gather3A_397 = tpu.dynamic_gather %get3A_385[%gather3A_396] in [0] : vector<16xf32>, vector<16xi32> -> vector<16xf32>
        %sub3A_398 = arith.subf %gather3A_357, %gather3A_277 : vector<16xf32>
        %sub3A_399 = arith.subf %gather3A_397, %gather3A_317 : vector<16xf32>
        %mul3A_400 = arith.mulf %sub3A_398, %sub3A_399 : vector<16xf32>
        %broadcast_in_dim3A_401 = arith.constant false
        %broadcast_in_dim3A_402 = vector.broadcast %broadcast_in_dim3A_401 : i1 to vector<16xi1>
        %get3A_403 = arith.constant 0 : index
        %get3A_404 = tpu.vector_load %arg17[%get3A_403] {strides = array<i32>} : memref<112xf32, #tpu.memory_space<vmem>>, vector<16xf32>,
        %get3A_405 = arith.constant 0 : index
        %get3A_406 = tpu.vector_load %arg18[%get3A_405] {strides = array<i32>} : memref<112xf32, #tpu.memory_space<vmem>>, vector<16xf32>,
        %get3A_407 = arith.constant 0 : index
        %get3A_408 = tpu.vector_load %arg19[%get3A_407] {strides = array<i32>} : memref<112xf32, #tpu.memory_space<vmem>>, vector<16xf32>,
        %get3A_409 = arith.constant 0 : index
        %get3A_410 = tpu.vector_load %arg20[%get3A_409] {strides = array<i32>} : memref<112xf32, #tpu.memory_space<vmem>>, vector<16xf32>,
        %max3A = arith.maximumf %gather3A_277, %get3A_404 : vector<16xf32>
        %max3A_411 = arith.maximumf %gather3A_317, %get3A_406 : vector<16xf32>
        %min3A = arith.minimumf %gather3A_357, %get3A_408 : vector<16xf32>
        %min3A_412 = arith.minimumf %gather3A_397, %get3A_410 : vector<16xf32>
        %sub3A_413 = arith.subf %min3A, %max3A : vector<16xf32>
        %max3A_414 = arith.constant 0.000000e+00 : f32
        %max3A_415 = vector.broadcast %max3A_414 : f32 to vector<16xf32>
        %max3A_416 = arith.maximumf %sub3A_413, %max3A_415 : vector<16xf32>
        %sub3A_417 = arith.subf %min3A_412, %max3A_411 : vector<16xf32>
        %max3A_418 = arith.constant 0.000000e+00 : f32
        %max3A_419 = vector.broadcast %max3A_418 : f32 to vector<16xf32>
        %max3A_420 = arith.maximumf %sub3A_417, %max3A_419 : vector<16xf32>
        %mul3A_421 = arith.mulf %max3A_416, %max3A_420 : vector<16xf32>
        %sub3A_422 = arith.subf %get3A_408, %get3A_404 : vector<16xf32>
        %sub3A_423 = arith.subf %get3A_410, %get3A_406 : vector<16xf32>
        %mul3A_424 = arith.mulf %sub3A_422, %sub3A_423 : vector<16xf32>
        %add3A_425 = arith.addf %mul3A_400, %mul3A_424 : vector<16xf32>
        %sub3A_426 = arith.subf %add3A_425, %mul3A_421 : vector<16xf32>
        %add3A_427 = arith.constant 9.99999993E-9 : f32
        %add3A_428 = vector.broadcast %add3A_427 : f32 to vector<16xf32>
        %add3A_429 = arith.addf %sub3A_426, %add3A_428 : vector<16xf32>
        %div3A_430 = arith.divf %mul3A_421, %add3A_429 : vector<16xf32>
        %gt3A_431 = arith.constant 5.000000e-01 : f32
        %gt3A_432 = vector.broadcast %gt3A_431 : f32 to vector<16xf32>
        %gt3A_433 = arith.cmpf ogt, %div3A_430, %gt3A_432 : vector<16xf32>
        %or3A = arith.ori %broadcast_in_dim3A_402, %gt3A_433 : vector<16xi1>
        %get3A_434 = arith.constant 16 : index
        %get3A_435 = tpu.vector_load %arg17[%get3A_434] {strides = array<i32>} : memref<112xf32, #tpu.memory_space<vmem>>, vector<16xf32>,
        %get3A_436 = arith.constant 16 : index
        %get3A_437 = tpu.vector_load %arg18[%get3A_436] {strides = array<i32>} : memref<112xf32, #tpu.memory_space<vmem>>, vector<16xf32>,
        %get3A_438 = arith.constant 16 : index
        %get3A_439 = tpu.vector_load %arg19[%get3A_438] {strides = array<i32>} : memref<112xf32, #tpu.memory_space<vmem>>, vector<16xf32>,
        %get3A_440 = arith.constant 16 : index
        %get3A_441 = tpu.vector_load %arg20[%get3A_440] {strides = array<i32>} : memref<112xf32, #tpu.memory_space<vmem>>, vector<16xf32>,
        %max3A_442 = arith.maximumf %gather3A_277, %get3A_435 : vector<16xf32>
        %max3A_443 = arith.maximumf %gather3A_317, %get3A_437 : vector<16xf32>
        %min3A_444 = arith.minimumf %gather3A_357, %get3A_439 : vector<16xf32>
        %min3A_445 = arith.minimumf %gather3A_397, %get3A_441 : vector<16xf32>
        %sub3A_446 = arith.subf %min3A_444, %max3A_442 : vector<16xf32>
        %max3A_447 = arith.constant 0.000000e+00 : f32
        %max3A_448 = vector.broadcast %max3A_447 : f32 to vector<16xf32>
        %max3A_449 = arith.maximumf %sub3A_446, %max3A_448 : vector<16xf32>
        %sub3A_450 = arith.subf %min3A_445, %max3A_443 : vector<16xf32>
        %max3A_451 = arith.constant 0.000000e+00 : f32
        %max3A_452 = vector.broadcast %max3A_451 : f32 to vector<16xf32>
        %max3A_453 = arith.maximumf %sub3A_450, %max3A_452 : vector<16xf32>
        %mul3A_454 = arith.mulf %max3A_449, %max3A_453 : vector<16xf32>
        %sub3A_455 = arith.subf %get3A_439, %get3A_435 : vector<16xf32>
        %sub3A_456 = arith.subf %get3A_441, %get3A_437 : vector<16xf32>
        %mul3A_457 = arith.mulf %sub3A_455, %sub3A_456 : vector<16xf32>
        %add3A_458 = arith.addf %mul3A_400, %mul3A_457 : vector<16xf32>
        %sub3A_459 = arith.subf %add3A_458, %mul3A_454 : vector<16xf32>
        %add3A_460 = arith.constant 9.99999993E-9 : f32
        %add3A_461 = vector.broadcast %add3A_460 : f32 to vector<16xf32>
        %add3A_462 = arith.addf %sub3A_459, %add3A_461 : vector<16xf32>
        %div3A_463 = arith.divf %mul3A_454, %add3A_462 : vector<16xf32>
        %gt3A_464 = arith.constant 5.000000e-01 : f32
        %gt3A_465 = vector.broadcast %gt3A_464 : f32 to vector<16xf32>
        %gt3A_466 = arith.cmpf ogt, %div3A_463, %gt3A_465 : vector<16xf32>
        %or3A_467 = arith.ori %or3A, %gt3A_466 : vector<16xi1>
        %get3A_468 = arith.constant 32 : index
        %get3A_469 = tpu.vector_load %arg17[%get3A_468] {strides = array<i32>} : memref<112xf32, #tpu.memory_space<vmem>>, vector<16xf32>,
        %get3A_470 = arith.constant 32 : index
        %get3A_471 = tpu.vector_load %arg18[%get3A_470] {strides = array<i32>} : memref<112xf32, #tpu.memory_space<vmem>>, vector<16xf32>,
        %get3A_472 = arith.constant 32 : index
        %get3A_473 = tpu.vector_load %arg19[%get3A_472] {strides = array<i32>} : memref<112xf32, #tpu.memory_space<vmem>>, vector<16xf32>,
        %get3A_474 = arith.constant 32 : index
        %get3A_475 = tpu.vector_load %arg20[%get3A_474] {strides = array<i32>} : memref<112xf32, #tpu.memory_space<vmem>>, vector<16xf32>,
        %max3A_476 = arith.maximumf %gather3A_277, %get3A_469 : vector<16xf32>
        %max3A_477 = arith.maximumf %gather3A_317, %get3A_471 : vector<16xf32>
        %min3A_478 = arith.minimumf %gather3A_357, %get3A_473 : vector<16xf32>
        %min3A_479 = arith.minimumf %gather3A_397, %get3A_475 : vector<16xf32>
        %sub3A_480 = arith.subf %min3A_478, %max3A_476 : vector<16xf32>
        %max3A_481 = arith.constant 0.000000e+00 : f32
        %max3A_482 = vector.broadcast %max3A_481 : f32 to vector<16xf32>
        %max3A_483 = arith.maximumf %sub3A_480, %max3A_482 : vector<16xf32>
        %sub3A_484 = arith.subf %min3A_479, %max3A_477 : vector<16xf32>
        %max3A_485 = arith.constant 0.000000e+00 : f32
        %max3A_486 = vector.broadcast %max3A_485 : f32 to vector<16xf32>
        %max3A_487 = arith.maximumf %sub3A_484, %max3A_486 : vector<16xf32>
        %mul3A_488 = arith.mulf %max3A_483, %max3A_487 : vector<16xf32>
        %sub3A_489 = arith.subf %get3A_473, %get3A_469 : vector<16xf32>
        %sub3A_490 = arith.subf %get3A_475, %get3A_471 : vector<16xf32>
        %mul3A_491 = arith.mulf %sub3A_489, %sub3A_490 : vector<16xf32>
        %add3A_492 = arith.addf %mul3A_400, %mul3A_491 : vector<16xf32>
        %sub3A_493 = arith.subf %add3A_492, %mul3A_488 : vector<16xf32>
        %add3A_494 = arith.constant 9.99999993E-9 : f32
        %add3A_495 = vector.broadcast %add3A_494 : f32 to vector<16xf32>
        %add3A_496 = arith.addf %sub3A_493, %add3A_495 : vector<16xf32>
        %div3A_497 = arith.divf %mul3A_488, %add3A_496 : vector<16xf32>
        %gt3A_498 = arith.constant 5.000000e-01 : f32
        %gt3A_499 = vector.broadcast %gt3A_498 : f32 to vector<16xf32>
        %gt3A_500 = arith.cmpf ogt, %div3A_497, %gt3A_499 : vector<16xf32>
        %or3A_501 = arith.ori %or3A_467, %gt3A_500 : vector<16xi1>
        %get3A_502 = arith.constant 48 : index
        %get3A_503 = tpu.vector_load %arg17[%get3A_502] {strides = array<i32>} : memref<112xf32, #tpu.memory_space<vmem>>, vector<16xf32>,
        %get3A_504 = arith.constant 48 : index
        %get3A_505 = tpu.vector_load %arg18[%get3A_504] {strides = array<i32>} : memref<112xf32, #tpu.memory_space<vmem>>, vector<16xf32>,
        %get3A_506 = arith.constant 48 : index
        %get3A_507 = tpu.vector_load %arg19[%get3A_506] {strides = array<i32>} : memref<112xf32, #tpu.memory_space<vmem>>, vector<16xf32>,
        %get3A_508 = arith.constant 48 : index
        %get3A_509 = tpu.vector_load %arg20[%get3A_508] {strides = array<i32>} : memref<112xf32, #tpu.memory_space<vmem>>, vector<16xf32>,
        %max3A_510 = arith.maximumf %gather3A_277, %get3A_503 : vector<16xf32>
        %max3A_511 = arith.maximumf %gather3A_317, %get3A_505 : vector<16xf32>
        %min3A_512 = arith.minimumf %gather3A_357, %get3A_507 : vector<16xf32>
        %min3A_513 = arith.minimumf %gather3A_397, %get3A_509 : vector<16xf32>
        %sub3A_514 = arith.subf %min3A_512, %max3A_510 : vector<16xf32>
        %max3A_515 = arith.constant 0.000000e+00 : f32
        %max3A_516 = vector.broadcast %max3A_515 : f32 to vector<16xf32>
        %max3A_517 = arith.maximumf %sub3A_514, %max3A_516 : vector<16xf32>
        %sub3A_518 = arith.subf %min3A_513, %max3A_511 : vector<16xf32>
        %max3A_519 = arith.constant 0.000000e+00 : f32
        %max3A_520 = vector.broadcast %max3A_519 : f32 to vector<16xf32>
        %max3A_521 = arith.maximumf %sub3A_518, %max3A_520 : vector<16xf32>
        %mul3A_522 = arith.mulf %max3A_517, %max3A_521 : vector<16xf32>
        %sub3A_523 = arith.subf %get3A_507, %get3A_503 : vector<16xf32>
        %sub3A_524 = arith.subf %get3A_509, %get3A_505 : vector<16xf32>
        %mul3A_525 = arith.mulf %sub3A_523, %sub3A_524 : vector<16xf32>
        %add3A_526 = arith.addf %mul3A_400, %mul3A_525 : vector<16xf32>
        %sub3A_527 = arith.subf %add3A_526, %mul3A_522 : vector<16xf32>
        %add3A_528 = arith.constant 9.99999993E-9 : f32
        %add3A_529 = vector.broadcast %add3A_528 : f32 to vector<16xf32>
        %add3A_530 = arith.addf %sub3A_527, %add3A_529 : vector<16xf32>
        %div3A_531 = arith.divf %mul3A_522, %add3A_530 : vector<16xf32>
        %gt3A_532 = arith.constant 5.000000e-01 : f32
        %gt3A_533 = vector.broadcast %gt3A_532 : f32 to vector<16xf32>
        %gt3A_534 = arith.cmpf ogt, %div3A_531, %gt3A_533 : vector<16xf32>
        %or3A_535 = arith.ori %or3A_501, %gt3A_534 : vector<16xi1>
        %get3A_536 = arith.constant 64 : index
        %get3A_537 = tpu.vector_load %arg17[%get3A_536] {strides = array<i32>} : memref<112xf32, #tpu.memory_space<vmem>>, vector<16xf32>,
        %get3A_538 = arith.constant 64 : index
        %get3A_539 = tpu.vector_load %arg18[%get3A_538] {strides = array<i32>} : memref<112xf32, #tpu.memory_space<vmem>>, vector<16xf32>,
        %get3A_540 = arith.constant 64 : index
        %get3A_541 = tpu.vector_load %arg19[%get3A_540] {strides = array<i32>} : memref<112xf32, #tpu.memory_space<vmem>>, vector<16xf32>,
        %get3A_542 = arith.constant 64 : index
        %get3A_543 = tpu.vector_load %arg20[%get3A_542] {strides = array<i32>} : memref<112xf32, #tpu.memory_space<vmem>>, vector<16xf32>,
        %max3A_544 = arith.maximumf %gather3A_277, %get3A_537 : vector<16xf32>
        %max3A_545 = arith.maximumf %gather3A_317, %get3A_539 : vector<16xf32>
        %min3A_546 = arith.minimumf %gather3A_357, %get3A_541 : vector<16xf32>
        %min3A_547 = arith.minimumf %gather3A_397, %get3A_543 : vector<16xf32>
        %sub3A_548 = arith.subf %min3A_546, %max3A_544 : vector<16xf32>
        %max3A_549 = arith.constant 0.000000e+00 : f32
        %max3A_550 = vector.broadcast %max3A_549 : f32 to vector<16xf32>
        %max3A_551 = arith.maximumf %sub3A_548, %max3A_550 : vector<16xf32>
        %sub3A_552 = arith.subf %min3A_547, %max3A_545 : vector<16xf32>
        %max3A_553 = arith.constant 0.000000e+00 : f32
        %max3A_554 = vector.broadcast %max3A_553 : f32 to vector<16xf32>
        %max3A_555 = arith.maximumf %sub3A_552, %max3A_554 : vector<16xf32>
        %mul3A_556 = arith.mulf %max3A_551, %max3A_555 : vector<16xf32>
        %sub3A_557 = arith.subf %get3A_541, %get3A_537 : vector<16xf32>
        %sub3A_558 = arith.subf %get3A_543, %get3A_539 : vector<16xf32>
        %mul3A_559 = arith.mulf %sub3A_557, %sub3A_558 : vector<16xf32>
        %add3A_560 = arith.addf %mul3A_400, %mul3A_559 : vector<16xf32>
        %sub3A_561 = arith.subf %add3A_560, %mul3A_556 : vector<16xf32>
        %add3A_562 = arith.constant 9.99999993E-9 : f32
        %add3A_563 = vector.broadcast %add3A_562 : f32 to vector<16xf32>
        %add3A_564 = arith.addf %sub3A_561, %add3A_563 : vector<16xf32>
        %div3A_565 = arith.divf %mul3A_556, %add3A_564 : vector<16xf32>
        %gt3A_566 = arith.constant 5.000000e-01 : f32
        %gt3A_567 = vector.broadcast %gt3A_566 : f32 to vector<16xf32>
        %gt3A_568 = arith.cmpf ogt, %div3A_565, %gt3A_567 : vector<16xf32>
        %or3A_569 = arith.ori %or3A_535, %gt3A_568 : vector<16xi1>
        %get3A_570 = arith.constant 80 : index
        %get3A_571 = tpu.vector_load %arg17[%get3A_570] {strides = array<i32>} : memref<112xf32, #tpu.memory_space<vmem>>, vector<16xf32>,
        %get3A_572 = arith.constant 80 : index
        %get3A_573 = tpu.vector_load %arg18[%get3A_572] {strides = array<i32>} : memref<112xf32, #tpu.memory_space<vmem>>, vector<16xf32>,
        %get3A_574 = arith.constant 80 : index
        %get3A_575 = tpu.vector_load %arg19[%get3A_574] {strides = array<i32>} : memref<112xf32, #tpu.memory_space<vmem>>, vector<16xf32>,
        %get3A_576 = arith.constant 80 : index
        %get3A_577 = tpu.vector_load %arg20[%get3A_576] {strides = array<i32>} : memref<112xf32, #tpu.memory_space<vmem>>, vector<16xf32>,
        %max3A_578 = arith.maximumf %gather3A_277, %get3A_571 : vector<16xf32>
        %max3A_579 = arith.maximumf %gather3A_317, %get3A_573 : vector<16xf32>
        %min3A_580 = arith.minimumf %gather3A_357, %get3A_575 : vector<16xf32>
        %min3A_581 = arith.minimumf %gather3A_397, %get3A_577 : vector<16xf32>
        %sub3A_582 = arith.subf %min3A_580, %max3A_578 : vector<16xf32>
        %max3A_583 = arith.constant 0.000000e+00 : f32
        %max3A_584 = vector.broadcast %max3A_583 : f32 to vector<16xf32>
        %max3A_585 = arith.maximumf %sub3A_582, %max3A_584 : vector<16xf32>
        %sub3A_586 = arith.subf %min3A_581, %max3A_579 : vector<16xf32>
        %max3A_587 = arith.constant 0.000000e+00 : f32
        %max3A_588 = vector.broadcast %max3A_587 : f32 to vector<16xf32>
        %max3A_589 = arith.maximumf %sub3A_586, %max3A_588 : vector<16xf32>
        %mul3A_590 = arith.mulf %max3A_585, %max3A_589 : vector<16xf32>
        %sub3A_591 = arith.subf %get3A_575, %get3A_571 : vector<16xf32>
        %sub3A_592 = arith.subf %get3A_577, %get3A_573 : vector<16xf32>
        %mul3A_593 = arith.mulf %sub3A_591, %sub3A_592 : vector<16xf32>
        %add3A_594 = arith.addf %mul3A_400, %mul3A_593 : vector<16xf32>
        %sub3A_595 = arith.subf %add3A_594, %mul3A_590 : vector<16xf32>
        %add3A_596 = arith.constant 9.99999993E-9 : f32
        %add3A_597 = vector.broadcast %add3A_596 : f32 to vector<16xf32>
        %add3A_598 = arith.addf %sub3A_595, %add3A_597 : vector<16xf32>
        %div3A_599 = arith.divf %mul3A_590, %add3A_598 : vector<16xf32>
        %gt3A_600 = arith.constant 5.000000e-01 : f32
        %gt3A_601 = vector.broadcast %gt3A_600 : f32 to vector<16xf32>
        %gt3A_602 = arith.cmpf ogt, %div3A_599, %gt3A_601 : vector<16xf32>
        %or3A_603 = arith.ori %or3A_569, %gt3A_602 : vector<16xi1>
        %get3A_604 = arith.constant 96 : index
        %get3A_605 = tpu.vector_load %arg17[%get3A_604] {strides = array<i32>} : memref<112xf32, #tpu.memory_space<vmem>>, vector<16xf32>,
        %get3A_606 = arith.constant 96 : index
        %get3A_607 = tpu.vector_load %arg18[%get3A_606] {strides = array<i32>} : memref<112xf32, #tpu.memory_space<vmem>>, vector<16xf32>,
        %get3A_608 = arith.constant 96 : index
        %get3A_609 = tpu.vector_load %arg19[%get3A_608] {strides = array<i32>} : memref<112xf32, #tpu.memory_space<vmem>>, vector<16xf32>,
        %get3A_610 = arith.constant 96 : index
        %get3A_611 = tpu.vector_load %arg20[%get3A_610] {strides = array<i32>} : memref<112xf32, #tpu.memory_space<vmem>>, vector<16xf32>,
        %max3A_612 = arith.maximumf %gather3A_277, %get3A_605 : vector<16xf32>
        %max3A_613 = arith.maximumf %gather3A_317, %get3A_607 : vector<16xf32>
        %min3A_614 = arith.minimumf %gather3A_357, %get3A_609 : vector<16xf32>
        %min3A_615 = arith.minimumf %gather3A_397, %get3A_611 : vector<16xf32>
        %sub3A_616 = arith.subf %min3A_614, %max3A_612 : vector<16xf32>
        %max3A_617 = arith.constant 0.000000e+00 : f32
        %max3A_618 = vector.broadcast %max3A_617 : f32 to vector<16xf32>
        %max3A_619 = arith.maximumf %sub3A_616, %max3A_618 : vector<16xf32>
        %sub3A_620 = arith.subf %min3A_615, %max3A_613 : vector<16xf32>
        %max3A_621 = arith.constant 0.000000e+00 : f32
        %max3A_622 = vector.broadcast %max3A_621 : f32 to vector<16xf32>
        %max3A_623 = arith.maximumf %sub3A_620, %max3A_622 : vector<16xf32>
        %mul3A_624 = arith.mulf %max3A_619, %max3A_623 : vector<16xf32>
        %sub3A_625 = arith.subf %get3A_609, %get3A_605 : vector<16xf32>
        %sub3A_626 = arith.subf %get3A_611, %get3A_607 : vector<16xf32>
        %mul3A_627 = arith.mulf %sub3A_625, %sub3A_626 : vector<16xf32>
        %add3A_628 = arith.addf %mul3A_400, %mul3A_627 : vector<16xf32>
        %sub3A_629 = arith.subf %add3A_628, %mul3A_624 : vector<16xf32>
        %add3A_630 = arith.constant 9.99999993E-9 : f32
        %add3A_631 = vector.broadcast %add3A_630 : f32 to vector<16xf32>
        %add3A_632 = arith.addf %sub3A_629, %add3A_631 : vector<16xf32>
        %div3A_633 = arith.divf %mul3A_624, %add3A_632 : vector<16xf32>
        %gt3A_634 = arith.constant 5.000000e-01 : f32
        %gt3A_635 = vector.broadcast %gt3A_634 : f32 to vector<16xf32>
        %gt3A_636 = arith.cmpf ogt, %div3A_633, %gt3A_635 : vector<16xf32>
        %or3A_637 = arith.ori %or3A_603, %gt3A_636 : vector<16xi1>
        %reduce_or3A = arith.constant 1.000000e+00 : f32
        %reduce_or3A_638 = arith.constant 0.000000e+00 : f32
        %reduce_or3A_639 = vector.broadcast %reduce_or3A : f32 to vector<16xf32>
        %reduce_or3A_640 = vector.broadcast %reduce_or3A_638 : f32 to vector<16xf32>
        %reduce_or3A_641 = arith.select %or3A_637, %reduce_or3A_639, %reduce_or3A_640 : vector<16xi1>, vector<16xf32>
        %reduce_or3A_642 = arith.constant true
        %reduce_or3A_643 = vector.broadcast %reduce_or3A_642 : i1 to vector<16xi1>
        %reduce_or3A_644 = tpu.scan <max>, %reduce_or3A_641 masked %reduce_or3A_643 : vector<16xf32>, vector<16xi1> -> vector<16xf32>
        %reduce_or3A_645 = vector.extract %reduce_or3A_644[15] : f32 from vector<16xf32>
        %reduce_or3A_646 = arith.constant 0.000000e+00 : f32
        %reduce_or3A_647 = arith.cmpf ogt, %reduce_or3A_645, %reduce_or3A_646 : f32
        %jit3A_648 = arith.constant 0.000000e+00 : f32
        %broadcast_in_dim3A_649 = vector.broadcast %jit3A_648 : f32 to vector<16xf32>
        %select_n3A_650 = arith.select %reduce_or3A_647, %broadcast_in_dim3A_649, %gather3A_277 : vector<16xf32>
        %jit3A_651 = arith.constant 16 : i32
        %div3A_652 = arith.divsi %while3A_198, %jit3A_651 : i32
        %sign3A_653 = arith.constant 0 : i32
        %sign3A_654 = arith.cmpi sgt, %while3A_198, %sign3A_653 : i32
        %sign3A_655 = arith.extui %sign3A_654 : i1 to i32
        %sign3A_656 = arith.constant 0 : i32
        %sign3A_657 = arith.cmpi slt, %while3A_198, %sign3A_656 : i32
        %sign3A_658 = arith.extui %sign3A_657 : i1 to i32
        %sign3A_659 = arith.subi %sign3A_655, %sign3A_658 : i32
        %sign3A_660 = arith.constant 0 : i32
        %sign3A_661 = arith.cmpi sgt, %jit3A_651, %sign3A_660 : i32
        %sign3A_662 = arith.extui %sign3A_661 : i1 to i32
        %sign3A_663 = arith.constant 0 : i32
        %sign3A_664 = arith.cmpi slt, %jit3A_651, %sign3A_663 : i32
        %sign3A_665 = arith.extui %sign3A_664 : i1 to i32
        %sign3A_666 = arith.subi %sign3A_662, %sign3A_665 : i32
        %ne3A_667 = arith.cmpi ne, %sign3A_659, %sign3A_666 : i32
        %rem3A_668 = arith.remsi %while3A_198, %jit3A_651 : i32
        %ne3A_669 = arith.constant 0 : i32
        %ne3A_670 = arith.cmpi ne, %rem3A_668, %ne3A_669 : i32
        %and3A_671 = arith.andi %ne3A_667, %ne3A_670 : i1
        %sub3A_672 = arith.constant 1 : i32
        %sub3A_673 = arith.subi %div3A_652, %sub3A_672 : i32
        %select_n3A_674 = arith.select %and3A_671, %sub3A_673, %div3A_652 : i32
        %mul3A_675 = arith.constant 16 : i32
        %mul3A_676 = arith.muli %select_n3A_674, %mul3A_675 : i32
        %get3A_677 = arith.index_cast %mul3A_676 : i32 to index
        %get3A_678 = tpu.vector_load %arg17[%get3A_677] {strides = array<i32>} : memref<112xf32, #tpu.memory_space<vmem>>, vector<16xf32>,
        %iota3A_679 = tpu.iota {dimensions = array<i32: 0>} : vector<16xi32>
        %sub3A_680 = arith.subi %while3A_198, %mul3A_676 : i32
        %eq3A_681 = vector.broadcast %sub3A_680 : i32 to vector<16xi32>
        %eq3A_682 = arith.cmpi eq, %iota3A_679, %eq3A_681 : vector<16xi32>
        %select_n3A_683 = arith.select %eq3A_682, %select_n3A_650, %get3A_678 : vector<16xi1>, vector<16xf32>
        %swap3A = arith.index_cast %mul3A_676 : i32 to index
        %swap3A_684 = tpu.vector_load %arg17[%swap3A] {strides = array<i32>} : memref<112xf32, #tpu.memory_space<vmem>>, vector<16xf32>,
        tpu.vector_store %arg17[%swap3A], %select_n3A_683 {strides = array<i32>} : memref<112xf32, #tpu.memory_space<vmem>>, vector<16xf32>,
        %jit3A_685 = arith.constant 0.000000e+00 : f32
        %broadcast_in_dim3A_686 = vector.broadcast %jit3A_685 : f32 to vector<16xf32>
        %select_n3A_687 = arith.select %reduce_or3A_647, %broadcast_in_dim3A_686, %gather3A_317 : vector<16xf32>
        %jit3A_688 = arith.constant 16 : i32
        %div3A_689 = arith.divsi %while3A_198, %jit3A_688 : i32
        %sign3A_690 = arith.constant 0 : i32
        %sign3A_691 = arith.cmpi sgt, %while3A_198, %sign3A_690 : i32
        %sign3A_692 = arith.extui %sign3A_691 : i1 to i32
        %sign3A_693 = arith.constant 0 : i32
        %sign3A_694 = arith.cmpi slt, %while3A_198, %sign3A_693 : i32
        %sign3A_695 = arith.extui %sign3A_694 : i1 to i32
        %sign3A_696 = arith.subi %sign3A_692, %sign3A_695 : i32
        %sign3A_697 = arith.constant 0 : i32
        %sign3A_698 = arith.cmpi sgt, %jit3A_688, %sign3A_697 : i32
        %sign3A_699 = arith.extui %sign3A_698 : i1 to i32
        %sign3A_700 = arith.constant 0 : i32
        %sign3A_701 = arith.cmpi slt, %jit3A_688, %sign3A_700 : i32
        %sign3A_702 = arith.extui %sign3A_701 : i1 to i32
        %sign3A_703 = arith.subi %sign3A_699, %sign3A_702 : i32
        %ne3A_704 = arith.cmpi ne, %sign3A_696, %sign3A_703 : i32
        %rem3A_705 = arith.remsi %while3A_198, %jit3A_688 : i32
        %ne3A_706 = arith.constant 0 : i32
        %ne3A_707 = arith.cmpi ne, %rem3A_705, %ne3A_706 : i32
        %and3A_708 = arith.andi %ne3A_704, %ne3A_707 : i1
        %sub3A_709 = arith.constant 1 : i32
        %sub3A_710 = arith.subi %div3A_689, %sub3A_709 : i32
        %select_n3A_711 = arith.select %and3A_708, %sub3A_710, %div3A_689 : i32
        %mul3A_712 = arith.constant 16 : i32
        %mul3A_713 = arith.muli %select_n3A_711, %mul3A_712 : i32
        %get3A_714 = arith.index_cast %mul3A_713 : i32 to index
        %get3A_715 = tpu.vector_load %arg18[%get3A_714] {strides = array<i32>} : memref<112xf32, #tpu.memory_space<vmem>>, vector<16xf32>,
        %iota3A_716 = tpu.iota {dimensions = array<i32: 0>} : vector<16xi32>
        %sub3A_717 = arith.subi %while3A_198, %mul3A_713 : i32
        %eq3A_718 = vector.broadcast %sub3A_717 : i32 to vector<16xi32>
        %eq3A_719 = arith.cmpi eq, %iota3A_716, %eq3A_718 : vector<16xi32>
        %select_n3A_720 = arith.select %eq3A_719, %select_n3A_687, %get3A_715 : vector<16xi1>, vector<16xf32>
        %swap3A_721 = arith.index_cast %mul3A_713 : i32 to index
        %swap3A_722 = tpu.vector_load %arg18[%swap3A_721] {strides = array<i32>} : memref<112xf32, #tpu.memory_space<vmem>>, vector<16xf32>,
        tpu.vector_store %arg18[%swap3A_721], %select_n3A_720 {strides = array<i32>} : memref<112xf32, #tpu.memory_space<vmem>>, vector<16xf32>,
        %jit3A_723 = arith.constant 0.000000e+00 : f32
        %broadcast_in_dim3A_724 = vector.broadcast %jit3A_723 : f32 to vector<16xf32>
        %select_n3A_725 = arith.select %reduce_or3A_647, %broadcast_in_dim3A_724, %gather3A_357 : vector<16xf32>
        %jit3A_726 = arith.constant 16 : i32
        %div3A_727 = arith.divsi %while3A_198, %jit3A_726 : i32
        %sign3A_728 = arith.constant 0 : i32
        %sign3A_729 = arith.cmpi sgt, %while3A_198, %sign3A_728 : i32
        %sign3A_730 = arith.extui %sign3A_729 : i1 to i32
        %sign3A_731 = arith.constant 0 : i32
        %sign3A_732 = arith.cmpi slt, %while3A_198, %sign3A_731 : i32
        %sign3A_733 = arith.extui %sign3A_732 : i1 to i32
        %sign3A_734 = arith.subi %sign3A_730, %sign3A_733 : i32
        %sign3A_735 = arith.constant 0 : i32
        %sign3A_736 = arith.cmpi sgt, %jit3A_726, %sign3A_735 : i32
        %sign3A_737 = arith.extui %sign3A_736 : i1 to i32
        %sign3A_738 = arith.constant 0 : i32
        %sign3A_739 = arith.cmpi slt, %jit3A_726, %sign3A_738 : i32
        %sign3A_740 = arith.extui %sign3A_739 : i1 to i32
        %sign3A_741 = arith.subi %sign3A_737, %sign3A_740 : i32
        %ne3A_742 = arith.cmpi ne, %sign3A_734, %sign3A_741 : i32
        %rem3A_743 = arith.remsi %while3A_198, %jit3A_726 : i32
        %ne3A_744 = arith.constant 0 : i32
        %ne3A_745 = arith.cmpi ne, %rem3A_743, %ne3A_744 : i32
        %and3A_746 = arith.andi %ne3A_742, %ne3A_745 : i1
        %sub3A_747 = arith.constant 1 : i32
        %sub3A_748 = arith.subi %div3A_727, %sub3A_747 : i32
        %select_n3A_749 = arith.select %and3A_746, %sub3A_748, %div3A_727 : i32
        %mul3A_750 = arith.constant 16 : i32
        %mul3A_751 = arith.muli %select_n3A_749, %mul3A_750 : i32
        %get3A_752 = arith.index_cast %mul3A_751 : i32 to index
        %get3A_753 = tpu.vector_load %arg19[%get3A_752] {strides = array<i32>} : memref<112xf32, #tpu.memory_space<vmem>>, vector<16xf32>,
        %iota3A_754 = tpu.iota {dimensions = array<i32: 0>} : vector<16xi32>
        %sub3A_755 = arith.subi %while3A_198, %mul3A_751 : i32
        %eq3A_756 = vector.broadcast %sub3A_755 : i32 to vector<16xi32>
        %eq3A_757 = arith.cmpi eq, %iota3A_754, %eq3A_756 : vector<16xi32>
        %select_n3A_758 = arith.select %eq3A_757, %select_n3A_725, %get3A_753 : vector<16xi1>, vector<16xf32>
        %swap3A_759 = arith.index_cast %mul3A_751 : i32 to index
        %swap3A_760 = tpu.vector_load %arg19[%swap3A_759] {strides = array<i32>} : memref<112xf32, #tpu.memory_space<vmem>>, vector<16xf32>,
        tpu.vector_store %arg19[%swap3A_759], %select_n3A_758 {strides = array<i32>} : memref<112xf32, #tpu.memory_space<vmem>>, vector<16xf32>,
        %jit3A_761 = arith.constant 0.000000e+00 : f32
        %broadcast_in_dim3A_762 = vector.broadcast %jit3A_761 : f32 to vector<16xf32>
        %select_n3A_763 = arith.select %reduce_or3A_647, %broadcast_in_dim3A_762, %gather3A_397 : vector<16xf32>
        %jit3A_764 = arith.constant 16 : i32
        %div3A_765 = arith.divsi %while3A_198, %jit3A_764 : i32
        %sign3A_766 = arith.constant 0 : i32
        %sign3A_767 = arith.cmpi sgt, %while3A_198, %sign3A_766 : i32
        %sign3A_768 = arith.extui %sign3A_767 : i1 to i32
        %sign3A_769 = arith.constant 0 : i32
        %sign3A_770 = arith.cmpi slt, %while3A_198, %sign3A_769 : i32
        %sign3A_771 = arith.extui %sign3A_770 : i1 to i32
        %sign3A_772 = arith.subi %sign3A_768, %sign3A_771 : i32
        %sign3A_773 = arith.constant 0 : i32
        %sign3A_774 = arith.cmpi sgt, %jit3A_764, %sign3A_773 : i32
        %sign3A_775 = arith.extui %sign3A_774 : i1 to i32
        %sign3A_776 = arith.constant 0 : i32
        %sign3A_777 = arith.cmpi slt, %jit3A_764, %sign3A_776 : i32
        %sign3A_778 = arith.extui %sign3A_777 : i1 to i32
        %sign3A_779 = arith.subi %sign3A_775, %sign3A_778 : i32
        %ne3A_780 = arith.cmpi ne, %sign3A_772, %sign3A_779 : i32
        %rem3A_781 = arith.remsi %while3A_198, %jit3A_764 : i32
        %ne3A_782 = arith.constant 0 : i32
        %ne3A_783 = arith.cmpi ne, %rem3A_781, %ne3A_782 : i32
        %and3A_784 = arith.andi %ne3A_780, %ne3A_783 : i1
        %sub3A_785 = arith.constant 1 : i32
        %sub3A_786 = arith.subi %div3A_765, %sub3A_785 : i32
        %select_n3A_787 = arith.select %and3A_784, %sub3A_786, %div3A_765 : i32
        %mul3A_788 = arith.constant 16 : i32
        %mul3A_789 = arith.muli %select_n3A_787, %mul3A_788 : i32
        %get3A_790 = arith.index_cast %mul3A_789 : i32 to index
        %get3A_791 = tpu.vector_load %arg20[%get3A_790] {strides = array<i32>} : memref<112xf32, #tpu.memory_space<vmem>>, vector<16xf32>,
        %iota3A_792 = tpu.iota {dimensions = array<i32: 0>} : vector<16xi32>
        %sub3A_793 = arith.subi %while3A_198, %mul3A_789 : i32
        %eq3A_794 = vector.broadcast %sub3A_793 : i32 to vector<16xi32>
        %eq3A_795 = arith.cmpi eq, %iota3A_792, %eq3A_794 : vector<16xi32>
        %select_n3A_796 = arith.select %eq3A_795, %select_n3A_763, %get3A_791 : vector<16xi1>, vector<16xf32>
        %swap3A_797 = arith.index_cast %mul3A_789 : i32 to index
        %swap3A_798 = tpu.vector_load %arg20[%swap3A_797] {strides = array<i32>} : memref<112xf32, #tpu.memory_space<vmem>>, vector<16xf32>,
        tpu.vector_store %arg20[%swap3A_797], %select_n3A_796 {strides = array<i32>} : memref<112xf32, #tpu.memory_space<vmem>>, vector<16xf32>,
        %jit3A_799 = arith.constant -1.000000e+09 : f32
        %select_n3A_800 = arith.select %reduce_or3A_647, %jit3A_799, %while3A_199 : f32
        %jit3A_801 = arith.constant 16 : i32
        %div3A_802 = arith.divsi %while3A_198, %jit3A_801 : i32
        %sign3A_803 = arith.constant 0 : i32
        %sign3A_804 = arith.cmpi sgt, %while3A_198, %sign3A_803 : i32
        %sign3A_805 = arith.extui %sign3A_804 : i1 to i32
        %sign3A_806 = arith.constant 0 : i32
        %sign3A_807 = arith.cmpi slt, %while3A_198, %sign3A_806 : i32
        %sign3A_808 = arith.extui %sign3A_807 : i1 to i32
        %sign3A_809 = arith.subi %sign3A_805, %sign3A_808 : i32
        %sign3A_810 = arith.constant 0 : i32
        %sign3A_811 = arith.cmpi sgt, %jit3A_801, %sign3A_810 : i32
        %sign3A_812 = arith.extui %sign3A_811 : i1 to i32
        %sign3A_813 = arith.constant 0 : i32
        %sign3A_814 = arith.cmpi slt, %jit3A_801, %sign3A_813 : i32
        %sign3A_815 = arith.extui %sign3A_814 : i1 to i32
        %sign3A_816 = arith.subi %sign3A_812, %sign3A_815 : i32
        %ne3A_817 = arith.cmpi ne, %sign3A_809, %sign3A_816 : i32
        %rem3A_818 = arith.remsi %while3A_198, %jit3A_801 : i32
        %ne3A_819 = arith.constant 0 : i32
        %ne3A_820 = arith.cmpi ne, %rem3A_818, %ne3A_819 : i32
        %and3A_821 = arith.andi %ne3A_817, %ne3A_820 : i1
        %sub3A_822 = arith.constant 1 : i32
        %sub3A_823 = arith.subi %div3A_802, %sub3A_822 : i32
        %select_n3A_824 = arith.select %and3A_821, %sub3A_823, %div3A_802 : i32
        %mul3A_825 = arith.constant 16 : i32
        %mul3A_826 = arith.muli %select_n3A_824, %mul3A_825 : i32
        %get3A_827 = arith.index_cast %mul3A_826 : i32 to index
        %get3A_828 = tpu.vector_load %arg21[%get3A_827] {strides = array<i32>} : memref<112xf32, #tpu.memory_space<vmem>>, vector<16xf32>,
        %iota3A_829 = tpu.iota {dimensions = array<i32: 0>} : vector<16xi32>
        %sub3A_830 = arith.subi %while3A_198, %mul3A_826 : i32
        %eq3A_831 = vector.broadcast %sub3A_830 : i32 to vector<16xi32>
        %eq3A_832 = arith.cmpi eq, %iota3A_829, %eq3A_831 : vector<16xi32>
        %broadcast_in_dim3A_833 = vector.broadcast %select_n3A_800 : f32 to vector<16xf32>
        %select_n3A_834 = arith.select %eq3A_832, %broadcast_in_dim3A_833, %get3A_828 : vector<16xi1>, vector<16xf32>
        %swap3A_835 = arith.index_cast %mul3A_826 : i32 to index
        %swap3A_836 = tpu.vector_load %arg21[%swap3A_835] {strides = array<i32>} : memref<112xf32, #tpu.memory_space<vmem>>, vector<16xf32>,
        tpu.vector_store %arg21[%swap3A_835], %select_n3A_834 {strides = array<i32>} : memref<112xf32, #tpu.memory_space<vmem>>, vector<16xf32>,
        %jit3A_837 = arith.constant 0 : i32
        %jit3A_838 = arith.constant 1 : i32
        %select_n3A_839 = arith.select %reduce_or3A_647, %jit3A_837, %jit3A_838 : i32
        %add3A_840 = arith.addi %while3A_198, %select_n3A_839 : i32
        %jit3A_841 = arith.constant 16 : i32
        %div3A_842 = arith.divsi %reduce_sum3A_238, %jit3A_841 : i32
        %sign3A_843 = arith.constant 0 : i32
        %sign3A_844 = arith.cmpi sgt, %reduce_sum3A_238, %sign3A_843 : i32
        %sign3A_845 = arith.extui %sign3A_844 : i1 to i32
        %sign3A_846 = arith.constant 0 : i32
        %sign3A_847 = arith.cmpi slt, %reduce_sum3A_238, %sign3A_846 : i32
        %sign3A_848 = arith.extui %sign3A_847 : i1 to i32
        %sign3A_849 = arith.subi %sign3A_845, %sign3A_848 : i32
        %sign3A_850 = arith.constant 0 : i32
        %sign3A_851 = arith.cmpi sgt, %jit3A_841, %sign3A_850 : i32
        %sign3A_852 = arith.extui %sign3A_851 : i1 to i32
        %sign3A_853 = arith.constant 0 : i32
        %sign3A_854 = arith.cmpi slt, %jit3A_841, %sign3A_853 : i32
        %sign3A_855 = arith.extui %sign3A_854 : i1 to i32
        %sign3A_856 = arith.subi %sign3A_852, %sign3A_855 : i32
        %ne3A_857 = arith.cmpi ne, %sign3A_849, %sign3A_856 : i32
        %rem3A_858 = arith.remsi %reduce_sum3A_238, %jit3A_841 : i32
        %ne3A_859 = arith.constant 0 : i32
        %ne3A_860 = arith.cmpi ne, %rem3A_858, %ne3A_859 : i32
        %and3A_861 = arith.andi %ne3A_857, %ne3A_860 : i1
        %sub3A_862 = arith.constant 1 : i32
        %sub3A_863 = arith.subi %div3A_842, %sub3A_862 : i32
        %select_n3A_864 = arith.select %and3A_861, %sub3A_863, %div3A_842 : i32
        %mul3A_865 = arith.constant 16 : i32
        %mul3A_866 = arith.muli %select_n3A_864, %mul3A_865 : i32
        %get3A_867 = arith.index_cast %mul3A_866 : i32 to index
        %get3A_868 = tpu.vector_load %arg14[%get3A_867] {strides = array<i32>} : memref<20000xf32, #tpu.memory_space<vmem>>, vector<16xf32>,
        %iota3A_869 = tpu.iota {dimensions = array<i32: 0>} : vector<16xi32>
        %sub3A_870 = arith.subi %reduce_sum3A_238, %mul3A_866 : i32
        %eq3A_871 = vector.broadcast %sub3A_870 : i32 to vector<16xi32>
        %eq3A_872 = arith.cmpi eq, %iota3A_869, %eq3A_871 : vector<16xi32>
        %jit3A_873 = arith.constant -1.000000e+09 : f32
        %broadcast_in_dim3A_874 = vector.broadcast %jit3A_873 : f32 to vector<16xf32>
        %select_n3A_875 = arith.select %eq3A_872, %broadcast_in_dim3A_874, %get3A_868 : vector<16xi1>, vector<16xf32>
        %swap3A_876 = arith.index_cast %mul3A_866 : i32 to index
        %swap3A_877 = tpu.vector_load %arg14[%swap3A_876] {strides = array<i32>} : memref<20000xf32, #tpu.memory_space<vmem>>, vector<16xf32>,
        tpu.vector_store %arg14[%swap3A_876], %select_n3A_875 {strides = array<i32>} : memref<20000xf32, #tpu.memory_space<vmem>>, vector<16xf32>,
        %mul3A_878 = arith.constant 160 : i32
        %mul3A_879 = arith.muli %while3A_200, %mul3A_878 : i32
        %broadcast_in_dim3A_880 = arith.constant -1.000000e+09 : f32
        %broadcast_in_dim3A_881 = vector.broadcast %broadcast_in_dim3A_880 : f32 to vector<16xf32>
        %broadcast_in_dim3A_882 = arith.constant 0 : i32
        %broadcast_in_dim3A_883 = vector.broadcast %broadcast_in_dim3A_882 : i32 to vector<16xi32>
        %add3A_884 = arith.constant 0 : i32
        %add3A_885 = arith.addi %mul3A_879, %add3A_884 : i32
        %get3A_886 = arith.index_cast %add3A_885 : i32 to index
        %get3A_887 = tpu.vector_load %arg14[%get3A_886] {strides = array<i32>} : memref<20000xf32, #tpu.memory_space<vmem>>, vector<16xf32>,
        %gt3A_888 = arith.cmpf ogt, %get3A_887, %broadcast_in_dim3A_881 : vector<16xf32>
        %select_n3A_889 = arith.select %gt3A_888, %get3A_887, %broadcast_in_dim3A_881 : vector<16xi1>, vector<16xf32>
        %iota3A_890 = tpu.iota {dimensions = array<i32: 0>} : vector<16xi32>
        %add3A_891 = vector.broadcast %add3A_885 : i32 to vector<16xi32>
        %add3A_892 = arith.addi %add3A_891, %iota3A_890 : vector<16xi32>
        %select_n3A_893 = arith.select %gt3A_888, %add3A_892, %broadcast_in_dim3A_883 : vector<16xi1>, vector<16xi32>
        %add3A_894 = arith.constant 16 : i32
        %add3A_895 = arith.addi %mul3A_879, %add3A_894 : i32
        %get3A_896 = arith.index_cast %add3A_895 : i32 to index
        %get3A_897 = tpu.vector_load %arg14[%get3A_896] {strides = array<i32>} : memref<20000xf32, #tpu.memory_space<vmem>>, vector<16xf32>,
        %gt3A_898 = arith.cmpf ogt, %get3A_897, %select_n3A_889 : vector<16xf32>
        %select_n3A_899 = arith.select %gt3A_898, %get3A_897, %select_n3A_889 : vector<16xi1>, vector<16xf32>
        %iota3A_900 = tpu.iota {dimensions = array<i32: 0>} : vector<16xi32>
        %add3A_901 = vector.broadcast %add3A_895 : i32 to vector<16xi32>
        %add3A_902 = arith.addi %add3A_901, %iota3A_900 : vector<16xi32>
        %select_n3A_903 = arith.select %gt3A_898, %add3A_902, %select_n3A_893 : vector<16xi1>, vector<16xi32>
        %add3A_904 = arith.constant 32 : i32
        %add3A_905 = arith.addi %mul3A_879, %add3A_904 : i32
        %get3A_906 = arith.index_cast %add3A_905 : i32 to index
        %get3A_907 = tpu.vector_load %arg14[%get3A_906] {strides = array<i32>} : memref<20000xf32, #tpu.memory_space<vmem>>, vector<16xf32>,
        %gt3A_908 = arith.cmpf ogt, %get3A_907, %select_n3A_899 : vector<16xf32>
        %select_n3A_909 = arith.select %gt3A_908, %get3A_907, %select_n3A_899 : vector<16xi1>, vector<16xf32>
        %iota3A_910 = tpu.iota {dimensions = array<i32: 0>} : vector<16xi32>
        %add3A_911 = vector.broadcast %add3A_905 : i32 to vector<16xi32>
        %add3A_912 = arith.addi %add3A_911, %iota3A_910 : vector<16xi32>
        %select_n3A_913 = arith.select %gt3A_908, %add3A_912, %select_n3A_903 : vector<16xi1>, vector<16xi32>
        %add3A_914 = arith.constant 48 : i32
        %add3A_915 = arith.addi %mul3A_879, %add3A_914 : i32
        %get3A_916 = arith.index_cast %add3A_915 : i32 to index
        %get3A_917 = tpu.vector_load %arg14[%get3A_916] {strides = array<i32>} : memref<20000xf32, #tpu.memory_space<vmem>>, vector<16xf32>,
        %gt3A_918 = arith.cmpf ogt, %get3A_917, %select_n3A_909 : vector<16xf32>
        %select_n3A_919 = arith.select %gt3A_918, %get3A_917, %select_n3A_909 : vector<16xi1>, vector<16xf32>
        %iota3A_920 = tpu.iota {dimensions = array<i32: 0>} : vector<16xi32>
        %add3A_921 = vector.broadcast %add3A_915 : i32 to vector<16xi32>
        %add3A_922 = arith.addi %add3A_921, %iota3A_920 : vector<16xi32>
        %select_n3A_923 = arith.select %gt3A_918, %add3A_922, %select_n3A_913 : vector<16xi1>, vector<16xi32>
        %add3A_924 = arith.constant 64 : i32
        %add3A_925 = arith.addi %mul3A_879, %add3A_924 : i32
        %get3A_926 = arith.index_cast %add3A_925 : i32 to index
        %get3A_927 = tpu.vector_load %arg14[%get3A_926] {strides = array<i32>} : memref<20000xf32, #tpu.memory_space<vmem>>, vector<16xf32>,
        %gt3A_928 = arith.cmpf ogt, %get3A_927, %select_n3A_919 : vector<16xf32>
        %select_n3A_929 = arith.select %gt3A_928, %get3A_927, %select_n3A_919 : vector<16xi1>, vector<16xf32>
        %iota3A_930 = tpu.iota {dimensions = array<i32: 0>} : vector<16xi32>
        %add3A_931 = vector.broadcast %add3A_925 : i32 to vector<16xi32>
        %add3A_932 = arith.addi %add3A_931, %iota3A_930 : vector<16xi32>
        %select_n3A_933 = arith.select %gt3A_928, %add3A_932, %select_n3A_923 : vector<16xi1>, vector<16xi32>
        %add3A_934 = arith.constant 80 : i32
        %add3A_935 = arith.addi %mul3A_879, %add3A_934 : i32
        %get3A_936 = arith.index_cast %add3A_935 : i32 to index
        %get3A_937 = tpu.vector_load %arg14[%get3A_936] {strides = array<i32>} : memref<20000xf32, #tpu.memory_space<vmem>>, vector<16xf32>,
        %gt3A_938 = arith.cmpf ogt, %get3A_937, %select_n3A_929 : vector<16xf32>
        %select_n3A_939 = arith.select %gt3A_938, %get3A_937, %select_n3A_929 : vector<16xi1>, vector<16xf32>
        %iota3A_940 = tpu.iota {dimensions = array<i32: 0>} : vector<16xi32>
        %add3A_941 = vector.broadcast %add3A_935 : i32 to vector<16xi32>
        %add3A_942 = arith.addi %add3A_941, %iota3A_940 : vector<16xi32>
        %select_n3A_943 = arith.select %gt3A_938, %add3A_942, %select_n3A_933 : vector<16xi1>, vector<16xi32>
        %add3A_944 = arith.constant 96 : i32
        %add3A_945 = arith.addi %mul3A_879, %add3A_944 : i32
        %get3A_946 = arith.index_cast %add3A_945 : i32 to index
        %get3A_947 = tpu.vector_load %arg14[%get3A_946] {strides = array<i32>} : memref<20000xf32, #tpu.memory_space<vmem>>, vector<16xf32>,
        %gt3A_948 = arith.cmpf ogt, %get3A_947, %select_n3A_939 : vector<16xf32>
        %select_n3A_949 = arith.select %gt3A_948, %get3A_947, %select_n3A_939 : vector<16xi1>, vector<16xf32>
        %iota3A_950 = tpu.iota {dimensions = array<i32: 0>} : vector<16xi32>
        %add3A_951 = vector.broadcast %add3A_945 : i32 to vector<16xi32>
        %add3A_952 = arith.addi %add3A_951, %iota3A_950 : vector<16xi32>
        %select_n3A_953 = arith.select %gt3A_948, %add3A_952, %select_n3A_943 : vector<16xi1>, vector<16xi32>
        %add3A_954 = arith.constant 112 : i32
        %add3A_955 = arith.addi %mul3A_879, %add3A_954 : i32
        %get3A_956 = arith.index_cast %add3A_955 : i32 to index
        %get3A_957 = tpu.vector_load %arg14[%get3A_956] {strides = array<i32>} : memref<20000xf32, #tpu.memory_space<vmem>>, vector<16xf32>,
        %gt3A_958 = arith.cmpf ogt, %get3A_957, %select_n3A_949 : vector<16xf32>
        %select_n3A_959 = arith.select %gt3A_958, %get3A_957, %select_n3A_949 : vector<16xi1>, vector<16xf32>
        %iota3A_960 = tpu.iota {dimensions = array<i32: 0>} : vector<16xi32>
        %add3A_961 = vector.broadcast %add3A_955 : i32 to vector<16xi32>
        %add3A_962 = arith.addi %add3A_961, %iota3A_960 : vector<16xi32>
        %select_n3A_963 = arith.select %gt3A_958, %add3A_962, %select_n3A_953 : vector<16xi1>, vector<16xi32>
        %add3A_964 = arith.constant 128 : i32
        %add3A_965 = arith.addi %mul3A_879, %add3A_964 : i32
        %get3A_966 = arith.index_cast %add3A_965 : i32 to index
        %get3A_967 = tpu.vector_load %arg14[%get3A_966] {strides = array<i32>} : memref<20000xf32, #tpu.memory_space<vmem>>, vector<16xf32>,
        %gt3A_968 = arith.cmpf ogt, %get3A_967, %select_n3A_959 : vector<16xf32>
        %select_n3A_969 = arith.select %gt3A_968, %get3A_967, %select_n3A_959 : vector<16xi1>, vector<16xf32>
        %iota3A_970 = tpu.iota {dimensions = array<i32: 0>} : vector<16xi32>
        %add3A_971 = vector.broadcast %add3A_965 : i32 to vector<16xi32>
        %add3A_972 = arith.addi %add3A_971, %iota3A_970 : vector<16xi32>
        %select_n3A_973 = arith.select %gt3A_968, %add3A_972, %select_n3A_963 : vector<16xi1>, vector<16xi32>
        %add3A_974 = arith.constant 144 : i32
        %add3A_975 = arith.addi %mul3A_879, %add3A_974 : i32
        %get3A_976 = arith.index_cast %add3A_975 : i32 to index
        %get3A_977 = tpu.vector_load %arg14[%get3A_976] {strides = array<i32>} : memref<20000xf32, #tpu.memory_space<vmem>>, vector<16xf32>,
        %gt3A_978 = arith.cmpf ogt, %get3A_977, %select_n3A_969 : vector<16xf32>
        %select_n3A_979 = arith.select %gt3A_978, %get3A_977, %select_n3A_969 : vector<16xi1>, vector<16xf32>
        %iota3A_980 = tpu.iota {dimensions = array<i32: 0>} : vector<16xi32>
        %add3A_981 = vector.broadcast %add3A_975 : i32 to vector<16xi32>
        %add3A_982 = arith.addi %add3A_981, %iota3A_980 : vector<16xi32>
        %select_n3A_983 = arith.select %gt3A_978, %add3A_982, %select_n3A_973 : vector<16xi1>, vector<16xi32>
        %reduce_max3A_984 = arith.constant true
        %reduce_max3A_985 = vector.broadcast %reduce_max3A_984 : i1 to vector<16xi1>
        %reduce_max3A_986 = tpu.scan <max>, %select_n3A_979 masked %reduce_max3A_985 : vector<16xf32>, vector<16xi1> -> vector<16xf32>
        %reduce_max3A_987 = vector.extract %reduce_max3A_986[15] : f32 from vector<16xf32>
        %eq3A_988 = vector.broadcast %reduce_max3A_987 : f32 to vector<16xf32>
        %eq3A_989 = arith.cmpf oeq, %select_n3A_979, %eq3A_988 : vector<16xf32>
        %jit3A_990 = arith.constant 1073741824 : i32
        %broadcast_in_dim3A_991 = vector.broadcast %jit3A_990 : i32 to vector<16xi32>
        %select_n3A_992 = arith.select %eq3A_989, %select_n3A_983, %broadcast_in_dim3A_991 : vector<16xi1>, vector<16xi32>
        %reduce_min3A_993 = arith.constant true
        %reduce_min3A_994 = vector.broadcast %reduce_min3A_993 : i1 to vector<16xi1>
        %reduce_min3A_995 = arith.constant -2147483648 : i32
        %reduce_min3A_996 = vector.broadcast %reduce_min3A_995 : i32 to vector<16xi32>
        %reduce_min3A_997 = arith.xori %select_n3A_992, %reduce_min3A_996 : vector<16xi32>
        %reduce_min3A_998 = tpu.scan <min>, %reduce_min3A_997 masked %reduce_min3A_994 : vector<16xi32>, vector<16xi1> -> vector<16xi32>
        %reduce_min3A_999 = arith.xori %reduce_min3A_998, %reduce_min3A_996 : vector<16xi32>
        %reduce_min3A_1000 = vector.extract %reduce_min3A_999[15] : i32 from vector<16xi32>
        %jit3A_1001 = arith.constant 16 : i32
        %div3A_1002 = arith.divsi %while3A_200, %jit3A_1001 : i32
        %sign3A_1003 = arith.constant 0 : i32
        %sign3A_1004 = arith.cmpi sgt, %while3A_200, %sign3A_1003 : i32
        %sign3A_1005 = arith.extui %sign3A_1004 : i1 to i32
        %sign3A_1006 = arith.constant 0 : i32
        %sign3A_1007 = arith.cmpi slt, %while3A_200, %sign3A_1006 : i32
        %sign3A_1008 = arith.extui %sign3A_1007 : i1 to i32
        %sign3A_1009 = arith.subi %sign3A_1005, %sign3A_1008 : i32
        %sign3A_1010 = arith.constant 0 : i32
        %sign3A_1011 = arith.cmpi sgt, %jit3A_1001, %sign3A_1010 : i32
        %sign3A_1012 = arith.extui %sign3A_1011 : i1 to i32
        %sign3A_1013 = arith.constant 0 : i32
        %sign3A_1014 = arith.cmpi slt, %jit3A_1001, %sign3A_1013 : i32
        %sign3A_1015 = arith.extui %sign3A_1014 : i1 to i32
        %sign3A_1016 = arith.subi %sign3A_1012, %sign3A_1015 : i32
        %ne3A_1017 = arith.cmpi ne, %sign3A_1009, %sign3A_1016 : i32
        %rem3A_1018 = arith.remsi %while3A_200, %jit3A_1001 : i32
        %ne3A_1019 = arith.constant 0 : i32
        %ne3A_1020 = arith.cmpi ne, %rem3A_1018, %ne3A_1019 : i32
        %and3A_1021 = arith.andi %ne3A_1017, %ne3A_1020 : i1
        %sub3A_1022 = arith.constant 1 : i32
        %sub3A_1023 = arith.subi %div3A_1002, %sub3A_1022 : i32
        %select_n3A_1024 = arith.select %and3A_1021, %sub3A_1023, %div3A_1002 : i32
        %mul3A_1025 = arith.constant 16 : i32
        %mul3A_1026 = arith.muli %select_n3A_1024, %mul3A_1025 : i32
        %get3A_1027 = arith.index_cast %mul3A_1026 : i32 to index
        %get3A_1028 = tpu.vector_load %arg15[%get3A_1027] {strides = array<i32>} : memref<128xf32, #tpu.memory_space<vmem>>, vector<16xf32>,
        %iota3A_1029 = tpu.iota {dimensions = array<i32: 0>} : vector<16xi32>
        %sub3A_1030 = arith.subi %while3A_200, %mul3A_1026 : i32
        %eq3A_1031 = vector.broadcast %sub3A_1030 : i32 to vector<16xi32>
        %eq3A_1032 = arith.cmpi eq, %iota3A_1029, %eq3A_1031 : vector<16xi32>
        %broadcast_in_dim3A_1033 = vector.broadcast %reduce_max3A_987 : f32 to vector<16xf32>
        %select_n3A_1034 = arith.select %eq3A_1032, %broadcast_in_dim3A_1033, %get3A_1028 : vector<16xi1>, vector<16xf32>
        %swap3A_1035 = arith.index_cast %mul3A_1026 : i32 to index
        %swap3A_1036 = tpu.vector_load %arg15[%swap3A_1035] {strides = array<i32>} : memref<128xf32, #tpu.memory_space<vmem>>, vector<16xf32>,
        tpu.vector_store %arg15[%swap3A_1035], %select_n3A_1034 {strides = array<i32>} : memref<128xf32, #tpu.memory_space<vmem>>, vector<16xf32>,
        %jit3A_1037 = arith.constant 16 : i32
        %div3A_1038 = arith.divsi %while3A_200, %jit3A_1037 : i32
        %sign3A_1039 = arith.constant 0 : i32
        %sign3A_1040 = arith.cmpi sgt, %while3A_200, %sign3A_1039 : i32
        %sign3A_1041 = arith.extui %sign3A_1040 : i1 to i32
        %sign3A_1042 = arith.constant 0 : i32
        %sign3A_1043 = arith.cmpi slt, %while3A_200, %sign3A_1042 : i32
        %sign3A_1044 = arith.extui %sign3A_1043 : i1 to i32
        %sign3A_1045 = arith.subi %sign3A_1041, %sign3A_1044 : i32
        %sign3A_1046 = arith.constant 0 : i32
        %sign3A_1047 = arith.cmpi sgt, %jit3A_1037, %sign3A_1046 : i32
        %sign3A_1048 = arith.extui %sign3A_1047 : i1 to i32
        %sign3A_1049 = arith.constant 0 : i32
        %sign3A_1050 = arith.cmpi slt, %jit3A_1037, %sign3A_1049 : i32
        %sign3A_1051 = arith.extui %sign3A_1050 : i1 to i32
        %sign3A_1052 = arith.subi %sign3A_1048, %sign3A_1051 : i32
        %ne3A_1053 = arith.cmpi ne, %sign3A_1045, %sign3A_1052 : i32
        %rem3A_1054 = arith.remsi %while3A_200, %jit3A_1037 : i32
        %ne3A_1055 = arith.constant 0 : i32
        %ne3A_1056 = arith.cmpi ne, %rem3A_1054, %ne3A_1055 : i32
        %and3A_1057 = arith.andi %ne3A_1053, %ne3A_1056 : i1
        %sub3A_1058 = arith.constant 1 : i32
        %sub3A_1059 = arith.subi %div3A_1038, %sub3A_1058 : i32
        %select_n3A_1060 = arith.select %and3A_1057, %sub3A_1059, %div3A_1038 : i32
        %mul3A_1061 = arith.constant 16 : i32
        %mul3A_1062 = arith.muli %select_n3A_1060, %mul3A_1061 : i32
        %get3A_1063 = arith.index_cast %mul3A_1062 : i32 to index
        %get3A_1064 = tpu.vector_load %arg16[%get3A_1063] {strides = array<i32>} : memref<128xi32, #tpu.memory_space<vmem>>, vector<16xi32>,
        %iota3A_1065 = tpu.iota {dimensions = array<i32: 0>} : vector<16xi32>
        %sub3A_1066 = arith.subi %while3A_200, %mul3A_1062 : i32
        %eq3A_1067 = vector.broadcast %sub3A_1066 : i32 to vector<16xi32>
        %eq3A_1068 = arith.cmpi eq, %iota3A_1065, %eq3A_1067 : vector<16xi32>
        %broadcast_in_dim3A_1069 = vector.broadcast %reduce_min3A_1000 : i32 to vector<16xi32>
        %select_n3A_1070 = arith.select %eq3A_1068, %broadcast_in_dim3A_1069, %get3A_1064 : vector<16xi1>, vector<16xi32>
        %swap3A_1071 = arith.index_cast %mul3A_1062 : i32 to index
        %swap3A_1072 = tpu.vector_load %arg16[%swap3A_1071] {strides = array<i32>} : memref<128xi32, #tpu.memory_space<vmem>>, vector<16xi32>,
        tpu.vector_store %arg16[%swap3A_1071], %select_n3A_1070 {strides = array<i32>} : memref<128xi32, #tpu.memory_space<vmem>>, vector<16xi32>,
        %broadcast_in_dim3A_1073 = arith.constant -1.000000e+09 : f32
        %broadcast_in_dim3A_1074 = vector.broadcast %broadcast_in_dim3A_1073 : f32 to vector<16xf32>
        %broadcast_in_dim3A_1075 = arith.constant 0 : i32
        %broadcast_in_dim3A_1076 = vector.broadcast %broadcast_in_dim3A_1075 : i32 to vector<16xi32>
        %get3A_1077 = arith.constant 0 : index
        %get3A_1078 = tpu.vector_load %arg15[%get3A_1077] {strides = array<i32>} : memref<128xf32, #tpu.memory_space<vmem>>, vector<16xf32>,
        %gt3A_1079 = arith.cmpf ogt, %get3A_1078, %broadcast_in_dim3A_1074 : vector<16xf32>
        %select_n3A_1080 = arith.select %gt3A_1079, %get3A_1078, %broadcast_in_dim3A_1074 : vector<16xi1>, vector<16xf32>
        %iota3A_1081 = tpu.iota {dimensions = array<i32: 0>} : vector<16xi32>
        %add3A_1082 = arith.constant 0 : i32
        %add3A_1083 = vector.broadcast %add3A_1082 : i32 to vector<16xi32>
        %add3A_1084 = arith.addi %add3A_1083, %iota3A_1081 : vector<16xi32>
        %select_n3A_1085 = arith.select %gt3A_1079, %add3A_1084, %broadcast_in_dim3A_1076 : vector<16xi1>, vector<16xi32>
        %get3A_1086 = arith.constant 16 : index
        %get3A_1087 = tpu.vector_load %arg15[%get3A_1086] {strides = array<i32>} : memref<128xf32, #tpu.memory_space<vmem>>, vector<16xf32>,
        %gt3A_1088 = arith.cmpf ogt, %get3A_1087, %select_n3A_1080 : vector<16xf32>
        %select_n3A_1089 = arith.select %gt3A_1088, %get3A_1087, %select_n3A_1080 : vector<16xi1>, vector<16xf32>
        %iota3A_1090 = tpu.iota {dimensions = array<i32: 0>} : vector<16xi32>
        %add3A_1091 = arith.constant 16 : i32
        %add3A_1092 = vector.broadcast %add3A_1091 : i32 to vector<16xi32>
        %add3A_1093 = arith.addi %add3A_1092, %iota3A_1090 : vector<16xi32>
        %select_n3A_1094 = arith.select %gt3A_1088, %add3A_1093, %select_n3A_1085 : vector<16xi1>, vector<16xi32>
        %get3A_1095 = arith.constant 32 : index
        %get3A_1096 = tpu.vector_load %arg15[%get3A_1095] {strides = array<i32>} : memref<128xf32, #tpu.memory_space<vmem>>, vector<16xf32>,
        %gt3A_1097 = arith.cmpf ogt, %get3A_1096, %select_n3A_1089 : vector<16xf32>
        %select_n3A_1098 = arith.select %gt3A_1097, %get3A_1096, %select_n3A_1089 : vector<16xi1>, vector<16xf32>
        %iota3A_1099 = tpu.iota {dimensions = array<i32: 0>} : vector<16xi32>
        %add3A_1100 = arith.constant 32 : i32
        %add3A_1101 = vector.broadcast %add3A_1100 : i32 to vector<16xi32>
        %add3A_1102 = arith.addi %add3A_1101, %iota3A_1099 : vector<16xi32>
        %select_n3A_1103 = arith.select %gt3A_1097, %add3A_1102, %select_n3A_1094 : vector<16xi1>, vector<16xi32>
        %get3A_1104 = arith.constant 48 : index
        %get3A_1105 = tpu.vector_load %arg15[%get3A_1104] {strides = array<i32>} : memref<128xf32, #tpu.memory_space<vmem>>, vector<16xf32>,
        %gt3A_1106 = arith.cmpf ogt, %get3A_1105, %select_n3A_1098 : vector<16xf32>
        %select_n3A_1107 = arith.select %gt3A_1106, %get3A_1105, %select_n3A_1098 : vector<16xi1>, vector<16xf32>
        %iota3A_1108 = tpu.iota {dimensions = array<i32: 0>} : vector<16xi32>
        %add3A_1109 = arith.constant 48 : i32
        %add3A_1110 = vector.broadcast %add3A_1109 : i32 to vector<16xi32>
        %add3A_1111 = arith.addi %add3A_1110, %iota3A_1108 : vector<16xi32>
        %select_n3A_1112 = arith.select %gt3A_1106, %add3A_1111, %select_n3A_1103 : vector<16xi1>, vector<16xi32>
        %get3A_1113 = arith.constant 64 : index
        %get3A_1114 = tpu.vector_load %arg15[%get3A_1113] {strides = array<i32>} : memref<128xf32, #tpu.memory_space<vmem>>, vector<16xf32>,
        %gt3A_1115 = arith.cmpf ogt, %get3A_1114, %select_n3A_1107 : vector<16xf32>
        %select_n3A_1116 = arith.select %gt3A_1115, %get3A_1114, %select_n3A_1107 : vector<16xi1>, vector<16xf32>
        %iota3A_1117 = tpu.iota {dimensions = array<i32: 0>} : vector<16xi32>
        %add3A_1118 = arith.constant 64 : i32
        %add3A_1119 = vector.broadcast %add3A_1118 : i32 to vector<16xi32>
        %add3A_1120 = arith.addi %add3A_1119, %iota3A_1117 : vector<16xi32>
        %select_n3A_1121 = arith.select %gt3A_1115, %add3A_1120, %select_n3A_1112 : vector<16xi1>, vector<16xi32>
        %get3A_1122 = arith.constant 80 : index
        %get3A_1123 = tpu.vector_load %arg15[%get3A_1122] {strides = array<i32>} : memref<128xf32, #tpu.memory_space<vmem>>, vector<16xf32>,
        %gt3A_1124 = arith.cmpf ogt, %get3A_1123, %select_n3A_1116 : vector<16xf32>
        %select_n3A_1125 = arith.select %gt3A_1124, %get3A_1123, %select_n3A_1116 : vector<16xi1>, vector<16xf32>
        %iota3A_1126 = tpu.iota {dimensions = array<i32: 0>} : vector<16xi32>
        %add3A_1127 = arith.constant 80 : i32
        %add3A_1128 = vector.broadcast %add3A_1127 : i32 to vector<16xi32>
        %add3A_1129 = arith.addi %add3A_1128, %iota3A_1126 : vector<16xi32>
        %select_n3A_1130 = arith.select %gt3A_1124, %add3A_1129, %select_n3A_1121 : vector<16xi1>, vector<16xi32>
        %get3A_1131 = arith.constant 96 : index
        %get3A_1132 = tpu.vector_load %arg15[%get3A_1131] {strides = array<i32>} : memref<128xf32, #tpu.memory_space<vmem>>, vector<16xf32>,
        %gt3A_1133 = arith.cmpf ogt, %get3A_1132, %select_n3A_1125 : vector<16xf32>
        %select_n3A_1134 = arith.select %gt3A_1133, %get3A_1132, %select_n3A_1125 : vector<16xi1>, vector<16xf32>
        %iota3A_1135 = tpu.iota {dimensions = array<i32: 0>} : vector<16xi32>
        %add3A_1136 = arith.constant 96 : i32
        %add3A_1137 = vector.broadcast %add3A_1136 : i32 to vector<16xi32>
        %add3A_1138 = arith.addi %add3A_1137, %iota3A_1135 : vector<16xi32>
        %select_n3A_1139 = arith.select %gt3A_1133, %add3A_1138, %select_n3A_1130 : vector<16xi1>, vector<16xi32>
        %get3A_1140 = arith.constant 112 : index
        %get3A_1141 = tpu.vector_load %arg15[%get3A_1140] {strides = array<i32>} : memref<128xf32, #tpu.memory_space<vmem>>, vector<16xf32>,
        %gt3A_1142 = arith.cmpf ogt, %get3A_1141, %select_n3A_1134 : vector<16xf32>
        %select_n3A_1143 = arith.select %gt3A_1142, %get3A_1141, %select_n3A_1134 : vector<16xi1>, vector<16xf32>
        %iota3A_1144 = tpu.iota {dimensions = array<i32: 0>} : vector<16xi32>
        %add3A_1145 = arith.constant 112 : i32
        %add3A_1146 = vector.broadcast %add3A_1145 : i32 to vector<16xi32>
        %add3A_1147 = arith.addi %add3A_1146, %iota3A_1144 : vector<16xi32>
        %select_n3A_1148 = arith.select %gt3A_1142, %add3A_1147, %select_n3A_1139 : vector<16xi1>, vector<16xi32>
        %reduce_max3A_1149 = arith.constant true
        %reduce_max3A_1150 = vector.broadcast %reduce_max3A_1149 : i1 to vector<16xi1>
        %reduce_max3A_1151 = tpu.scan <max>, %select_n3A_1143 masked %reduce_max3A_1150 : vector<16xf32>, vector<16xi1> -> vector<16xf32>
        %reduce_max3A_1152 = vector.extract %reduce_max3A_1151[15] : f32 from vector<16xf32>
        %eq3A_1153 = vector.broadcast %reduce_max3A_1152 : f32 to vector<16xf32>
        %eq3A_1154 = arith.cmpf oeq, %select_n3A_1143, %eq3A_1153 : vector<16xf32>
        %jit3A_1155 = arith.constant 1073741824 : i32
        %broadcast_in_dim3A_1156 = vector.broadcast %jit3A_1155 : i32 to vector<16xi32>
        %select_n3A_1157 = arith.select %eq3A_1154, %select_n3A_1148, %broadcast_in_dim3A_1156 : vector<16xi1>, vector<16xi32>
        %reduce_min3A_1158 = arith.constant true
        %reduce_min3A_1159 = vector.broadcast %reduce_min3A_1158 : i1 to vector<16xi1>
        %reduce_min3A_1160 = arith.constant -2147483648 : i32
        %reduce_min3A_1161 = vector.broadcast %reduce_min3A_1160 : i32 to vector<16xi32>
        %reduce_min3A_1162 = arith.xori %select_n3A_1157, %reduce_min3A_1161 : vector<16xi32>
        %reduce_min3A_1163 = tpu.scan <min>, %reduce_min3A_1162 masked %reduce_min3A_1159 : vector<16xi32>, vector<16xi1> -> vector<16xi32>
        %reduce_min3A_1164 = arith.xori %reduce_min3A_1163, %reduce_min3A_1161 : vector<16xi32>
        %reduce_min3A_1165 = vector.extract %reduce_min3A_1164[15] : i32 from vector<16xi32>
        scf.yield %add3A_840, %reduce_max3A_1152, %reduce_min3A_1165 : i32, f32, i32
      }
      %mul3A_193 = arith.constant 2368 : i32
      %mul3A_194 = arith.muli %select_n3A_54, %mul3A_193 : i32
      %mul3A_195 = arith.constant 112 : i32
      %mul3A_196 = arith.muli %add3A_67, %mul3A_195 : i32
      %add3A_197 = arith.addi %mul3A_194, %mul3A_196 : i32
      "tpu.region"() ({
        %run_scoped3A_198 = tpu.sem_alloc : memref<!tpu.dma_semaphore, #tpu.memory_space<semaphore_mem>>
        %dma_start3A = tpu.memref_slice %arg22[%add3A_197] : memref<4736xf32, #tpu.memory_space<vmem_shared>> -> memref<112xf32, #tpu.memory_space<vmem_shared>>
        %dma_start3A_199 = tpu.memref_slice %arg22[%add3A_197] : memref<4736xf32, #tpu.memory_space<vmem_shared>> -> memref<112xf32, #tpu.memory_space<vmem_shared>>
        tpu.enqueue_dma source(%arg17 : memref<112xf32, #tpu.memory_space<vmem>>) target(%dma_start3A_199 : memref<112xf32, #tpu.memory_space<vmem_shared>>) target_semaphore(%run_scoped3A_198 : memref<!tpu.dma_semaphore, #tpu.memory_space<semaphore_mem>>)
        %dma_wait3A = tpu.memref_slice %arg22[%add3A_197] : memref<4736xf32, #tpu.memory_space<vmem_shared>> -> memref<112xf32, #tpu.memory_space<vmem_shared>>
        %dma_wait3A_200 = tpu.memref_slice %arg22[%add3A_197] : memref<4736xf32, #tpu.memory_space<vmem_shared>> -> memref<112xf32, #tpu.memory_space<vmem_shared>>
        tpu.wait_dma2 semaphore(%run_scoped3A_198 : memref<!tpu.dma_semaphore, #tpu.memory_space<semaphore_mem>>) src(%arg17 : memref<112xf32, #tpu.memory_space<vmem>>) dst(%dma_wait3A_200 : memref<112xf32, #tpu.memory_space<vmem_shared>>)
        tpu.yield
      }) : () -> ()
      "tpu.region"() ({
        %run_scoped3A_198 = tpu.sem_alloc : memref<!tpu.dma_semaphore, #tpu.memory_space<semaphore_mem>>
        %dma_start3A = tpu.memref_slice %arg23[%add3A_197] : memref<4736xf32, #tpu.memory_space<vmem_shared>> -> memref<112xf32, #tpu.memory_space<vmem_shared>>
        %dma_start3A_199 = tpu.memref_slice %arg23[%add3A_197] : memref<4736xf32, #tpu.memory_space<vmem_shared>> -> memref<112xf32, #tpu.memory_space<vmem_shared>>
        tpu.enqueue_dma source(%arg18 : memref<112xf32, #tpu.memory_space<vmem>>) target(%dma_start3A_199 : memref<112xf32, #tpu.memory_space<vmem_shared>>) target_semaphore(%run_scoped3A_198 : memref<!tpu.dma_semaphore, #tpu.memory_space<semaphore_mem>>)
        %dma_wait3A = tpu.memref_slice %arg23[%add3A_197] : memref<4736xf32, #tpu.memory_space<vmem_shared>> -> memref<112xf32, #tpu.memory_space<vmem_shared>>
        %dma_wait3A_200 = tpu.memref_slice %arg23[%add3A_197] : memref<4736xf32, #tpu.memory_space<vmem_shared>> -> memref<112xf32, #tpu.memory_space<vmem_shared>>
        tpu.wait_dma2 semaphore(%run_scoped3A_198 : memref<!tpu.dma_semaphore, #tpu.memory_space<semaphore_mem>>) src(%arg18 : memref<112xf32, #tpu.memory_space<vmem>>) dst(%dma_wait3A_200 : memref<112xf32, #tpu.memory_space<vmem_shared>>)
        tpu.yield
      }) : () -> ()
      "tpu.region"() ({
        %run_scoped3A_198 = tpu.sem_alloc : memref<!tpu.dma_semaphore, #tpu.memory_space<semaphore_mem>>
        %dma_start3A = tpu.memref_slice %arg24[%add3A_197] : memref<4736xf32, #tpu.memory_space<vmem_shared>> -> memref<112xf32, #tpu.memory_space<vmem_shared>>
        %dma_start3A_199 = tpu.memref_slice %arg24[%add3A_197] : memref<4736xf32, #tpu.memory_space<vmem_shared>> -> memref<112xf32, #tpu.memory_space<vmem_shared>>
        tpu.enqueue_dma source(%arg19 : memref<112xf32, #tpu.memory_space<vmem>>) target(%dma_start3A_199 : memref<112xf32, #tpu.memory_space<vmem_shared>>) target_semaphore(%run_scoped3A_198 : memref<!tpu.dma_semaphore, #tpu.memory_space<semaphore_mem>>)
        %dma_wait3A = tpu.memref_slice %arg24[%add3A_197] : memref<4736xf32, #tpu.memory_space<vmem_shared>> -> memref<112xf32, #tpu.memory_space<vmem_shared>>
        %dma_wait3A_200 = tpu.memref_slice %arg24[%add3A_197] : memref<4736xf32, #tpu.memory_space<vmem_shared>> -> memref<112xf32, #tpu.memory_space<vmem_shared>>
        tpu.wait_dma2 semaphore(%run_scoped3A_198 : memref<!tpu.dma_semaphore, #tpu.memory_space<semaphore_mem>>) src(%arg19 : memref<112xf32, #tpu.memory_space<vmem>>) dst(%dma_wait3A_200 : memref<112xf32, #tpu.memory_space<vmem_shared>>)
        tpu.yield
      }) : () -> ()
      "tpu.region"() ({
        %run_scoped3A_198 = tpu.sem_alloc : memref<!tpu.dma_semaphore, #tpu.memory_space<semaphore_mem>>
        %dma_start3A = tpu.memref_slice %arg25[%add3A_197] : memref<4736xf32, #tpu.memory_space<vmem_shared>> -> memref<112xf32, #tpu.memory_space<vmem_shared>>
        %dma_start3A_199 = tpu.memref_slice %arg25[%add3A_197] : memref<4736xf32, #tpu.memory_space<vmem_shared>> -> memref<112xf32, #tpu.memory_space<vmem_shared>>
        tpu.enqueue_dma source(%arg20 : memref<112xf32, #tpu.memory_space<vmem>>) target(%dma_start3A_199 : memref<112xf32, #tpu.memory_space<vmem_shared>>) target_semaphore(%run_scoped3A_198 : memref<!tpu.dma_semaphore, #tpu.memory_space<semaphore_mem>>)
        %dma_wait3A = tpu.memref_slice %arg25[%add3A_197] : memref<4736xf32, #tpu.memory_space<vmem_shared>> -> memref<112xf32, #tpu.memory_space<vmem_shared>>
        %dma_wait3A_200 = tpu.memref_slice %arg25[%add3A_197] : memref<4736xf32, #tpu.memory_space<vmem_shared>> -> memref<112xf32, #tpu.memory_space<vmem_shared>>
        tpu.wait_dma2 semaphore(%run_scoped3A_198 : memref<!tpu.dma_semaphore, #tpu.memory_space<semaphore_mem>>) src(%arg20 : memref<112xf32, #tpu.memory_space<vmem>>) dst(%dma_wait3A_200 : memref<112xf32, #tpu.memory_space<vmem_shared>>)
        tpu.yield
      }) : () -> ()
      "tpu.region"() ({
        %run_scoped3A_198 = tpu.sem_alloc : memref<!tpu.dma_semaphore, #tpu.memory_space<semaphore_mem>>
        %dma_start3A = tpu.memref_slice %arg26[%add3A_197] : memref<4736xf32, #tpu.memory_space<vmem_shared>> -> memref<112xf32, #tpu.memory_space<vmem_shared>>
        %dma_start3A_199 = tpu.memref_slice %arg26[%add3A_197] : memref<4736xf32, #tpu.memory_space<vmem_shared>> -> memref<112xf32, #tpu.memory_space<vmem_shared>>
        tpu.enqueue_dma source(%arg21 : memref<112xf32, #tpu.memory_space<vmem>>) target(%dma_start3A_199 : memref<112xf32, #tpu.memory_space<vmem_shared>>) target_semaphore(%run_scoped3A_198 : memref<!tpu.dma_semaphore, #tpu.memory_space<semaphore_mem>>)
        %dma_wait3A = tpu.memref_slice %arg26[%add3A_197] : memref<4736xf32, #tpu.memory_space<vmem_shared>> -> memref<112xf32, #tpu.memory_space<vmem_shared>>
        %dma_wait3A_200 = tpu.memref_slice %arg26[%add3A_197] : memref<4736xf32, #tpu.memory_space<vmem_shared>> -> memref<112xf32, #tpu.memory_space<vmem_shared>>
        tpu.wait_dma2 semaphore(%run_scoped3A_198 : memref<!tpu.dma_semaphore, #tpu.memory_space<semaphore_mem>>) src(%arg21 : memref<112xf32, #tpu.memory_space<vmem>>) dst(%dma_wait3A_200 : memref<112xf32, #tpu.memory_space<vmem_shared>>)
        tpu.yield
      }) : () -> ()
    } else {
    }
    %add3A_73 = arith.constant 16 : i32
    %add3A_74 = arith.addi %select_n3A_30, %add3A_73 : i32
    %lt3A_75 = arith.constant 21 : i32
    %lt3A_76 = arith.cmpi slt, %add3A_74, %lt3A_75 : i32
    %convert_element_type3A_77 = arith.extui %lt3A_76 : i1 to i32
    %cond3A_78 = arith.constant 0 : i32
    %cond3A_79 = arith.cmpi ne, %convert_element_type3A_77, %cond3A_78 : i32
    scf.if %cond3A_79 {
      %mul3A_85 = arith.constant 32 : i32
      %mul3A_86 = arith.muli %add3A, %mul3A_85 : i32
      %add3A_87 = arith.addi %mul3A_86, %add3A_74 : i32
      "tpu.region"() ({
        %run_scoped3A_198 = tpu.sem_alloc : memref<!tpu.dma_semaphore, #tpu.memory_space<semaphore_mem>>
        %dma_start3A = arith.constant 0 : i32
        %dma_start3A_199 = tpu.memref_slice %arg2[%add3A_87, %dma_start3A] : memref<128x20000xf32, #tpu.memory_space<hbm>> -> memref<1x20000xf32, #tpu.memory_space<hbm>>
        %dma_start3A_200 = tpu.memref_squeeze %dma_start3A_199 : memref<1x20000xf32, #tpu.memory_space<hbm>> -> memref<20000xf32, #tpu.memory_space<hbm>>
        %dma_start3A_201 = arith.constant 0 : i32
        %dma_start3A_202 = tpu.memref_slice %arg2[%add3A_87, %dma_start3A_201] : memref<128x20000xf32, #tpu.memory_space<hbm>> -> memref<1x20000xf32, #tpu.memory_space<hbm>>
        %dma_start3A_203 = tpu.memref_squeeze %dma_start3A_202 : memref<1x20000xf32, #tpu.memory_space<hbm>> -> memref<20000xf32, #tpu.memory_space<hbm>>
        tpu.enqueue_dma source(%dma_start3A_203 : memref<20000xf32, #tpu.memory_space<hbm>>) target(%arg14 : memref<20000xf32, #tpu.memory_space<vmem>>) target_semaphore(%run_scoped3A_198 : memref<!tpu.dma_semaphore, #tpu.memory_space<semaphore_mem>>)
        %dma_wait3A = arith.constant 0 : i32
        %dma_wait3A_204 = tpu.memref_slice %arg2[%add3A_87, %dma_wait3A] : memref<128x20000xf32, #tpu.memory_space<hbm>> -> memref<1x20000xf32, #tpu.memory_space<hbm>>
        %dma_wait3A_205 = tpu.memref_squeeze %dma_wait3A_204 : memref<1x20000xf32, #tpu.memory_space<hbm>> -> memref<20000xf32, #tpu.memory_space<hbm>>
        %dma_wait3A_206 = arith.constant 0 : i32
        %dma_wait3A_207 = tpu.memref_slice %arg2[%add3A_87, %dma_wait3A_206] : memref<128x20000xf32, #tpu.memory_space<hbm>> -> memref<1x20000xf32, #tpu.memory_space<hbm>>
        %dma_wait3A_208 = tpu.memref_squeeze %dma_wait3A_207 : memref<1x20000xf32, #tpu.memory_space<hbm>> -> memref<20000xf32, #tpu.memory_space<hbm>>
        tpu.wait_dma2 semaphore(%run_scoped3A_198 : memref<!tpu.dma_semaphore, #tpu.memory_space<semaphore_mem>>) src(%dma_wait3A_208 : memref<20000xf32, #tpu.memory_space<hbm>>) dst(%arg14 : memref<20000xf32, #tpu.memory_space<vmem>>)
        tpu.yield
      }) : () -> ()
      %mul3A_88 = arith.constant 32 : i32
      %mul3A_89 = arith.muli %add3A, %mul3A_88 : i32
      %add3A_90 = arith.addi %mul3A_89, %add3A_74 : i32
      "tpu.region"() ({
        %run_scoped3A_198 = tpu.sem_alloc : memref<!tpu.dma_semaphore, #tpu.memory_space<semaphore_mem>>
        %dma_start3A = arith.constant 0 : i32
        %dma_start3A_199 = tpu.memref_slice %arg4[%add3A_90, %dma_start3A] : memref<128x128xf32, #tpu.memory_space<hbm>> -> memref<1x128xf32, #tpu.memory_space<hbm>>
        %dma_start3A_200 = tpu.memref_squeeze %dma_start3A_199 : memref<1x128xf32, #tpu.memory_space<hbm>> -> memref<128xf32, #tpu.memory_space<hbm>>
        %dma_start3A_201 = arith.constant 0 : i32
        %dma_start3A_202 = tpu.memref_slice %arg4[%add3A_90, %dma_start3A_201] : memref<128x128xf32, #tpu.memory_space<hbm>> -> memref<1x128xf32, #tpu.memory_space<hbm>>
        %dma_start3A_203 = tpu.memref_squeeze %dma_start3A_202 : memref<1x128xf32, #tpu.memory_space<hbm>> -> memref<128xf32, #tpu.memory_space<hbm>>
        tpu.enqueue_dma source(%dma_start3A_203 : memref<128xf32, #tpu.memory_space<hbm>>) target(%arg15 : memref<128xf32, #tpu.memory_space<vmem>>) target_semaphore(%run_scoped3A_198 : memref<!tpu.dma_semaphore, #tpu.memory_space<semaphore_mem>>)
        %dma_wait3A = arith.constant 0 : i32
        %dma_wait3A_204 = tpu.memref_slice %arg4[%add3A_90, %dma_wait3A] : memref<128x128xf32, #tpu.memory_space<hbm>> -> memref<1x128xf32, #tpu.memory_space<hbm>>
        %dma_wait3A_205 = tpu.memref_squeeze %dma_wait3A_204 : memref<1x128xf32, #tpu.memory_space<hbm>> -> memref<128xf32, #tpu.memory_space<hbm>>
        %dma_wait3A_206 = arith.constant 0 : i32
        %dma_wait3A_207 = tpu.memref_slice %arg4[%add3A_90, %dma_wait3A_206] : memref<128x128xf32, #tpu.memory_space<hbm>> -> memref<1x128xf32, #tpu.memory_space<hbm>>
        %dma_wait3A_208 = tpu.memref_squeeze %dma_wait3A_207 : memref<1x128xf32, #tpu.memory_space<hbm>> -> memref<128xf32, #tpu.memory_space<hbm>>
        tpu.wait_dma2 semaphore(%run_scoped3A_198 : memref<!tpu.dma_semaphore, #tpu.memory_space<semaphore_mem>>) src(%dma_wait3A_208 : memref<128xf32, #tpu.memory_space<hbm>>) dst(%arg15 : memref<128xf32, #tpu.memory_space<vmem>>)
        tpu.yield
      }) : () -> ()
      %mul3A_91 = arith.constant 32 : i32
      %mul3A_92 = arith.muli %add3A, %mul3A_91 : i32
      %add3A_93 = arith.addi %mul3A_92, %add3A_74 : i32
      "tpu.region"() ({
        %run_scoped3A_198 = tpu.sem_alloc : memref<!tpu.dma_semaphore, #tpu.memory_space<semaphore_mem>>
        %dma_start3A = arith.constant 0 : i32
        %dma_start3A_199 = tpu.memref_slice %arg16[%dma_start3A] : memref<128xi32, #tpu.memory_space<vmem>> -> memref<128xi32, #tpu.memory_space<vmem>>
        %dma_start3A_200 = arith.constant 0 : i32
        %dma_start3A_201 = tpu.memref_slice %arg5[%add3A_93, %dma_start3A_200] : memref<128x128xi32, #tpu.memory_space<hbm>> -> memref<1x128xi32, #tpu.memory_space<hbm>>
        %dma_start3A_202 = tpu.memref_squeeze %dma_start3A_201 : memref<1x128xi32, #tpu.memory_space<hbm>> -> memref<128xi32, #tpu.memory_space<hbm>>
        %dma_start3A_203 = arith.constant 0 : i32
        %dma_start3A_204 = tpu.memref_slice %arg16[%dma_start3A_203] : memref<128xi32, #tpu.memory_space<vmem>> -> memref<128xi32, #tpu.memory_space<vmem>>
        %dma_start3A_205 = arith.constant 0 : i32
        %dma_start3A_206 = tpu.memref_slice %arg5[%add3A_93, %dma_start3A_205] : memref<128x128xi32, #tpu.memory_space<hbm>> -> memref<1x128xi32, #tpu.memory_space<hbm>>
        %dma_start3A_207 = tpu.memref_squeeze %dma_start3A_206 : memref<1x128xi32, #tpu.memory_space<hbm>> -> memref<128xi32, #tpu.memory_space<hbm>>
        tpu.enqueue_dma source(%dma_start3A_207 : memref<128xi32, #tpu.memory_space<hbm>>) target(%dma_start3A_204 : memref<128xi32, #tpu.memory_space<vmem>>) target_semaphore(%run_scoped3A_198 : memref<!tpu.dma_semaphore, #tpu.memory_space<semaphore_mem>>)
        %dma_wait3A = arith.constant 0 : i32
        %dma_wait3A_208 = tpu.memref_slice %arg16[%dma_wait3A] : memref<128xi32, #tpu.memory_space<vmem>> -> memref<128xi32, #tpu.memory_space<vmem>>
        %dma_wait3A_209 = arith.constant 0 : i32
        %dma_wait3A_210 = tpu.memref_slice %arg5[%add3A_93, %dma_wait3A_209] : memref<128x128xi32, #tpu.memory_space<hbm>> -> memref<1x128xi32, #tpu.memory_space<hbm>>
        %dma_wait3A_211 = tpu.memref_squeeze %dma_wait3A_210 : memref<1x128xi32, #tpu.memory_space<hbm>> -> memref<128xi32, #tpu.memory_space<hbm>>
        %dma_wait3A_212 = arith.constant 0 : i32
        %dma_wait3A_213 = tpu.memref_slice %arg16[%dma_wait3A_212] : memref<128xi32, #tpu.memory_space<vmem>> -> memref<128xi32, #tpu.memory_space<vmem>>
        %dma_wait3A_214 = arith.constant 0 : i32
        %dma_wait3A_215 = tpu.memref_slice %arg5[%add3A_93, %dma_wait3A_214] : memref<128x128xi32, #tpu.memory_space<hbm>> -> memref<1x128xi32, #tpu.memory_space<hbm>>
        %dma_wait3A_216 = tpu.memref_squeeze %dma_wait3A_215 : memref<1x128xi32, #tpu.memory_space<hbm>> -> memref<128xi32, #tpu.memory_space<hbm>>
        tpu.wait_dma2 semaphore(%run_scoped3A_198 : memref<!tpu.dma_semaphore, #tpu.memory_space<semaphore_mem>>) src(%dma_wait3A_216 : memref<128xi32, #tpu.memory_space<hbm>>) dst(%dma_wait3A_213 : memref<128xi32, #tpu.memory_space<vmem>>)
        tpu.yield
      }) : () -> ()
      %broadcast_in_dim3A_94 = arith.constant 0.000000e+00 : f32
      %broadcast_in_dim3A_95 = vector.broadcast %broadcast_in_dim3A_94 : f32 to vector<16xf32>
      %broadcast_in_dim3A_96 = arith.constant -1.000000e+09 : f32
      %broadcast_in_dim3A_97 = vector.broadcast %broadcast_in_dim3A_96 : f32 to vector<16xf32>
      %scan3A = arith.constant 0 : i32
      %scan3A_98 = arith.constant 0 : i32
      %scan3A_99 = arith.constant 7 : i32
      %scan3A_100 = arith.addi %scan3A_98, %scan3A_99 : i32
      %scan3A_101 = arith.constant 1 : i32
      %scan3A_102 = scf.for %scan3A_198 = %scan3A_98 to %scan3A_100 step %scan3A_101 iter_args(%scan3A_199 = %scan3A) -> (i32)  : i32 {
        %mul3A_200 = arith.constant 16 : i32
        %mul3A_201 = arith.muli %scan3A_198, %mul3A_200 : i32
        %swap3A = arith.index_cast %mul3A_201 : i32 to index
        %swap3A_202 = tpu.vector_load %arg17[%swap3A] {strides = array<i32>} : memref<112xf32, #tpu.memory_space<vmem>>, vector<16xf32>,
        tpu.vector_store %arg17[%swap3A], %broadcast_in_dim3A_95 {strides = array<i32>} : memref<112xf32, #tpu.memory_space<vmem>>, vector<16xf32>,
        %swap3A_203 = arith.index_cast %mul3A_201 : i32 to index
        %swap3A_204 = tpu.vector_load %arg18[%swap3A_203] {strides = array<i32>} : memref<112xf32, #tpu.memory_space<vmem>>, vector<16xf32>,
        tpu.vector_store %arg18[%swap3A_203], %broadcast_in_dim3A_95 {strides = array<i32>} : memref<112xf32, #tpu.memory_space<vmem>>, vector<16xf32>,
        %swap3A_205 = arith.index_cast %mul3A_201 : i32 to index
        %swap3A_206 = tpu.vector_load %arg19[%swap3A_205] {strides = array<i32>} : memref<112xf32, #tpu.memory_space<vmem>>, vector<16xf32>,
        tpu.vector_store %arg19[%swap3A_205], %broadcast_in_dim3A_95 {strides = array<i32>} : memref<112xf32, #tpu.memory_space<vmem>>, vector<16xf32>,
        %swap3A_207 = arith.index_cast %mul3A_201 : i32 to index
        %swap3A_208 = tpu.vector_load %arg20[%swap3A_207] {strides = array<i32>} : memref<112xf32, #tpu.memory_space<vmem>>, vector<16xf32>,
        tpu.vector_store %arg20[%swap3A_207], %broadcast_in_dim3A_95 {strides = array<i32>} : memref<112xf32, #tpu.memory_space<vmem>>, vector<16xf32>,
        %swap3A_209 = arith.index_cast %mul3A_201 : i32 to index
        %swap3A_210 = tpu.vector_load %arg21[%swap3A_209] {strides = array<i32>} : memref<112xf32, #tpu.memory_space<vmem>>, vector<16xf32>,
        tpu.vector_store %arg21[%swap3A_209], %broadcast_in_dim3A_97 {strides = array<i32>} : memref<112xf32, #tpu.memory_space<vmem>>, vector<16xf32>,
        %scan3A_211 = arith.constant 0 : i32
        scf.yield %scan3A_211 : i32
      }
      %scan3A_103 = arith.constant 7 : i32
      %broadcast_in_dim3A_104 = arith.constant -1.000000e+09 : f32
      %broadcast_in_dim3A_105 = vector.broadcast %broadcast_in_dim3A_104 : f32 to vector<16xf32>
      %broadcast_in_dim3A_106 = arith.constant 0 : i32
      %broadcast_in_dim3A_107 = vector.broadcast %broadcast_in_dim3A_106 : i32 to vector<16xi32>
      %get3A = arith.constant 0 : index
      %get3A_108 = tpu.vector_load %arg15[%get3A] {strides = array<i32>} : memref<128xf32, #tpu.memory_space<vmem>>, vector<16xf32>,
      %gt3A = arith.cmpf ogt, %get3A_108, %broadcast_in_dim3A_105 : vector<16xf32>
      %select_n3A_109 = arith.select %gt3A, %get3A_108, %broadcast_in_dim3A_105 : vector<16xi1>, vector<16xf32>
      %iota3A = tpu.iota {dimensions = array<i32: 0>} : vector<16xi32>
      %add3A_110 = arith.constant 0 : i32
      %add3A_111 = vector.broadcast %add3A_110 : i32 to vector<16xi32>
      %add3A_112 = arith.addi %add3A_111, %iota3A : vector<16xi32>
      %select_n3A_113 = arith.select %gt3A, %add3A_112, %broadcast_in_dim3A_107 : vector<16xi1>, vector<16xi32>
      %get3A_114 = arith.constant 16 : index
      %get3A_115 = tpu.vector_load %arg15[%get3A_114] {strides = array<i32>} : memref<128xf32, #tpu.memory_space<vmem>>, vector<16xf32>,
      %gt3A_116 = arith.cmpf ogt, %get3A_115, %select_n3A_109 : vector<16xf32>
      %select_n3A_117 = arith.select %gt3A_116, %get3A_115, %select_n3A_109 : vector<16xi1>, vector<16xf32>
      %iota3A_118 = tpu.iota {dimensions = array<i32: 0>} : vector<16xi32>
      %add3A_119 = arith.constant 16 : i32
      %add3A_120 = vector.broadcast %add3A_119 : i32 to vector<16xi32>
      %add3A_121 = arith.addi %add3A_120, %iota3A_118 : vector<16xi32>
      %select_n3A_122 = arith.select %gt3A_116, %add3A_121, %select_n3A_113 : vector<16xi1>, vector<16xi32>
      %get3A_123 = arith.constant 32 : index
      %get3A_124 = tpu.vector_load %arg15[%get3A_123] {strides = array<i32>} : memref<128xf32, #tpu.memory_space<vmem>>, vector<16xf32>,
      %gt3A_125 = arith.cmpf ogt, %get3A_124, %select_n3A_117 : vector<16xf32>
      %select_n3A_126 = arith.select %gt3A_125, %get3A_124, %select_n3A_117 : vector<16xi1>, vector<16xf32>
      %iota3A_127 = tpu.iota {dimensions = array<i32: 0>} : vector<16xi32>
      %add3A_128 = arith.constant 32 : i32
      %add3A_129 = vector.broadcast %add3A_128 : i32 to vector<16xi32>
      %add3A_130 = arith.addi %add3A_129, %iota3A_127 : vector<16xi32>
      %select_n3A_131 = arith.select %gt3A_125, %add3A_130, %select_n3A_122 : vector<16xi1>, vector<16xi32>
      %get3A_132 = arith.constant 48 : index
      %get3A_133 = tpu.vector_load %arg15[%get3A_132] {strides = array<i32>} : memref<128xf32, #tpu.memory_space<vmem>>, vector<16xf32>,
      %gt3A_134 = arith.cmpf ogt, %get3A_133, %select_n3A_126 : vector<16xf32>
      %select_n3A_135 = arith.select %gt3A_134, %get3A_133, %select_n3A_126 : vector<16xi1>, vector<16xf32>
      %iota3A_136 = tpu.iota {dimensions = array<i32: 0>} : vector<16xi32>
      %add3A_137 = arith.constant 48 : i32
      %add3A_138 = vector.broadcast %add3A_137 : i32 to vector<16xi32>
      %add3A_139 = arith.addi %add3A_138, %iota3A_136 : vector<16xi32>
      %select_n3A_140 = arith.select %gt3A_134, %add3A_139, %select_n3A_131 : vector<16xi1>, vector<16xi32>
      %get3A_141 = arith.constant 64 : index
      %get3A_142 = tpu.vector_load %arg15[%get3A_141] {strides = array<i32>} : memref<128xf32, #tpu.memory_space<vmem>>, vector<16xf32>,
      %gt3A_143 = arith.cmpf ogt, %get3A_142, %select_n3A_135 : vector<16xf32>
      %select_n3A_144 = arith.select %gt3A_143, %get3A_142, %select_n3A_135 : vector<16xi1>, vector<16xf32>
      %iota3A_145 = tpu.iota {dimensions = array<i32: 0>} : vector<16xi32>
      %add3A_146 = arith.constant 64 : i32
      %add3A_147 = vector.broadcast %add3A_146 : i32 to vector<16xi32>
      %add3A_148 = arith.addi %add3A_147, %iota3A_145 : vector<16xi32>
      %select_n3A_149 = arith.select %gt3A_143, %add3A_148, %select_n3A_140 : vector<16xi1>, vector<16xi32>
      %get3A_150 = arith.constant 80 : index
      %get3A_151 = tpu.vector_load %arg15[%get3A_150] {strides = array<i32>} : memref<128xf32, #tpu.memory_space<vmem>>, vector<16xf32>,
      %gt3A_152 = arith.cmpf ogt, %get3A_151, %select_n3A_144 : vector<16xf32>
      %select_n3A_153 = arith.select %gt3A_152, %get3A_151, %select_n3A_144 : vector<16xi1>, vector<16xf32>
      %iota3A_154 = tpu.iota {dimensions = array<i32: 0>} : vector<16xi32>
      %add3A_155 = arith.constant 80 : i32
      %add3A_156 = vector.broadcast %add3A_155 : i32 to vector<16xi32>
      %add3A_157 = arith.addi %add3A_156, %iota3A_154 : vector<16xi32>
      %select_n3A_158 = arith.select %gt3A_152, %add3A_157, %select_n3A_149 : vector<16xi1>, vector<16xi32>
      %get3A_159 = arith.constant 96 : index
      %get3A_160 = tpu.vector_load %arg15[%get3A_159] {strides = array<i32>} : memref<128xf32, #tpu.memory_space<vmem>>, vector<16xf32>,
      %gt3A_161 = arith.cmpf ogt, %get3A_160, %select_n3A_153 : vector<16xf32>
      %select_n3A_162 = arith.select %gt3A_161, %get3A_160, %select_n3A_153 : vector<16xi1>, vector<16xf32>
      %iota3A_163 = tpu.iota {dimensions = array<i32: 0>} : vector<16xi32>
      %add3A_164 = arith.constant 96 : i32
      %add3A_165 = vector.broadcast %add3A_164 : i32 to vector<16xi32>
      %add3A_166 = arith.addi %add3A_165, %iota3A_163 : vector<16xi32>
      %select_n3A_167 = arith.select %gt3A_161, %add3A_166, %select_n3A_158 : vector<16xi1>, vector<16xi32>
      %get3A_168 = arith.constant 112 : index
      %get3A_169 = tpu.vector_load %arg15[%get3A_168] {strides = array<i32>} : memref<128xf32, #tpu.memory_space<vmem>>, vector<16xf32>,
      %gt3A_170 = arith.cmpf ogt, %get3A_169, %select_n3A_162 : vector<16xf32>
      %select_n3A_171 = arith.select %gt3A_170, %get3A_169, %select_n3A_162 : vector<16xi1>, vector<16xf32>
      %iota3A_172 = tpu.iota {dimensions = array<i32: 0>} : vector<16xi32>
      %add3A_173 = arith.constant 112 : i32
      %add3A_174 = vector.broadcast %add3A_173 : i32 to vector<16xi32>
      %add3A_175 = arith.addi %add3A_174, %iota3A_172 : vector<16xi32>
      %select_n3A_176 = arith.select %gt3A_170, %add3A_175, %select_n3A_167 : vector<16xi1>, vector<16xi32>
      %reduce_max3A = arith.constant true
      %reduce_max3A_177 = vector.broadcast %reduce_max3A : i1 to vector<16xi1>
      %reduce_max3A_178 = tpu.scan <max>, %select_n3A_171 masked %reduce_max3A_177 : vector<16xf32>, vector<16xi1> -> vector<16xf32>
      %reduce_max3A_179 = vector.extract %reduce_max3A_178[15] : f32 from vector<16xf32>
      %eq3A_180 = vector.broadcast %reduce_max3A_179 : f32 to vector<16xf32>
      %eq3A_181 = arith.cmpf oeq, %select_n3A_171, %eq3A_180 : vector<16xf32>
      %jit3A_182 = arith.constant 1073741824 : i32
      %broadcast_in_dim3A_183 = vector.broadcast %jit3A_182 : i32 to vector<16xi32>
      %select_n3A_184 = arith.select %eq3A_181, %select_n3A_176, %broadcast_in_dim3A_183 : vector<16xi1>, vector<16xi32>
      %reduce_min3A = arith.constant true
      %reduce_min3A_185 = vector.broadcast %reduce_min3A : i1 to vector<16xi1>
      %reduce_min3A_186 = arith.constant -2147483648 : i32
      %reduce_min3A_187 = vector.broadcast %reduce_min3A_186 : i32 to vector<16xi32>
      %reduce_min3A_188 = arith.xori %select_n3A_184, %reduce_min3A_187 : vector<16xi32>
      %reduce_min3A_189 = tpu.scan <min>, %reduce_min3A_188 masked %reduce_min3A_185 : vector<16xi32>, vector<16xi1> -> vector<16xi32>
      %reduce_min3A_190 = arith.xori %reduce_min3A_189, %reduce_min3A_187 : vector<16xi32>
      %reduce_min3A_191 = vector.extract %reduce_min3A_190[15] : i32 from vector<16xi32>
      %while3A = arith.constant 0 : i32
      %while3A_192:3 = scf.while (%while3A_198 = %while3A, %while3A_199 = %reduce_max3A_179, %while3A_200 = %reduce_min3A_191) : (i32, f32, i32) -> (i32, f32, i32) {
        %lt3A_201 = arith.constant 100 : i32
        %lt3A_202 = arith.cmpi slt, %while3A_198, %lt3A_201 : i32
        %gt3A_203 = arith.constant 0.000000e+00 : f32
        %gt3A_204 = arith.cmpf ogt, %while3A_199, %gt3A_203 : f32
        %and3A_205 = arith.andi %lt3A_202, %gt3A_204 : i1
        scf.condition(%and3A_205) %while3A_198, %while3A_199, %while3A_200 : i32, f32, i32
      } do {
      ^bb0(%while3A_198: i32, %while3A_199: f32, %while3A_200: i32):
        %jit3A_201 = arith.constant 16 : i32
        %div3A_202 = arith.divsi %while3A_200, %jit3A_201 : i32
        %sign3A_203 = arith.constant 0 : i32
        %sign3A_204 = arith.cmpi sgt, %while3A_200, %sign3A_203 : i32
        %sign3A_205 = arith.extui %sign3A_204 : i1 to i32
        %sign3A_206 = arith.constant 0 : i32
        %sign3A_207 = arith.cmpi slt, %while3A_200, %sign3A_206 : i32
        %sign3A_208 = arith.extui %sign3A_207 : i1 to i32
        %sign3A_209 = arith.subi %sign3A_205, %sign3A_208 : i32
        %sign3A_210 = arith.constant 0 : i32
        %sign3A_211 = arith.cmpi sgt, %jit3A_201, %sign3A_210 : i32
        %sign3A_212 = arith.extui %sign3A_211 : i1 to i32
        %sign3A_213 = arith.constant 0 : i32
        %sign3A_214 = arith.cmpi slt, %jit3A_201, %sign3A_213 : i32
        %sign3A_215 = arith.extui %sign3A_214 : i1 to i32
        %sign3A_216 = arith.subi %sign3A_212, %sign3A_215 : i32
        %ne3A_217 = arith.cmpi ne, %sign3A_209, %sign3A_216 : i32
        %rem3A_218 = arith.remsi %while3A_200, %jit3A_201 : i32
        %ne3A_219 = arith.constant 0 : i32
        %ne3A_220 = arith.cmpi ne, %rem3A_218, %ne3A_219 : i32
        %and3A_221 = arith.andi %ne3A_217, %ne3A_220 : i1
        %sub3A_222 = arith.constant 1 : i32
        %sub3A_223 = arith.subi %div3A_202, %sub3A_222 : i32
        %select_n3A_224 = arith.select %and3A_221, %sub3A_223, %div3A_202 : i32
        %mul3A_225 = arith.constant 16 : i32
        %mul3A_226 = arith.muli %select_n3A_224, %mul3A_225 : i32
        %get3A_227 = arith.index_cast %mul3A_226 : i32 to index
        %get3A_228 = tpu.vector_load %arg16[%get3A_227] {strides = array<i32>} : memref<128xi32, #tpu.memory_space<vmem>>, vector<16xi32>,
        %iota3A_229 = tpu.iota {dimensions = array<i32: 0>} : vector<16xi32>
        %sub3A_230 = arith.subi %while3A_200, %mul3A_226 : i32
        %eq3A_231 = vector.broadcast %sub3A_230 : i32 to vector<16xi32>
        %eq3A_232 = arith.cmpi eq, %iota3A_229, %eq3A_231 : vector<16xi32>
        %jit3A_233 = arith.constant 0 : i32
        %broadcast_in_dim3A_234 = vector.broadcast %jit3A_233 : i32 to vector<16xi32>
        %select_n3A_235 = arith.select %eq3A_232, %get3A_228, %broadcast_in_dim3A_234 : vector<16xi1>, vector<16xi32>
        %reduce_sum3A = arith.constant true
        %reduce_sum3A_236 = vector.broadcast %reduce_sum3A : i1 to vector<16xi1>
        %reduce_sum3A_237 = tpu.scan <sum>, %select_n3A_235 masked %reduce_sum3A_236 : vector<16xi32>, vector<16xi1> -> vector<16xi32>
        %reduce_sum3A_238 = vector.extract %reduce_sum3A_237[15] : i32 from vector<16xi32>
        %jit3A_239 = arith.constant 16 : i32
        %div3A_240 = arith.divsi %reduce_sum3A_238, %jit3A_239 : i32
        %sign3A_241 = arith.constant 0 : i32
        %sign3A_242 = arith.cmpi sgt, %reduce_sum3A_238, %sign3A_241 : i32
        %sign3A_243 = arith.extui %sign3A_242 : i1 to i32
        %sign3A_244 = arith.constant 0 : i32
        %sign3A_245 = arith.cmpi slt, %reduce_sum3A_238, %sign3A_244 : i32
        %sign3A_246 = arith.extui %sign3A_245 : i1 to i32
        %sign3A_247 = arith.subi %sign3A_243, %sign3A_246 : i32
        %sign3A_248 = arith.constant 0 : i32
        %sign3A_249 = arith.cmpi sgt, %jit3A_239, %sign3A_248 : i32
        %sign3A_250 = arith.extui %sign3A_249 : i1 to i32
        %sign3A_251 = arith.constant 0 : i32
        %sign3A_252 = arith.cmpi slt, %jit3A_239, %sign3A_251 : i32
        %sign3A_253 = arith.extui %sign3A_252 : i1 to i32
        %sign3A_254 = arith.subi %sign3A_250, %sign3A_253 : i32
        %ne3A_255 = arith.cmpi ne, %sign3A_247, %sign3A_254 : i32
        %rem3A_256 = arith.remsi %reduce_sum3A_238, %jit3A_239 : i32
        %ne3A_257 = arith.constant 0 : i32
        %ne3A_258 = arith.cmpi ne, %rem3A_256, %ne3A_257 : i32
        %and3A_259 = arith.andi %ne3A_255, %ne3A_258 : i1
        %sub3A_260 = arith.constant 1 : i32
        %sub3A_261 = arith.subi %div3A_240, %sub3A_260 : i32
        %select_n3A_262 = arith.select %and3A_259, %sub3A_261, %div3A_240 : i32
        %mul3A_263 = arith.constant 16 : i32
        %mul3A_264 = arith.muli %select_n3A_262, %mul3A_263 : i32
        %get3A_265 = arith.index_cast %mul3A_264 : i32 to index
        %get3A_266 = tpu.vector_load %arg10[%get3A_265] {strides = array<i32>} : memref<20016xf32, #tpu.memory_space<vmem>>, vector<16xf32>,
        %sub3A_267 = arith.subi %reduce_sum3A_238, %mul3A_264 : i32
        %broadcast_in_dim3A_268 = vector.broadcast %sub3A_267 : i32 to vector<16xi32>
        %lt3A_269 = arith.constant 0 : i32
        %lt3A_270 = vector.broadcast %lt3A_269 : i32 to vector<16xi32>
        %lt3A_271 = arith.cmpi slt, %broadcast_in_dim3A_268, %lt3A_270 : vector<16xi32>
        %add3A_272 = arith.constant 16 : i32
        %add3A_273 = vector.broadcast %add3A_272 : i32 to vector<16xi32>
        %add3A_274 = arith.addi %broadcast_in_dim3A_268, %add3A_273 : vector<16xi32>
        %select_n3A_275 = arith.select %lt3A_271, %add3A_274, %broadcast_in_dim3A_268 : vector<16xi1>, vector<16xi32>
        %broadcast_in_dim3A_276 = vector.shape_cast %select_n3A_275 : vector<16xi32> to vector<16x1xi32>
        %gather3A = vector.shape_cast %broadcast_in_dim3A_276 : vector<16x1xi32> to vector<16xi32>
        %gather3A_277 = tpu.dynamic_gather %get3A_266[%gather3A] in [0] : vector<16xf32>, vector<16xi32> -> vector<16xf32>
        %jit3A_278 = arith.constant 16 : i32
        %div3A_279 = arith.divsi %reduce_sum3A_238, %jit3A_278 : i32
        %sign3A_280 = arith.constant 0 : i32
        %sign3A_281 = arith.cmpi sgt, %reduce_sum3A_238, %sign3A_280 : i32
        %sign3A_282 = arith.extui %sign3A_281 : i1 to i32
        %sign3A_283 = arith.constant 0 : i32
        %sign3A_284 = arith.cmpi slt, %reduce_sum3A_238, %sign3A_283 : i32
        %sign3A_285 = arith.extui %sign3A_284 : i1 to i32
        %sign3A_286 = arith.subi %sign3A_282, %sign3A_285 : i32
        %sign3A_287 = arith.constant 0 : i32
        %sign3A_288 = arith.cmpi sgt, %jit3A_278, %sign3A_287 : i32
        %sign3A_289 = arith.extui %sign3A_288 : i1 to i32
        %sign3A_290 = arith.constant 0 : i32
        %sign3A_291 = arith.cmpi slt, %jit3A_278, %sign3A_290 : i32
        %sign3A_292 = arith.extui %sign3A_291 : i1 to i32
        %sign3A_293 = arith.subi %sign3A_289, %sign3A_292 : i32
        %ne3A_294 = arith.cmpi ne, %sign3A_286, %sign3A_293 : i32
        %rem3A_295 = arith.remsi %reduce_sum3A_238, %jit3A_278 : i32
        %ne3A_296 = arith.constant 0 : i32
        %ne3A_297 = arith.cmpi ne, %rem3A_295, %ne3A_296 : i32
        %and3A_298 = arith.andi %ne3A_294, %ne3A_297 : i1
        %sub3A_299 = arith.constant 1 : i32
        %sub3A_300 = arith.subi %div3A_279, %sub3A_299 : i32
        %select_n3A_301 = arith.select %and3A_298, %sub3A_300, %div3A_279 : i32
        %mul3A_302 = arith.constant 16 : i32
        %mul3A_303 = arith.muli %select_n3A_301, %mul3A_302 : i32
        %get3A_304 = arith.index_cast %mul3A_303 : i32 to index
        %get3A_305 = tpu.vector_load %arg11[%get3A_304] {strides = array<i32>} : memref<20016xf32, #tpu.memory_space<vmem>>, vector<16xf32>,
        %sub3A_306 = arith.subi %reduce_sum3A_238, %mul3A_303 : i32
        %broadcast_in_dim3A_307 = vector.broadcast %sub3A_306 : i32 to vector<16xi32>
        %lt3A_308 = arith.constant 0 : i32
        %lt3A_309 = vector.broadcast %lt3A_308 : i32 to vector<16xi32>
        %lt3A_310 = arith.cmpi slt, %broadcast_in_dim3A_307, %lt3A_309 : vector<16xi32>
        %add3A_311 = arith.constant 16 : i32
        %add3A_312 = vector.broadcast %add3A_311 : i32 to vector<16xi32>
        %add3A_313 = arith.addi %broadcast_in_dim3A_307, %add3A_312 : vector<16xi32>
        %select_n3A_314 = arith.select %lt3A_310, %add3A_313, %broadcast_in_dim3A_307 : vector<16xi1>, vector<16xi32>
        %broadcast_in_dim3A_315 = vector.shape_cast %select_n3A_314 : vector<16xi32> to vector<16x1xi32>
        %gather3A_316 = vector.shape_cast %broadcast_in_dim3A_315 : vector<16x1xi32> to vector<16xi32>
        %gather3A_317 = tpu.dynamic_gather %get3A_305[%gather3A_316] in [0] : vector<16xf32>, vector<16xi32> -> vector<16xf32>
        %jit3A_318 = arith.constant 16 : i32
        %div3A_319 = arith.divsi %reduce_sum3A_238, %jit3A_318 : i32
        %sign3A_320 = arith.constant 0 : i32
        %sign3A_321 = arith.cmpi sgt, %reduce_sum3A_238, %sign3A_320 : i32
        %sign3A_322 = arith.extui %sign3A_321 : i1 to i32
        %sign3A_323 = arith.constant 0 : i32
        %sign3A_324 = arith.cmpi slt, %reduce_sum3A_238, %sign3A_323 : i32
        %sign3A_325 = arith.extui %sign3A_324 : i1 to i32
        %sign3A_326 = arith.subi %sign3A_322, %sign3A_325 : i32
        %sign3A_327 = arith.constant 0 : i32
        %sign3A_328 = arith.cmpi sgt, %jit3A_318, %sign3A_327 : i32
        %sign3A_329 = arith.extui %sign3A_328 : i1 to i32
        %sign3A_330 = arith.constant 0 : i32
        %sign3A_331 = arith.cmpi slt, %jit3A_318, %sign3A_330 : i32
        %sign3A_332 = arith.extui %sign3A_331 : i1 to i32
        %sign3A_333 = arith.subi %sign3A_329, %sign3A_332 : i32
        %ne3A_334 = arith.cmpi ne, %sign3A_326, %sign3A_333 : i32
        %rem3A_335 = arith.remsi %reduce_sum3A_238, %jit3A_318 : i32
        %ne3A_336 = arith.constant 0 : i32
        %ne3A_337 = arith.cmpi ne, %rem3A_335, %ne3A_336 : i32
        %and3A_338 = arith.andi %ne3A_334, %ne3A_337 : i1
        %sub3A_339 = arith.constant 1 : i32
        %sub3A_340 = arith.subi %div3A_319, %sub3A_339 : i32
        %select_n3A_341 = arith.select %and3A_338, %sub3A_340, %div3A_319 : i32
        %mul3A_342 = arith.constant 16 : i32
        %mul3A_343 = arith.muli %select_n3A_341, %mul3A_342 : i32
        %get3A_344 = arith.index_cast %mul3A_343 : i32 to index
        %get3A_345 = tpu.vector_load %arg12[%get3A_344] {strides = array<i32>} : memref<20016xf32, #tpu.memory_space<vmem>>, vector<16xf32>,
        %sub3A_346 = arith.subi %reduce_sum3A_238, %mul3A_343 : i32
        %broadcast_in_dim3A_347 = vector.broadcast %sub3A_346 : i32 to vector<16xi32>
        %lt3A_348 = arith.constant 0 : i32
        %lt3A_349 = vector.broadcast %lt3A_348 : i32 to vector<16xi32>
        %lt3A_350 = arith.cmpi slt, %broadcast_in_dim3A_347, %lt3A_349 : vector<16xi32>
        %add3A_351 = arith.constant 16 : i32
        %add3A_352 = vector.broadcast %add3A_351 : i32 to vector<16xi32>
        %add3A_353 = arith.addi %broadcast_in_dim3A_347, %add3A_352 : vector<16xi32>
        %select_n3A_354 = arith.select %lt3A_350, %add3A_353, %broadcast_in_dim3A_347 : vector<16xi1>, vector<16xi32>
        %broadcast_in_dim3A_355 = vector.shape_cast %select_n3A_354 : vector<16xi32> to vector<16x1xi32>
        %gather3A_356 = vector.shape_cast %broadcast_in_dim3A_355 : vector<16x1xi32> to vector<16xi32>
        %gather3A_357 = tpu.dynamic_gather %get3A_345[%gather3A_356] in [0] : vector<16xf32>, vector<16xi32> -> vector<16xf32>
        %jit3A_358 = arith.constant 16 : i32
        %div3A_359 = arith.divsi %reduce_sum3A_238, %jit3A_358 : i32
        %sign3A_360 = arith.constant 0 : i32
        %sign3A_361 = arith.cmpi sgt, %reduce_sum3A_238, %sign3A_360 : i32
        %sign3A_362 = arith.extui %sign3A_361 : i1 to i32
        %sign3A_363 = arith.constant 0 : i32
        %sign3A_364 = arith.cmpi slt, %reduce_sum3A_238, %sign3A_363 : i32
        %sign3A_365 = arith.extui %sign3A_364 : i1 to i32
        %sign3A_366 = arith.subi %sign3A_362, %sign3A_365 : i32
        %sign3A_367 = arith.constant 0 : i32
        %sign3A_368 = arith.cmpi sgt, %jit3A_358, %sign3A_367 : i32
        %sign3A_369 = arith.extui %sign3A_368 : i1 to i32
        %sign3A_370 = arith.constant 0 : i32
        %sign3A_371 = arith.cmpi slt, %jit3A_358, %sign3A_370 : i32
        %sign3A_372 = arith.extui %sign3A_371 : i1 to i32
        %sign3A_373 = arith.subi %sign3A_369, %sign3A_372 : i32
        %ne3A_374 = arith.cmpi ne, %sign3A_366, %sign3A_373 : i32
        %rem3A_375 = arith.remsi %reduce_sum3A_238, %jit3A_358 : i32
        %ne3A_376 = arith.constant 0 : i32
        %ne3A_377 = arith.cmpi ne, %rem3A_375, %ne3A_376 : i32
        %and3A_378 = arith.andi %ne3A_374, %ne3A_377 : i1
        %sub3A_379 = arith.constant 1 : i32
        %sub3A_380 = arith.subi %div3A_359, %sub3A_379 : i32
        %select_n3A_381 = arith.select %and3A_378, %sub3A_380, %div3A_359 : i32
        %mul3A_382 = arith.constant 16 : i32
        %mul3A_383 = arith.muli %select_n3A_381, %mul3A_382 : i32
        %get3A_384 = arith.index_cast %mul3A_383 : i32 to index
        %get3A_385 = tpu.vector_load %arg13[%get3A_384] {strides = array<i32>} : memref<20016xf32, #tpu.memory_space<vmem>>, vector<16xf32>,
        %sub3A_386 = arith.subi %reduce_sum3A_238, %mul3A_383 : i32
        %broadcast_in_dim3A_387 = vector.broadcast %sub3A_386 : i32 to vector<16xi32>
        %lt3A_388 = arith.constant 0 : i32
        %lt3A_389 = vector.broadcast %lt3A_388 : i32 to vector<16xi32>
        %lt3A_390 = arith.cmpi slt, %broadcast_in_dim3A_387, %lt3A_389 : vector<16xi32>
        %add3A_391 = arith.constant 16 : i32
        %add3A_392 = vector.broadcast %add3A_391 : i32 to vector<16xi32>
        %add3A_393 = arith.addi %broadcast_in_dim3A_387, %add3A_392 : vector<16xi32>
        %select_n3A_394 = arith.select %lt3A_390, %add3A_393, %broadcast_in_dim3A_387 : vector<16xi1>, vector<16xi32>
        %broadcast_in_dim3A_395 = vector.shape_cast %select_n3A_394 : vector<16xi32> to vector<16x1xi32>
        %gather3A_396 = vector.shape_cast %broadcast_in_dim3A_395 : vector<16x1xi32> to vector<16xi32>
        %gather3A_397 = tpu.dynamic_gather %get3A_385[%gather3A_396] in [0] : vector<16xf32>, vector<16xi32> -> vector<16xf32>
        %sub3A_398 = arith.subf %gather3A_357, %gather3A_277 : vector<16xf32>
        %sub3A_399 = arith.subf %gather3A_397, %gather3A_317 : vector<16xf32>
        %mul3A_400 = arith.mulf %sub3A_398, %sub3A_399 : vector<16xf32>
        %broadcast_in_dim3A_401 = arith.constant false
        %broadcast_in_dim3A_402 = vector.broadcast %broadcast_in_dim3A_401 : i1 to vector<16xi1>
        %get3A_403 = arith.constant 0 : index
        %get3A_404 = tpu.vector_load %arg17[%get3A_403] {strides = array<i32>} : memref<112xf32, #tpu.memory_space<vmem>>, vector<16xf32>,
        %get3A_405 = arith.constant 0 : index
        %get3A_406 = tpu.vector_load %arg18[%get3A_405] {strides = array<i32>} : memref<112xf32, #tpu.memory_space<vmem>>, vector<16xf32>,
        %get3A_407 = arith.constant 0 : index
        %get3A_408 = tpu.vector_load %arg19[%get3A_407] {strides = array<i32>} : memref<112xf32, #tpu.memory_space<vmem>>, vector<16xf32>,
        %get3A_409 = arith.constant 0 : index
        %get3A_410 = tpu.vector_load %arg20[%get3A_409] {strides = array<i32>} : memref<112xf32, #tpu.memory_space<vmem>>, vector<16xf32>,
        %max3A = arith.maximumf %gather3A_277, %get3A_404 : vector<16xf32>
        %max3A_411 = arith.maximumf %gather3A_317, %get3A_406 : vector<16xf32>
        %min3A = arith.minimumf %gather3A_357, %get3A_408 : vector<16xf32>
        %min3A_412 = arith.minimumf %gather3A_397, %get3A_410 : vector<16xf32>
        %sub3A_413 = arith.subf %min3A, %max3A : vector<16xf32>
        %max3A_414 = arith.constant 0.000000e+00 : f32
        %max3A_415 = vector.broadcast %max3A_414 : f32 to vector<16xf32>
        %max3A_416 = arith.maximumf %sub3A_413, %max3A_415 : vector<16xf32>
        %sub3A_417 = arith.subf %min3A_412, %max3A_411 : vector<16xf32>
        %max3A_418 = arith.constant 0.000000e+00 : f32
        %max3A_419 = vector.broadcast %max3A_418 : f32 to vector<16xf32>
        %max3A_420 = arith.maximumf %sub3A_417, %max3A_419 : vector<16xf32>
        %mul3A_421 = arith.mulf %max3A_416, %max3A_420 : vector<16xf32>
        %sub3A_422 = arith.subf %get3A_408, %get3A_404 : vector<16xf32>
        %sub3A_423 = arith.subf %get3A_410, %get3A_406 : vector<16xf32>
        %mul3A_424 = arith.mulf %sub3A_422, %sub3A_423 : vector<16xf32>
        %add3A_425 = arith.addf %mul3A_400, %mul3A_424 : vector<16xf32>
        %sub3A_426 = arith.subf %add3A_425, %mul3A_421 : vector<16xf32>
        %add3A_427 = arith.constant 9.99999993E-9 : f32
        %add3A_428 = vector.broadcast %add3A_427 : f32 to vector<16xf32>
        %add3A_429 = arith.addf %sub3A_426, %add3A_428 : vector<16xf32>
        %div3A_430 = arith.divf %mul3A_421, %add3A_429 : vector<16xf32>
        %gt3A_431 = arith.constant 5.000000e-01 : f32
        %gt3A_432 = vector.broadcast %gt3A_431 : f32 to vector<16xf32>
        %gt3A_433 = arith.cmpf ogt, %div3A_430, %gt3A_432 : vector<16xf32>
        %or3A = arith.ori %broadcast_in_dim3A_402, %gt3A_433 : vector<16xi1>
        %get3A_434 = arith.constant 16 : index
        %get3A_435 = tpu.vector_load %arg17[%get3A_434] {strides = array<i32>} : memref<112xf32, #tpu.memory_space<vmem>>, vector<16xf32>,
        %get3A_436 = arith.constant 16 : index
        %get3A_437 = tpu.vector_load %arg18[%get3A_436] {strides = array<i32>} : memref<112xf32, #tpu.memory_space<vmem>>, vector<16xf32>,
        %get3A_438 = arith.constant 16 : index
        %get3A_439 = tpu.vector_load %arg19[%get3A_438] {strides = array<i32>} : memref<112xf32, #tpu.memory_space<vmem>>, vector<16xf32>,
        %get3A_440 = arith.constant 16 : index
        %get3A_441 = tpu.vector_load %arg20[%get3A_440] {strides = array<i32>} : memref<112xf32, #tpu.memory_space<vmem>>, vector<16xf32>,
        %max3A_442 = arith.maximumf %gather3A_277, %get3A_435 : vector<16xf32>
        %max3A_443 = arith.maximumf %gather3A_317, %get3A_437 : vector<16xf32>
        %min3A_444 = arith.minimumf %gather3A_357, %get3A_439 : vector<16xf32>
        %min3A_445 = arith.minimumf %gather3A_397, %get3A_441 : vector<16xf32>
        %sub3A_446 = arith.subf %min3A_444, %max3A_442 : vector<16xf32>
        %max3A_447 = arith.constant 0.000000e+00 : f32
        %max3A_448 = vector.broadcast %max3A_447 : f32 to vector<16xf32>
        %max3A_449 = arith.maximumf %sub3A_446, %max3A_448 : vector<16xf32>
        %sub3A_450 = arith.subf %min3A_445, %max3A_443 : vector<16xf32>
        %max3A_451 = arith.constant 0.000000e+00 : f32
        %max3A_452 = vector.broadcast %max3A_451 : f32 to vector<16xf32>
        %max3A_453 = arith.maximumf %sub3A_450, %max3A_452 : vector<16xf32>
        %mul3A_454 = arith.mulf %max3A_449, %max3A_453 : vector<16xf32>
        %sub3A_455 = arith.subf %get3A_439, %get3A_435 : vector<16xf32>
        %sub3A_456 = arith.subf %get3A_441, %get3A_437 : vector<16xf32>
        %mul3A_457 = arith.mulf %sub3A_455, %sub3A_456 : vector<16xf32>
        %add3A_458 = arith.addf %mul3A_400, %mul3A_457 : vector<16xf32>
        %sub3A_459 = arith.subf %add3A_458, %mul3A_454 : vector<16xf32>
        %add3A_460 = arith.constant 9.99999993E-9 : f32
        %add3A_461 = vector.broadcast %add3A_460 : f32 to vector<16xf32>
        %add3A_462 = arith.addf %sub3A_459, %add3A_461 : vector<16xf32>
        %div3A_463 = arith.divf %mul3A_454, %add3A_462 : vector<16xf32>
        %gt3A_464 = arith.constant 5.000000e-01 : f32
        %gt3A_465 = vector.broadcast %gt3A_464 : f32 to vector<16xf32>
        %gt3A_466 = arith.cmpf ogt, %div3A_463, %gt3A_465 : vector<16xf32>
        %or3A_467 = arith.ori %or3A, %gt3A_466 : vector<16xi1>
        %get3A_468 = arith.constant 32 : index
        %get3A_469 = tpu.vector_load %arg17[%get3A_468] {strides = array<i32>} : memref<112xf32, #tpu.memory_space<vmem>>, vector<16xf32>,
        %get3A_470 = arith.constant 32 : index
        %get3A_471 = tpu.vector_load %arg18[%get3A_470] {strides = array<i32>} : memref<112xf32, #tpu.memory_space<vmem>>, vector<16xf32>,
        %get3A_472 = arith.constant 32 : index
        %get3A_473 = tpu.vector_load %arg19[%get3A_472] {strides = array<i32>} : memref<112xf32, #tpu.memory_space<vmem>>, vector<16xf32>,
        %get3A_474 = arith.constant 32 : index
        %get3A_475 = tpu.vector_load %arg20[%get3A_474] {strides = array<i32>} : memref<112xf32, #tpu.memory_space<vmem>>, vector<16xf32>,
        %max3A_476 = arith.maximumf %gather3A_277, %get3A_469 : vector<16xf32>
        %max3A_477 = arith.maximumf %gather3A_317, %get3A_471 : vector<16xf32>
        %min3A_478 = arith.minimumf %gather3A_357, %get3A_473 : vector<16xf32>
        %min3A_479 = arith.minimumf %gather3A_397, %get3A_475 : vector<16xf32>
        %sub3A_480 = arith.subf %min3A_478, %max3A_476 : vector<16xf32>
        %max3A_481 = arith.constant 0.000000e+00 : f32
        %max3A_482 = vector.broadcast %max3A_481 : f32 to vector<16xf32>
        %max3A_483 = arith.maximumf %sub3A_480, %max3A_482 : vector<16xf32>
        %sub3A_484 = arith.subf %min3A_479, %max3A_477 : vector<16xf32>
        %max3A_485 = arith.constant 0.000000e+00 : f32
        %max3A_486 = vector.broadcast %max3A_485 : f32 to vector<16xf32>
        %max3A_487 = arith.maximumf %sub3A_484, %max3A_486 : vector<16xf32>
        %mul3A_488 = arith.mulf %max3A_483, %max3A_487 : vector<16xf32>
        %sub3A_489 = arith.subf %get3A_473, %get3A_469 : vector<16xf32>
        %sub3A_490 = arith.subf %get3A_475, %get3A_471 : vector<16xf32>
        %mul3A_491 = arith.mulf %sub3A_489, %sub3A_490 : vector<16xf32>
        %add3A_492 = arith.addf %mul3A_400, %mul3A_491 : vector<16xf32>
        %sub3A_493 = arith.subf %add3A_492, %mul3A_488 : vector<16xf32>
        %add3A_494 = arith.constant 9.99999993E-9 : f32
        %add3A_495 = vector.broadcast %add3A_494 : f32 to vector<16xf32>
        %add3A_496 = arith.addf %sub3A_493, %add3A_495 : vector<16xf32>
        %div3A_497 = arith.divf %mul3A_488, %add3A_496 : vector<16xf32>
        %gt3A_498 = arith.constant 5.000000e-01 : f32
        %gt3A_499 = vector.broadcast %gt3A_498 : f32 to vector<16xf32>
        %gt3A_500 = arith.cmpf ogt, %div3A_497, %gt3A_499 : vector<16xf32>
        %or3A_501 = arith.ori %or3A_467, %gt3A_500 : vector<16xi1>
        %get3A_502 = arith.constant 48 : index
        %get3A_503 = tpu.vector_load %arg17[%get3A_502] {strides = array<i32>} : memref<112xf32, #tpu.memory_space<vmem>>, vector<16xf32>,
        %get3A_504 = arith.constant 48 : index
        %get3A_505 = tpu.vector_load %arg18[%get3A_504] {strides = array<i32>} : memref<112xf32, #tpu.memory_space<vmem>>, vector<16xf32>,
        %get3A_506 = arith.constant 48 : index
        %get3A_507 = tpu.vector_load %arg19[%get3A_506] {strides = array<i32>} : memref<112xf32, #tpu.memory_space<vmem>>, vector<16xf32>,
        %get3A_508 = arith.constant 48 : index
        %get3A_509 = tpu.vector_load %arg20[%get3A_508] {strides = array<i32>} : memref<112xf32, #tpu.memory_space<vmem>>, vector<16xf32>,
        %max3A_510 = arith.maximumf %gather3A_277, %get3A_503 : vector<16xf32>
        %max3A_511 = arith.maximumf %gather3A_317, %get3A_505 : vector<16xf32>
        %min3A_512 = arith.minimumf %gather3A_357, %get3A_507 : vector<16xf32>
        %min3A_513 = arith.minimumf %gather3A_397, %get3A_509 : vector<16xf32>
        %sub3A_514 = arith.subf %min3A_512, %max3A_510 : vector<16xf32>
        %max3A_515 = arith.constant 0.000000e+00 : f32
        %max3A_516 = vector.broadcast %max3A_515 : f32 to vector<16xf32>
        %max3A_517 = arith.maximumf %sub3A_514, %max3A_516 : vector<16xf32>
        %sub3A_518 = arith.subf %min3A_513, %max3A_511 : vector<16xf32>
        %max3A_519 = arith.constant 0.000000e+00 : f32
        %max3A_520 = vector.broadcast %max3A_519 : f32 to vector<16xf32>
        %max3A_521 = arith.maximumf %sub3A_518, %max3A_520 : vector<16xf32>
        %mul3A_522 = arith.mulf %max3A_517, %max3A_521 : vector<16xf32>
        %sub3A_523 = arith.subf %get3A_507, %get3A_503 : vector<16xf32>
        %sub3A_524 = arith.subf %get3A_509, %get3A_505 : vector<16xf32>
        %mul3A_525 = arith.mulf %sub3A_523, %sub3A_524 : vector<16xf32>
        %add3A_526 = arith.addf %mul3A_400, %mul3A_525 : vector<16xf32>
        %sub3A_527 = arith.subf %add3A_526, %mul3A_522 : vector<16xf32>
        %add3A_528 = arith.constant 9.99999993E-9 : f32
        %add3A_529 = vector.broadcast %add3A_528 : f32 to vector<16xf32>
        %add3A_530 = arith.addf %sub3A_527, %add3A_529 : vector<16xf32>
        %div3A_531 = arith.divf %mul3A_522, %add3A_530 : vector<16xf32>
        %gt3A_532 = arith.constant 5.000000e-01 : f32
        %gt3A_533 = vector.broadcast %gt3A_532 : f32 to vector<16xf32>
        %gt3A_534 = arith.cmpf ogt, %div3A_531, %gt3A_533 : vector<16xf32>
        %or3A_535 = arith.ori %or3A_501, %gt3A_534 : vector<16xi1>
        %get3A_536 = arith.constant 64 : index
        %get3A_537 = tpu.vector_load %arg17[%get3A_536] {strides = array<i32>} : memref<112xf32, #tpu.memory_space<vmem>>, vector<16xf32>,
        %get3A_538 = arith.constant 64 : index
        %get3A_539 = tpu.vector_load %arg18[%get3A_538] {strides = array<i32>} : memref<112xf32, #tpu.memory_space<vmem>>, vector<16xf32>,
        %get3A_540 = arith.constant 64 : index
        %get3A_541 = tpu.vector_load %arg19[%get3A_540] {strides = array<i32>} : memref<112xf32, #tpu.memory_space<vmem>>, vector<16xf32>,
        %get3A_542 = arith.constant 64 : index
        %get3A_543 = tpu.vector_load %arg20[%get3A_542] {strides = array<i32>} : memref<112xf32, #tpu.memory_space<vmem>>, vector<16xf32>,
        %max3A_544 = arith.maximumf %gather3A_277, %get3A_537 : vector<16xf32>
        %max3A_545 = arith.maximumf %gather3A_317, %get3A_539 : vector<16xf32>
        %min3A_546 = arith.minimumf %gather3A_357, %get3A_541 : vector<16xf32>
        %min3A_547 = arith.minimumf %gather3A_397, %get3A_543 : vector<16xf32>
        %sub3A_548 = arith.subf %min3A_546, %max3A_544 : vector<16xf32>
        %max3A_549 = arith.constant 0.000000e+00 : f32
        %max3A_550 = vector.broadcast %max3A_549 : f32 to vector<16xf32>
        %max3A_551 = arith.maximumf %sub3A_548, %max3A_550 : vector<16xf32>
        %sub3A_552 = arith.subf %min3A_547, %max3A_545 : vector<16xf32>
        %max3A_553 = arith.constant 0.000000e+00 : f32
        %max3A_554 = vector.broadcast %max3A_553 : f32 to vector<16xf32>
        %max3A_555 = arith.maximumf %sub3A_552, %max3A_554 : vector<16xf32>
        %mul3A_556 = arith.mulf %max3A_551, %max3A_555 : vector<16xf32>
        %sub3A_557 = arith.subf %get3A_541, %get3A_537 : vector<16xf32>
        %sub3A_558 = arith.subf %get3A_543, %get3A_539 : vector<16xf32>
        %mul3A_559 = arith.mulf %sub3A_557, %sub3A_558 : vector<16xf32>
        %add3A_560 = arith.addf %mul3A_400, %mul3A_559 : vector<16xf32>
        %sub3A_561 = arith.subf %add3A_560, %mul3A_556 : vector<16xf32>
        %add3A_562 = arith.constant 9.99999993E-9 : f32
        %add3A_563 = vector.broadcast %add3A_562 : f32 to vector<16xf32>
        %add3A_564 = arith.addf %sub3A_561, %add3A_563 : vector<16xf32>
        %div3A_565 = arith.divf %mul3A_556, %add3A_564 : vector<16xf32>
        %gt3A_566 = arith.constant 5.000000e-01 : f32
        %gt3A_567 = vector.broadcast %gt3A_566 : f32 to vector<16xf32>
        %gt3A_568 = arith.cmpf ogt, %div3A_565, %gt3A_567 : vector<16xf32>
        %or3A_569 = arith.ori %or3A_535, %gt3A_568 : vector<16xi1>
        %get3A_570 = arith.constant 80 : index
        %get3A_571 = tpu.vector_load %arg17[%get3A_570] {strides = array<i32>} : memref<112xf32, #tpu.memory_space<vmem>>, vector<16xf32>,
        %get3A_572 = arith.constant 80 : index
        %get3A_573 = tpu.vector_load %arg18[%get3A_572] {strides = array<i32>} : memref<112xf32, #tpu.memory_space<vmem>>, vector<16xf32>,
        %get3A_574 = arith.constant 80 : index
        %get3A_575 = tpu.vector_load %arg19[%get3A_574] {strides = array<i32>} : memref<112xf32, #tpu.memory_space<vmem>>, vector<16xf32>,
        %get3A_576 = arith.constant 80 : index
        %get3A_577 = tpu.vector_load %arg20[%get3A_576] {strides = array<i32>} : memref<112xf32, #tpu.memory_space<vmem>>, vector<16xf32>,
        %max3A_578 = arith.maximumf %gather3A_277, %get3A_571 : vector<16xf32>
        %max3A_579 = arith.maximumf %gather3A_317, %get3A_573 : vector<16xf32>
        %min3A_580 = arith.minimumf %gather3A_357, %get3A_575 : vector<16xf32>
        %min3A_581 = arith.minimumf %gather3A_397, %get3A_577 : vector<16xf32>
        %sub3A_582 = arith.subf %min3A_580, %max3A_578 : vector<16xf32>
        %max3A_583 = arith.constant 0.000000e+00 : f32
        %max3A_584 = vector.broadcast %max3A_583 : f32 to vector<16xf32>
        %max3A_585 = arith.maximumf %sub3A_582, %max3A_584 : vector<16xf32>
        %sub3A_586 = arith.subf %min3A_581, %max3A_579 : vector<16xf32>
        %max3A_587 = arith.constant 0.000000e+00 : f32
        %max3A_588 = vector.broadcast %max3A_587 : f32 to vector<16xf32>
        %max3A_589 = arith.maximumf %sub3A_586, %max3A_588 : vector<16xf32>
        %mul3A_590 = arith.mulf %max3A_585, %max3A_589 : vector<16xf32>
        %sub3A_591 = arith.subf %get3A_575, %get3A_571 : vector<16xf32>
        %sub3A_592 = arith.subf %get3A_577, %get3A_573 : vector<16xf32>
        %mul3A_593 = arith.mulf %sub3A_591, %sub3A_592 : vector<16xf32>
        %add3A_594 = arith.addf %mul3A_400, %mul3A_593 : vector<16xf32>
        %sub3A_595 = arith.subf %add3A_594, %mul3A_590 : vector<16xf32>
        %add3A_596 = arith.constant 9.99999993E-9 : f32
        %add3A_597 = vector.broadcast %add3A_596 : f32 to vector<16xf32>
        %add3A_598 = arith.addf %sub3A_595, %add3A_597 : vector<16xf32>
        %div3A_599 = arith.divf %mul3A_590, %add3A_598 : vector<16xf32>
        %gt3A_600 = arith.constant 5.000000e-01 : f32
        %gt3A_601 = vector.broadcast %gt3A_600 : f32 to vector<16xf32>
        %gt3A_602 = arith.cmpf ogt, %div3A_599, %gt3A_601 : vector<16xf32>
        %or3A_603 = arith.ori %or3A_569, %gt3A_602 : vector<16xi1>
        %get3A_604 = arith.constant 96 : index
        %get3A_605 = tpu.vector_load %arg17[%get3A_604] {strides = array<i32>} : memref<112xf32, #tpu.memory_space<vmem>>, vector<16xf32>,
        %get3A_606 = arith.constant 96 : index
        %get3A_607 = tpu.vector_load %arg18[%get3A_606] {strides = array<i32>} : memref<112xf32, #tpu.memory_space<vmem>>, vector<16xf32>,
        %get3A_608 = arith.constant 96 : index
        %get3A_609 = tpu.vector_load %arg19[%get3A_608] {strides = array<i32>} : memref<112xf32, #tpu.memory_space<vmem>>, vector<16xf32>,
        %get3A_610 = arith.constant 96 : index
        %get3A_611 = tpu.vector_load %arg20[%get3A_610] {strides = array<i32>} : memref<112xf32, #tpu.memory_space<vmem>>, vector<16xf32>,
        %max3A_612 = arith.maximumf %gather3A_277, %get3A_605 : vector<16xf32>
        %max3A_613 = arith.maximumf %gather3A_317, %get3A_607 : vector<16xf32>
        %min3A_614 = arith.minimumf %gather3A_357, %get3A_609 : vector<16xf32>
        %min3A_615 = arith.minimumf %gather3A_397, %get3A_611 : vector<16xf32>
        %sub3A_616 = arith.subf %min3A_614, %max3A_612 : vector<16xf32>
        %max3A_617 = arith.constant 0.000000e+00 : f32
        %max3A_618 = vector.broadcast %max3A_617 : f32 to vector<16xf32>
        %max3A_619 = arith.maximumf %sub3A_616, %max3A_618 : vector<16xf32>
        %sub3A_620 = arith.subf %min3A_615, %max3A_613 : vector<16xf32>
        %max3A_621 = arith.constant 0.000000e+00 : f32
        %max3A_622 = vector.broadcast %max3A_621 : f32 to vector<16xf32>
        %max3A_623 = arith.maximumf %sub3A_620, %max3A_622 : vector<16xf32>
        %mul3A_624 = arith.mulf %max3A_619, %max3A_623 : vector<16xf32>
        %sub3A_625 = arith.subf %get3A_609, %get3A_605 : vector<16xf32>
        %sub3A_626 = arith.subf %get3A_611, %get3A_607 : vector<16xf32>
        %mul3A_627 = arith.mulf %sub3A_625, %sub3A_626 : vector<16xf32>
        %add3A_628 = arith.addf %mul3A_400, %mul3A_627 : vector<16xf32>
        %sub3A_629 = arith.subf %add3A_628, %mul3A_624 : vector<16xf32>
        %add3A_630 = arith.constant 9.99999993E-9 : f32
        %add3A_631 = vector.broadcast %add3A_630 : f32 to vector<16xf32>
        %add3A_632 = arith.addf %sub3A_629, %add3A_631 : vector<16xf32>
        %div3A_633 = arith.divf %mul3A_624, %add3A_632 : vector<16xf32>
        %gt3A_634 = arith.constant 5.000000e-01 : f32
        %gt3A_635 = vector.broadcast %gt3A_634 : f32 to vector<16xf32>
        %gt3A_636 = arith.cmpf ogt, %div3A_633, %gt3A_635 : vector<16xf32>
        %or3A_637 = arith.ori %or3A_603, %gt3A_636 : vector<16xi1>
        %reduce_or3A = arith.constant 1.000000e+00 : f32
        %reduce_or3A_638 = arith.constant 0.000000e+00 : f32
        %reduce_or3A_639 = vector.broadcast %reduce_or3A : f32 to vector<16xf32>
        %reduce_or3A_640 = vector.broadcast %reduce_or3A_638 : f32 to vector<16xf32>
        %reduce_or3A_641 = arith.select %or3A_637, %reduce_or3A_639, %reduce_or3A_640 : vector<16xi1>, vector<16xf32>
        %reduce_or3A_642 = arith.constant true
        %reduce_or3A_643 = vector.broadcast %reduce_or3A_642 : i1 to vector<16xi1>
        %reduce_or3A_644 = tpu.scan <max>, %reduce_or3A_641 masked %reduce_or3A_643 : vector<16xf32>, vector<16xi1> -> vector<16xf32>
        %reduce_or3A_645 = vector.extract %reduce_or3A_644[15] : f32 from vector<16xf32>
        %reduce_or3A_646 = arith.constant 0.000000e+00 : f32
        %reduce_or3A_647 = arith.cmpf ogt, %reduce_or3A_645, %reduce_or3A_646 : f32
        %jit3A_648 = arith.constant 0.000000e+00 : f32
        %broadcast_in_dim3A_649 = vector.broadcast %jit3A_648 : f32 to vector<16xf32>
        %select_n3A_650 = arith.select %reduce_or3A_647, %broadcast_in_dim3A_649, %gather3A_277 : vector<16xf32>
        %jit3A_651 = arith.constant 16 : i32
        %div3A_652 = arith.divsi %while3A_198, %jit3A_651 : i32
        %sign3A_653 = arith.constant 0 : i32
        %sign3A_654 = arith.cmpi sgt, %while3A_198, %sign3A_653 : i32
        %sign3A_655 = arith.extui %sign3A_654 : i1 to i32
        %sign3A_656 = arith.constant 0 : i32
        %sign3A_657 = arith.cmpi slt, %while3A_198, %sign3A_656 : i32
        %sign3A_658 = arith.extui %sign3A_657 : i1 to i32
        %sign3A_659 = arith.subi %sign3A_655, %sign3A_658 : i32
        %sign3A_660 = arith.constant 0 : i32
        %sign3A_661 = arith.cmpi sgt, %jit3A_651, %sign3A_660 : i32
        %sign3A_662 = arith.extui %sign3A_661 : i1 to i32
        %sign3A_663 = arith.constant 0 : i32
        %sign3A_664 = arith.cmpi slt, %jit3A_651, %sign3A_663 : i32
        %sign3A_665 = arith.extui %sign3A_664 : i1 to i32
        %sign3A_666 = arith.subi %sign3A_662, %sign3A_665 : i32
        %ne3A_667 = arith.cmpi ne, %sign3A_659, %sign3A_666 : i32
        %rem3A_668 = arith.remsi %while3A_198, %jit3A_651 : i32
        %ne3A_669 = arith.constant 0 : i32
        %ne3A_670 = arith.cmpi ne, %rem3A_668, %ne3A_669 : i32
        %and3A_671 = arith.andi %ne3A_667, %ne3A_670 : i1
        %sub3A_672 = arith.constant 1 : i32
        %sub3A_673 = arith.subi %div3A_652, %sub3A_672 : i32
        %select_n3A_674 = arith.select %and3A_671, %sub3A_673, %div3A_652 : i32
        %mul3A_675 = arith.constant 16 : i32
        %mul3A_676 = arith.muli %select_n3A_674, %mul3A_675 : i32
        %get3A_677 = arith.index_cast %mul3A_676 : i32 to index
        %get3A_678 = tpu.vector_load %arg17[%get3A_677] {strides = array<i32>} : memref<112xf32, #tpu.memory_space<vmem>>, vector<16xf32>,
        %iota3A_679 = tpu.iota {dimensions = array<i32: 0>} : vector<16xi32>
        %sub3A_680 = arith.subi %while3A_198, %mul3A_676 : i32
        %eq3A_681 = vector.broadcast %sub3A_680 : i32 to vector<16xi32>
        %eq3A_682 = arith.cmpi eq, %iota3A_679, %eq3A_681 : vector<16xi32>
        %select_n3A_683 = arith.select %eq3A_682, %select_n3A_650, %get3A_678 : vector<16xi1>, vector<16xf32>
        %swap3A = arith.index_cast %mul3A_676 : i32 to index
        %swap3A_684 = tpu.vector_load %arg17[%swap3A] {strides = array<i32>} : memref<112xf32, #tpu.memory_space<vmem>>, vector<16xf32>,
        tpu.vector_store %arg17[%swap3A], %select_n3A_683 {strides = array<i32>} : memref<112xf32, #tpu.memory_space<vmem>>, vector<16xf32>,
        %jit3A_685 = arith.constant 0.000000e+00 : f32
        %broadcast_in_dim3A_686 = vector.broadcast %jit3A_685 : f32 to vector<16xf32>
        %select_n3A_687 = arith.select %reduce_or3A_647, %broadcast_in_dim3A_686, %gather3A_317 : vector<16xf32>
        %jit3A_688 = arith.constant 16 : i32
        %div3A_689 = arith.divsi %while3A_198, %jit3A_688 : i32
        %sign3A_690 = arith.constant 0 : i32
        %sign3A_691 = arith.cmpi sgt, %while3A_198, %sign3A_690 : i32
        %sign3A_692 = arith.extui %sign3A_691 : i1 to i32
        %sign3A_693 = arith.constant 0 : i32
        %sign3A_694 = arith.cmpi slt, %while3A_198, %sign3A_693 : i32
        %sign3A_695 = arith.extui %sign3A_694 : i1 to i32
        %sign3A_696 = arith.subi %sign3A_692, %sign3A_695 : i32
        %sign3A_697 = arith.constant 0 : i32
        %sign3A_698 = arith.cmpi sgt, %jit3A_688, %sign3A_697 : i32
        %sign3A_699 = arith.extui %sign3A_698 : i1 to i32
        %sign3A_700 = arith.constant 0 : i32
        %sign3A_701 = arith.cmpi slt, %jit3A_688, %sign3A_700 : i32
        %sign3A_702 = arith.extui %sign3A_701 : i1 to i32
        %sign3A_703 = arith.subi %sign3A_699, %sign3A_702 : i32
        %ne3A_704 = arith.cmpi ne, %sign3A_696, %sign3A_703 : i32
        %rem3A_705 = arith.remsi %while3A_198, %jit3A_688 : i32
        %ne3A_706 = arith.constant 0 : i32
        %ne3A_707 = arith.cmpi ne, %rem3A_705, %ne3A_706 : i32
        %and3A_708 = arith.andi %ne3A_704, %ne3A_707 : i1
        %sub3A_709 = arith.constant 1 : i32
        %sub3A_710 = arith.subi %div3A_689, %sub3A_709 : i32
        %select_n3A_711 = arith.select %and3A_708, %sub3A_710, %div3A_689 : i32
        %mul3A_712 = arith.constant 16 : i32
        %mul3A_713 = arith.muli %select_n3A_711, %mul3A_712 : i32
        %get3A_714 = arith.index_cast %mul3A_713 : i32 to index
        %get3A_715 = tpu.vector_load %arg18[%get3A_714] {strides = array<i32>} : memref<112xf32, #tpu.memory_space<vmem>>, vector<16xf32>,
        %iota3A_716 = tpu.iota {dimensions = array<i32: 0>} : vector<16xi32>
        %sub3A_717 = arith.subi %while3A_198, %mul3A_713 : i32
        %eq3A_718 = vector.broadcast %sub3A_717 : i32 to vector<16xi32>
        %eq3A_719 = arith.cmpi eq, %iota3A_716, %eq3A_718 : vector<16xi32>
        %select_n3A_720 = arith.select %eq3A_719, %select_n3A_687, %get3A_715 : vector<16xi1>, vector<16xf32>
        %swap3A_721 = arith.index_cast %mul3A_713 : i32 to index
        %swap3A_722 = tpu.vector_load %arg18[%swap3A_721] {strides = array<i32>} : memref<112xf32, #tpu.memory_space<vmem>>, vector<16xf32>,
        tpu.vector_store %arg18[%swap3A_721], %select_n3A_720 {strides = array<i32>} : memref<112xf32, #tpu.memory_space<vmem>>, vector<16xf32>,
        %jit3A_723 = arith.constant 0.000000e+00 : f32
        %broadcast_in_dim3A_724 = vector.broadcast %jit3A_723 : f32 to vector<16xf32>
        %select_n3A_725 = arith.select %reduce_or3A_647, %broadcast_in_dim3A_724, %gather3A_357 : vector<16xf32>
        %jit3A_726 = arith.constant 16 : i32
        %div3A_727 = arith.divsi %while3A_198, %jit3A_726 : i32
        %sign3A_728 = arith.constant 0 : i32
        %sign3A_729 = arith.cmpi sgt, %while3A_198, %sign3A_728 : i32
        %sign3A_730 = arith.extui %sign3A_729 : i1 to i32
        %sign3A_731 = arith.constant 0 : i32
        %sign3A_732 = arith.cmpi slt, %while3A_198, %sign3A_731 : i32
        %sign3A_733 = arith.extui %sign3A_732 : i1 to i32
        %sign3A_734 = arith.subi %sign3A_730, %sign3A_733 : i32
        %sign3A_735 = arith.constant 0 : i32
        %sign3A_736 = arith.cmpi sgt, %jit3A_726, %sign3A_735 : i32
        %sign3A_737 = arith.extui %sign3A_736 : i1 to i32
        %sign3A_738 = arith.constant 0 : i32
        %sign3A_739 = arith.cmpi slt, %jit3A_726, %sign3A_738 : i32
        %sign3A_740 = arith.extui %sign3A_739 : i1 to i32
        %sign3A_741 = arith.subi %sign3A_737, %sign3A_740 : i32
        %ne3A_742 = arith.cmpi ne, %sign3A_734, %sign3A_741 : i32
        %rem3A_743 = arith.remsi %while3A_198, %jit3A_726 : i32
        %ne3A_744 = arith.constant 0 : i32
        %ne3A_745 = arith.cmpi ne, %rem3A_743, %ne3A_744 : i32
        %and3A_746 = arith.andi %ne3A_742, %ne3A_745 : i1
        %sub3A_747 = arith.constant 1 : i32
        %sub3A_748 = arith.subi %div3A_727, %sub3A_747 : i32
        %select_n3A_749 = arith.select %and3A_746, %sub3A_748, %div3A_727 : i32
        %mul3A_750 = arith.constant 16 : i32
        %mul3A_751 = arith.muli %select_n3A_749, %mul3A_750 : i32
        %get3A_752 = arith.index_cast %mul3A_751 : i32 to index
        %get3A_753 = tpu.vector_load %arg19[%get3A_752] {strides = array<i32>} : memref<112xf32, #tpu.memory_space<vmem>>, vector<16xf32>,
        %iota3A_754 = tpu.iota {dimensions = array<i32: 0>} : vector<16xi32>
        %sub3A_755 = arith.subi %while3A_198, %mul3A_751 : i32
        %eq3A_756 = vector.broadcast %sub3A_755 : i32 to vector<16xi32>
        %eq3A_757 = arith.cmpi eq, %iota3A_754, %eq3A_756 : vector<16xi32>
        %select_n3A_758 = arith.select %eq3A_757, %select_n3A_725, %get3A_753 : vector<16xi1>, vector<16xf32>
        %swap3A_759 = arith.index_cast %mul3A_751 : i32 to index
        %swap3A_760 = tpu.vector_load %arg19[%swap3A_759] {strides = array<i32>} : memref<112xf32, #tpu.memory_space<vmem>>, vector<16xf32>,
        tpu.vector_store %arg19[%swap3A_759], %select_n3A_758 {strides = array<i32>} : memref<112xf32, #tpu.memory_space<vmem>>, vector<16xf32>,
        %jit3A_761 = arith.constant 0.000000e+00 : f32
        %broadcast_in_dim3A_762 = vector.broadcast %jit3A_761 : f32 to vector<16xf32>
        %select_n3A_763 = arith.select %reduce_or3A_647, %broadcast_in_dim3A_762, %gather3A_397 : vector<16xf32>
        %jit3A_764 = arith.constant 16 : i32
        %div3A_765 = arith.divsi %while3A_198, %jit3A_764 : i32
        %sign3A_766 = arith.constant 0 : i32
        %sign3A_767 = arith.cmpi sgt, %while3A_198, %sign3A_766 : i32
        %sign3A_768 = arith.extui %sign3A_767 : i1 to i32
        %sign3A_769 = arith.constant 0 : i32
        %sign3A_770 = arith.cmpi slt, %while3A_198, %sign3A_769 : i32
        %sign3A_771 = arith.extui %sign3A_770 : i1 to i32
        %sign3A_772 = arith.subi %sign3A_768, %sign3A_771 : i32
        %sign3A_773 = arith.constant 0 : i32
        %sign3A_774 = arith.cmpi sgt, %jit3A_764, %sign3A_773 : i32
        %sign3A_775 = arith.extui %sign3A_774 : i1 to i32
        %sign3A_776 = arith.constant 0 : i32
        %sign3A_777 = arith.cmpi slt, %jit3A_764, %sign3A_776 : i32
        %sign3A_778 = arith.extui %sign3A_777 : i1 to i32
        %sign3A_779 = arith.subi %sign3A_775, %sign3A_778 : i32
        %ne3A_780 = arith.cmpi ne, %sign3A_772, %sign3A_779 : i32
        %rem3A_781 = arith.remsi %while3A_198, %jit3A_764 : i32
        %ne3A_782 = arith.constant 0 : i32
        %ne3A_783 = arith.cmpi ne, %rem3A_781, %ne3A_782 : i32
        %and3A_784 = arith.andi %ne3A_780, %ne3A_783 : i1
        %sub3A_785 = arith.constant 1 : i32
        %sub3A_786 = arith.subi %div3A_765, %sub3A_785 : i32
        %select_n3A_787 = arith.select %and3A_784, %sub3A_786, %div3A_765 : i32
        %mul3A_788 = arith.constant 16 : i32
        %mul3A_789 = arith.muli %select_n3A_787, %mul3A_788 : i32
        %get3A_790 = arith.index_cast %mul3A_789 : i32 to index
        %get3A_791 = tpu.vector_load %arg20[%get3A_790] {strides = array<i32>} : memref<112xf32, #tpu.memory_space<vmem>>, vector<16xf32>,
        %iota3A_792 = tpu.iota {dimensions = array<i32: 0>} : vector<16xi32>
        %sub3A_793 = arith.subi %while3A_198, %mul3A_789 : i32
        %eq3A_794 = vector.broadcast %sub3A_793 : i32 to vector<16xi32>
        %eq3A_795 = arith.cmpi eq, %iota3A_792, %eq3A_794 : vector<16xi32>
        %select_n3A_796 = arith.select %eq3A_795, %select_n3A_763, %get3A_791 : vector<16xi1>, vector<16xf32>
        %swap3A_797 = arith.index_cast %mul3A_789 : i32 to index
        %swap3A_798 = tpu.vector_load %arg20[%swap3A_797] {strides = array<i32>} : memref<112xf32, #tpu.memory_space<vmem>>, vector<16xf32>,
        tpu.vector_store %arg20[%swap3A_797], %select_n3A_796 {strides = array<i32>} : memref<112xf32, #tpu.memory_space<vmem>>, vector<16xf32>,
        %jit3A_799 = arith.constant -1.000000e+09 : f32
        %select_n3A_800 = arith.select %reduce_or3A_647, %jit3A_799, %while3A_199 : f32
        %jit3A_801 = arith.constant 16 : i32
        %div3A_802 = arith.divsi %while3A_198, %jit3A_801 : i32
        %sign3A_803 = arith.constant 0 : i32
        %sign3A_804 = arith.cmpi sgt, %while3A_198, %sign3A_803 : i32
        %sign3A_805 = arith.extui %sign3A_804 : i1 to i32
        %sign3A_806 = arith.constant 0 : i32
        %sign3A_807 = arith.cmpi slt, %while3A_198, %sign3A_806 : i32
        %sign3A_808 = arith.extui %sign3A_807 : i1 to i32
        %sign3A_809 = arith.subi %sign3A_805, %sign3A_808 : i32
        %sign3A_810 = arith.constant 0 : i32
        %sign3A_811 = arith.cmpi sgt, %jit3A_801, %sign3A_810 : i32
        %sign3A_812 = arith.extui %sign3A_811 : i1 to i32
        %sign3A_813 = arith.constant 0 : i32
        %sign3A_814 = arith.cmpi slt, %jit3A_801, %sign3A_813 : i32
        %sign3A_815 = arith.extui %sign3A_814 : i1 to i32
        %sign3A_816 = arith.subi %sign3A_812, %sign3A_815 : i32
        %ne3A_817 = arith.cmpi ne, %sign3A_809, %sign3A_816 : i32
        %rem3A_818 = arith.remsi %while3A_198, %jit3A_801 : i32
        %ne3A_819 = arith.constant 0 : i32
        %ne3A_820 = arith.cmpi ne, %rem3A_818, %ne3A_819 : i32
        %and3A_821 = arith.andi %ne3A_817, %ne3A_820 : i1
        %sub3A_822 = arith.constant 1 : i32
        %sub3A_823 = arith.subi %div3A_802, %sub3A_822 : i32
        %select_n3A_824 = arith.select %and3A_821, %sub3A_823, %div3A_802 : i32
        %mul3A_825 = arith.constant 16 : i32
        %mul3A_826 = arith.muli %select_n3A_824, %mul3A_825 : i32
        %get3A_827 = arith.index_cast %mul3A_826 : i32 to index
        %get3A_828 = tpu.vector_load %arg21[%get3A_827] {strides = array<i32>} : memref<112xf32, #tpu.memory_space<vmem>>, vector<16xf32>,
        %iota3A_829 = tpu.iota {dimensions = array<i32: 0>} : vector<16xi32>
        %sub3A_830 = arith.subi %while3A_198, %mul3A_826 : i32
        %eq3A_831 = vector.broadcast %sub3A_830 : i32 to vector<16xi32>
        %eq3A_832 = arith.cmpi eq, %iota3A_829, %eq3A_831 : vector<16xi32>
        %broadcast_in_dim3A_833 = vector.broadcast %select_n3A_800 : f32 to vector<16xf32>
        %select_n3A_834 = arith.select %eq3A_832, %broadcast_in_dim3A_833, %get3A_828 : vector<16xi1>, vector<16xf32>
        %swap3A_835 = arith.index_cast %mul3A_826 : i32 to index
        %swap3A_836 = tpu.vector_load %arg21[%swap3A_835] {strides = array<i32>} : memref<112xf32, #tpu.memory_space<vmem>>, vector<16xf32>,
        tpu.vector_store %arg21[%swap3A_835], %select_n3A_834 {strides = array<i32>} : memref<112xf32, #tpu.memory_space<vmem>>, vector<16xf32>,
        %jit3A_837 = arith.constant 0 : i32
        %jit3A_838 = arith.constant 1 : i32
        %select_n3A_839 = arith.select %reduce_or3A_647, %jit3A_837, %jit3A_838 : i32
        %add3A_840 = arith.addi %while3A_198, %select_n3A_839 : i32
        %jit3A_841 = arith.constant 16 : i32
        %div3A_842 = arith.divsi %reduce_sum3A_238, %jit3A_841 : i32
        %sign3A_843 = arith.constant 0 : i32
        %sign3A_844 = arith.cmpi sgt, %reduce_sum3A_238, %sign3A_843 : i32
        %sign3A_845 = arith.extui %sign3A_844 : i1 to i32
        %sign3A_846 = arith.constant 0 : i32
        %sign3A_847 = arith.cmpi slt, %reduce_sum3A_238, %sign3A_846 : i32
        %sign3A_848 = arith.extui %sign3A_847 : i1 to i32
        %sign3A_849 = arith.subi %sign3A_845, %sign3A_848 : i32
        %sign3A_850 = arith.constant 0 : i32
        %sign3A_851 = arith.cmpi sgt, %jit3A_841, %sign3A_850 : i32
        %sign3A_852 = arith.extui %sign3A_851 : i1 to i32
        %sign3A_853 = arith.constant 0 : i32
        %sign3A_854 = arith.cmpi slt, %jit3A_841, %sign3A_853 : i32
        %sign3A_855 = arith.extui %sign3A_854 : i1 to i32
        %sign3A_856 = arith.subi %sign3A_852, %sign3A_855 : i32
        %ne3A_857 = arith.cmpi ne, %sign3A_849, %sign3A_856 : i32
        %rem3A_858 = arith.remsi %reduce_sum3A_238, %jit3A_841 : i32
        %ne3A_859 = arith.constant 0 : i32
        %ne3A_860 = arith.cmpi ne, %rem3A_858, %ne3A_859 : i32
        %and3A_861 = arith.andi %ne3A_857, %ne3A_860 : i1
        %sub3A_862 = arith.constant 1 : i32
        %sub3A_863 = arith.subi %div3A_842, %sub3A_862 : i32
        %select_n3A_864 = arith.select %and3A_861, %sub3A_863, %div3A_842 : i32
        %mul3A_865 = arith.constant 16 : i32
        %mul3A_866 = arith.muli %select_n3A_864, %mul3A_865 : i32
        %get3A_867 = arith.index_cast %mul3A_866 : i32 to index
        %get3A_868 = tpu.vector_load %arg14[%get3A_867] {strides = array<i32>} : memref<20000xf32, #tpu.memory_space<vmem>>, vector<16xf32>,
        %iota3A_869 = tpu.iota {dimensions = array<i32: 0>} : vector<16xi32>
        %sub3A_870 = arith.subi %reduce_sum3A_238, %mul3A_866 : i32
        %eq3A_871 = vector.broadcast %sub3A_870 : i32 to vector<16xi32>
        %eq3A_872 = arith.cmpi eq, %iota3A_869, %eq3A_871 : vector<16xi32>
        %jit3A_873 = arith.constant -1.000000e+09 : f32
        %broadcast_in_dim3A_874 = vector.broadcast %jit3A_873 : f32 to vector<16xf32>
        %select_n3A_875 = arith.select %eq3A_872, %broadcast_in_dim3A_874, %get3A_868 : vector<16xi1>, vector<16xf32>
        %swap3A_876 = arith.index_cast %mul3A_866 : i32 to index
        %swap3A_877 = tpu.vector_load %arg14[%swap3A_876] {strides = array<i32>} : memref<20000xf32, #tpu.memory_space<vmem>>, vector<16xf32>,
        tpu.vector_store %arg14[%swap3A_876], %select_n3A_875 {strides = array<i32>} : memref<20000xf32, #tpu.memory_space<vmem>>, vector<16xf32>,
        %mul3A_878 = arith.constant 160 : i32
        %mul3A_879 = arith.muli %while3A_200, %mul3A_878 : i32
        %broadcast_in_dim3A_880 = arith.constant -1.000000e+09 : f32
        %broadcast_in_dim3A_881 = vector.broadcast %broadcast_in_dim3A_880 : f32 to vector<16xf32>
        %broadcast_in_dim3A_882 = arith.constant 0 : i32
        %broadcast_in_dim3A_883 = vector.broadcast %broadcast_in_dim3A_882 : i32 to vector<16xi32>
        %add3A_884 = arith.constant 0 : i32
        %add3A_885 = arith.addi %mul3A_879, %add3A_884 : i32
        %get3A_886 = arith.index_cast %add3A_885 : i32 to index
        %get3A_887 = tpu.vector_load %arg14[%get3A_886] {strides = array<i32>} : memref<20000xf32, #tpu.memory_space<vmem>>, vector<16xf32>,
        %gt3A_888 = arith.cmpf ogt, %get3A_887, %broadcast_in_dim3A_881 : vector<16xf32>
        %select_n3A_889 = arith.select %gt3A_888, %get3A_887, %broadcast_in_dim3A_881 : vector<16xi1>, vector<16xf32>
        %iota3A_890 = tpu.iota {dimensions = array<i32: 0>} : vector<16xi32>
        %add3A_891 = vector.broadcast %add3A_885 : i32 to vector<16xi32>
        %add3A_892 = arith.addi %add3A_891, %iota3A_890 : vector<16xi32>
        %select_n3A_893 = arith.select %gt3A_888, %add3A_892, %broadcast_in_dim3A_883 : vector<16xi1>, vector<16xi32>
        %add3A_894 = arith.constant 16 : i32
        %add3A_895 = arith.addi %mul3A_879, %add3A_894 : i32
        %get3A_896 = arith.index_cast %add3A_895 : i32 to index
        %get3A_897 = tpu.vector_load %arg14[%get3A_896] {strides = array<i32>} : memref<20000xf32, #tpu.memory_space<vmem>>, vector<16xf32>,
        %gt3A_898 = arith.cmpf ogt, %get3A_897, %select_n3A_889 : vector<16xf32>
        %select_n3A_899 = arith.select %gt3A_898, %get3A_897, %select_n3A_889 : vector<16xi1>, vector<16xf32>
        %iota3A_900 = tpu.iota {dimensions = array<i32: 0>} : vector<16xi32>
        %add3A_901 = vector.broadcast %add3A_895 : i32 to vector<16xi32>
        %add3A_902 = arith.addi %add3A_901, %iota3A_900 : vector<16xi32>
        %select_n3A_903 = arith.select %gt3A_898, %add3A_902, %select_n3A_893 : vector<16xi1>, vector<16xi32>
        %add3A_904 = arith.constant 32 : i32
        %add3A_905 = arith.addi %mul3A_879, %add3A_904 : i32
        %get3A_906 = arith.index_cast %add3A_905 : i32 to index
        %get3A_907 = tpu.vector_load %arg14[%get3A_906] {strides = array<i32>} : memref<20000xf32, #tpu.memory_space<vmem>>, vector<16xf32>,
        %gt3A_908 = arith.cmpf ogt, %get3A_907, %select_n3A_899 : vector<16xf32>
        %select_n3A_909 = arith.select %gt3A_908, %get3A_907, %select_n3A_899 : vector<16xi1>, vector<16xf32>
        %iota3A_910 = tpu.iota {dimensions = array<i32: 0>} : vector<16xi32>
        %add3A_911 = vector.broadcast %add3A_905 : i32 to vector<16xi32>
        %add3A_912 = arith.addi %add3A_911, %iota3A_910 : vector<16xi32>
        %select_n3A_913 = arith.select %gt3A_908, %add3A_912, %select_n3A_903 : vector<16xi1>, vector<16xi32>
        %add3A_914 = arith.constant 48 : i32
        %add3A_915 = arith.addi %mul3A_879, %add3A_914 : i32
        %get3A_916 = arith.index_cast %add3A_915 : i32 to index
        %get3A_917 = tpu.vector_load %arg14[%get3A_916] {strides = array<i32>} : memref<20000xf32, #tpu.memory_space<vmem>>, vector<16xf32>,
        %gt3A_918 = arith.cmpf ogt, %get3A_917, %select_n3A_909 : vector<16xf32>
        %select_n3A_919 = arith.select %gt3A_918, %get3A_917, %select_n3A_909 : vector<16xi1>, vector<16xf32>
        %iota3A_920 = tpu.iota {dimensions = array<i32: 0>} : vector<16xi32>
        %add3A_921 = vector.broadcast %add3A_915 : i32 to vector<16xi32>
        %add3A_922 = arith.addi %add3A_921, %iota3A_920 : vector<16xi32>
        %select_n3A_923 = arith.select %gt3A_918, %add3A_922, %select_n3A_913 : vector<16xi1>, vector<16xi32>
        %add3A_924 = arith.constant 64 : i32
        %add3A_925 = arith.addi %mul3A_879, %add3A_924 : i32
        %get3A_926 = arith.index_cast %add3A_925 : i32 to index
        %get3A_927 = tpu.vector_load %arg14[%get3A_926] {strides = array<i32>} : memref<20000xf32, #tpu.memory_space<vmem>>, vector<16xf32>,
        %gt3A_928 = arith.cmpf ogt, %get3A_927, %select_n3A_919 : vector<16xf32>
        %select_n3A_929 = arith.select %gt3A_928, %get3A_927, %select_n3A_919 : vector<16xi1>, vector<16xf32>
        %iota3A_930 = tpu.iota {dimensions = array<i32: 0>} : vector<16xi32>
        %add3A_931 = vector.broadcast %add3A_925 : i32 to vector<16xi32>
        %add3A_932 = arith.addi %add3A_931, %iota3A_930 : vector<16xi32>
        %select_n3A_933 = arith.select %gt3A_928, %add3A_932, %select_n3A_923 : vector<16xi1>, vector<16xi32>
        %add3A_934 = arith.constant 80 : i32
        %add3A_935 = arith.addi %mul3A_879, %add3A_934 : i32
        %get3A_936 = arith.index_cast %add3A_935 : i32 to index
        %get3A_937 = tpu.vector_load %arg14[%get3A_936] {strides = array<i32>} : memref<20000xf32, #tpu.memory_space<vmem>>, vector<16xf32>,
        %gt3A_938 = arith.cmpf ogt, %get3A_937, %select_n3A_929 : vector<16xf32>
        %select_n3A_939 = arith.select %gt3A_938, %get3A_937, %select_n3A_929 : vector<16xi1>, vector<16xf32>
        %iota3A_940 = tpu.iota {dimensions = array<i32: 0>} : vector<16xi32>
        %add3A_941 = vector.broadcast %add3A_935 : i32 to vector<16xi32>
        %add3A_942 = arith.addi %add3A_941, %iota3A_940 : vector<16xi32>
        %select_n3A_943 = arith.select %gt3A_938, %add3A_942, %select_n3A_933 : vector<16xi1>, vector<16xi32>
        %add3A_944 = arith.constant 96 : i32
        %add3A_945 = arith.addi %mul3A_879, %add3A_944 : i32
        %get3A_946 = arith.index_cast %add3A_945 : i32 to index
        %get3A_947 = tpu.vector_load %arg14[%get3A_946] {strides = array<i32>} : memref<20000xf32, #tpu.memory_space<vmem>>, vector<16xf32>,
        %gt3A_948 = arith.cmpf ogt, %get3A_947, %select_n3A_939 : vector<16xf32>
        %select_n3A_949 = arith.select %gt3A_948, %get3A_947, %select_n3A_939 : vector<16xi1>, vector<16xf32>
        %iota3A_950 = tpu.iota {dimensions = array<i32: 0>} : vector<16xi32>
        %add3A_951 = vector.broadcast %add3A_945 : i32 to vector<16xi32>
        %add3A_952 = arith.addi %add3A_951, %iota3A_950 : vector<16xi32>
        %select_n3A_953 = arith.select %gt3A_948, %add3A_952, %select_n3A_943 : vector<16xi1>, vector<16xi32>
        %add3A_954 = arith.constant 112 : i32
        %add3A_955 = arith.addi %mul3A_879, %add3A_954 : i32
        %get3A_956 = arith.index_cast %add3A_955 : i32 to index
        %get3A_957 = tpu.vector_load %arg14[%get3A_956] {strides = array<i32>} : memref<20000xf32, #tpu.memory_space<vmem>>, vector<16xf32>,
        %gt3A_958 = arith.cmpf ogt, %get3A_957, %select_n3A_949 : vector<16xf32>
        %select_n3A_959 = arith.select %gt3A_958, %get3A_957, %select_n3A_949 : vector<16xi1>, vector<16xf32>
        %iota3A_960 = tpu.iota {dimensions = array<i32: 0>} : vector<16xi32>
        %add3A_961 = vector.broadcast %add3A_955 : i32 to vector<16xi32>
        %add3A_962 = arith.addi %add3A_961, %iota3A_960 : vector<16xi32>
        %select_n3A_963 = arith.select %gt3A_958, %add3A_962, %select_n3A_953 : vector<16xi1>, vector<16xi32>
        %add3A_964 = arith.constant 128 : i32
        %add3A_965 = arith.addi %mul3A_879, %add3A_964 : i32
        %get3A_966 = arith.index_cast %add3A_965 : i32 to index
        %get3A_967 = tpu.vector_load %arg14[%get3A_966] {strides = array<i32>} : memref<20000xf32, #tpu.memory_space<vmem>>, vector<16xf32>,
        %gt3A_968 = arith.cmpf ogt, %get3A_967, %select_n3A_959 : vector<16xf32>
        %select_n3A_969 = arith.select %gt3A_968, %get3A_967, %select_n3A_959 : vector<16xi1>, vector<16xf32>
        %iota3A_970 = tpu.iota {dimensions = array<i32: 0>} : vector<16xi32>
        %add3A_971 = vector.broadcast %add3A_965 : i32 to vector<16xi32>
        %add3A_972 = arith.addi %add3A_971, %iota3A_970 : vector<16xi32>
        %select_n3A_973 = arith.select %gt3A_968, %add3A_972, %select_n3A_963 : vector<16xi1>, vector<16xi32>
        %add3A_974 = arith.constant 144 : i32
        %add3A_975 = arith.addi %mul3A_879, %add3A_974 : i32
        %get3A_976 = arith.index_cast %add3A_975 : i32 to index
        %get3A_977 = tpu.vector_load %arg14[%get3A_976] {strides = array<i32>} : memref<20000xf32, #tpu.memory_space<vmem>>, vector<16xf32>,
        %gt3A_978 = arith.cmpf ogt, %get3A_977, %select_n3A_969 : vector<16xf32>
        %select_n3A_979 = arith.select %gt3A_978, %get3A_977, %select_n3A_969 : vector<16xi1>, vector<16xf32>
        %iota3A_980 = tpu.iota {dimensions = array<i32: 0>} : vector<16xi32>
        %add3A_981 = vector.broadcast %add3A_975 : i32 to vector<16xi32>
        %add3A_982 = arith.addi %add3A_981, %iota3A_980 : vector<16xi32>
        %select_n3A_983 = arith.select %gt3A_978, %add3A_982, %select_n3A_973 : vector<16xi1>, vector<16xi32>
        %reduce_max3A_984 = arith.constant true
        %reduce_max3A_985 = vector.broadcast %reduce_max3A_984 : i1 to vector<16xi1>
        %reduce_max3A_986 = tpu.scan <max>, %select_n3A_979 masked %reduce_max3A_985 : vector<16xf32>, vector<16xi1> -> vector<16xf32>
        %reduce_max3A_987 = vector.extract %reduce_max3A_986[15] : f32 from vector<16xf32>
        %eq3A_988 = vector.broadcast %reduce_max3A_987 : f32 to vector<16xf32>
        %eq3A_989 = arith.cmpf oeq, %select_n3A_979, %eq3A_988 : vector<16xf32>
        %jit3A_990 = arith.constant 1073741824 : i32
        %broadcast_in_dim3A_991 = vector.broadcast %jit3A_990 : i32 to vector<16xi32>
        %select_n3A_992 = arith.select %eq3A_989, %select_n3A_983, %broadcast_in_dim3A_991 : vector<16xi1>, vector<16xi32>
        %reduce_min3A_993 = arith.constant true
        %reduce_min3A_994 = vector.broadcast %reduce_min3A_993 : i1 to vector<16xi1>
        %reduce_min3A_995 = arith.constant -2147483648 : i32
        %reduce_min3A_996 = vector.broadcast %reduce_min3A_995 : i32 to vector<16xi32>
        %reduce_min3A_997 = arith.xori %select_n3A_992, %reduce_min3A_996 : vector<16xi32>
        %reduce_min3A_998 = tpu.scan <min>, %reduce_min3A_997 masked %reduce_min3A_994 : vector<16xi32>, vector<16xi1> -> vector<16xi32>
        %reduce_min3A_999 = arith.xori %reduce_min3A_998, %reduce_min3A_996 : vector<16xi32>
        %reduce_min3A_1000 = vector.extract %reduce_min3A_999[15] : i32 from vector<16xi32>
        %jit3A_1001 = arith.constant 16 : i32
        %div3A_1002 = arith.divsi %while3A_200, %jit3A_1001 : i32
        %sign3A_1003 = arith.constant 0 : i32
        %sign3A_1004 = arith.cmpi sgt, %while3A_200, %sign3A_1003 : i32
        %sign3A_1005 = arith.extui %sign3A_1004 : i1 to i32
        %sign3A_1006 = arith.constant 0 : i32
        %sign3A_1007 = arith.cmpi slt, %while3A_200, %sign3A_1006 : i32
        %sign3A_1008 = arith.extui %sign3A_1007 : i1 to i32
        %sign3A_1009 = arith.subi %sign3A_1005, %sign3A_1008 : i32
        %sign3A_1010 = arith.constant 0 : i32
        %sign3A_1011 = arith.cmpi sgt, %jit3A_1001, %sign3A_1010 : i32
        %sign3A_1012 = arith.extui %sign3A_1011 : i1 to i32
        %sign3A_1013 = arith.constant 0 : i32
        %sign3A_1014 = arith.cmpi slt, %jit3A_1001, %sign3A_1013 : i32
        %sign3A_1015 = arith.extui %sign3A_1014 : i1 to i32
        %sign3A_1016 = arith.subi %sign3A_1012, %sign3A_1015 : i32
        %ne3A_1017 = arith.cmpi ne, %sign3A_1009, %sign3A_1016 : i32
        %rem3A_1018 = arith.remsi %while3A_200, %jit3A_1001 : i32
        %ne3A_1019 = arith.constant 0 : i32
        %ne3A_1020 = arith.cmpi ne, %rem3A_1018, %ne3A_1019 : i32
        %and3A_1021 = arith.andi %ne3A_1017, %ne3A_1020 : i1
        %sub3A_1022 = arith.constant 1 : i32
        %sub3A_1023 = arith.subi %div3A_1002, %sub3A_1022 : i32
        %select_n3A_1024 = arith.select %and3A_1021, %sub3A_1023, %div3A_1002 : i32
        %mul3A_1025 = arith.constant 16 : i32
        %mul3A_1026 = arith.muli %select_n3A_1024, %mul3A_1025 : i32
        %get3A_1027 = arith.index_cast %mul3A_1026 : i32 to index
        %get3A_1028 = tpu.vector_load %arg15[%get3A_1027] {strides = array<i32>} : memref<128xf32, #tpu.memory_space<vmem>>, vector<16xf32>,
        %iota3A_1029 = tpu.iota {dimensions = array<i32: 0>} : vector<16xi32>
        %sub3A_1030 = arith.subi %while3A_200, %mul3A_1026 : i32
        %eq3A_1031 = vector.broadcast %sub3A_1030 : i32 to vector<16xi32>
        %eq3A_1032 = arith.cmpi eq, %iota3A_1029, %eq3A_1031 : vector<16xi32>
        %broadcast_in_dim3A_1033 = vector.broadcast %reduce_max3A_987 : f32 to vector<16xf32>
        %select_n3A_1034 = arith.select %eq3A_1032, %broadcast_in_dim3A_1033, %get3A_1028 : vector<16xi1>, vector<16xf32>
        %swap3A_1035 = arith.index_cast %mul3A_1026 : i32 to index
        %swap3A_1036 = tpu.vector_load %arg15[%swap3A_1035] {strides = array<i32>} : memref<128xf32, #tpu.memory_space<vmem>>, vector<16xf32>,
        tpu.vector_store %arg15[%swap3A_1035], %select_n3A_1034 {strides = array<i32>} : memref<128xf32, #tpu.memory_space<vmem>>, vector<16xf32>,
        %jit3A_1037 = arith.constant 16 : i32
        %div3A_1038 = arith.divsi %while3A_200, %jit3A_1037 : i32
        %sign3A_1039 = arith.constant 0 : i32
        %sign3A_1040 = arith.cmpi sgt, %while3A_200, %sign3A_1039 : i32
        %sign3A_1041 = arith.extui %sign3A_1040 : i1 to i32
        %sign3A_1042 = arith.constant 0 : i32
        %sign3A_1043 = arith.cmpi slt, %while3A_200, %sign3A_1042 : i32
        %sign3A_1044 = arith.extui %sign3A_1043 : i1 to i32
        %sign3A_1045 = arith.subi %sign3A_1041, %sign3A_1044 : i32
        %sign3A_1046 = arith.constant 0 : i32
        %sign3A_1047 = arith.cmpi sgt, %jit3A_1037, %sign3A_1046 : i32
        %sign3A_1048 = arith.extui %sign3A_1047 : i1 to i32
        %sign3A_1049 = arith.constant 0 : i32
        %sign3A_1050 = arith.cmpi slt, %jit3A_1037, %sign3A_1049 : i32
        %sign3A_1051 = arith.extui %sign3A_1050 : i1 to i32
        %sign3A_1052 = arith.subi %sign3A_1048, %sign3A_1051 : i32
        %ne3A_1053 = arith.cmpi ne, %sign3A_1045, %sign3A_1052 : i32
        %rem3A_1054 = arith.remsi %while3A_200, %jit3A_1037 : i32
        %ne3A_1055 = arith.constant 0 : i32
        %ne3A_1056 = arith.cmpi ne, %rem3A_1054, %ne3A_1055 : i32
        %and3A_1057 = arith.andi %ne3A_1053, %ne3A_1056 : i1
        %sub3A_1058 = arith.constant 1 : i32
        %sub3A_1059 = arith.subi %div3A_1038, %sub3A_1058 : i32
        %select_n3A_1060 = arith.select %and3A_1057, %sub3A_1059, %div3A_1038 : i32
        %mul3A_1061 = arith.constant 16 : i32
        %mul3A_1062 = arith.muli %select_n3A_1060, %mul3A_1061 : i32
        %get3A_1063 = arith.index_cast %mul3A_1062 : i32 to index
        %get3A_1064 = tpu.vector_load %arg16[%get3A_1063] {strides = array<i32>} : memref<128xi32, #tpu.memory_space<vmem>>, vector<16xi32>,
        %iota3A_1065 = tpu.iota {dimensions = array<i32: 0>} : vector<16xi32>
        %sub3A_1066 = arith.subi %while3A_200, %mul3A_1062 : i32
        %eq3A_1067 = vector.broadcast %sub3A_1066 : i32 to vector<16xi32>
        %eq3A_1068 = arith.cmpi eq, %iota3A_1065, %eq3A_1067 : vector<16xi32>
        %broadcast_in_dim3A_1069 = vector.broadcast %reduce_min3A_1000 : i32 to vector<16xi32>
        %select_n3A_1070 = arith.select %eq3A_1068, %broadcast_in_dim3A_1069, %get3A_1064 : vector<16xi1>, vector<16xi32>
        %swap3A_1071 = arith.index_cast %mul3A_1062 : i32 to index
        %swap3A_1072 = tpu.vector_load %arg16[%swap3A_1071] {strides = array<i32>} : memref<128xi32, #tpu.memory_space<vmem>>, vector<16xi32>,
        tpu.vector_store %arg16[%swap3A_1071], %select_n3A_1070 {strides = array<i32>} : memref<128xi32, #tpu.memory_space<vmem>>, vector<16xi32>,
        %broadcast_in_dim3A_1073 = arith.constant -1.000000e+09 : f32
        %broadcast_in_dim3A_1074 = vector.broadcast %broadcast_in_dim3A_1073 : f32 to vector<16xf32>
        %broadcast_in_dim3A_1075 = arith.constant 0 : i32
        %broadcast_in_dim3A_1076 = vector.broadcast %broadcast_in_dim3A_1075 : i32 to vector<16xi32>
        %get3A_1077 = arith.constant 0 : index
        %get3A_1078 = tpu.vector_load %arg15[%get3A_1077] {strides = array<i32>} : memref<128xf32, #tpu.memory_space<vmem>>, vector<16xf32>,
        %gt3A_1079 = arith.cmpf ogt, %get3A_1078, %broadcast_in_dim3A_1074 : vector<16xf32>
        %select_n3A_1080 = arith.select %gt3A_1079, %get3A_1078, %broadcast_in_dim3A_1074 : vector<16xi1>, vector<16xf32>
        %iota3A_1081 = tpu.iota {dimensions = array<i32: 0>} : vector<16xi32>
        %add3A_1082 = arith.constant 0 : i32
        %add3A_1083 = vector.broadcast %add3A_1082 : i32 to vector<16xi32>
        %add3A_1084 = arith.addi %add3A_1083, %iota3A_1081 : vector<16xi32>
        %select_n3A_1085 = arith.select %gt3A_1079, %add3A_1084, %broadcast_in_dim3A_1076 : vector<16xi1>, vector<16xi32>
        %get3A_1086 = arith.constant 16 : index
        %get3A_1087 = tpu.vector_load %arg15[%get3A_1086] {strides = array<i32>} : memref<128xf32, #tpu.memory_space<vmem>>, vector<16xf32>,
        %gt3A_1088 = arith.cmpf ogt, %get3A_1087, %select_n3A_1080 : vector<16xf32>
        %select_n3A_1089 = arith.select %gt3A_1088, %get3A_1087, %select_n3A_1080 : vector<16xi1>, vector<16xf32>
        %iota3A_1090 = tpu.iota {dimensions = array<i32: 0>} : vector<16xi32>
        %add3A_1091 = arith.constant 16 : i32
        %add3A_1092 = vector.broadcast %add3A_1091 : i32 to vector<16xi32>
        %add3A_1093 = arith.addi %add3A_1092, %iota3A_1090 : vector<16xi32>
        %select_n3A_1094 = arith.select %gt3A_1088, %add3A_1093, %select_n3A_1085 : vector<16xi1>, vector<16xi32>
        %get3A_1095 = arith.constant 32 : index
        %get3A_1096 = tpu.vector_load %arg15[%get3A_1095] {strides = array<i32>} : memref<128xf32, #tpu.memory_space<vmem>>, vector<16xf32>,
        %gt3A_1097 = arith.cmpf ogt, %get3A_1096, %select_n3A_1089 : vector<16xf32>
        %select_n3A_1098 = arith.select %gt3A_1097, %get3A_1096, %select_n3A_1089 : vector<16xi1>, vector<16xf32>
        %iota3A_1099 = tpu.iota {dimensions = array<i32: 0>} : vector<16xi32>
        %add3A_1100 = arith.constant 32 : i32
        %add3A_1101 = vector.broadcast %add3A_1100 : i32 to vector<16xi32>
        %add3A_1102 = arith.addi %add3A_1101, %iota3A_1099 : vector<16xi32>
        %select_n3A_1103 = arith.select %gt3A_1097, %add3A_1102, %select_n3A_1094 : vector<16xi1>, vector<16xi32>
        %get3A_1104 = arith.constant 48 : index
        %get3A_1105 = tpu.vector_load %arg15[%get3A_1104] {strides = array<i32>} : memref<128xf32, #tpu.memory_space<vmem>>, vector<16xf32>,
        %gt3A_1106 = arith.cmpf ogt, %get3A_1105, %select_n3A_1098 : vector<16xf32>
        %select_n3A_1107 = arith.select %gt3A_1106, %get3A_1105, %select_n3A_1098 : vector<16xi1>, vector<16xf32>
        %iota3A_1108 = tpu.iota {dimensions = array<i32: 0>} : vector<16xi32>
        %add3A_1109 = arith.constant 48 : i32
        %add3A_1110 = vector.broadcast %add3A_1109 : i32 to vector<16xi32>
        %add3A_1111 = arith.addi %add3A_1110, %iota3A_1108 : vector<16xi32>
        %select_n3A_1112 = arith.select %gt3A_1106, %add3A_1111, %select_n3A_1103 : vector<16xi1>, vector<16xi32>
        %get3A_1113 = arith.constant 64 : index
        %get3A_1114 = tpu.vector_load %arg15[%get3A_1113] {strides = array<i32>} : memref<128xf32, #tpu.memory_space<vmem>>, vector<16xf32>,
        %gt3A_1115 = arith.cmpf ogt, %get3A_1114, %select_n3A_1107 : vector<16xf32>
        %select_n3A_1116 = arith.select %gt3A_1115, %get3A_1114, %select_n3A_1107 : vector<16xi1>, vector<16xf32>
        %iota3A_1117 = tpu.iota {dimensions = array<i32: 0>} : vector<16xi32>
        %add3A_1118 = arith.constant 64 : i32
        %add3A_1119 = vector.broadcast %add3A_1118 : i32 to vector<16xi32>
        %add3A_1120 = arith.addi %add3A_1119, %iota3A_1117 : vector<16xi32>
        %select_n3A_1121 = arith.select %gt3A_1115, %add3A_1120, %select_n3A_1112 : vector<16xi1>, vector<16xi32>
        %get3A_1122 = arith.constant 80 : index
        %get3A_1123 = tpu.vector_load %arg15[%get3A_1122] {strides = array<i32>} : memref<128xf32, #tpu.memory_space<vmem>>, vector<16xf32>,
        %gt3A_1124 = arith.cmpf ogt, %get3A_1123, %select_n3A_1116 : vector<16xf32>
        %select_n3A_1125 = arith.select %gt3A_1124, %get3A_1123, %select_n3A_1116 : vector<16xi1>, vector<16xf32>
        %iota3A_1126 = tpu.iota {dimensions = array<i32: 0>} : vector<16xi32>
        %add3A_1127 = arith.constant 80 : i32
        %add3A_1128 = vector.broadcast %add3A_1127 : i32 to vector<16xi32>
        %add3A_1129 = arith.addi %add3A_1128, %iota3A_1126 : vector<16xi32>
        %select_n3A_1130 = arith.select %gt3A_1124, %add3A_1129, %select_n3A_1121 : vector<16xi1>, vector<16xi32>
        %get3A_1131 = arith.constant 96 : index
        %get3A_1132 = tpu.vector_load %arg15[%get3A_1131] {strides = array<i32>} : memref<128xf32, #tpu.memory_space<vmem>>, vector<16xf32>,
        %gt3A_1133 = arith.cmpf ogt, %get3A_1132, %select_n3A_1125 : vector<16xf32>
        %select_n3A_1134 = arith.select %gt3A_1133, %get3A_1132, %select_n3A_1125 : vector<16xi1>, vector<16xf32>
        %iota3A_1135 = tpu.iota {dimensions = array<i32: 0>} : vector<16xi32>
        %add3A_1136 = arith.constant 96 : i32
        %add3A_1137 = vector.broadcast %add3A_1136 : i32 to vector<16xi32>
        %add3A_1138 = arith.addi %add3A_1137, %iota3A_1135 : vector<16xi32>
        %select_n3A_1139 = arith.select %gt3A_1133, %add3A_1138, %select_n3A_1130 : vector<16xi1>, vector<16xi32>
        %get3A_1140 = arith.constant 112 : index
        %get3A_1141 = tpu.vector_load %arg15[%get3A_1140] {strides = array<i32>} : memref<128xf32, #tpu.memory_space<vmem>>, vector<16xf32>,
        %gt3A_1142 = arith.cmpf ogt, %get3A_1141, %select_n3A_1134 : vector<16xf32>
        %select_n3A_1143 = arith.select %gt3A_1142, %get3A_1141, %select_n3A_1134 : vector<16xi1>, vector<16xf32>
        %iota3A_1144 = tpu.iota {dimensions = array<i32: 0>} : vector<16xi32>
        %add3A_1145 = arith.constant 112 : i32
        %add3A_1146 = vector.broadcast %add3A_1145 : i32 to vector<16xi32>
        %add3A_1147 = arith.addi %add3A_1146, %iota3A_1144 : vector<16xi32>
        %select_n3A_1148 = arith.select %gt3A_1142, %add3A_1147, %select_n3A_1139 : vector<16xi1>, vector<16xi32>
        %reduce_max3A_1149 = arith.constant true
        %reduce_max3A_1150 = vector.broadcast %reduce_max3A_1149 : i1 to vector<16xi1>
        %reduce_max3A_1151 = tpu.scan <max>, %select_n3A_1143 masked %reduce_max3A_1150 : vector<16xf32>, vector<16xi1> -> vector<16xf32>
        %reduce_max3A_1152 = vector.extract %reduce_max3A_1151[15] : f32 from vector<16xf32>
        %eq3A_1153 = vector.broadcast %reduce_max3A_1152 : f32 to vector<16xf32>
        %eq3A_1154 = arith.cmpf oeq, %select_n3A_1143, %eq3A_1153 : vector<16xf32>
        %jit3A_1155 = arith.constant 1073741824 : i32
        %broadcast_in_dim3A_1156 = vector.broadcast %jit3A_1155 : i32 to vector<16xi32>
        %select_n3A_1157 = arith.select %eq3A_1154, %select_n3A_1148, %broadcast_in_dim3A_1156 : vector<16xi1>, vector<16xi32>
        %reduce_min3A_1158 = arith.constant true
        %reduce_min3A_1159 = vector.broadcast %reduce_min3A_1158 : i1 to vector<16xi1>
        %reduce_min3A_1160 = arith.constant -2147483648 : i32
        %reduce_min3A_1161 = vector.broadcast %reduce_min3A_1160 : i32 to vector<16xi32>
        %reduce_min3A_1162 = arith.xori %select_n3A_1157, %reduce_min3A_1161 : vector<16xi32>
        %reduce_min3A_1163 = tpu.scan <min>, %reduce_min3A_1162 masked %reduce_min3A_1159 : vector<16xi32>, vector<16xi1> -> vector<16xi32>
        %reduce_min3A_1164 = arith.xori %reduce_min3A_1163, %reduce_min3A_1161 : vector<16xi32>
        %reduce_min3A_1165 = vector.extract %reduce_min3A_1164[15] : i32 from vector<16xi32>
        scf.yield %add3A_840, %reduce_max3A_1152, %reduce_min3A_1165 : i32, f32, i32
      }
      %mul3A_193 = arith.constant 2368 : i32
      %mul3A_194 = arith.muli %select_n3A_54, %mul3A_193 : i32
      %mul3A_195 = arith.constant 112 : i32
      %mul3A_196 = arith.muli %add3A_74, %mul3A_195 : i32
      %add3A_197 = arith.addi %mul3A_194, %mul3A_196 : i32
      "tpu.region"() ({
        %run_scoped3A_198 = tpu.sem_alloc : memref<!tpu.dma_semaphore, #tpu.memory_space<semaphore_mem>>
        %dma_start3A = tpu.memref_slice %arg22[%add3A_197] : memref<4736xf32, #tpu.memory_space<vmem_shared>> -> memref<112xf32, #tpu.memory_space<vmem_shared>>
        %dma_start3A_199 = tpu.memref_slice %arg22[%add3A_197] : memref<4736xf32, #tpu.memory_space<vmem_shared>> -> memref<112xf32, #tpu.memory_space<vmem_shared>>
        tpu.enqueue_dma source(%arg17 : memref<112xf32, #tpu.memory_space<vmem>>) target(%dma_start3A_199 : memref<112xf32, #tpu.memory_space<vmem_shared>>) target_semaphore(%run_scoped3A_198 : memref<!tpu.dma_semaphore, #tpu.memory_space<semaphore_mem>>)
        %dma_wait3A = tpu.memref_slice %arg22[%add3A_197] : memref<4736xf32, #tpu.memory_space<vmem_shared>> -> memref<112xf32, #tpu.memory_space<vmem_shared>>
        %dma_wait3A_200 = tpu.memref_slice %arg22[%add3A_197] : memref<4736xf32, #tpu.memory_space<vmem_shared>> -> memref<112xf32, #tpu.memory_space<vmem_shared>>
        tpu.wait_dma2 semaphore(%run_scoped3A_198 : memref<!tpu.dma_semaphore, #tpu.memory_space<semaphore_mem>>) src(%arg17 : memref<112xf32, #tpu.memory_space<vmem>>) dst(%dma_wait3A_200 : memref<112xf32, #tpu.memory_space<vmem_shared>>)
        tpu.yield
      }) : () -> ()
      "tpu.region"() ({
        %run_scoped3A_198 = tpu.sem_alloc : memref<!tpu.dma_semaphore, #tpu.memory_space<semaphore_mem>>
        %dma_start3A = tpu.memref_slice %arg23[%add3A_197] : memref<4736xf32, #tpu.memory_space<vmem_shared>> -> memref<112xf32, #tpu.memory_space<vmem_shared>>
        %dma_start3A_199 = tpu.memref_slice %arg23[%add3A_197] : memref<4736xf32, #tpu.memory_space<vmem_shared>> -> memref<112xf32, #tpu.memory_space<vmem_shared>>
        tpu.enqueue_dma source(%arg18 : memref<112xf32, #tpu.memory_space<vmem>>) target(%dma_start3A_199 : memref<112xf32, #tpu.memory_space<vmem_shared>>) target_semaphore(%run_scoped3A_198 : memref<!tpu.dma_semaphore, #tpu.memory_space<semaphore_mem>>)
        %dma_wait3A = tpu.memref_slice %arg23[%add3A_197] : memref<4736xf32, #tpu.memory_space<vmem_shared>> -> memref<112xf32, #tpu.memory_space<vmem_shared>>
        %dma_wait3A_200 = tpu.memref_slice %arg23[%add3A_197] : memref<4736xf32, #tpu.memory_space<vmem_shared>> -> memref<112xf32, #tpu.memory_space<vmem_shared>>
        tpu.wait_dma2 semaphore(%run_scoped3A_198 : memref<!tpu.dma_semaphore, #tpu.memory_space<semaphore_mem>>) src(%arg18 : memref<112xf32, #tpu.memory_space<vmem>>) dst(%dma_wait3A_200 : memref<112xf32, #tpu.memory_space<vmem_shared>>)
        tpu.yield
      }) : () -> ()
      "tpu.region"() ({
        %run_scoped3A_198 = tpu.sem_alloc : memref<!tpu.dma_semaphore, #tpu.memory_space<semaphore_mem>>
        %dma_start3A = tpu.memref_slice %arg24[%add3A_197] : memref<4736xf32, #tpu.memory_space<vmem_shared>> -> memref<112xf32, #tpu.memory_space<vmem_shared>>
        %dma_start3A_199 = tpu.memref_slice %arg24[%add3A_197] : memref<4736xf32, #tpu.memory_space<vmem_shared>> -> memref<112xf32, #tpu.memory_space<vmem_shared>>
        tpu.enqueue_dma source(%arg19 : memref<112xf32, #tpu.memory_space<vmem>>) target(%dma_start3A_199 : memref<112xf32, #tpu.memory_space<vmem_shared>>) target_semaphore(%run_scoped3A_198 : memref<!tpu.dma_semaphore, #tpu.memory_space<semaphore_mem>>)
        %dma_wait3A = tpu.memref_slice %arg24[%add3A_197] : memref<4736xf32, #tpu.memory_space<vmem_shared>> -> memref<112xf32, #tpu.memory_space<vmem_shared>>
        %dma_wait3A_200 = tpu.memref_slice %arg24[%add3A_197] : memref<4736xf32, #tpu.memory_space<vmem_shared>> -> memref<112xf32, #tpu.memory_space<vmem_shared>>
        tpu.wait_dma2 semaphore(%run_scoped3A_198 : memref<!tpu.dma_semaphore, #tpu.memory_space<semaphore_mem>>) src(%arg19 : memref<112xf32, #tpu.memory_space<vmem>>) dst(%dma_wait3A_200 : memref<112xf32, #tpu.memory_space<vmem_shared>>)
        tpu.yield
      }) : () -> ()
      "tpu.region"() ({
        %run_scoped3A_198 = tpu.sem_alloc : memref<!tpu.dma_semaphore, #tpu.memory_space<semaphore_mem>>
        %dma_start3A = tpu.memref_slice %arg25[%add3A_197] : memref<4736xf32, #tpu.memory_space<vmem_shared>> -> memref<112xf32, #tpu.memory_space<vmem_shared>>
        %dma_start3A_199 = tpu.memref_slice %arg25[%add3A_197] : memref<4736xf32, #tpu.memory_space<vmem_shared>> -> memref<112xf32, #tpu.memory_space<vmem_shared>>
        tpu.enqueue_dma source(%arg20 : memref<112xf32, #tpu.memory_space<vmem>>) target(%dma_start3A_199 : memref<112xf32, #tpu.memory_space<vmem_shared>>) target_semaphore(%run_scoped3A_198 : memref<!tpu.dma_semaphore, #tpu.memory_space<semaphore_mem>>)
        %dma_wait3A = tpu.memref_slice %arg25[%add3A_197] : memref<4736xf32, #tpu.memory_space<vmem_shared>> -> memref<112xf32, #tpu.memory_space<vmem_shared>>
        %dma_wait3A_200 = tpu.memref_slice %arg25[%add3A_197] : memref<4736xf32, #tpu.memory_space<vmem_shared>> -> memref<112xf32, #tpu.memory_space<vmem_shared>>
        tpu.wait_dma2 semaphore(%run_scoped3A_198 : memref<!tpu.dma_semaphore, #tpu.memory_space<semaphore_mem>>) src(%arg20 : memref<112xf32, #tpu.memory_space<vmem>>) dst(%dma_wait3A_200 : memref<112xf32, #tpu.memory_space<vmem_shared>>)
        tpu.yield
      }) : () -> ()
      "tpu.region"() ({
        %run_scoped3A_198 = tpu.sem_alloc : memref<!tpu.dma_semaphore, #tpu.memory_space<semaphore_mem>>
        %dma_start3A = tpu.memref_slice %arg26[%add3A_197] : memref<4736xf32, #tpu.memory_space<vmem_shared>> -> memref<112xf32, #tpu.memory_space<vmem_shared>>
        %dma_start3A_199 = tpu.memref_slice %arg26[%add3A_197] : memref<4736xf32, #tpu.memory_space<vmem_shared>> -> memref<112xf32, #tpu.memory_space<vmem_shared>>
        tpu.enqueue_dma source(%arg21 : memref<112xf32, #tpu.memory_space<vmem>>) target(%dma_start3A_199 : memref<112xf32, #tpu.memory_space<vmem_shared>>) target_semaphore(%run_scoped3A_198 : memref<!tpu.dma_semaphore, #tpu.memory_space<semaphore_mem>>)
        %dma_wait3A = tpu.memref_slice %arg26[%add3A_197] : memref<4736xf32, #tpu.memory_space<vmem_shared>> -> memref<112xf32, #tpu.memory_space<vmem_shared>>
        %dma_wait3A_200 = tpu.memref_slice %arg26[%add3A_197] : memref<4736xf32, #tpu.memory_space<vmem_shared>> -> memref<112xf32, #tpu.memory_space<vmem_shared>>
        tpu.wait_dma2 semaphore(%run_scoped3A_198 : memref<!tpu.dma_semaphore, #tpu.memory_space<semaphore_mem>>) src(%arg21 : memref<112xf32, #tpu.memory_space<vmem>>) dst(%dma_wait3A_200 : memref<112xf32, #tpu.memory_space<vmem_shared>>)
        tpu.yield
      }) : () -> ()
    } else {
    }
    %barrier3A = arith.constant 0 : index
    tpu.barrier barrier_id(%barrier3A)
    %eq3A_80 = arith.constant 5 : i32
    %eq3A_81 = arith.cmpi eq, %select_n3A_30, %eq3A_80 : i32
    %convert_element_type3A_82 = arith.extui %eq3A_81 : i1 to i32
    %cond3A_83 = arith.constant 0 : i32
    %cond3A_84 = arith.cmpi ne, %convert_element_type3A_82, %cond3A_83 : i32
    scf.if %cond3A_84 {
      %mul3A_85 = arith.constant 2368 : i32
      %mul3A_86 = arith.muli %select_n3A_54, %mul3A_85 : i32
      "tpu.region"() ({
        %run_scoped3A_131 = tpu.sem_alloc : memref<!tpu.dma_semaphore, #tpu.memory_space<semaphore_mem>>
        %dma_start3A = tpu.memref_slice %arg22[%mul3A_86] : memref<4736xf32, #tpu.memory_space<vmem_shared>> -> memref<2368xf32, #tpu.memory_space<vmem_shared>>
        %dma_start3A_132 = tpu.memref_slice %arg22[%mul3A_86] : memref<4736xf32, #tpu.memory_space<vmem_shared>> -> memref<2368xf32, #tpu.memory_space<vmem_shared>>
        tpu.enqueue_dma source(%dma_start3A_132 : memref<2368xf32, #tpu.memory_space<vmem_shared>>) target(%arg27 : memref<2368xf32, #tpu.memory_space<vmem>>) target_semaphore(%run_scoped3A_131 : memref<!tpu.dma_semaphore, #tpu.memory_space<semaphore_mem>>)
        %dma_wait3A = tpu.memref_slice %arg22[%mul3A_86] : memref<4736xf32, #tpu.memory_space<vmem_shared>> -> memref<2368xf32, #tpu.memory_space<vmem_shared>>
        %dma_wait3A_133 = tpu.memref_slice %arg22[%mul3A_86] : memref<4736xf32, #tpu.memory_space<vmem_shared>> -> memref<2368xf32, #tpu.memory_space<vmem_shared>>
        tpu.wait_dma2 semaphore(%run_scoped3A_131 : memref<!tpu.dma_semaphore, #tpu.memory_space<semaphore_mem>>) src(%dma_wait3A_133 : memref<2368xf32, #tpu.memory_space<vmem_shared>>) dst(%arg27 : memref<2368xf32, #tpu.memory_space<vmem>>)
        tpu.yield
      }) : () -> ()
      "tpu.region"() ({
        %run_scoped3A_131 = tpu.sem_alloc : memref<!tpu.dma_semaphore, #tpu.memory_space<semaphore_mem>>
        %dma_start3A = tpu.memref_slice %arg23[%mul3A_86] : memref<4736xf32, #tpu.memory_space<vmem_shared>> -> memref<2368xf32, #tpu.memory_space<vmem_shared>>
        %dma_start3A_132 = tpu.memref_slice %arg23[%mul3A_86] : memref<4736xf32, #tpu.memory_space<vmem_shared>> -> memref<2368xf32, #tpu.memory_space<vmem_shared>>
        tpu.enqueue_dma source(%dma_start3A_132 : memref<2368xf32, #tpu.memory_space<vmem_shared>>) target(%arg28 : memref<2368xf32, #tpu.memory_space<vmem>>) target_semaphore(%run_scoped3A_131 : memref<!tpu.dma_semaphore, #tpu.memory_space<semaphore_mem>>)
        %dma_wait3A = tpu.memref_slice %arg23[%mul3A_86] : memref<4736xf32, #tpu.memory_space<vmem_shared>> -> memref<2368xf32, #tpu.memory_space<vmem_shared>>
        %dma_wait3A_133 = tpu.memref_slice %arg23[%mul3A_86] : memref<4736xf32, #tpu.memory_space<vmem_shared>> -> memref<2368xf32, #tpu.memory_space<vmem_shared>>
        tpu.wait_dma2 semaphore(%run_scoped3A_131 : memref<!tpu.dma_semaphore, #tpu.memory_space<semaphore_mem>>) src(%dma_wait3A_133 : memref<2368xf32, #tpu.memory_space<vmem_shared>>) dst(%arg28 : memref<2368xf32, #tpu.memory_space<vmem>>)
        tpu.yield
      }) : () -> ()
      "tpu.region"() ({
        %run_scoped3A_131 = tpu.sem_alloc : memref<!tpu.dma_semaphore, #tpu.memory_space<semaphore_mem>>
        %dma_start3A = tpu.memref_slice %arg24[%mul3A_86] : memref<4736xf32, #tpu.memory_space<vmem_shared>> -> memref<2368xf32, #tpu.memory_space<vmem_shared>>
        %dma_start3A_132 = tpu.memref_slice %arg24[%mul3A_86] : memref<4736xf32, #tpu.memory_space<vmem_shared>> -> memref<2368xf32, #tpu.memory_space<vmem_shared>>
        tpu.enqueue_dma source(%dma_start3A_132 : memref<2368xf32, #tpu.memory_space<vmem_shared>>) target(%arg29 : memref<2368xf32, #tpu.memory_space<vmem>>) target_semaphore(%run_scoped3A_131 : memref<!tpu.dma_semaphore, #tpu.memory_space<semaphore_mem>>)
        %dma_wait3A = tpu.memref_slice %arg24[%mul3A_86] : memref<4736xf32, #tpu.memory_space<vmem_shared>> -> memref<2368xf32, #tpu.memory_space<vmem_shared>>
        %dma_wait3A_133 = tpu.memref_slice %arg24[%mul3A_86] : memref<4736xf32, #tpu.memory_space<vmem_shared>> -> memref<2368xf32, #tpu.memory_space<vmem_shared>>
        tpu.wait_dma2 semaphore(%run_scoped3A_131 : memref<!tpu.dma_semaphore, #tpu.memory_space<semaphore_mem>>) src(%dma_wait3A_133 : memref<2368xf32, #tpu.memory_space<vmem_shared>>) dst(%arg29 : memref<2368xf32, #tpu.memory_space<vmem>>)
        tpu.yield
      }) : () -> ()
      "tpu.region"() ({
        %run_scoped3A_131 = tpu.sem_alloc : memref<!tpu.dma_semaphore, #tpu.memory_space<semaphore_mem>>
        %dma_start3A = tpu.memref_slice %arg25[%mul3A_86] : memref<4736xf32, #tpu.memory_space<vmem_shared>> -> memref<2368xf32, #tpu.memory_space<vmem_shared>>
        %dma_start3A_132 = tpu.memref_slice %arg25[%mul3A_86] : memref<4736xf32, #tpu.memory_space<vmem_shared>> -> memref<2368xf32, #tpu.memory_space<vmem_shared>>
        tpu.enqueue_dma source(%dma_start3A_132 : memref<2368xf32, #tpu.memory_space<vmem_shared>>) target(%arg30 : memref<2368xf32, #tpu.memory_space<vmem>>) target_semaphore(%run_scoped3A_131 : memref<!tpu.dma_semaphore, #tpu.memory_space<semaphore_mem>>)
        %dma_wait3A = tpu.memref_slice %arg25[%mul3A_86] : memref<4736xf32, #tpu.memory_space<vmem_shared>> -> memref<2368xf32, #tpu.memory_space<vmem_shared>>
        %dma_wait3A_133 = tpu.memref_slice %arg25[%mul3A_86] : memref<4736xf32, #tpu.memory_space<vmem_shared>> -> memref<2368xf32, #tpu.memory_space<vmem_shared>>
        tpu.wait_dma2 semaphore(%run_scoped3A_131 : memref<!tpu.dma_semaphore, #tpu.memory_space<semaphore_mem>>) src(%dma_wait3A_133 : memref<2368xf32, #tpu.memory_space<vmem_shared>>) dst(%arg30 : memref<2368xf32, #tpu.memory_space<vmem>>)
        tpu.yield
      }) : () -> ()
      "tpu.region"() ({
        %run_scoped3A_131 = tpu.sem_alloc : memref<!tpu.dma_semaphore, #tpu.memory_space<semaphore_mem>>
        %dma_start3A = tpu.memref_slice %arg26[%mul3A_86] : memref<4736xf32, #tpu.memory_space<vmem_shared>> -> memref<2352xf32, #tpu.memory_space<vmem_shared>>
        %dma_start3A_132 = tpu.memref_slice %arg26[%mul3A_86] : memref<4736xf32, #tpu.memory_space<vmem_shared>> -> memref<2352xf32, #tpu.memory_space<vmem_shared>>
        tpu.enqueue_dma source(%dma_start3A_132 : memref<2352xf32, #tpu.memory_space<vmem_shared>>) target(%arg31 : memref<2352xf32, #tpu.memory_space<vmem>>) target_semaphore(%run_scoped3A_131 : memref<!tpu.dma_semaphore, #tpu.memory_space<semaphore_mem>>)
        %dma_wait3A = tpu.memref_slice %arg26[%mul3A_86] : memref<4736xf32, #tpu.memory_space<vmem_shared>> -> memref<2352xf32, #tpu.memory_space<vmem_shared>>
        %dma_wait3A_133 = tpu.memref_slice %arg26[%mul3A_86] : memref<4736xf32, #tpu.memory_space<vmem_shared>> -> memref<2352xf32, #tpu.memory_space<vmem_shared>>
        tpu.wait_dma2 semaphore(%run_scoped3A_131 : memref<!tpu.dma_semaphore, #tpu.memory_space<semaphore_mem>>) src(%dma_wait3A_133 : memref<2352xf32, #tpu.memory_space<vmem_shared>>) dst(%arg31 : memref<2352xf32, #tpu.memory_space<vmem>>)
        tpu.yield
      }) : () -> ()
      %broadcast_in_dim3A_87 = arith.constant 0.000000e+00 : f32
      %broadcast_in_dim3A_88 = vector.broadcast %broadcast_in_dim3A_87 : f32 to vector<16xf32>
      %scan3A = arith.constant 0 : i32
      %scan3A_89 = arith.constant 0 : i32
      %scan3A_90 = arith.constant 21 : i32
      %scan3A_91 = arith.addi %scan3A_89, %scan3A_90 : i32
      %scan3A_92 = arith.constant 1 : i32
      %scan3A_93 = scf.for %scan3A_131 = %scan3A_89 to %scan3A_91 step %scan3A_92 iter_args(%scan3A_132 = %scan3A) -> (i32)  : i32 {
        %mul3A_133 = arith.constant 112 : i32
        %mul3A_134 = arith.muli %scan3A_131, %mul3A_133 : i32
        %broadcast_in_dim3A_135 = arith.constant -1.000000e+09 : f32
        %broadcast_in_dim3A_136 = vector.broadcast %broadcast_in_dim3A_135 : f32 to vector<16xf32>
        %broadcast_in_dim3A_137 = arith.constant 0 : i32
        %broadcast_in_dim3A_138 = vector.broadcast %broadcast_in_dim3A_137 : i32 to vector<16xi32>
        %scan3A_139 = arith.constant 0 : i32
        %scan3A_140 = arith.constant 7 : i32
        %scan3A_141 = arith.addi %scan3A_139, %scan3A_140 : i32
        %scan3A_142 = arith.constant 1 : i32
        %scan3A_143:2 = scf.for %scan3A_232 = %scan3A_139 to %scan3A_141 step %scan3A_142 iter_args(%scan3A_233 = %broadcast_in_dim3A_136, %scan3A_234 = %broadcast_in_dim3A_138) -> (vector<16xf32>, vector<16xi32>)  : i32 {
          %mul3A_235 = arith.constant 16 : i32
          %mul3A_236 = arith.muli %scan3A_232, %mul3A_235 : i32
          %add3A_237 = arith.addi %mul3A_134, %mul3A_236 : i32
          %get3A_238 = arith.index_cast %add3A_237 : i32 to index
          %get3A_239 = tpu.vector_load %arg31[%get3A_238] {strides = array<i32>} : memref<2352xf32, #tpu.memory_space<vmem>>, vector<16xf32>,
          %gt3A = arith.cmpf ogt, %get3A_239, %scan3A_233 : vector<16xf32>
          %select_n3A_240 = arith.select %gt3A, %get3A_239, %scan3A_233 : vector<16xi1>, vector<16xf32>
          %iota3A_241 = tpu.iota {dimensions = array<i32: 0>} : vector<16xi32>
          %add3A_242 = vector.broadcast %add3A_237 : i32 to vector<16xi32>
          %add3A_243 = arith.addi %add3A_242, %iota3A_241 : vector<16xi32>
          %select_n3A_244 = arith.select %gt3A, %add3A_243, %scan3A_234 : vector<16xi1>, vector<16xi32>
          scf.yield %select_n3A_240, %select_n3A_244 : vector<16xf32>, vector<16xi32>
        }
        %scan3A_144 = arith.constant 7 : i32
        %reduce_max3A = arith.constant true
        %reduce_max3A_145 = vector.broadcast %reduce_max3A : i1 to vector<16xi1>
        %reduce_max3A_146 = tpu.scan <max>, %scan3A_143#0 masked %reduce_max3A_145 : vector<16xf32>, vector<16xi1> -> vector<16xf32>
        %reduce_max3A_147 = vector.extract %reduce_max3A_146[15] : f32 from vector<16xf32>
        %eq3A_148 = vector.broadcast %reduce_max3A_147 : f32 to vector<16xf32>
        %eq3A_149 = arith.cmpf oeq, %scan3A_143#0, %eq3A_148 : vector<16xf32>
        %jit3A_150 = arith.constant 1073741824 : i32
        %broadcast_in_dim3A_151 = vector.broadcast %jit3A_150 : i32 to vector<16xi32>
        %select_n3A_152 = arith.select %eq3A_149, %scan3A_143#1, %broadcast_in_dim3A_151 : vector<16xi1>, vector<16xi32>
        %reduce_min3A = arith.constant true
        %reduce_min3A_153 = vector.broadcast %reduce_min3A : i1 to vector<16xi1>
        %reduce_min3A_154 = arith.constant -2147483648 : i32
        %reduce_min3A_155 = vector.broadcast %reduce_min3A_154 : i32 to vector<16xi32>
        %reduce_min3A_156 = arith.xori %select_n3A_152, %reduce_min3A_155 : vector<16xi32>
        %reduce_min3A_157 = tpu.scan <min>, %reduce_min3A_156 masked %reduce_min3A_153 : vector<16xi32>, vector<16xi1> -> vector<16xi32>
        %reduce_min3A_158 = arith.xori %reduce_min3A_157, %reduce_min3A_155 : vector<16xi32>
        %reduce_min3A_159 = vector.extract %reduce_min3A_158[15] : i32 from vector<16xi32>
        %jit3A_160 = arith.constant 16 : i32
        %div3A_161 = arith.divsi %scan3A_131, %jit3A_160 : i32
        %sign3A_162 = arith.constant 0 : i32
        %sign3A_163 = arith.cmpi sgt, %scan3A_131, %sign3A_162 : i32
        %sign3A_164 = arith.extui %sign3A_163 : i1 to i32
        %sign3A_165 = arith.constant 0 : i32
        %sign3A_166 = arith.cmpi slt, %scan3A_131, %sign3A_165 : i32
        %sign3A_167 = arith.extui %sign3A_166 : i1 to i32
        %sign3A_168 = arith.subi %sign3A_164, %sign3A_167 : i32
        %sign3A_169 = arith.constant 0 : i32
        %sign3A_170 = arith.cmpi sgt, %jit3A_160, %sign3A_169 : i32
        %sign3A_171 = arith.extui %sign3A_170 : i1 to i32
        %sign3A_172 = arith.constant 0 : i32
        %sign3A_173 = arith.cmpi slt, %jit3A_160, %sign3A_172 : i32
        %sign3A_174 = arith.extui %sign3A_173 : i1 to i32
        %sign3A_175 = arith.subi %sign3A_171, %sign3A_174 : i32
        %ne3A_176 = arith.cmpi ne, %sign3A_168, %sign3A_175 : i32
        %rem3A_177 = arith.remsi %scan3A_131, %jit3A_160 : i32
        %ne3A_178 = arith.constant 0 : i32
        %ne3A_179 = arith.cmpi ne, %rem3A_177, %ne3A_178 : i32
        %and3A_180 = arith.andi %ne3A_176, %ne3A_179 : i1
        %sub3A_181 = arith.constant 1 : i32
        %sub3A_182 = arith.subi %div3A_161, %sub3A_181 : i32
        %select_n3A_183 = arith.select %and3A_180, %sub3A_182, %div3A_161 : i32
        %mul3A_184 = arith.constant 16 : i32
        %mul3A_185 = arith.muli %select_n3A_183, %mul3A_184 : i32
        %get3A = arith.index_cast %mul3A_185 : i32 to index
        %get3A_186 = tpu.vector_load %arg32[%get3A] {strides = array<i32>} : memref<32xf32, #tpu.memory_space<vmem>>, vector<16xf32>,
        %iota3A_187 = tpu.iota {dimensions = array<i32: 0>} : vector<16xi32>
        %sub3A_188 = arith.subi %scan3A_131, %mul3A_185 : i32
        %eq3A_189 = vector.broadcast %sub3A_188 : i32 to vector<16xi32>
        %eq3A_190 = arith.cmpi eq, %iota3A_187, %eq3A_189 : vector<16xi32>
        %broadcast_in_dim3A_191 = vector.broadcast %reduce_max3A_147 : f32 to vector<16xf32>
        %select_n3A_192 = arith.select %eq3A_190, %broadcast_in_dim3A_191, %get3A_186 : vector<16xi1>, vector<16xf32>
        %swap3A_193 = arith.index_cast %mul3A_185 : i32 to index
        %swap3A_194 = tpu.vector_load %arg32[%swap3A_193] {strides = array<i32>} : memref<32xf32, #tpu.memory_space<vmem>>, vector<16xf32>,
        tpu.vector_store %arg32[%swap3A_193], %select_n3A_192 {strides = array<i32>} : memref<32xf32, #tpu.memory_space<vmem>>, vector<16xf32>,
        %jit3A_195 = arith.constant 16 : i32
        %div3A_196 = arith.divsi %scan3A_131, %jit3A_195 : i32
        %sign3A_197 = arith.constant 0 : i32
        %sign3A_198 = arith.cmpi sgt, %scan3A_131, %sign3A_197 : i32
        %sign3A_199 = arith.extui %sign3A_198 : i1 to i32
        %sign3A_200 = arith.constant 0 : i32
        %sign3A_201 = arith.cmpi slt, %scan3A_131, %sign3A_200 : i32
        %sign3A_202 = arith.extui %sign3A_201 : i1 to i32
        %sign3A_203 = arith.subi %sign3A_199, %sign3A_202 : i32
        %sign3A_204 = arith.constant 0 : i32
        %sign3A_205 = arith.cmpi sgt, %jit3A_195, %sign3A_204 : i32
        %sign3A_206 = arith.extui %sign3A_205 : i1 to i32
        %sign3A_207 = arith.constant 0 : i32
        %sign3A_208 = arith.cmpi slt, %jit3A_195, %sign3A_207 : i32
        %sign3A_209 = arith.extui %sign3A_208 : i1 to i32
        %sign3A_210 = arith.subi %sign3A_206, %sign3A_209 : i32
        %ne3A_211 = arith.cmpi ne, %sign3A_203, %sign3A_210 : i32
        %rem3A_212 = arith.remsi %scan3A_131, %jit3A_195 : i32
        %ne3A_213 = arith.constant 0 : i32
        %ne3A_214 = arith.cmpi ne, %rem3A_212, %ne3A_213 : i32
        %and3A_215 = arith.andi %ne3A_211, %ne3A_214 : i1
        %sub3A_216 = arith.constant 1 : i32
        %sub3A_217 = arith.subi %div3A_196, %sub3A_216 : i32
        %select_n3A_218 = arith.select %and3A_215, %sub3A_217, %div3A_196 : i32
        %mul3A_219 = arith.constant 16 : i32
        %mul3A_220 = arith.muli %select_n3A_218, %mul3A_219 : i32
        %get3A_221 = arith.index_cast %mul3A_220 : i32 to index
        %get3A_222 = tpu.vector_load %arg33[%get3A_221] {strides = array<i32>} : memref<48xi32, #tpu.memory_space<vmem>>, vector<16xi32>,
        %iota3A_223 = tpu.iota {dimensions = array<i32: 0>} : vector<16xi32>
        %sub3A_224 = arith.subi %scan3A_131, %mul3A_220 : i32
        %eq3A_225 = vector.broadcast %sub3A_224 : i32 to vector<16xi32>
        %eq3A_226 = arith.cmpi eq, %iota3A_223, %eq3A_225 : vector<16xi32>
        %broadcast_in_dim3A_227 = vector.broadcast %reduce_min3A_159 : i32 to vector<16xi32>
        %select_n3A_228 = arith.select %eq3A_226, %broadcast_in_dim3A_227, %get3A_222 : vector<16xi1>, vector<16xi32>
        %swap3A_229 = arith.index_cast %mul3A_220 : i32 to index
        %swap3A_230 = tpu.vector_load %arg33[%swap3A_229] {strides = array<i32>} : memref<48xi32, #tpu.memory_space<vmem>>, vector<16xi32>,
        tpu.vector_store %arg33[%swap3A_229], %select_n3A_228 {strides = array<i32>} : memref<48xi32, #tpu.memory_space<vmem>>, vector<16xi32>,
        %scan3A_231 = arith.constant 0 : i32
        scf.yield %scan3A_231 : i32
      }
      %scan3A_94 = arith.constant 21 : i32
      %scan3A_95 = arith.constant 0 : i32
      %scan3A_96 = arith.constant 0 : i32
      %scan3A_97 = arith.constant 11 : i32
      %scan3A_98 = arith.addi %scan3A_96, %scan3A_97 : i32
      %scan3A_99 = arith.constant 1 : i32
      %scan3A_100 = scf.for %scan3A_131 = %scan3A_96 to %scan3A_98 step %scan3A_99 iter_args(%scan3A_132 = %scan3A_95) -> (i32)  : i32 {
        %add3A_133 = arith.constant 21 : i32
        %add3A_134 = arith.addi %add3A_133, %scan3A_131 : i32
        %jit3A_135 = arith.constant 16 : i32
        %div3A_136 = arith.divsi %add3A_134, %jit3A_135 : i32
        %sign3A_137 = arith.constant 0 : i32
        %sign3A_138 = arith.cmpi sgt, %add3A_134, %sign3A_137 : i32
        %sign3A_139 = arith.extui %sign3A_138 : i1 to i32
        %sign3A_140 = arith.constant 0 : i32
        %sign3A_141 = arith.cmpi slt, %add3A_134, %sign3A_140 : i32
        %sign3A_142 = arith.extui %sign3A_141 : i1 to i32
        %sign3A_143 = arith.subi %sign3A_139, %sign3A_142 : i32
        %sign3A_144 = arith.constant 0 : i32
        %sign3A_145 = arith.cmpi sgt, %jit3A_135, %sign3A_144 : i32
        %sign3A_146 = arith.extui %sign3A_145 : i1 to i32
        %sign3A_147 = arith.constant 0 : i32
        %sign3A_148 = arith.cmpi slt, %jit3A_135, %sign3A_147 : i32
        %sign3A_149 = arith.extui %sign3A_148 : i1 to i32
        %sign3A_150 = arith.subi %sign3A_146, %sign3A_149 : i32
        %ne3A_151 = arith.cmpi ne, %sign3A_143, %sign3A_150 : i32
        %rem3A_152 = arith.remsi %add3A_134, %jit3A_135 : i32
        %ne3A_153 = arith.constant 0 : i32
        %ne3A_154 = arith.cmpi ne, %rem3A_152, %ne3A_153 : i32
        %and3A_155 = arith.andi %ne3A_151, %ne3A_154 : i1
        %sub3A_156 = arith.constant 1 : i32
        %sub3A_157 = arith.subi %div3A_136, %sub3A_156 : i32
        %select_n3A_158 = arith.select %and3A_155, %sub3A_157, %div3A_136 : i32
        %mul3A_159 = arith.constant 16 : i32
        %mul3A_160 = arith.muli %select_n3A_158, %mul3A_159 : i32
        %get3A = arith.index_cast %mul3A_160 : i32 to index
        %get3A_161 = tpu.vector_load %arg32[%get3A] {strides = array<i32>} : memref<32xf32, #tpu.memory_space<vmem>>, vector<16xf32>,
        %iota3A_162 = tpu.iota {dimensions = array<i32: 0>} : vector<16xi32>
        %sub3A_163 = arith.subi %add3A_134, %mul3A_160 : i32
        %eq3A_164 = vector.broadcast %sub3A_163 : i32 to vector<16xi32>
        %eq3A_165 = arith.cmpi eq, %iota3A_162, %eq3A_164 : vector<16xi32>
        %jit3A_166 = arith.constant -1.000000e+09 : f32
        %broadcast_in_dim3A_167 = vector.broadcast %jit3A_166 : f32 to vector<16xf32>
        %select_n3A_168 = arith.select %eq3A_165, %broadcast_in_dim3A_167, %get3A_161 : vector<16xi1>, vector<16xf32>
        %swap3A_169 = arith.index_cast %mul3A_160 : i32 to index
        %swap3A_170 = tpu.vector_load %arg32[%swap3A_169] {strides = array<i32>} : memref<32xf32, #tpu.memory_space<vmem>>, vector<16xf32>,
        tpu.vector_store %arg32[%swap3A_169], %select_n3A_168 {strides = array<i32>} : memref<32xf32, #tpu.memory_space<vmem>>, vector<16xf32>,
        %add3A_171 = arith.constant 21 : i32
        %add3A_172 = arith.addi %add3A_171, %scan3A_131 : i32
        %jit3A_173 = arith.constant 16 : i32
        %div3A_174 = arith.divsi %add3A_172, %jit3A_173 : i32
        %sign3A_175 = arith.constant 0 : i32
        %sign3A_176 = arith.cmpi sgt, %add3A_172, %sign3A_175 : i32
        %sign3A_177 = arith.extui %sign3A_176 : i1 to i32
        %sign3A_178 = arith.constant 0 : i32
        %sign3A_179 = arith.cmpi slt, %add3A_172, %sign3A_178 : i32
        %sign3A_180 = arith.extui %sign3A_179 : i1 to i32
        %sign3A_181 = arith.subi %sign3A_177, %sign3A_180 : i32
        %sign3A_182 = arith.constant 0 : i32
        %sign3A_183 = arith.cmpi sgt, %jit3A_173, %sign3A_182 : i32
        %sign3A_184 = arith.extui %sign3A_183 : i1 to i32
        %sign3A_185 = arith.constant 0 : i32
        %sign3A_186 = arith.cmpi slt, %jit3A_173, %sign3A_185 : i32
        %sign3A_187 = arith.extui %sign3A_186 : i1 to i32
        %sign3A_188 = arith.subi %sign3A_184, %sign3A_187 : i32
        %ne3A_189 = arith.cmpi ne, %sign3A_181, %sign3A_188 : i32
        %rem3A_190 = arith.remsi %add3A_172, %jit3A_173 : i32
        %ne3A_191 = arith.constant 0 : i32
        %ne3A_192 = arith.cmpi ne, %rem3A_190, %ne3A_191 : i32
        %and3A_193 = arith.andi %ne3A_189, %ne3A_192 : i1
        %sub3A_194 = arith.constant 1 : i32
        %sub3A_195 = arith.subi %div3A_174, %sub3A_194 : i32
        %select_n3A_196 = arith.select %and3A_193, %sub3A_195, %div3A_174 : i32
        %mul3A_197 = arith.constant 16 : i32
        %mul3A_198 = arith.muli %select_n3A_196, %mul3A_197 : i32
        %get3A_199 = arith.index_cast %mul3A_198 : i32 to index
        %get3A_200 = tpu.vector_load %arg33[%get3A_199] {strides = array<i32>} : memref<48xi32, #tpu.memory_space<vmem>>, vector<16xi32>,
        %iota3A_201 = tpu.iota {dimensions = array<i32: 0>} : vector<16xi32>
        %sub3A_202 = arith.subi %add3A_172, %mul3A_198 : i32
        %eq3A_203 = vector.broadcast %sub3A_202 : i32 to vector<16xi32>
        %eq3A_204 = arith.cmpi eq, %iota3A_201, %eq3A_203 : vector<16xi32>
        %jit3A_205 = arith.constant 0 : i32
        %broadcast_in_dim3A_206 = vector.broadcast %jit3A_205 : i32 to vector<16xi32>
        %select_n3A_207 = arith.select %eq3A_204, %broadcast_in_dim3A_206, %get3A_200 : vector<16xi1>, vector<16xi32>
        %swap3A_208 = arith.index_cast %mul3A_198 : i32 to index
        %swap3A_209 = tpu.vector_load %arg33[%swap3A_208] {strides = array<i32>} : memref<48xi32, #tpu.memory_space<vmem>>, vector<16xi32>,
        tpu.vector_store %arg33[%swap3A_208], %select_n3A_207 {strides = array<i32>} : memref<48xi32, #tpu.memory_space<vmem>>, vector<16xi32>,
        %scan3A_210 = arith.constant 0 : i32
        scf.yield %scan3A_210 : i32
      }
      %scan3A_101 = arith.constant 11 : i32
      %scan3A_102 = arith.constant 0 : i32
      %scan3A_103 = arith.constant 0 : i32
      %scan3A_104 = arith.constant 100 : i32
      %scan3A_105 = arith.addi %scan3A_103, %scan3A_104 : i32
      %scan3A_106 = arith.constant 1 : i32
      %scan3A_107 = scf.for %scan3A_131 = %scan3A_103 to %scan3A_105 step %scan3A_106 iter_args(%scan3A_132 = %scan3A_102) -> (i32)  : i32 {
        %broadcast_in_dim3A_133 = arith.constant -1.000000e+09 : f32
        %broadcast_in_dim3A_134 = vector.broadcast %broadcast_in_dim3A_133 : f32 to vector<16xf32>
        %broadcast_in_dim3A_135 = arith.constant 0 : i32
        %broadcast_in_dim3A_136 = vector.broadcast %broadcast_in_dim3A_135 : i32 to vector<16xi32>
        %get3A = arith.constant 0 : index
        %get3A_137 = tpu.vector_load %arg32[%get3A] {strides = array<i32>} : memref<32xf32, #tpu.memory_space<vmem>>, vector<16xf32>,
        %gt3A = arith.cmpf ogt, %get3A_137, %broadcast_in_dim3A_134 : vector<16xf32>
        %select_n3A_138 = arith.select %gt3A, %get3A_137, %broadcast_in_dim3A_134 : vector<16xi1>, vector<16xf32>
        %iota3A_139 = tpu.iota {dimensions = array<i32: 0>} : vector<16xi32>
        %add3A_140 = arith.constant 0 : i32
        %add3A_141 = vector.broadcast %add3A_140 : i32 to vector<16xi32>
        %add3A_142 = arith.addi %add3A_141, %iota3A_139 : vector<16xi32>
        %select_n3A_143 = arith.select %gt3A, %add3A_142, %broadcast_in_dim3A_136 : vector<16xi1>, vector<16xi32>
        %get3A_144 = arith.constant 16 : index
        %get3A_145 = tpu.vector_load %arg32[%get3A_144] {strides = array<i32>} : memref<32xf32, #tpu.memory_space<vmem>>, vector<16xf32>,
        %gt3A_146 = arith.cmpf ogt, %get3A_145, %select_n3A_138 : vector<16xf32>
        %select_n3A_147 = arith.select %gt3A_146, %get3A_145, %select_n3A_138 : vector<16xi1>, vector<16xf32>
        %iota3A_148 = tpu.iota {dimensions = array<i32: 0>} : vector<16xi32>
        %add3A_149 = arith.constant 16 : i32
        %add3A_150 = vector.broadcast %add3A_149 : i32 to vector<16xi32>
        %add3A_151 = arith.addi %add3A_150, %iota3A_148 : vector<16xi32>
        %select_n3A_152 = arith.select %gt3A_146, %add3A_151, %select_n3A_143 : vector<16xi1>, vector<16xi32>
        %reduce_max3A = arith.constant true
        %reduce_max3A_153 = vector.broadcast %reduce_max3A : i1 to vector<16xi1>
        %reduce_max3A_154 = tpu.scan <max>, %select_n3A_147 masked %reduce_max3A_153 : vector<16xf32>, vector<16xi1> -> vector<16xf32>
        %reduce_max3A_155 = vector.extract %reduce_max3A_154[15] : f32 from vector<16xf32>
        %eq3A_156 = vector.broadcast %reduce_max3A_155 : f32 to vector<16xf32>
        %eq3A_157 = arith.cmpf oeq, %select_n3A_147, %eq3A_156 : vector<16xf32>
        %jit3A_158 = arith.constant 1073741824 : i32
        %broadcast_in_dim3A_159 = vector.broadcast %jit3A_158 : i32 to vector<16xi32>
        %select_n3A_160 = arith.select %eq3A_157, %select_n3A_152, %broadcast_in_dim3A_159 : vector<16xi1>, vector<16xi32>
        %reduce_min3A = arith.constant true
        %reduce_min3A_161 = vector.broadcast %reduce_min3A : i1 to vector<16xi1>
        %reduce_min3A_162 = arith.constant -2147483648 : i32
        %reduce_min3A_163 = vector.broadcast %reduce_min3A_162 : i32 to vector<16xi32>
        %reduce_min3A_164 = arith.xori %select_n3A_160, %reduce_min3A_163 : vector<16xi32>
        %reduce_min3A_165 = tpu.scan <min>, %reduce_min3A_164 masked %reduce_min3A_161 : vector<16xi32>, vector<16xi1> -> vector<16xi32>
        %reduce_min3A_166 = arith.xori %reduce_min3A_165, %reduce_min3A_163 : vector<16xi32>
        %reduce_min3A_167 = vector.extract %reduce_min3A_166[15] : i32 from vector<16xi32>
        %jit3A_168 = arith.constant 16 : i32
        %div3A_169 = arith.divsi %reduce_min3A_167, %jit3A_168 : i32
        %sign3A_170 = arith.constant 0 : i32
        %sign3A_171 = arith.cmpi sgt, %reduce_min3A_167, %sign3A_170 : i32
        %sign3A_172 = arith.extui %sign3A_171 : i1 to i32
        %sign3A_173 = arith.constant 0 : i32
        %sign3A_174 = arith.cmpi slt, %reduce_min3A_167, %sign3A_173 : i32
        %sign3A_175 = arith.extui %sign3A_174 : i1 to i32
        %sign3A_176 = arith.subi %sign3A_172, %sign3A_175 : i32
        %sign3A_177 = arith.constant 0 : i32
        %sign3A_178 = arith.cmpi sgt, %jit3A_168, %sign3A_177 : i32
        %sign3A_179 = arith.extui %sign3A_178 : i1 to i32
        %sign3A_180 = arith.constant 0 : i32
        %sign3A_181 = arith.cmpi slt, %jit3A_168, %sign3A_180 : i32
        %sign3A_182 = arith.extui %sign3A_181 : i1 to i32
        %sign3A_183 = arith.subi %sign3A_179, %sign3A_182 : i32
        %ne3A_184 = arith.cmpi ne, %sign3A_176, %sign3A_183 : i32
        %rem3A_185 = arith.remsi %reduce_min3A_167, %jit3A_168 : i32
        %ne3A_186 = arith.constant 0 : i32
        %ne3A_187 = arith.cmpi ne, %rem3A_185, %ne3A_186 : i32
        %and3A_188 = arith.andi %ne3A_184, %ne3A_187 : i1
        %sub3A_189 = arith.constant 1 : i32
        %sub3A_190 = arith.subi %div3A_169, %sub3A_189 : i32
        %select_n3A_191 = arith.select %and3A_188, %sub3A_190, %div3A_169 : i32
        %mul3A_192 = arith.constant 16 : i32
        %mul3A_193 = arith.muli %select_n3A_191, %mul3A_192 : i32
        %get3A_194 = arith.index_cast %mul3A_193 : i32 to index
        %get3A_195 = tpu.vector_load %arg33[%get3A_194] {strides = array<i32>} : memref<48xi32, #tpu.memory_space<vmem>>, vector<16xi32>,
        %iota3A_196 = tpu.iota {dimensions = array<i32: 0>} : vector<16xi32>
        %sub3A_197 = arith.subi %reduce_min3A_167, %mul3A_193 : i32
        %eq3A_198 = vector.broadcast %sub3A_197 : i32 to vector<16xi32>
        %eq3A_199 = arith.cmpi eq, %iota3A_196, %eq3A_198 : vector<16xi32>
        %jit3A_200 = arith.constant 0 : i32
        %broadcast_in_dim3A_201 = vector.broadcast %jit3A_200 : i32 to vector<16xi32>
        %select_n3A_202 = arith.select %eq3A_199, %get3A_195, %broadcast_in_dim3A_201 : vector<16xi1>, vector<16xi32>
        %reduce_sum3A = arith.constant true
        %reduce_sum3A_203 = vector.broadcast %reduce_sum3A : i1 to vector<16xi1>
        %reduce_sum3A_204 = tpu.scan <sum>, %select_n3A_202 masked %reduce_sum3A_203 : vector<16xi32>, vector<16xi1> -> vector<16xi32>
        %reduce_sum3A_205 = vector.extract %reduce_sum3A_204[15] : i32 from vector<16xi32>
        %gt3A_206 = arith.constant -5.000000e+08 : f32
        %gt3A_207 = arith.cmpf ogt, %reduce_max3A_155, %gt3A_206 : f32
        %jit3A_208 = arith.constant 112 : i32
        %div3A_209 = arith.divsi %reduce_sum3A_205, %jit3A_208 : i32
        %sign3A_210 = arith.constant 0 : i32
        %sign3A_211 = arith.cmpi sgt, %reduce_sum3A_205, %sign3A_210 : i32
        %sign3A_212 = arith.extui %sign3A_211 : i1 to i32
        %sign3A_213 = arith.constant 0 : i32
        %sign3A_214 = arith.cmpi slt, %reduce_sum3A_205, %sign3A_213 : i32
        %sign3A_215 = arith.extui %sign3A_214 : i1 to i32
        %sign3A_216 = arith.subi %sign3A_212, %sign3A_215 : i32
        %sign3A_217 = arith.constant 0 : i32
        %sign3A_218 = arith.cmpi sgt, %jit3A_208, %sign3A_217 : i32
        %sign3A_219 = arith.extui %sign3A_218 : i1 to i32
        %sign3A_220 = arith.constant 0 : i32
        %sign3A_221 = arith.cmpi slt, %jit3A_208, %sign3A_220 : i32
        %sign3A_222 = arith.extui %sign3A_221 : i1 to i32
        %sign3A_223 = arith.subi %sign3A_219, %sign3A_222 : i32
        %ne3A_224 = arith.cmpi ne, %sign3A_216, %sign3A_223 : i32
        %rem3A_225 = arith.remsi %reduce_sum3A_205, %jit3A_208 : i32
        %ne3A_226 = arith.constant 0 : i32
        %ne3A_227 = arith.cmpi ne, %rem3A_225, %ne3A_226 : i32
        %and3A_228 = arith.andi %ne3A_224, %ne3A_227 : i1
        %sub3A_229 = arith.constant 1 : i32
        %sub3A_230 = arith.subi %div3A_209, %sub3A_229 : i32
        %select_n3A_231 = arith.select %and3A_228, %sub3A_230, %div3A_209 : i32
        %jit3A_232 = arith.constant 16 : i32
        %div3A_233 = arith.divsi %reduce_sum3A_205, %jit3A_232 : i32
        %sign3A_234 = arith.constant 0 : i32
        %sign3A_235 = arith.cmpi sgt, %reduce_sum3A_205, %sign3A_234 : i32
        %sign3A_236 = arith.extui %sign3A_235 : i1 to i32
        %sign3A_237 = arith.constant 0 : i32
        %sign3A_238 = arith.cmpi slt, %reduce_sum3A_205, %sign3A_237 : i32
        %sign3A_239 = arith.extui %sign3A_238 : i1 to i32
        %sign3A_240 = arith.subi %sign3A_236, %sign3A_239 : i32
        %sign3A_241 = arith.constant 0 : i32
        %sign3A_242 = arith.cmpi sgt, %jit3A_232, %sign3A_241 : i32
        %sign3A_243 = arith.extui %sign3A_242 : i1 to i32
        %sign3A_244 = arith.constant 0 : i32
        %sign3A_245 = arith.cmpi slt, %jit3A_232, %sign3A_244 : i32
        %sign3A_246 = arith.extui %sign3A_245 : i1 to i32
        %sign3A_247 = arith.subi %sign3A_243, %sign3A_246 : i32
        %ne3A_248 = arith.cmpi ne, %sign3A_240, %sign3A_247 : i32
        %rem3A_249 = arith.remsi %reduce_sum3A_205, %jit3A_232 : i32
        %ne3A_250 = arith.constant 0 : i32
        %ne3A_251 = arith.cmpi ne, %rem3A_249, %ne3A_250 : i32
        %and3A_252 = arith.andi %ne3A_248, %ne3A_251 : i1
        %sub3A_253 = arith.constant 1 : i32
        %sub3A_254 = arith.subi %div3A_233, %sub3A_253 : i32
        %select_n3A_255 = arith.select %and3A_252, %sub3A_254, %div3A_233 : i32
        %mul3A_256 = arith.constant 16 : i32
        %mul3A_257 = arith.muli %select_n3A_255, %mul3A_256 : i32
        %get3A_258 = arith.index_cast %mul3A_257 : i32 to index
        %get3A_259 = tpu.vector_load %arg27[%get3A_258] {strides = array<i32>} : memref<2368xf32, #tpu.memory_space<vmem>>, vector<16xf32>,
        %sub3A_260 = arith.subi %reduce_sum3A_205, %mul3A_257 : i32
        %broadcast_in_dim3A_261 = vector.broadcast %sub3A_260 : i32 to vector<16xi32>
        %lt3A_262 = arith.constant 0 : i32
        %lt3A_263 = vector.broadcast %lt3A_262 : i32 to vector<16xi32>
        %lt3A_264 = arith.cmpi slt, %broadcast_in_dim3A_261, %lt3A_263 : vector<16xi32>
        %add3A_265 = arith.constant 16 : i32
        %add3A_266 = vector.broadcast %add3A_265 : i32 to vector<16xi32>
        %add3A_267 = arith.addi %broadcast_in_dim3A_261, %add3A_266 : vector<16xi32>
        %select_n3A_268 = arith.select %lt3A_264, %add3A_267, %broadcast_in_dim3A_261 : vector<16xi1>, vector<16xi32>
        %broadcast_in_dim3A_269 = vector.shape_cast %select_n3A_268 : vector<16xi32> to vector<16x1xi32>
        %gather3A = vector.shape_cast %broadcast_in_dim3A_269 : vector<16x1xi32> to vector<16xi32>
        %gather3A_270 = tpu.dynamic_gather %get3A_259[%gather3A] in [0] : vector<16xf32>, vector<16xi32> -> vector<16xf32>
        %jit3A_271 = arith.constant 16 : i32
        %div3A_272 = arith.divsi %reduce_sum3A_205, %jit3A_271 : i32
        %sign3A_273 = arith.constant 0 : i32
        %sign3A_274 = arith.cmpi sgt, %reduce_sum3A_205, %sign3A_273 : i32
        %sign3A_275 = arith.extui %sign3A_274 : i1 to i32
        %sign3A_276 = arith.constant 0 : i32
        %sign3A_277 = arith.cmpi slt, %reduce_sum3A_205, %sign3A_276 : i32
        %sign3A_278 = arith.extui %sign3A_277 : i1 to i32
        %sign3A_279 = arith.subi %sign3A_275, %sign3A_278 : i32
        %sign3A_280 = arith.constant 0 : i32
        %sign3A_281 = arith.cmpi sgt, %jit3A_271, %sign3A_280 : i32
        %sign3A_282 = arith.extui %sign3A_281 : i1 to i32
        %sign3A_283 = arith.constant 0 : i32
        %sign3A_284 = arith.cmpi slt, %jit3A_271, %sign3A_283 : i32
        %sign3A_285 = arith.extui %sign3A_284 : i1 to i32
        %sign3A_286 = arith.subi %sign3A_282, %sign3A_285 : i32
        %ne3A_287 = arith.cmpi ne, %sign3A_279, %sign3A_286 : i32
        %rem3A_288 = arith.remsi %reduce_sum3A_205, %jit3A_271 : i32
        %ne3A_289 = arith.constant 0 : i32
        %ne3A_290 = arith.cmpi ne, %rem3A_288, %ne3A_289 : i32
        %and3A_291 = arith.andi %ne3A_287, %ne3A_290 : i1
        %sub3A_292 = arith.constant 1 : i32
        %sub3A_293 = arith.subi %div3A_272, %sub3A_292 : i32
        %select_n3A_294 = arith.select %and3A_291, %sub3A_293, %div3A_272 : i32
        %mul3A_295 = arith.constant 16 : i32
        %mul3A_296 = arith.muli %select_n3A_294, %mul3A_295 : i32
        %get3A_297 = arith.index_cast %mul3A_296 : i32 to index
        %get3A_298 = tpu.vector_load %arg28[%get3A_297] {strides = array<i32>} : memref<2368xf32, #tpu.memory_space<vmem>>, vector<16xf32>,
        %sub3A_299 = arith.subi %reduce_sum3A_205, %mul3A_296 : i32
        %broadcast_in_dim3A_300 = vector.broadcast %sub3A_299 : i32 to vector<16xi32>
        %lt3A_301 = arith.constant 0 : i32
        %lt3A_302 = vector.broadcast %lt3A_301 : i32 to vector<16xi32>
        %lt3A_303 = arith.cmpi slt, %broadcast_in_dim3A_300, %lt3A_302 : vector<16xi32>
        %add3A_304 = arith.constant 16 : i32
        %add3A_305 = vector.broadcast %add3A_304 : i32 to vector<16xi32>
        %add3A_306 = arith.addi %broadcast_in_dim3A_300, %add3A_305 : vector<16xi32>
        %select_n3A_307 = arith.select %lt3A_303, %add3A_306, %broadcast_in_dim3A_300 : vector<16xi1>, vector<16xi32>
        %broadcast_in_dim3A_308 = vector.shape_cast %select_n3A_307 : vector<16xi32> to vector<16x1xi32>
        %gather3A_309 = vector.shape_cast %broadcast_in_dim3A_308 : vector<16x1xi32> to vector<16xi32>
        %gather3A_310 = tpu.dynamic_gather %get3A_298[%gather3A_309] in [0] : vector<16xf32>, vector<16xi32> -> vector<16xf32>
        %jit3A_311 = arith.constant 16 : i32
        %div3A_312 = arith.divsi %reduce_sum3A_205, %jit3A_311 : i32
        %sign3A_313 = arith.constant 0 : i32
        %sign3A_314 = arith.cmpi sgt, %reduce_sum3A_205, %sign3A_313 : i32
        %sign3A_315 = arith.extui %sign3A_314 : i1 to i32
        %sign3A_316 = arith.constant 0 : i32
        %sign3A_317 = arith.cmpi slt, %reduce_sum3A_205, %sign3A_316 : i32
        %sign3A_318 = arith.extui %sign3A_317 : i1 to i32
        %sign3A_319 = arith.subi %sign3A_315, %sign3A_318 : i32
        %sign3A_320 = arith.constant 0 : i32
        %sign3A_321 = arith.cmpi sgt, %jit3A_311, %sign3A_320 : i32
        %sign3A_322 = arith.extui %sign3A_321 : i1 to i32
        %sign3A_323 = arith.constant 0 : i32
        %sign3A_324 = arith.cmpi slt, %jit3A_311, %sign3A_323 : i32
        %sign3A_325 = arith.extui %sign3A_324 : i1 to i32
        %sign3A_326 = arith.subi %sign3A_322, %sign3A_325 : i32
        %ne3A_327 = arith.cmpi ne, %sign3A_319, %sign3A_326 : i32
        %rem3A_328 = arith.remsi %reduce_sum3A_205, %jit3A_311 : i32
        %ne3A_329 = arith.constant 0 : i32
        %ne3A_330 = arith.cmpi ne, %rem3A_328, %ne3A_329 : i32
        %and3A_331 = arith.andi %ne3A_327, %ne3A_330 : i1
        %sub3A_332 = arith.constant 1 : i32
        %sub3A_333 = arith.subi %div3A_312, %sub3A_332 : i32
        %select_n3A_334 = arith.select %and3A_331, %sub3A_333, %div3A_312 : i32
        %mul3A_335 = arith.constant 16 : i32
        %mul3A_336 = arith.muli %select_n3A_334, %mul3A_335 : i32
        %get3A_337 = arith.index_cast %mul3A_336 : i32 to index
        %get3A_338 = tpu.vector_load %arg29[%get3A_337] {strides = array<i32>} : memref<2368xf32, #tpu.memory_space<vmem>>, vector<16xf32>,
        %sub3A_339 = arith.subi %reduce_sum3A_205, %mul3A_336 : i32
        %broadcast_in_dim3A_340 = vector.broadcast %sub3A_339 : i32 to vector<16xi32>
        %lt3A_341 = arith.constant 0 : i32
        %lt3A_342 = vector.broadcast %lt3A_341 : i32 to vector<16xi32>
        %lt3A_343 = arith.cmpi slt, %broadcast_in_dim3A_340, %lt3A_342 : vector<16xi32>
        %add3A_344 = arith.constant 16 : i32
        %add3A_345 = vector.broadcast %add3A_344 : i32 to vector<16xi32>
        %add3A_346 = arith.addi %broadcast_in_dim3A_340, %add3A_345 : vector<16xi32>
        %select_n3A_347 = arith.select %lt3A_343, %add3A_346, %broadcast_in_dim3A_340 : vector<16xi1>, vector<16xi32>
        %broadcast_in_dim3A_348 = vector.shape_cast %select_n3A_347 : vector<16xi32> to vector<16x1xi32>
        %gather3A_349 = vector.shape_cast %broadcast_in_dim3A_348 : vector<16x1xi32> to vector<16xi32>
        %gather3A_350 = tpu.dynamic_gather %get3A_338[%gather3A_349] in [0] : vector<16xf32>, vector<16xi32> -> vector<16xf32>
        %jit3A_351 = arith.constant 16 : i32
        %div3A_352 = arith.divsi %reduce_sum3A_205, %jit3A_351 : i32
        %sign3A_353 = arith.constant 0 : i32
        %sign3A_354 = arith.cmpi sgt, %reduce_sum3A_205, %sign3A_353 : i32
        %sign3A_355 = arith.extui %sign3A_354 : i1 to i32
        %sign3A_356 = arith.constant 0 : i32
        %sign3A_357 = arith.cmpi slt, %reduce_sum3A_205, %sign3A_356 : i32
        %sign3A_358 = arith.extui %sign3A_357 : i1 to i32
        %sign3A_359 = arith.subi %sign3A_355, %sign3A_358 : i32
        %sign3A_360 = arith.constant 0 : i32
        %sign3A_361 = arith.cmpi sgt, %jit3A_351, %sign3A_360 : i32
        %sign3A_362 = arith.extui %sign3A_361 : i1 to i32
        %sign3A_363 = arith.constant 0 : i32
        %sign3A_364 = arith.cmpi slt, %jit3A_351, %sign3A_363 : i32
        %sign3A_365 = arith.extui %sign3A_364 : i1 to i32
        %sign3A_366 = arith.subi %sign3A_362, %sign3A_365 : i32
        %ne3A_367 = arith.cmpi ne, %sign3A_359, %sign3A_366 : i32
        %rem3A_368 = arith.remsi %reduce_sum3A_205, %jit3A_351 : i32
        %ne3A_369 = arith.constant 0 : i32
        %ne3A_370 = arith.cmpi ne, %rem3A_368, %ne3A_369 : i32
        %and3A_371 = arith.andi %ne3A_367, %ne3A_370 : i1
        %sub3A_372 = arith.constant 1 : i32
        %sub3A_373 = arith.subi %div3A_352, %sub3A_372 : i32
        %select_n3A_374 = arith.select %and3A_371, %sub3A_373, %div3A_352 : i32
        %mul3A_375 = arith.constant 16 : i32
        %mul3A_376 = arith.muli %select_n3A_374, %mul3A_375 : i32
        %get3A_377 = arith.index_cast %mul3A_376 : i32 to index
        %get3A_378 = tpu.vector_load %arg30[%get3A_377] {strides = array<i32>} : memref<2368xf32, #tpu.memory_space<vmem>>, vector<16xf32>,
        %sub3A_379 = arith.subi %reduce_sum3A_205, %mul3A_376 : i32
        %broadcast_in_dim3A_380 = vector.broadcast %sub3A_379 : i32 to vector<16xi32>
        %lt3A_381 = arith.constant 0 : i32
        %lt3A_382 = vector.broadcast %lt3A_381 : i32 to vector<16xi32>
        %lt3A_383 = arith.cmpi slt, %broadcast_in_dim3A_380, %lt3A_382 : vector<16xi32>
        %add3A_384 = arith.constant 16 : i32
        %add3A_385 = vector.broadcast %add3A_384 : i32 to vector<16xi32>
        %add3A_386 = arith.addi %broadcast_in_dim3A_380, %add3A_385 : vector<16xi32>
        %select_n3A_387 = arith.select %lt3A_383, %add3A_386, %broadcast_in_dim3A_380 : vector<16xi1>, vector<16xi32>
        %broadcast_in_dim3A_388 = vector.shape_cast %select_n3A_387 : vector<16xi32> to vector<16x1xi32>
        %gather3A_389 = vector.shape_cast %broadcast_in_dim3A_388 : vector<16x1xi32> to vector<16xi32>
        %gather3A_390 = tpu.dynamic_gather %get3A_378[%gather3A_389] in [0] : vector<16xf32>, vector<16xi32> -> vector<16xf32>
        %jit3A_391 = arith.constant 0.000000e+00 : f32
        %select_n3A_392 = arith.select %gt3A_207, %reduce_max3A_155, %jit3A_391 : f32
        %convert_element_type3A_393 = arith.sitofp %select_n3A_231 : i32 to f32
        %jit3A_394 = arith.constant 0.000000e+00 : f32
        %select_n3A_395 = arith.select %gt3A_207, %convert_element_type3A_393, %jit3A_394 : f32
        %jit3A_396 = arith.constant 16 : i32
        %div3A_397 = arith.divsi %scan3A_131, %jit3A_396 : i32
        %sign3A_398 = arith.constant 0 : i32
        %sign3A_399 = arith.cmpi sgt, %scan3A_131, %sign3A_398 : i32
        %sign3A_400 = arith.extui %sign3A_399 : i1 to i32
        %sign3A_401 = arith.constant 0 : i32
        %sign3A_402 = arith.cmpi slt, %scan3A_131, %sign3A_401 : i32
        %sign3A_403 = arith.extui %sign3A_402 : i1 to i32
        %sign3A_404 = arith.subi %sign3A_400, %sign3A_403 : i32
        %sign3A_405 = arith.constant 0 : i32
        %sign3A_406 = arith.cmpi sgt, %jit3A_396, %sign3A_405 : i32
        %sign3A_407 = arith.extui %sign3A_406 : i1 to i32
        %sign3A_408 = arith.constant 0 : i32
        %sign3A_409 = arith.cmpi slt, %jit3A_396, %sign3A_408 : i32
        %sign3A_410 = arith.extui %sign3A_409 : i1 to i32
        %sign3A_411 = arith.subi %sign3A_407, %sign3A_410 : i32
        %ne3A_412 = arith.cmpi ne, %sign3A_404, %sign3A_411 : i32
        %rem3A_413 = arith.remsi %scan3A_131, %jit3A_396 : i32
        %ne3A_414 = arith.constant 0 : i32
        %ne3A_415 = arith.cmpi ne, %rem3A_413, %ne3A_414 : i32
        %and3A_416 = arith.andi %ne3A_412, %ne3A_415 : i1
        %sub3A_417 = arith.constant 1 : i32
        %sub3A_418 = arith.subi %div3A_397, %sub3A_417 : i32
        %select_n3A_419 = arith.select %and3A_416, %sub3A_418, %div3A_397 : i32
        %mul3A_420 = arith.constant 16 : i32
        %mul3A_421 = arith.muli %select_n3A_419, %mul3A_420 : i32
        %get3A_422 = arith.index_cast %mul3A_421 : i32 to index
        %get3A_423 = tpu.vector_load %arg35[%get3A_422] {strides = array<i32>} : memref<112xf32, #tpu.memory_space<vmem>>, vector<16xf32>,
        %iota3A_424 = tpu.iota {dimensions = array<i32: 0>} : vector<16xi32>
        %sub3A_425 = arith.subi %scan3A_131, %mul3A_421 : i32
        %eq3A_426 = vector.broadcast %sub3A_425 : i32 to vector<16xi32>
        %eq3A_427 = arith.cmpi eq, %iota3A_424, %eq3A_426 : vector<16xi32>
        %broadcast_in_dim3A_428 = vector.broadcast %select_n3A_392 : f32 to vector<16xf32>
        %select_n3A_429 = arith.select %eq3A_427, %broadcast_in_dim3A_428, %get3A_423 : vector<16xi1>, vector<16xf32>
        %swap3A_430 = arith.index_cast %mul3A_421 : i32 to index
        %swap3A_431 = tpu.vector_load %arg35[%swap3A_430] {strides = array<i32>} : memref<112xf32, #tpu.memory_space<vmem>>, vector<16xf32>,
        tpu.vector_store %arg35[%swap3A_430], %select_n3A_429 {strides = array<i32>} : memref<112xf32, #tpu.memory_space<vmem>>, vector<16xf32>,
        %jit3A_432 = arith.constant 16 : i32
        %div3A_433 = arith.divsi %scan3A_131, %jit3A_432 : i32
        %sign3A_434 = arith.constant 0 : i32
        %sign3A_435 = arith.cmpi sgt, %scan3A_131, %sign3A_434 : i32
        %sign3A_436 = arith.extui %sign3A_435 : i1 to i32
        %sign3A_437 = arith.constant 0 : i32
        %sign3A_438 = arith.cmpi slt, %scan3A_131, %sign3A_437 : i32
        %sign3A_439 = arith.extui %sign3A_438 : i1 to i32
        %sign3A_440 = arith.subi %sign3A_436, %sign3A_439 : i32
        %sign3A_441 = arith.constant 0 : i32
        %sign3A_442 = arith.cmpi sgt, %jit3A_432, %sign3A_441 : i32
        %sign3A_443 = arith.extui %sign3A_442 : i1 to i32
        %sign3A_444 = arith.constant 0 : i32
        %sign3A_445 = arith.cmpi slt, %jit3A_432, %sign3A_444 : i32
        %sign3A_446 = arith.extui %sign3A_445 : i1 to i32
        %sign3A_447 = arith.subi %sign3A_443, %sign3A_446 : i32
        %ne3A_448 = arith.cmpi ne, %sign3A_440, %sign3A_447 : i32
        %rem3A_449 = arith.remsi %scan3A_131, %jit3A_432 : i32
        %ne3A_450 = arith.constant 0 : i32
        %ne3A_451 = arith.cmpi ne, %rem3A_449, %ne3A_450 : i32
        %and3A_452 = arith.andi %ne3A_448, %ne3A_451 : i1
        %sub3A_453 = arith.constant 1 : i32
        %sub3A_454 = arith.subi %div3A_433, %sub3A_453 : i32
        %select_n3A_455 = arith.select %and3A_452, %sub3A_454, %div3A_433 : i32
        %mul3A_456 = arith.constant 16 : i32
        %mul3A_457 = arith.muli %select_n3A_455, %mul3A_456 : i32
        %get3A_458 = arith.index_cast %mul3A_457 : i32 to index
        %get3A_459 = tpu.vector_load %arg36[%get3A_458] {strides = array<i32>} : memref<112xf32, #tpu.memory_space<vmem>>, vector<16xf32>,
        %iota3A_460 = tpu.iota {dimensions = array<i32: 0>} : vector<16xi32>
        %sub3A_461 = arith.subi %scan3A_131, %mul3A_457 : i32
        %eq3A_462 = vector.broadcast %sub3A_461 : i32 to vector<16xi32>
        %eq3A_463 = arith.cmpi eq, %iota3A_460, %eq3A_462 : vector<16xi32>
        %broadcast_in_dim3A_464 = vector.broadcast %select_n3A_395 : f32 to vector<16xf32>
        %select_n3A_465 = arith.select %eq3A_463, %broadcast_in_dim3A_464, %get3A_459 : vector<16xi1>, vector<16xf32>
        %swap3A_466 = arith.index_cast %mul3A_457 : i32 to index
        %swap3A_467 = tpu.vector_load %arg36[%swap3A_466] {strides = array<i32>} : memref<112xf32, #tpu.memory_space<vmem>>, vector<16xf32>,
        tpu.vector_store %arg36[%swap3A_466], %select_n3A_465 {strides = array<i32>} : memref<112xf32, #tpu.memory_space<vmem>>, vector<16xf32>,
        %mul3A_468 = arith.constant 4 : i32
        %mul3A_469 = arith.muli %scan3A_131, %mul3A_468 : i32
        %jit3A_470 = arith.constant 16 : i32
        %div3A_471 = arith.divsi %mul3A_469, %jit3A_470 : i32
        %sign3A_472 = arith.constant 0 : i32
        %sign3A_473 = arith.cmpi sgt, %mul3A_469, %sign3A_472 : i32
        %sign3A_474 = arith.extui %sign3A_473 : i1 to i32
        %sign3A_475 = arith.constant 0 : i32
        %sign3A_476 = arith.cmpi slt, %mul3A_469, %sign3A_475 : i32
        %sign3A_477 = arith.extui %sign3A_476 : i1 to i32
        %sign3A_478 = arith.subi %sign3A_474, %sign3A_477 : i32
        %sign3A_479 = arith.constant 0 : i32
        %sign3A_480 = arith.cmpi sgt, %jit3A_470, %sign3A_479 : i32
        %sign3A_481 = arith.extui %sign3A_480 : i1 to i32
        %sign3A_482 = arith.constant 0 : i32
        %sign3A_483 = arith.cmpi slt, %jit3A_470, %sign3A_482 : i32
        %sign3A_484 = arith.extui %sign3A_483 : i1 to i32
        %sign3A_485 = arith.subi %sign3A_481, %sign3A_484 : i32
        %ne3A_486 = arith.cmpi ne, %sign3A_478, %sign3A_485 : i32
        %rem3A_487 = arith.remsi %mul3A_469, %jit3A_470 : i32
        %ne3A_488 = arith.constant 0 : i32
        %ne3A_489 = arith.cmpi ne, %rem3A_487, %ne3A_488 : i32
        %and3A_490 = arith.andi %ne3A_486, %ne3A_489 : i1
        %sub3A_491 = arith.constant 1 : i32
        %sub3A_492 = arith.subi %div3A_471, %sub3A_491 : i32
        %select_n3A_493 = arith.select %and3A_490, %sub3A_492, %div3A_471 : i32
        %mul3A_494 = arith.constant 16 : i32
        %mul3A_495 = arith.muli %select_n3A_493, %mul3A_494 : i32
        %mul3A_496 = arith.constant 4 : i32
        %mul3A_497 = arith.muli %scan3A_131, %mul3A_496 : i32
        %sub3A_498 = arith.subi %mul3A_497, %mul3A_495 : i32
        %iota3A_499 = tpu.iota {dimensions = array<i32: 0>} : vector<16xi32>
        %get3A_500 = arith.index_cast %mul3A_495 : i32 to index
        %get3A_501 = tpu.vector_load %arg34[%get3A_500] {strides = array<i32>} : memref<448xf32, #tpu.memory_space<vmem>>, vector<16xf32>,
        %eq3A_502 = vector.broadcast %sub3A_498 : i32 to vector<16xi32>
        %eq3A_503 = arith.cmpi eq, %iota3A_499, %eq3A_502 : vector<16xi32>
        %jit3A_504 = arith.constant 0.000000e+00 : f32
        %broadcast_in_dim3A_505 = vector.broadcast %jit3A_504 : f32 to vector<16xf32>
        %select_n3A_506 = arith.select %gt3A_207, %gather3A_270, %broadcast_in_dim3A_505 : vector<16xf32>
        %select_n3A_507 = arith.select %eq3A_503, %select_n3A_506, %get3A_501 : vector<16xi1>, vector<16xf32>
        %add3A_508 = arith.constant 1 : i32
        %add3A_509 = arith.addi %sub3A_498, %add3A_508 : i32
        %eq3A_510 = vector.broadcast %add3A_509 : i32 to vector<16xi32>
        %eq3A_511 = arith.cmpi eq, %iota3A_499, %eq3A_510 : vector<16xi32>
        %jit3A_512 = arith.constant 0.000000e+00 : f32
        %broadcast_in_dim3A_513 = vector.broadcast %jit3A_512 : f32 to vector<16xf32>
        %select_n3A_514 = arith.select %gt3A_207, %gather3A_310, %broadcast_in_dim3A_513 : vector<16xf32>
        %select_n3A_515 = arith.select %eq3A_511, %select_n3A_514, %select_n3A_507 : vector<16xi1>, vector<16xf32>
        %add3A_516 = arith.constant 2 : i32
        %add3A_517 = arith.addi %sub3A_498, %add3A_516 : i32
        %eq3A_518 = vector.broadcast %add3A_517 : i32 to vector<16xi32>
        %eq3A_519 = arith.cmpi eq, %iota3A_499, %eq3A_518 : vector<16xi32>
        %jit3A_520 = arith.constant 0.000000e+00 : f32
        %broadcast_in_dim3A_521 = vector.broadcast %jit3A_520 : f32 to vector<16xf32>
        %select_n3A_522 = arith.select %gt3A_207, %gather3A_350, %broadcast_in_dim3A_521 : vector<16xf32>
        %select_n3A_523 = arith.select %eq3A_519, %select_n3A_522, %select_n3A_515 : vector<16xi1>, vector<16xf32>
        %add3A_524 = arith.constant 3 : i32
        %add3A_525 = arith.addi %sub3A_498, %add3A_524 : i32
        %eq3A_526 = vector.broadcast %add3A_525 : i32 to vector<16xi32>
        %eq3A_527 = arith.cmpi eq, %iota3A_499, %eq3A_526 : vector<16xi32>
        %jit3A_528 = arith.constant 0.000000e+00 : f32
        %broadcast_in_dim3A_529 = vector.broadcast %jit3A_528 : f32 to vector<16xf32>
        %select_n3A_530 = arith.select %gt3A_207, %gather3A_390, %broadcast_in_dim3A_529 : vector<16xf32>
        %select_n3A_531 = arith.select %eq3A_527, %select_n3A_530, %select_n3A_523 : vector<16xi1>, vector<16xf32>
        %swap3A_532 = arith.index_cast %mul3A_495 : i32 to index
        %swap3A_533 = tpu.vector_load %arg34[%swap3A_532] {strides = array<i32>} : memref<448xf32, #tpu.memory_space<vmem>>, vector<16xf32>,
        tpu.vector_store %arg34[%swap3A_532], %select_n3A_531 {strides = array<i32>} : memref<448xf32, #tpu.memory_space<vmem>>, vector<16xf32>,
        %jit3A_534 = arith.constant 16 : i32
        %div3A_535 = arith.divsi %reduce_sum3A_205, %jit3A_534 : i32
        %sign3A_536 = arith.constant 0 : i32
        %sign3A_537 = arith.cmpi sgt, %reduce_sum3A_205, %sign3A_536 : i32
        %sign3A_538 = arith.extui %sign3A_537 : i1 to i32
        %sign3A_539 = arith.constant 0 : i32
        %sign3A_540 = arith.cmpi slt, %reduce_sum3A_205, %sign3A_539 : i32
        %sign3A_541 = arith.extui %sign3A_540 : i1 to i32
        %sign3A_542 = arith.subi %sign3A_538, %sign3A_541 : i32
        %sign3A_543 = arith.constant 0 : i32
        %sign3A_544 = arith.cmpi sgt, %jit3A_534, %sign3A_543 : i32
        %sign3A_545 = arith.extui %sign3A_544 : i1 to i32
        %sign3A_546 = arith.constant 0 : i32
        %sign3A_547 = arith.cmpi slt, %jit3A_534, %sign3A_546 : i32
        %sign3A_548 = arith.extui %sign3A_547 : i1 to i32
        %sign3A_549 = arith.subi %sign3A_545, %sign3A_548 : i32
        %ne3A_550 = arith.cmpi ne, %sign3A_542, %sign3A_549 : i32
        %rem3A_551 = arith.remsi %reduce_sum3A_205, %jit3A_534 : i32
        %ne3A_552 = arith.constant 0 : i32
        %ne3A_553 = arith.cmpi ne, %rem3A_551, %ne3A_552 : i32
        %and3A_554 = arith.andi %ne3A_550, %ne3A_553 : i1
        %sub3A_555 = arith.constant 1 : i32
        %sub3A_556 = arith.subi %div3A_535, %sub3A_555 : i32
        %select_n3A_557 = arith.select %and3A_554, %sub3A_556, %div3A_535 : i32
        %mul3A_558 = arith.constant 16 : i32
        %mul3A_559 = arith.muli %select_n3A_557, %mul3A_558 : i32
        %get3A_560 = arith.index_cast %mul3A_559 : i32 to index
        %get3A_561 = tpu.vector_load %arg31[%get3A_560] {strides = array<i32>} : memref<2352xf32, #tpu.memory_space<vmem>>, vector<16xf32>,
        %iota3A_562 = tpu.iota {dimensions = array<i32: 0>} : vector<16xi32>
        %sub3A_563 = arith.subi %reduce_sum3A_205, %mul3A_559 : i32
        %eq3A_564 = vector.broadcast %sub3A_563 : i32 to vector<16xi32>
        %eq3A_565 = arith.cmpi eq, %iota3A_562, %eq3A_564 : vector<16xi32>
        %jit3A_566 = arith.constant -1.000000e+09 : f32
        %broadcast_in_dim3A_567 = vector.broadcast %jit3A_566 : f32 to vector<16xf32>
        %select_n3A_568 = arith.select %eq3A_565, %broadcast_in_dim3A_567, %get3A_561 : vector<16xi1>, vector<16xf32>
        %swap3A_569 = arith.index_cast %mul3A_559 : i32 to index
        %swap3A_570 = tpu.vector_load %arg31[%swap3A_569] {strides = array<i32>} : memref<2352xf32, #tpu.memory_space<vmem>>, vector<16xf32>,
        tpu.vector_store %arg31[%swap3A_569], %select_n3A_568 {strides = array<i32>} : memref<2352xf32, #tpu.memory_space<vmem>>, vector<16xf32>,
        %mul3A_571 = arith.constant 112 : i32
        %mul3A_572 = arith.muli %reduce_min3A_167, %mul3A_571 : i32
        %broadcast_in_dim3A_573 = arith.constant -1.000000e+09 : f32
        %broadcast_in_dim3A_574 = vector.broadcast %broadcast_in_dim3A_573 : f32 to vector<16xf32>
        %broadcast_in_dim3A_575 = arith.constant 0 : i32
        %broadcast_in_dim3A_576 = vector.broadcast %broadcast_in_dim3A_575 : i32 to vector<16xi32>
        %add3A_577 = arith.constant 0 : i32
        %add3A_578 = arith.addi %mul3A_572, %add3A_577 : i32
        %get3A_579 = arith.index_cast %add3A_578 : i32 to index
        %get3A_580 = tpu.vector_load %arg31[%get3A_579] {strides = array<i32>} : memref<2352xf32, #tpu.memory_space<vmem>>, vector<16xf32>,
        %gt3A_581 = arith.cmpf ogt, %get3A_580, %broadcast_in_dim3A_574 : vector<16xf32>
        %select_n3A_582 = arith.select %gt3A_581, %get3A_580, %broadcast_in_dim3A_574 : vector<16xi1>, vector<16xf32>
        %iota3A_583 = tpu.iota {dimensions = array<i32: 0>} : vector<16xi32>
        %add3A_584 = vector.broadcast %add3A_578 : i32 to vector<16xi32>
        %add3A_585 = arith.addi %add3A_584, %iota3A_583 : vector<16xi32>
        %select_n3A_586 = arith.select %gt3A_581, %add3A_585, %broadcast_in_dim3A_576 : vector<16xi1>, vector<16xi32>
        %add3A_587 = arith.constant 16 : i32
        %add3A_588 = arith.addi %mul3A_572, %add3A_587 : i32
        %get3A_589 = arith.index_cast %add3A_588 : i32 to index
        %get3A_590 = tpu.vector_load %arg31[%get3A_589] {strides = array<i32>} : memref<2352xf32, #tpu.memory_space<vmem>>, vector<16xf32>,
        %gt3A_591 = arith.cmpf ogt, %get3A_590, %select_n3A_582 : vector<16xf32>
        %select_n3A_592 = arith.select %gt3A_591, %get3A_590, %select_n3A_582 : vector<16xi1>, vector<16xf32>
        %iota3A_593 = tpu.iota {dimensions = array<i32: 0>} : vector<16xi32>
        %add3A_594 = vector.broadcast %add3A_588 : i32 to vector<16xi32>
        %add3A_595 = arith.addi %add3A_594, %iota3A_593 : vector<16xi32>
        %select_n3A_596 = arith.select %gt3A_591, %add3A_595, %select_n3A_586 : vector<16xi1>, vector<16xi32>
        %add3A_597 = arith.constant 32 : i32
        %add3A_598 = arith.addi %mul3A_572, %add3A_597 : i32
        %get3A_599 = arith.index_cast %add3A_598 : i32 to index
        %get3A_600 = tpu.vector_load %arg31[%get3A_599] {strides = array<i32>} : memref<2352xf32, #tpu.memory_space<vmem>>, vector<16xf32>,
        %gt3A_601 = arith.cmpf ogt, %get3A_600, %select_n3A_592 : vector<16xf32>
        %select_n3A_602 = arith.select %gt3A_601, %get3A_600, %select_n3A_592 : vector<16xi1>, vector<16xf32>
        %iota3A_603 = tpu.iota {dimensions = array<i32: 0>} : vector<16xi32>
        %add3A_604 = vector.broadcast %add3A_598 : i32 to vector<16xi32>
        %add3A_605 = arith.addi %add3A_604, %iota3A_603 : vector<16xi32>
        %select_n3A_606 = arith.select %gt3A_601, %add3A_605, %select_n3A_596 : vector<16xi1>, vector<16xi32>
        %add3A_607 = arith.constant 48 : i32
        %add3A_608 = arith.addi %mul3A_572, %add3A_607 : i32
        %get3A_609 = arith.index_cast %add3A_608 : i32 to index
        %get3A_610 = tpu.vector_load %arg31[%get3A_609] {strides = array<i32>} : memref<2352xf32, #tpu.memory_space<vmem>>, vector<16xf32>,
        %gt3A_611 = arith.cmpf ogt, %get3A_610, %select_n3A_602 : vector<16xf32>
        %select_n3A_612 = arith.select %gt3A_611, %get3A_610, %select_n3A_602 : vector<16xi1>, vector<16xf32>
        %iota3A_613 = tpu.iota {dimensions = array<i32: 0>} : vector<16xi32>
        %add3A_614 = vector.broadcast %add3A_608 : i32 to vector<16xi32>
        %add3A_615 = arith.addi %add3A_614, %iota3A_613 : vector<16xi32>
        %select_n3A_616 = arith.select %gt3A_611, %add3A_615, %select_n3A_606 : vector<16xi1>, vector<16xi32>
        %add3A_617 = arith.constant 64 : i32
        %add3A_618 = arith.addi %mul3A_572, %add3A_617 : i32
        %get3A_619 = arith.index_cast %add3A_618 : i32 to index
        %get3A_620 = tpu.vector_load %arg31[%get3A_619] {strides = array<i32>} : memref<2352xf32, #tpu.memory_space<vmem>>, vector<16xf32>,
        %gt3A_621 = arith.cmpf ogt, %get3A_620, %select_n3A_612 : vector<16xf32>
        %select_n3A_622 = arith.select %gt3A_621, %get3A_620, %select_n3A_612 : vector<16xi1>, vector<16xf32>
        %iota3A_623 = tpu.iota {dimensions = array<i32: 0>} : vector<16xi32>
        %add3A_624 = vector.broadcast %add3A_618 : i32 to vector<16xi32>
        %add3A_625 = arith.addi %add3A_624, %iota3A_623 : vector<16xi32>
        %select_n3A_626 = arith.select %gt3A_621, %add3A_625, %select_n3A_616 : vector<16xi1>, vector<16xi32>
        %add3A_627 = arith.constant 80 : i32
        %add3A_628 = arith.addi %mul3A_572, %add3A_627 : i32
        %get3A_629 = arith.index_cast %add3A_628 : i32 to index
        %get3A_630 = tpu.vector_load %arg31[%get3A_629] {strides = array<i32>} : memref<2352xf32, #tpu.memory_space<vmem>>, vector<16xf32>,
        %gt3A_631 = arith.cmpf ogt, %get3A_630, %select_n3A_622 : vector<16xf32>
        %select_n3A_632 = arith.select %gt3A_631, %get3A_630, %select_n3A_622 : vector<16xi1>, vector<16xf32>
        %iota3A_633 = tpu.iota {dimensions = array<i32: 0>} : vector<16xi32>
        %add3A_634 = vector.broadcast %add3A_628 : i32 to vector<16xi32>
        %add3A_635 = arith.addi %add3A_634, %iota3A_633 : vector<16xi32>
        %select_n3A_636 = arith.select %gt3A_631, %add3A_635, %select_n3A_626 : vector<16xi1>, vector<16xi32>
        %add3A_637 = arith.constant 96 : i32
        %add3A_638 = arith.addi %mul3A_572, %add3A_637 : i32
        %get3A_639 = arith.index_cast %add3A_638 : i32 to index
        %get3A_640 = tpu.vector_load %arg31[%get3A_639] {strides = array<i32>} : memref<2352xf32, #tpu.memory_space<vmem>>, vector<16xf32>,
        %gt3A_641 = arith.cmpf ogt, %get3A_640, %select_n3A_632 : vector<16xf32>
        %select_n3A_642 = arith.select %gt3A_641, %get3A_640, %select_n3A_632 : vector<16xi1>, vector<16xf32>
        %iota3A_643 = tpu.iota {dimensions = array<i32: 0>} : vector<16xi32>
        %add3A_644 = vector.broadcast %add3A_638 : i32 to vector<16xi32>
        %add3A_645 = arith.addi %add3A_644, %iota3A_643 : vector<16xi32>
        %select_n3A_646 = arith.select %gt3A_641, %add3A_645, %select_n3A_636 : vector<16xi1>, vector<16xi32>
        %reduce_max3A_647 = arith.constant true
        %reduce_max3A_648 = vector.broadcast %reduce_max3A_647 : i1 to vector<16xi1>
        %reduce_max3A_649 = tpu.scan <max>, %select_n3A_642 masked %reduce_max3A_648 : vector<16xf32>, vector<16xi1> -> vector<16xf32>
        %reduce_max3A_650 = vector.extract %reduce_max3A_649[15] : f32 from vector<16xf32>
        %eq3A_651 = vector.broadcast %reduce_max3A_650 : f32 to vector<16xf32>
        %eq3A_652 = arith.cmpf oeq, %select_n3A_642, %eq3A_651 : vector<16xf32>
        %jit3A_653 = arith.constant 1073741824 : i32
        %broadcast_in_dim3A_654 = vector.broadcast %jit3A_653 : i32 to vector<16xi32>
        %select_n3A_655 = arith.select %eq3A_652, %select_n3A_646, %broadcast_in_dim3A_654 : vector<16xi1>, vector<16xi32>
        %reduce_min3A_656 = arith.constant true
        %reduce_min3A_657 = vector.broadcast %reduce_min3A_656 : i1 to vector<16xi1>
        %reduce_min3A_658 = arith.constant -2147483648 : i32
        %reduce_min3A_659 = vector.broadcast %reduce_min3A_658 : i32 to vector<16xi32>
        %reduce_min3A_660 = arith.xori %select_n3A_655, %reduce_min3A_659 : vector<16xi32>
        %reduce_min3A_661 = tpu.scan <min>, %reduce_min3A_660 masked %reduce_min3A_657 : vector<16xi32>, vector<16xi1> -> vector<16xi32>
        %reduce_min3A_662 = arith.xori %reduce_min3A_661, %reduce_min3A_659 : vector<16xi32>
        %reduce_min3A_663 = vector.extract %reduce_min3A_662[15] : i32 from vector<16xi32>
        %jit3A_664 = arith.constant 16 : i32
        %div3A_665 = arith.divsi %reduce_min3A_167, %jit3A_664 : i32
        %sign3A_666 = arith.constant 0 : i32
        %sign3A_667 = arith.cmpi sgt, %reduce_min3A_167, %sign3A_666 : i32
        %sign3A_668 = arith.extui %sign3A_667 : i1 to i32
        %sign3A_669 = arith.constant 0 : i32
        %sign3A_670 = arith.cmpi slt, %reduce_min3A_167, %sign3A_669 : i32
        %sign3A_671 = arith.extui %sign3A_670 : i1 to i32
        %sign3A_672 = arith.subi %sign3A_668, %sign3A_671 : i32
        %sign3A_673 = arith.constant 0 : i32
        %sign3A_674 = arith.cmpi sgt, %jit3A_664, %sign3A_673 : i32
        %sign3A_675 = arith.extui %sign3A_674 : i1 to i32
        %sign3A_676 = arith.constant 0 : i32
        %sign3A_677 = arith.cmpi slt, %jit3A_664, %sign3A_676 : i32
        %sign3A_678 = arith.extui %sign3A_677 : i1 to i32
        %sign3A_679 = arith.subi %sign3A_675, %sign3A_678 : i32
        %ne3A_680 = arith.cmpi ne, %sign3A_672, %sign3A_679 : i32
        %rem3A_681 = arith.remsi %reduce_min3A_167, %jit3A_664 : i32
        %ne3A_682 = arith.constant 0 : i32
        %ne3A_683 = arith.cmpi ne, %rem3A_681, %ne3A_682 : i32
        %and3A_684 = arith.andi %ne3A_680, %ne3A_683 : i1
        %sub3A_685 = arith.constant 1 : i32
        %sub3A_686 = arith.subi %div3A_665, %sub3A_685 : i32
        %select_n3A_687 = arith.select %and3A_684, %sub3A_686, %div3A_665 : i32
        %mul3A_688 = arith.constant 16 : i32
        %mul3A_689 = arith.muli %select_n3A_687, %mul3A_688 : i32
        %get3A_690 = arith.index_cast %mul3A_689 : i32 to index
        %get3A_691 = tpu.vector_load %arg32[%get3A_690] {strides = array<i32>} : memref<32xf32, #tpu.memory_space<vmem>>, vector<16xf32>,
        %iota3A_692 = tpu.iota {dimensions = array<i32: 0>} : vector<16xi32>
        %sub3A_693 = arith.subi %reduce_min3A_167, %mul3A_689 : i32
        %eq3A_694 = vector.broadcast %sub3A_693 : i32 to vector<16xi32>
        %eq3A_695 = arith.cmpi eq, %iota3A_692, %eq3A_694 : vector<16xi32>
        %broadcast_in_dim3A_696 = vector.broadcast %reduce_max3A_650 : f32 to vector<16xf32>
        %select_n3A_697 = arith.select %eq3A_695, %broadcast_in_dim3A_696, %get3A_691 : vector<16xi1>, vector<16xf32>
        %swap3A_698 = arith.index_cast %mul3A_689 : i32 to index
        %swap3A_699 = tpu.vector_load %arg32[%swap3A_698] {strides = array<i32>} : memref<32xf32, #tpu.memory_space<vmem>>, vector<16xf32>,
        tpu.vector_store %arg32[%swap3A_698], %select_n3A_697 {strides = array<i32>} : memref<32xf32, #tpu.memory_space<vmem>>, vector<16xf32>,
        %jit3A_700 = arith.constant 16 : i32
        %div3A_701 = arith.divsi %reduce_min3A_167, %jit3A_700 : i32
        %sign3A_702 = arith.constant 0 : i32
        %sign3A_703 = arith.cmpi sgt, %reduce_min3A_167, %sign3A_702 : i32
        %sign3A_704 = arith.extui %sign3A_703 : i1 to i32
        %sign3A_705 = arith.constant 0 : i32
        %sign3A_706 = arith.cmpi slt, %reduce_min3A_167, %sign3A_705 : i32
        %sign3A_707 = arith.extui %sign3A_706 : i1 to i32
        %sign3A_708 = arith.subi %sign3A_704, %sign3A_707 : i32
        %sign3A_709 = arith.constant 0 : i32
        %sign3A_710 = arith.cmpi sgt, %jit3A_700, %sign3A_709 : i32
        %sign3A_711 = arith.extui %sign3A_710 : i1 to i32
        %sign3A_712 = arith.constant 0 : i32
        %sign3A_713 = arith.cmpi slt, %jit3A_700, %sign3A_712 : i32
        %sign3A_714 = arith.extui %sign3A_713 : i1 to i32
        %sign3A_715 = arith.subi %sign3A_711, %sign3A_714 : i32
        %ne3A_716 = arith.cmpi ne, %sign3A_708, %sign3A_715 : i32
        %rem3A_717 = arith.remsi %reduce_min3A_167, %jit3A_700 : i32
        %ne3A_718 = arith.constant 0 : i32
        %ne3A_719 = arith.cmpi ne, %rem3A_717, %ne3A_718 : i32
        %and3A_720 = arith.andi %ne3A_716, %ne3A_719 : i1
        %sub3A_721 = arith.constant 1 : i32
        %sub3A_722 = arith.subi %div3A_701, %sub3A_721 : i32
        %select_n3A_723 = arith.select %and3A_720, %sub3A_722, %div3A_701 : i32
        %mul3A_724 = arith.constant 16 : i32
        %mul3A_725 = arith.muli %select_n3A_723, %mul3A_724 : i32
        %get3A_726 = arith.index_cast %mul3A_725 : i32 to index
        %get3A_727 = tpu.vector_load %arg33[%get3A_726] {strides = array<i32>} : memref<48xi32, #tpu.memory_space<vmem>>, vector<16xi32>,
        %iota3A_728 = tpu.iota {dimensions = array<i32: 0>} : vector<16xi32>
        %sub3A_729 = arith.subi %reduce_min3A_167, %mul3A_725 : i32
        %eq3A_730 = vector.broadcast %sub3A_729 : i32 to vector<16xi32>
        %eq3A_731 = arith.cmpi eq, %iota3A_728, %eq3A_730 : vector<16xi32>
        %broadcast_in_dim3A_732 = vector.broadcast %reduce_min3A_663 : i32 to vector<16xi32>
        %select_n3A_733 = arith.select %eq3A_731, %broadcast_in_dim3A_732, %get3A_727 : vector<16xi1>, vector<16xi32>
        %swap3A_734 = arith.index_cast %mul3A_725 : i32 to index
        %swap3A_735 = tpu.vector_load %arg33[%swap3A_734] {strides = array<i32>} : memref<48xi32, #tpu.memory_space<vmem>>, vector<16xi32>,
        tpu.vector_store %arg33[%swap3A_734], %select_n3A_733 {strides = array<i32>} : memref<48xi32, #tpu.memory_space<vmem>>, vector<16xi32>,
        %jit3A_736 = arith.constant 1 : i32
        %jit3A_737 = arith.constant 0 : i32
        %select_n3A_738 = arith.select %gt3A_207, %jit3A_736, %jit3A_737 : i32
        %add3A_739 = arith.addi %scan3A_132, %select_n3A_738 : i32
        scf.yield %add3A_739 : i32
      }
      %scan3A_108 = arith.constant 100 : i32
      %scan3A_109 = arith.constant 0 : i32
      %scan3A_110 = arith.constant 0 : i32
      %scan3A_111 = arith.constant 12 : i32
      %scan3A_112 = arith.addi %scan3A_110, %scan3A_111 : i32
      %scan3A_113 = arith.constant 1 : i32
      %scan3A_114 = scf.for %scan3A_131 = %scan3A_110 to %scan3A_112 step %scan3A_113 iter_args(%scan3A_132 = %scan3A_109) -> (i32)  : i32 {
        %add3A_133 = arith.constant 100 : i32
        %add3A_134 = arith.addi %add3A_133, %scan3A_131 : i32
        %jit3A_135 = arith.constant 16 : i32
        %div3A_136 = arith.divsi %add3A_134, %jit3A_135 : i32
        %sign3A_137 = arith.constant 0 : i32
        %sign3A_138 = arith.cmpi sgt, %add3A_134, %sign3A_137 : i32
        %sign3A_139 = arith.extui %sign3A_138 : i1 to i32
        %sign3A_140 = arith.constant 0 : i32
        %sign3A_141 = arith.cmpi slt, %add3A_134, %sign3A_140 : i32
        %sign3A_142 = arith.extui %sign3A_141 : i1 to i32
        %sign3A_143 = arith.subi %sign3A_139, %sign3A_142 : i32
        %sign3A_144 = arith.constant 0 : i32
        %sign3A_145 = arith.cmpi sgt, %jit3A_135, %sign3A_144 : i32
        %sign3A_146 = arith.extui %sign3A_145 : i1 to i32
        %sign3A_147 = arith.constant 0 : i32
        %sign3A_148 = arith.cmpi slt, %jit3A_135, %sign3A_147 : i32
        %sign3A_149 = arith.extui %sign3A_148 : i1 to i32
        %sign3A_150 = arith.subi %sign3A_146, %sign3A_149 : i32
        %ne3A_151 = arith.cmpi ne, %sign3A_143, %sign3A_150 : i32
        %rem3A_152 = arith.remsi %add3A_134, %jit3A_135 : i32
        %ne3A_153 = arith.constant 0 : i32
        %ne3A_154 = arith.cmpi ne, %rem3A_152, %ne3A_153 : i32
        %and3A_155 = arith.andi %ne3A_151, %ne3A_154 : i1
        %sub3A_156 = arith.constant 1 : i32
        %sub3A_157 = arith.subi %div3A_136, %sub3A_156 : i32
        %select_n3A_158 = arith.select %and3A_155, %sub3A_157, %div3A_136 : i32
        %mul3A_159 = arith.constant 16 : i32
        %mul3A_160 = arith.muli %select_n3A_158, %mul3A_159 : i32
        %get3A = arith.index_cast %mul3A_160 : i32 to index
        %get3A_161 = tpu.vector_load %arg35[%get3A] {strides = array<i32>} : memref<112xf32, #tpu.memory_space<vmem>>, vector<16xf32>,
        %iota3A_162 = tpu.iota {dimensions = array<i32: 0>} : vector<16xi32>
        %sub3A_163 = arith.subi %add3A_134, %mul3A_160 : i32
        %eq3A_164 = vector.broadcast %sub3A_163 : i32 to vector<16xi32>
        %eq3A_165 = arith.cmpi eq, %iota3A_162, %eq3A_164 : vector<16xi32>
        %jit3A_166 = arith.constant 0.000000e+00 : f32
        %broadcast_in_dim3A_167 = vector.broadcast %jit3A_166 : f32 to vector<16xf32>
        %select_n3A_168 = arith.select %eq3A_165, %broadcast_in_dim3A_167, %get3A_161 : vector<16xi1>, vector<16xf32>
        %swap3A_169 = arith.index_cast %mul3A_160 : i32 to index
        %swap3A_170 = tpu.vector_load %arg35[%swap3A_169] {strides = array<i32>} : memref<112xf32, #tpu.memory_space<vmem>>, vector<16xf32>,
        tpu.vector_store %arg35[%swap3A_169], %select_n3A_168 {strides = array<i32>} : memref<112xf32, #tpu.memory_space<vmem>>, vector<16xf32>,
        %add3A_171 = arith.constant 100 : i32
        %add3A_172 = arith.addi %add3A_171, %scan3A_131 : i32
        %jit3A_173 = arith.constant 16 : i32
        %div3A_174 = arith.divsi %add3A_172, %jit3A_173 : i32
        %sign3A_175 = arith.constant 0 : i32
        %sign3A_176 = arith.cmpi sgt, %add3A_172, %sign3A_175 : i32
        %sign3A_177 = arith.extui %sign3A_176 : i1 to i32
        %sign3A_178 = arith.constant 0 : i32
        %sign3A_179 = arith.cmpi slt, %add3A_172, %sign3A_178 : i32
        %sign3A_180 = arith.extui %sign3A_179 : i1 to i32
        %sign3A_181 = arith.subi %sign3A_177, %sign3A_180 : i32
        %sign3A_182 = arith.constant 0 : i32
        %sign3A_183 = arith.cmpi sgt, %jit3A_173, %sign3A_182 : i32
        %sign3A_184 = arith.extui %sign3A_183 : i1 to i32
        %sign3A_185 = arith.constant 0 : i32
        %sign3A_186 = arith.cmpi slt, %jit3A_173, %sign3A_185 : i32
        %sign3A_187 = arith.extui %sign3A_186 : i1 to i32
        %sign3A_188 = arith.subi %sign3A_184, %sign3A_187 : i32
        %ne3A_189 = arith.cmpi ne, %sign3A_181, %sign3A_188 : i32
        %rem3A_190 = arith.remsi %add3A_172, %jit3A_173 : i32
        %ne3A_191 = arith.constant 0 : i32
        %ne3A_192 = arith.cmpi ne, %rem3A_190, %ne3A_191 : i32
        %and3A_193 = arith.andi %ne3A_189, %ne3A_192 : i1
        %sub3A_194 = arith.constant 1 : i32
        %sub3A_195 = arith.subi %div3A_174, %sub3A_194 : i32
        %select_n3A_196 = arith.select %and3A_193, %sub3A_195, %div3A_174 : i32
        %mul3A_197 = arith.constant 16 : i32
        %mul3A_198 = arith.muli %select_n3A_196, %mul3A_197 : i32
        %get3A_199 = arith.index_cast %mul3A_198 : i32 to index
        %get3A_200 = tpu.vector_load %arg36[%get3A_199] {strides = array<i32>} : memref<112xf32, #tpu.memory_space<vmem>>, vector<16xf32>,
        %iota3A_201 = tpu.iota {dimensions = array<i32: 0>} : vector<16xi32>
        %sub3A_202 = arith.subi %add3A_172, %mul3A_198 : i32
        %eq3A_203 = vector.broadcast %sub3A_202 : i32 to vector<16xi32>
        %eq3A_204 = arith.cmpi eq, %iota3A_201, %eq3A_203 : vector<16xi32>
        %jit3A_205 = arith.constant 0.000000e+00 : f32
        %broadcast_in_dim3A_206 = vector.broadcast %jit3A_205 : f32 to vector<16xf32>
        %select_n3A_207 = arith.select %eq3A_204, %broadcast_in_dim3A_206, %get3A_200 : vector<16xi1>, vector<16xf32>
        %swap3A_208 = arith.index_cast %mul3A_198 : i32 to index
        %swap3A_209 = tpu.vector_load %arg36[%swap3A_208] {strides = array<i32>} : memref<112xf32, #tpu.memory_space<vmem>>, vector<16xf32>,
        tpu.vector_store %arg36[%swap3A_208], %select_n3A_207 {strides = array<i32>} : memref<112xf32, #tpu.memory_space<vmem>>, vector<16xf32>,
        %scan3A_210 = arith.constant 0 : i32
        scf.yield %scan3A_210 : i32
      }
      %scan3A_115 = arith.constant 12 : i32
      %scan3A_116 = arith.constant 0 : i32
      %scan3A_117 = arith.constant 0 : i32
      %scan3A_118 = arith.constant 3 : i32
      %scan3A_119 = arith.addi %scan3A_117, %scan3A_118 : i32
      %scan3A_120 = arith.constant 1 : i32
      %scan3A_121 = scf.for %scan3A_131 = %scan3A_117 to %scan3A_119 step %scan3A_120 iter_args(%scan3A_132 = %scan3A_116) -> (i32)  : i32 {
        %mul3A_133 = arith.constant 16 : i32
        %mul3A_134 = arith.muli %scan3A_131, %mul3A_133 : i32
        %add3A_135 = arith.constant 400 : i32
        %add3A_136 = arith.addi %add3A_135, %mul3A_134 : i32
        %swap3A_137 = arith.index_cast %add3A_136 : i32 to index
        %swap3A_138 = tpu.vector_load %arg34[%swap3A_137] {strides = array<i32>} : memref<448xf32, #tpu.memory_space<vmem>>, vector<16xf32>,
        tpu.vector_store %arg34[%swap3A_137], %broadcast_in_dim3A_88 {strides = array<i32>} : memref<448xf32, #tpu.memory_space<vmem>>, vector<16xf32>,
        %scan3A_139 = arith.constant 0 : i32
        scf.yield %scan3A_139 : i32
      }
      %scan3A_122 = arith.constant 3 : i32
      %iota3A = tpu.iota {dimensions = array<i32: 0>} : vector<16xi32>
      %eq3A_123 = arith.constant 0 : i32
      %eq3A_124 = vector.broadcast %eq3A_123 : i32 to vector<16xi32>
      %eq3A_125 = arith.cmpi eq, %iota3A, %eq3A_124 : vector<16xi32>
      %jit3A_126 = arith.constant 0 : i32
      %broadcast_in_dim3A_127 = vector.broadcast %scan3A_107 : i32 to vector<16xi32>
      %broadcast_in_dim3A_128 = vector.broadcast %jit3A_126 : i32 to vector<16xi32>
      %select_n3A_129 = arith.select %eq3A_125, %broadcast_in_dim3A_127, %broadcast_in_dim3A_128 : vector<16xi1>, vector<16xi32>
      %swap3A = arith.constant 0 : index
      %swap3A_130 = tpu.vector_load %arg37[%swap3A] {strides = array<i32>} : memref<16xi32, #tpu.memory_space<vmem>>, vector<16xi32>,
      tpu.vector_store %arg37[%swap3A], %select_n3A_129 {strides = array<i32>} : memref<16xi32, #tpu.memory_space<vmem>>, vector<16xi32>,
      "tpu.region"() ({
        %run_scoped3A_131 = tpu.sem_alloc : memref<!tpu.dma_semaphore, #tpu.memory_space<semaphore_mem>>
        %dma_start3A = arith.constant 0 : i32
        %dma_start3A_132 = tpu.memref_slice %arg6[%add3A, %dma_start3A] : memref<4x448xf32, #tpu.memory_space<hbm>> -> memref<1x448xf32, #tpu.memory_space<hbm>>
        %dma_start3A_133 = tpu.memref_squeeze %dma_start3A_132 : memref<1x448xf32, #tpu.memory_space<hbm>> -> memref<448xf32, #tpu.memory_space<hbm>>
        %dma_start3A_134 = arith.constant 0 : i32
        %dma_start3A_135 = tpu.memref_slice %arg6[%add3A, %dma_start3A_134] : memref<4x448xf32, #tpu.memory_space<hbm>> -> memref<1x448xf32, #tpu.memory_space<hbm>>
        %dma_start3A_136 = tpu.memref_squeeze %dma_start3A_135 : memref<1x448xf32, #tpu.memory_space<hbm>> -> memref<448xf32, #tpu.memory_space<hbm>>
        tpu.enqueue_dma source(%arg34 : memref<448xf32, #tpu.memory_space<vmem>>) target(%dma_start3A_136 : memref<448xf32, #tpu.memory_space<hbm>>) target_semaphore(%run_scoped3A_131 : memref<!tpu.dma_semaphore, #tpu.memory_space<semaphore_mem>>)
        %dma_wait3A = arith.constant 0 : i32
        %dma_wait3A_137 = tpu.memref_slice %arg6[%add3A, %dma_wait3A] : memref<4x448xf32, #tpu.memory_space<hbm>> -> memref<1x448xf32, #tpu.memory_space<hbm>>
        %dma_wait3A_138 = tpu.memref_squeeze %dma_wait3A_137 : memref<1x448xf32, #tpu.memory_space<hbm>> -> memref<448xf32, #tpu.memory_space<hbm>>
        %dma_wait3A_139 = arith.constant 0 : i32
        %dma_wait3A_140 = tpu.memref_slice %arg6[%add3A, %dma_wait3A_139] : memref<4x448xf32, #tpu.memory_space<hbm>> -> memref<1x448xf32, #tpu.memory_space<hbm>>
        %dma_wait3A_141 = tpu.memref_squeeze %dma_wait3A_140 : memref<1x448xf32, #tpu.memory_space<hbm>> -> memref<448xf32, #tpu.memory_space<hbm>>
        tpu.wait_dma2 semaphore(%run_scoped3A_131 : memref<!tpu.dma_semaphore, #tpu.memory_space<semaphore_mem>>) src(%arg34 : memref<448xf32, #tpu.memory_space<vmem>>) dst(%dma_wait3A_141 : memref<448xf32, #tpu.memory_space<hbm>>)
        tpu.yield
      }) : () -> ()
      "tpu.region"() ({
        %run_scoped3A_131 = tpu.sem_alloc : memref<!tpu.dma_semaphore, #tpu.memory_space<semaphore_mem>>
        %dma_start3A = arith.constant 0 : i32
        %dma_start3A_132 = tpu.memref_slice %arg7[%add3A, %dma_start3A] : memref<4x112xf32, #tpu.memory_space<hbm>> -> memref<1x112xf32, #tpu.memory_space<hbm>>
        %dma_start3A_133 = tpu.memref_squeeze %dma_start3A_132 : memref<1x112xf32, #tpu.memory_space<hbm>> -> memref<112xf32, #tpu.memory_space<hbm>>
        %dma_start3A_134 = arith.constant 0 : i32
        %dma_start3A_135 = tpu.memref_slice %arg7[%add3A, %dma_start3A_134] : memref<4x112xf32, #tpu.memory_space<hbm>> -> memref<1x112xf32, #tpu.memory_space<hbm>>
        %dma_start3A_136 = tpu.memref_squeeze %dma_start3A_135 : memref<1x112xf32, #tpu.memory_space<hbm>> -> memref<112xf32, #tpu.memory_space<hbm>>
        tpu.enqueue_dma source(%arg35 : memref<112xf32, #tpu.memory_space<vmem>>) target(%dma_start3A_136 : memref<112xf32, #tpu.memory_space<hbm>>) target_semaphore(%run_scoped3A_131 : memref<!tpu.dma_semaphore, #tpu.memory_space<semaphore_mem>>)
        %dma_wait3A = arith.constant 0 : i32
        %dma_wait3A_137 = tpu.memref_slice %arg7[%add3A, %dma_wait3A] : memref<4x112xf32, #tpu.memory_space<hbm>> -> memref<1x112xf32, #tpu.memory_space<hbm>>
        %dma_wait3A_138 = tpu.memref_squeeze %dma_wait3A_137 : memref<1x112xf32, #tpu.memory_space<hbm>> -> memref<112xf32, #tpu.memory_space<hbm>>
        %dma_wait3A_139 = arith.constant 0 : i32
        %dma_wait3A_140 = tpu.memref_slice %arg7[%add3A, %dma_wait3A_139] : memref<4x112xf32, #tpu.memory_space<hbm>> -> memref<1x112xf32, #tpu.memory_space<hbm>>
        %dma_wait3A_141 = tpu.memref_squeeze %dma_wait3A_140 : memref<1x112xf32, #tpu.memory_space<hbm>> -> memref<112xf32, #tpu.memory_space<hbm>>
        tpu.wait_dma2 semaphore(%run_scoped3A_131 : memref<!tpu.dma_semaphore, #tpu.memory_space<semaphore_mem>>) src(%arg35 : memref<112xf32, #tpu.memory_space<vmem>>) dst(%dma_wait3A_141 : memref<112xf32, #tpu.memory_space<hbm>>)
        tpu.yield
      }) : () -> ()
      "tpu.region"() ({
        %run_scoped3A_131 = tpu.sem_alloc : memref<!tpu.dma_semaphore, #tpu.memory_space<semaphore_mem>>
        %dma_start3A = arith.constant 0 : i32
        %dma_start3A_132 = tpu.memref_slice %arg8[%add3A, %dma_start3A] : memref<4x112xf32, #tpu.memory_space<hbm>> -> memref<1x112xf32, #tpu.memory_space<hbm>>
        %dma_start3A_133 = tpu.memref_squeeze %dma_start3A_132 : memref<1x112xf32, #tpu.memory_space<hbm>> -> memref<112xf32, #tpu.memory_space<hbm>>
        %dma_start3A_134 = arith.constant 0 : i32
        %dma_start3A_135 = tpu.memref_slice %arg8[%add3A, %dma_start3A_134] : memref<4x112xf32, #tpu.memory_space<hbm>> -> memref<1x112xf32, #tpu.memory_space<hbm>>
        %dma_start3A_136 = tpu.memref_squeeze %dma_start3A_135 : memref<1x112xf32, #tpu.memory_space<hbm>> -> memref<112xf32, #tpu.memory_space<hbm>>
        tpu.enqueue_dma source(%arg36 : memref<112xf32, #tpu.memory_space<vmem>>) target(%dma_start3A_136 : memref<112xf32, #tpu.memory_space<hbm>>) target_semaphore(%run_scoped3A_131 : memref<!tpu.dma_semaphore, #tpu.memory_space<semaphore_mem>>)
        %dma_wait3A = arith.constant 0 : i32
        %dma_wait3A_137 = tpu.memref_slice %arg8[%add3A, %dma_wait3A] : memref<4x112xf32, #tpu.memory_space<hbm>> -> memref<1x112xf32, #tpu.memory_space<hbm>>
        %dma_wait3A_138 = tpu.memref_squeeze %dma_wait3A_137 : memref<1x112xf32, #tpu.memory_space<hbm>> -> memref<112xf32, #tpu.memory_space<hbm>>
        %dma_wait3A_139 = arith.constant 0 : i32
        %dma_wait3A_140 = tpu.memref_slice %arg8[%add3A, %dma_wait3A_139] : memref<4x112xf32, #tpu.memory_space<hbm>> -> memref<1x112xf32, #tpu.memory_space<hbm>>
        %dma_wait3A_141 = tpu.memref_squeeze %dma_wait3A_140 : memref<1x112xf32, #tpu.memory_space<hbm>> -> memref<112xf32, #tpu.memory_space<hbm>>
        tpu.wait_dma2 semaphore(%run_scoped3A_131 : memref<!tpu.dma_semaphore, #tpu.memory_space<semaphore_mem>>) src(%arg36 : memref<112xf32, #tpu.memory_space<vmem>>) dst(%dma_wait3A_141 : memref<112xf32, #tpu.memory_space<hbm>>)
        tpu.yield
      }) : () -> ()
      "tpu.region"() ({
        %run_scoped3A_131 = tpu.sem_alloc : memref<!tpu.dma_semaphore, #tpu.memory_space<semaphore_mem>>
        %dma_start3A = arith.constant 0 : i32
        %dma_start3A_132 = tpu.memref_slice %arg9[%add3A, %dma_start3A] : memref<4x16xi32, #tpu.memory_space<hbm>> -> memref<1x16xi32, #tpu.memory_space<hbm>>
        %dma_start3A_133 = tpu.memref_squeeze %dma_start3A_132 : memref<1x16xi32, #tpu.memory_space<hbm>> -> memref<16xi32, #tpu.memory_space<hbm>>
        %dma_start3A_134 = arith.constant 0 : i32
        %dma_start3A_135 = tpu.memref_slice %arg9[%add3A, %dma_start3A_134] : memref<4x16xi32, #tpu.memory_space<hbm>> -> memref<1x16xi32, #tpu.memory_space<hbm>>
        %dma_start3A_136 = tpu.memref_squeeze %dma_start3A_135 : memref<1x16xi32, #tpu.memory_space<hbm>> -> memref<16xi32, #tpu.memory_space<hbm>>
        tpu.enqueue_dma source(%arg37 : memref<16xi32, #tpu.memory_space<vmem>>) target(%dma_start3A_136 : memref<16xi32, #tpu.memory_space<hbm>>) target_semaphore(%run_scoped3A_131 : memref<!tpu.dma_semaphore, #tpu.memory_space<semaphore_mem>>)
        %dma_wait3A = arith.constant 0 : i32
        %dma_wait3A_137 = tpu.memref_slice %arg9[%add3A, %dma_wait3A] : memref<4x16xi32, #tpu.memory_space<hbm>> -> memref<1x16xi32, #tpu.memory_space<hbm>>
        %dma_wait3A_138 = tpu.memref_squeeze %dma_wait3A_137 : memref<1x16xi32, #tpu.memory_space<hbm>> -> memref<16xi32, #tpu.memory_space<hbm>>
        %dma_wait3A_139 = arith.constant 0 : i32
        %dma_wait3A_140 = tpu.memref_slice %arg9[%add3A, %dma_wait3A_139] : memref<4x16xi32, #tpu.memory_space<hbm>> -> memref<1x16xi32, #tpu.memory_space<hbm>>
        %dma_wait3A_141 = tpu.memref_squeeze %dma_wait3A_140 : memref<1x16xi32, #tpu.memory_space<hbm>> -> memref<16xi32, #tpu.memory_space<hbm>>
        tpu.wait_dma2 semaphore(%run_scoped3A_131 : memref<!tpu.dma_semaphore, #tpu.memory_space<semaphore_mem>>) src(%arg37 : memref<16xi32, #tpu.memory_space<vmem>>) dst(%dma_wait3A_141 : memref<16xi32, #tpu.memory_space<hbm>>)
        tpu.yield
      }) : () -> ()
    } else {
    }
    return
  }
}

module attributes {stable_mosaic.version = 14 : i64} {
  func.func @_tc_scores_body(%arg0: i32, %arg1: memref<32x20000xf32, #tpu.memory_space<vmem>>, %arg2: memref<32x20000xf32, #tpu.memory_space<vmem>>, %arg3: memref<32x128xf32, #tpu.memory_space<vmem>>, %arg4: memref<32x128xi32, #tpu.memory_space<vmem>>) attributes {dimension_semantics = [#tpu.dimension_semantics<arbitrary>], iteration_bounds = array<i64: 4>, scalar_prefetch = 0 : i64, scratch_operands = 0 : i64, tpu.core_type = #tpu.core_type<tc>, window_params = [{transform_indices = @transform_0, window_bounds = array<i64: 32, 20000>}, {transform_indices = @transform_1, window_bounds = array<i64: 32, 20000>}, {transform_indices = @transform_2, window_bounds = array<i64: 32, 128>}, {transform_indices = @transform_3, window_bounds = array<i64: 32, 128>}]} {
    %get3A = arith.constant 0 : index
    %get3A_0 = arith.constant 0 : index
    %get3A_1 = vector.load %arg1[%get3A, %get3A_0] : memref<32x20000xf32, #tpu.memory_space<vmem>>, vector<32x20000xf32>
    %neg3A = arith.constant 0.000000e+00 : f32
    %neg3A_2 = vector.broadcast %neg3A : f32 to vector<32x20000xf32>
    %neg3A_3 = arith.subf %neg3A_2, %get3A_1 : vector<32x20000xf32>
    %exp3A = math.exp %neg3A_3 : vector<32x20000xf32>
    %add3A = arith.constant 1.000000e+00 : f32
    %add3A_4 = vector.broadcast %add3A : f32 to vector<32x20000xf32>
    %add3A_5 = arith.addf %add3A_4, %exp3A : vector<32x20000xf32>
    %div3A = arith.constant 1.000000e+00 : f32
    %div3A_6 = vector.broadcast %div3A : f32 to vector<32x20000xf32>
    %div3A_7 = arith.divf %div3A_6, %add3A_5 : vector<32x20000xf32>
    %gt3A = arith.constant 3.000000e-01 : f32
    %gt3A_8 = vector.broadcast %gt3A : f32 to vector<32x20000xf32>
    %gt3A_9 = arith.cmpf ogt, %div3A_7, %gt3A_8 : vector<32x20000xf32>
    %jit3A = arith.constant -1.000000e+09 : f32
    %broadcast_in_dim3A = vector.broadcast %jit3A : f32 to vector<32x20000xf32>
    %select_n3A = arith.select %gt3A_9, %div3A_7, %broadcast_in_dim3A : vector<32x20000xi1>, vector<32x20000xf32>
    %swap3A = arith.constant 0 : index
    %swap3A_10 = arith.constant 0 : index
    %swap3A_11 = vector.load %arg2[%swap3A, %swap3A_10] : memref<32x20000xf32, #tpu.memory_space<vmem>>, vector<32x20000xf32>
    tpu.vector_store %arg2[%swap3A, %swap3A_10], %select_n3A {strides = array<i32>} : memref<32x20000xf32, #tpu.memory_space<vmem>>, vector<32x20000xf32>,
    %reshape3A = vector.shape_cast %select_n3A : vector<32x20000xf32> to vector<32x125x160xf32>
    %reduce_max3A = arith.constant dense<0xFF800000> : vector<32x125xf32>
    %reduce_max3A_12 = vector.multi_reduction <maximumf>, %reshape3A, %reduce_max3A [2] : vector<32x125x160xf32> to vector<32x125xf32>
    %iota3A = tpu.iota {dimensions = array<i32: 2>} : vector<32x125x160xi32>
    %broadcast_in_dim3A_13 = vector.shape_cast %reduce_max3A_12 : vector<32x125xf32> to vector<32x125x1xf32>
    %eq3A = vector.broadcast %broadcast_in_dim3A_13 : vector<32x125x1xf32> to vector<32x125x160xf32>
    %eq3A_14 = arith.cmpf oeq, %reshape3A, %eq3A : vector<32x125x160xf32>
    %jit3A_15 = arith.constant 1073741824 : i32
    %broadcast_in_dim3A_16 = vector.broadcast %jit3A_15 : i32 to vector<32x125x160xi32>
    %select_n3A_17 = arith.select %eq3A_14, %iota3A, %broadcast_in_dim3A_16 : vector<32x125x160xi1>, vector<32x125x160xi32>
    %reduce_min3A = arith.constant dense<2147483647> : vector<32x125xi32>
    %reduce_min3A_18 = vector.multi_reduction <minsi>, %select_n3A_17, %reduce_min3A [2] : vector<32x125x160xi32> to vector<32x125xi32>
    %iota3A_19 = tpu.iota {dimensions = array<i32: 1>} : vector<32x125xi32>
    %broadcast_in_dim3A_20 = arith.constant -1.000000e+09 : f32
    %broadcast_in_dim3A_21 = vector.broadcast %broadcast_in_dim3A_20 : f32 to vector<32x3xf32>
    %broadcast_in_dim3A_22 = arith.constant 0 : i32
    %broadcast_in_dim3A_23 = vector.broadcast %broadcast_in_dim3A_22 : i32 to vector<32x3xi32>
    %concatenate3A = tpu.concatenate %reduce_max3A_12, %broadcast_in_dim3A_21 in 1 : vector<32x125xf32>, vector<32x3xf32> -> vector<32x128xf32>
    %swap3A_24 = arith.constant 0 : index
    %swap3A_25 = arith.constant 0 : index
    %swap3A_26 = vector.load %arg3[%swap3A_24, %swap3A_25] : memref<32x128xf32, #tpu.memory_space<vmem>>, vector<32x128xf32>
    tpu.vector_store %arg3[%swap3A_24, %swap3A_25], %concatenate3A {strides = array<i32>} : memref<32x128xf32, #tpu.memory_space<vmem>>, vector<32x128xf32>,
    %mul3A = arith.constant 160 : i32
    %mul3A_27 = vector.broadcast %mul3A : i32 to vector<32x125xi32>
    %mul3A_28 = arith.muli %iota3A_19, %mul3A_27 : vector<32x125xi32>
    %add3A_29 = arith.addi %reduce_min3A_18, %mul3A_28 : vector<32x125xi32>
    %concatenate3A_30 = tpu.concatenate %add3A_29, %broadcast_in_dim3A_23 in 1 : vector<32x125xi32>, vector<32x3xi32> -> vector<32x128xi32>
    %swap3A_31 = arith.constant 0 : index
    %swap3A_32 = arith.constant 0 : index
    %swap3A_33 = vector.load %arg4[%swap3A_31, %swap3A_32] : memref<32x128xi32, #tpu.memory_space<vmem>>, vector<32x128xi32>
    tpu.vector_store %arg4[%swap3A_31, %swap3A_32], %concatenate3A_30 {strides = array<i32>} : memref<32x128xi32, #tpu.memory_space<vmem>>, vector<32x128xi32>,
    return
  }
  func.func @transform_0(%arg0: i32) -> (i32, i32) {
    %c0_i32 = arith.constant 0 : i32
    %c0_i32_0 = arith.constant 0 : i32
    return %arg0, %c0_i32 : i32, i32
  }
  func.func @transform_1(%arg0: i32) -> (i32, i32) {
    %c0_i32 = arith.constant 0 : i32
    %c0_i32_0 = arith.constant 0 : i32
    return %arg0, %c0_i32 : i32, i32
  }
  func.func @transform_2(%arg0: i32) -> (i32, i32) {
    %c0_i32 = arith.constant 0 : i32
    %c0_i32_0 = arith.constant 0 : i32
    return %arg0, %c0_i32 : i32, i32
  }
  func.func @transform_3(%arg0: i32) -> (i32, i32) {
    %c0_i32 = arith.constant 0 : i32
    %c0_i32_0 = arith.constant 0 : i32
    return %arg0, %c0_i32 : i32, i32
  }
}

module attributes {stable_mosaic.version = 14 : i64} {
  func.func @_tc_decode_body(%arg0: memref<4x4x20000xf32, #tpu.memory_space<vmem>>, %arg1: memref<4x20000xf32, #tpu.memory_space<vmem>>, %arg2: memref<4x4x20000xf32, #tpu.memory_space<vmem>>) attributes {dimension_semantics = [], scalar_prefetch = 0 : i64, scratch_operands = 0 : i64, tpu.core_type = #tpu.core_type<tc>} {
    %get3A = arith.constant 0 : index
    %get3A_0 = arith.constant 0 : index
    %get3A_1 = vector.load %arg1[%get3A, %get3A_0] : memref<4x20000xf32, #tpu.memory_space<vmem>>, vector<1x20000xf32>
    %get3A_2 = vector.shape_cast %get3A_1 : vector<1x20000xf32> to vector<20000xf32>
    %get3A_3 = arith.constant 1 : index
    %get3A_4 = arith.constant 0 : index
    %get3A_5 = vector.load %arg1[%get3A_3, %get3A_4] : memref<4x20000xf32, #tpu.memory_space<vmem>>, vector<1x20000xf32>
    %get3A_6 = vector.shape_cast %get3A_5 : vector<1x20000xf32> to vector<20000xf32>
    %get3A_7 = arith.constant 2 : index
    %get3A_8 = arith.constant 0 : index
    %get3A_9 = vector.load %arg1[%get3A_7, %get3A_8] : memref<4x20000xf32, #tpu.memory_space<vmem>>, vector<1x20000xf32>
    %get3A_10 = vector.shape_cast %get3A_9 : vector<1x20000xf32> to vector<20000xf32>
    %get3A_11 = arith.constant 3 : index
    %get3A_12 = arith.constant 0 : index
    %get3A_13 = vector.load %arg1[%get3A_11, %get3A_12] : memref<4x20000xf32, #tpu.memory_space<vmem>>, vector<1x20000xf32>
    %get3A_14 = vector.shape_cast %get3A_13 : vector<1x20000xf32> to vector<20000xf32>
    %add3A = arith.addf %get3A_2, %get3A_10 : vector<20000xf32>
    %div3A = arith.constant 2.000000e+00 : f32
    %div3A_15 = vector.broadcast %div3A : f32 to vector<20000xf32>
    %div3A_16 = arith.divf %add3A, %div3A_15 : vector<20000xf32>
    %add3A_17 = arith.addf %get3A_6, %get3A_14 : vector<20000xf32>
    %div3A_18 = arith.constant 2.000000e+00 : f32
    %div3A_19 = vector.broadcast %div3A_18 : f32 to vector<20000xf32>
    %div3A_20 = arith.divf %add3A_17, %div3A_19 : vector<20000xf32>
    %sub3A = arith.subf %get3A_10, %get3A_2 : vector<20000xf32>
    %sub3A_21 = arith.subf %get3A_14, %get3A_6 : vector<20000xf32>
    %get3A_22 = arith.constant 0 : index
    %get3A_23 = arith.constant 0 : index
    %get3A_24 = arith.constant 0 : index
    %get3A_25 = vector.load %arg0[%get3A_22, %get3A_23, %get3A_24] : memref<4x4x20000xf32, #tpu.memory_space<vmem>>, vector<1x4x20000xf32>
    %get3A_26 = vector.shape_cast %get3A_25 : vector<1x4x20000xf32> to vector<4x20000xf32>
    %div3A_27 = arith.constant 1.000000e+01 : f32
    %div3A_28 = vector.broadcast %div3A_27 : f32 to vector<4x20000xf32>
    %div3A_29 = arith.divf %get3A_26, %div3A_28 : vector<4x20000xf32>
    %get3A_30 = arith.constant 1 : index
    %get3A_31 = arith.constant 0 : index
    %get3A_32 = arith.constant 0 : index
    %get3A_33 = vector.load %arg0[%get3A_30, %get3A_31, %get3A_32] : memref<4x4x20000xf32, #tpu.memory_space<vmem>>, vector<1x4x20000xf32>
    %get3A_34 = vector.shape_cast %get3A_33 : vector<1x4x20000xf32> to vector<4x20000xf32>
    %div3A_35 = arith.constant 1.000000e+01 : f32
    %div3A_36 = vector.broadcast %div3A_35 : f32 to vector<4x20000xf32>
    %div3A_37 = arith.divf %get3A_34, %div3A_36 : vector<4x20000xf32>
    %get3A_38 = arith.constant 2 : index
    %get3A_39 = arith.constant 0 : index
    %get3A_40 = arith.constant 0 : index
    %get3A_41 = vector.load %arg0[%get3A_38, %get3A_39, %get3A_40] : memref<4x4x20000xf32, #tpu.memory_space<vmem>>, vector<1x4x20000xf32>
    %get3A_42 = vector.shape_cast %get3A_41 : vector<1x4x20000xf32> to vector<4x20000xf32>
    %div3A_43 = arith.constant 5.000000e+00 : f32
    %div3A_44 = vector.broadcast %div3A_43 : f32 to vector<4x20000xf32>
    %div3A_45 = arith.divf %get3A_42, %div3A_44 : vector<4x20000xf32>
    %get3A_46 = arith.constant 3 : index
    %get3A_47 = arith.constant 0 : index
    %get3A_48 = arith.constant 0 : index
    %get3A_49 = vector.load %arg0[%get3A_46, %get3A_47, %get3A_48] : memref<4x4x20000xf32, #tpu.memory_space<vmem>>, vector<1x4x20000xf32>
    %get3A_50 = vector.shape_cast %get3A_49 : vector<1x4x20000xf32> to vector<4x20000xf32>
    %div3A_51 = arith.constant 5.000000e+00 : f32
    %div3A_52 = vector.broadcast %div3A_51 : f32 to vector<4x20000xf32>
    %div3A_53 = arith.divf %get3A_50, %div3A_52 : vector<4x20000xf32>
    %exp3A = math.exp %div3A_45 : vector<4x20000xf32>
    %broadcast_in_dim3A = vector.shape_cast %sub3A : vector<20000xf32> to vector<1x20000xf32>
    %mul3A = vector.broadcast %broadcast_in_dim3A : vector<1x20000xf32> to vector<4x20000xf32>
    %mul3A_54 = arith.mulf %exp3A, %mul3A : vector<4x20000xf32>
    %exp3A_55 = math.exp %div3A_53 : vector<4x20000xf32>
    %broadcast_in_dim3A_56 = vector.shape_cast %sub3A_21 : vector<20000xf32> to vector<1x20000xf32>
    %mul3A_57 = vector.broadcast %broadcast_in_dim3A_56 : vector<1x20000xf32> to vector<4x20000xf32>
    %mul3A_58 = arith.mulf %exp3A_55, %mul3A_57 : vector<4x20000xf32>
    %broadcast_in_dim3A_59 = vector.shape_cast %sub3A : vector<20000xf32> to vector<1x20000xf32>
    %mul3A_60 = vector.broadcast %broadcast_in_dim3A_59 : vector<1x20000xf32> to vector<4x20000xf32>
    %mul3A_61 = arith.mulf %div3A_29, %mul3A_60 : vector<4x20000xf32>
    %broadcast_in_dim3A_62 = vector.shape_cast %div3A_16 : vector<20000xf32> to vector<1x20000xf32>
    %add3A_63 = vector.broadcast %broadcast_in_dim3A_62 : vector<1x20000xf32> to vector<4x20000xf32>
    %add3A_64 = arith.addf %mul3A_61, %add3A_63 : vector<4x20000xf32>
    %broadcast_in_dim3A_65 = vector.shape_cast %sub3A_21 : vector<20000xf32> to vector<1x20000xf32>
    %mul3A_66 = vector.broadcast %broadcast_in_dim3A_65 : vector<1x20000xf32> to vector<4x20000xf32>
    %mul3A_67 = arith.mulf %div3A_37, %mul3A_66 : vector<4x20000xf32>
    %broadcast_in_dim3A_68 = vector.shape_cast %div3A_20 : vector<20000xf32> to vector<1x20000xf32>
    %add3A_69 = vector.broadcast %broadcast_in_dim3A_68 : vector<1x20000xf32> to vector<4x20000xf32>
    %add3A_70 = arith.addf %mul3A_67, %add3A_69 : vector<4x20000xf32>
    %div3A_71 = arith.constant 2.000000e+00 : f32
    %div3A_72 = vector.broadcast %div3A_71 : f32 to vector<4x20000xf32>
    %div3A_73 = arith.divf %mul3A_54, %div3A_72 : vector<4x20000xf32>
    %sub3A_74 = arith.subf %add3A_64, %div3A_73 : vector<4x20000xf32>
    %jit3A = arith.constant 0.000000e+00 : f32
    %jit3A_75 = arith.constant 5.120000e+02 : f32
    %max3A = vector.broadcast %jit3A : f32 to vector<4x20000xf32>
    %max3A_76 = arith.maximumf %max3A, %sub3A_74 : vector<4x20000xf32>
    %min3A = vector.broadcast %jit3A_75 : f32 to vector<4x20000xf32>
    %min3A_77 = arith.minimumf %min3A, %max3A_76 : vector<4x20000xf32>
    %swap3A = arith.constant 0 : index
    %swap3A_78 = arith.constant 0 : index
    %swap3A_79 = arith.constant 0 : index
    %swap3A_80 = vector.load %arg2[%swap3A, %swap3A_78, %swap3A_79] : memref<4x4x20000xf32, #tpu.memory_space<vmem>>, vector<1x4x20000xf32>
    %swap3A_81 = vector.shape_cast %swap3A_80 : vector<1x4x20000xf32> to vector<4x20000xf32>
    %swap3A_82 = vector.shape_cast %min3A_77 : vector<4x20000xf32> to vector<1x4x20000xf32>
    tpu.vector_store %arg2[%swap3A, %swap3A_78, %swap3A_79], %swap3A_82 {strides = array<i32>} : memref<4x4x20000xf32, #tpu.memory_space<vmem>>, vector<1x4x20000xf32>,
    %div3A_83 = arith.constant 2.000000e+00 : f32
    %div3A_84 = vector.broadcast %div3A_83 : f32 to vector<4x20000xf32>
    %div3A_85 = arith.divf %mul3A_58, %div3A_84 : vector<4x20000xf32>
    %sub3A_86 = arith.subf %add3A_70, %div3A_85 : vector<4x20000xf32>
    %jit3A_87 = arith.constant 0.000000e+00 : f32
    %jit3A_88 = arith.constant 5.120000e+02 : f32
    %max3A_89 = vector.broadcast %jit3A_87 : f32 to vector<4x20000xf32>
    %max3A_90 = arith.maximumf %max3A_89, %sub3A_86 : vector<4x20000xf32>
    %min3A_91 = vector.broadcast %jit3A_88 : f32 to vector<4x20000xf32>
    %min3A_92 = arith.minimumf %min3A_91, %max3A_90 : vector<4x20000xf32>
    %swap3A_93 = arith.constant 1 : index
    %swap3A_94 = arith.constant 0 : index
    %swap3A_95 = arith.constant 0 : index
    %swap3A_96 = vector.load %arg2[%swap3A_93, %swap3A_94, %swap3A_95] : memref<4x4x20000xf32, #tpu.memory_space<vmem>>, vector<1x4x20000xf32>
    %swap3A_97 = vector.shape_cast %swap3A_96 : vector<1x4x20000xf32> to vector<4x20000xf32>
    %swap3A_98 = vector.shape_cast %min3A_92 : vector<4x20000xf32> to vector<1x4x20000xf32>
    tpu.vector_store %arg2[%swap3A_93, %swap3A_94, %swap3A_95], %swap3A_98 {strides = array<i32>} : memref<4x4x20000xf32, #tpu.memory_space<vmem>>, vector<1x4x20000xf32>,
    %div3A_99 = arith.constant 2.000000e+00 : f32
    %div3A_100 = vector.broadcast %div3A_99 : f32 to vector<4x20000xf32>
    %div3A_101 = arith.divf %mul3A_54, %div3A_100 : vector<4x20000xf32>
    %add3A_102 = arith.addf %add3A_64, %div3A_101 : vector<4x20000xf32>
    %jit3A_103 = arith.constant 0.000000e+00 : f32
    %jit3A_104 = arith.constant 5.120000e+02 : f32
    %max3A_105 = vector.broadcast %jit3A_103 : f32 to vector<4x20000xf32>
    %max3A_106 = arith.maximumf %max3A_105, %add3A_102 : vector<4x20000xf32>
    %min3A_107 = vector.broadcast %jit3A_104 : f32 to vector<4x20000xf32>
    %min3A_108 = arith.minimumf %min3A_107, %max3A_106 : vector<4x20000xf32>
    %swap3A_109 = arith.constant 2 : index
    %swap3A_110 = arith.constant 0 : index
    %swap3A_111 = arith.constant 0 : index
    %swap3A_112 = vector.load %arg2[%swap3A_109, %swap3A_110, %swap3A_111] : memref<4x4x20000xf32, #tpu.memory_space<vmem>>, vector<1x4x20000xf32>
    %swap3A_113 = vector.shape_cast %swap3A_112 : vector<1x4x20000xf32> to vector<4x20000xf32>
    %swap3A_114 = vector.shape_cast %min3A_108 : vector<4x20000xf32> to vector<1x4x20000xf32>
    tpu.vector_store %arg2[%swap3A_109, %swap3A_110, %swap3A_111], %swap3A_114 {strides = array<i32>} : memref<4x4x20000xf32, #tpu.memory_space<vmem>>, vector<1x4x20000xf32>,
    %div3A_115 = arith.constant 2.000000e+00 : f32
    %div3A_116 = vector.broadcast %div3A_115 : f32 to vector<4x20000xf32>
    %div3A_117 = arith.divf %mul3A_58, %div3A_116 : vector<4x20000xf32>
    %add3A_118 = arith.addf %add3A_70, %div3A_117 : vector<4x20000xf32>
    %jit3A_119 = arith.constant 0.000000e+00 : f32
    %jit3A_120 = arith.constant 5.120000e+02 : f32
    %max3A_121 = vector.broadcast %jit3A_119 : f32 to vector<4x20000xf32>
    %max3A_122 = arith.maximumf %max3A_121, %add3A_118 : vector<4x20000xf32>
    %min3A_123 = vector.broadcast %jit3A_120 : f32 to vector<4x20000xf32>
    %min3A_124 = arith.minimumf %min3A_123, %max3A_122 : vector<4x20000xf32>
    %swap3A_125 = arith.constant 3 : index
    %swap3A_126 = arith.constant 0 : index
    %swap3A_127 = arith.constant 0 : index
    %swap3A_128 = vector.load %arg2[%swap3A_125, %swap3A_126, %swap3A_127] : memref<4x4x20000xf32, #tpu.memory_space<vmem>>, vector<1x4x20000xf32>
    %swap3A_129 = vector.shape_cast %swap3A_128 : vector<1x4x20000xf32> to vector<4x20000xf32>
    %swap3A_130 = vector.shape_cast %min3A_124 : vector<4x20000xf32> to vector<1x4x20000xf32>
    tpu.vector_store %arg2[%swap3A_125, %swap3A_126, %swap3A_127], %swap3A_130 {strides = array<i32>} : memref<4x4x20000xf32, #tpu.memory_space<vmem>>, vector<1x4x20000xf32>,
    return
  }
}

</mosaic_0001>

<sc_bundles>
// kernel: kernel.5.cloned.1.call-start
scs
__scs_entry_jumppad:
0x0: {  	(pc) =	sbr.rel $0x88, $3  }
0x1: {  	(tag) =	ssettag $0x0;
	lr =	simm.s32 $0x1  }
0x2: {  	[smem:$0x3F9E] =	sst lr;
	_ =	strace $0xD0000000  }
0x3: {  	_ = 	snop  }
0x4: {  	_ = 	snop  }
0x5: {  	_ = 	snop  }
0x6: {  	_ = 	snop  }
0x7: {  	_ = 	snop  }
__scs_overlays_trampoline_lowered:
0x8: {  	[smem:$0x3FAD] =	sst s0  }
0x9: {  	[smem:$0x3FAE] =	sst s1  }
0xa: {  	[smem:$0x3FAF] =	sst s2  }
0xb: {  	[smem:$0x3FB0] =	sst s3  }
0xc: {  	[smem:$0x3FB1] =	sst s4  }
0xd: {  	[smem:$0x3FB2] =	sst s5  }
0xe: {  	[smem:$0x3FB3] =	sst s6  }
0xf: {  	[smem:$0x3FB4] =	sst s7  }
0x10: {  	[smem:$0x3FB5] =	sst s8  }
0x11: {  	[smem:$0x3FB6] =	sst s9;
	s0 =	simm.s32 @!p0 $0x0  }
0x12: {  	s1 =	sld [smem:$0x3F9C];
	s0 =	simm.s32 @p0 $0x1  }
0x13: {  	[smem:$0x3FB7] =	sst s0;
	s0 =	simm.s32 @!p1 $0x0  }
0x14: {  	s2 =	sld [smem:$0x3F9B];
	s0 =	simm.s32 @p1 $0x1  }
0x15: {  	[smem:$0x3FB8] =	sst s0;
	s0 =	simm.s32 @!p2 $0x0  }
0x16: {  	s3 =	sld [smem:$0x3FDB];
	s0 =	simm.s32 @p2 $0x1  }
0x17: {  	s4 =	simm.s32 $0x1BF5;
	[smem:$0x3FBA] =	sst s0  }
0x18: {  	s0 =	sld [smem:$0x3F9D];
	_ =	swait.ge [sflag:s4], $0x0  }
0x19: {  	s7 =	sld [smem:$0x3F9E]  }
0x1a: {  	s8 =	sadd.s32 $0xFFFFE003, lr  }
0x1b: {  	s9 =	sadd.s32 $0xFFFFFEF7, lr;
	s5 =	simm.s32 $0xFFFFFFFF;
	p2 =	slt.u32 s8, $0xFFFFF086  }
0x1c: {  	p1 =	slt.u32 s9, $0xF7A;
	s5 =	simm.s32 @!p2 $0x0  }
0x1d: {  	s5 =	simm.s32 @p1 $0x1;
	p0 =	seq.s32 s7, s2  }
0x1e: {  	s7 =	smul.u32 @!p0 $0xF7A, s2;
	p2 =	seq.s32 @!p0 s5, $0x0  }
0x1f: {  	s9 =	smul.u32 $0xF7A, s1;
	s8 =	simm.s32 @!p0 $0x1BF5;
	p2 =	por !p2, p0  }
0x20: {  	[sflag:s8] =	ssyncset.s32 @!p0 $0xFFFFF086;
	s6 =	sadd.s32 @!p0 s3, s7;
	s7 =	simm.s32 @!p0 $0x108  }
0x21: {  	s3 =	sadd.s32 s3, s9;
	s6 =	sadd.s32 @!p0 $0x88, s6;
	s7 =	simm.s32 @p2 $0x1082  }
0x22: {  	[simem:s7], [sflag:s8] =	dma.local @!p0 [hbm:s6], $0xF7A  }
0x23: {  	s9 =	sor.u32 $0xD0000000, s2;
	s6 =	simm.s32 $0x108;
	_ =	swait.ge @!p0 [sflag:s8], $0x0  }
0x24: {  	s3 =	sadd.s32 $0x88, s3;
	s6 =	simm.s32 @!p1 $0x1082;
	[sflag:s4] =	ssyncset.s32 $0xFFFFF086  }
0x25: {  	[simem:s6], [sflag:s4] =	dma.local [hbm:s3], $0xF7A  }
0x26: {  	[smem:$0x3F9E] =	sst s1;
	(tag) =	ssettag s2;
	_ =	strace s9  }
0x27: {  	s1 =	sld [smem:$0x3FAE]  }
0x28: {  	s2 =	sld [smem:$0x3FAF]  }
0x29: {  	s4 =	sld [smem:$0x3FB1]  }
0x2a: {  	p0 =	seq.s32 s5, $0x0;
	s5 =	sld [smem:$0x3FB2]  }
0x2b: {  	s6 =	sld [smem:$0x3FB3]  }
0x2c: {  	s7 =	sld [smem:$0x3FB4]  }
0x2d: {  	s3 =	simm.s32 $0x108;
	s8 =	sld [smem:$0x3FB5]  }
0x2e: {  	s3 =	simm.s32 @!p0 $0x1082;
	s9 =	sld [smem:$0x3FB6]  }
0x2f: {  	lr =	sadd.s32 s0, s3;
	s0 =	sld [smem:$0x3FAD]  }
0x30: {  	s3 =	sld [smem:$0x3FB0]  }
0x31: {  	[smem:$0x3FB9] =	sst s10  }
0x32: {  	s10 =	sld [smem:$0x3FB7];
	_ =	sdelay $0x3  }
0x33: {  	p0 =	seq.s32 s10, $0x1;
	s10 =	sld [smem:$0x3FB9];
	_ =	sdelay $0x3  }
0x34: {  	[smem:$0x3FB9] =	sst s10  }
0x35: {  	s10 =	sld [smem:$0x3FB8];
	_ =	sdelay $0x3  }
0x36: {  	p1 =	seq.s32 s10, $0x1;
	s10 =	sld [smem:$0x3FB9];
	_ =	sdelay $0x3  }
0x37: {  	[smem:$0x3FB9] =	sst s10  }
0x38: {  	s10 =	sld [smem:$0x3FBA]  }
0x39: {  	_ = 	snop;
	(pc) =	sbr.ind lr, $3  }
0x3a: {  	_ = 	snop  }
0x3b: {  	_ = 	snop  }
0x3c: {  	p2 =	seq.s32 s10, $0x1;
	s10 =	sld [smem:$0x3FB9]  }
0x3d: {  	_ =	shalt  }
0x3e: {  	_ =	shalt  }
0x3f: {  	_ =	shalt  }
0x40: {  	_ =	shalt  }
0x41: {  	_ =	shalt  }
0x42: {  	_ =	shalt  }
0x43: {  	_ =	shalt  }
0x44: {  	_ =	shalt  }
0x45: {  	_ =	shalt  }
0x46: {  	_ =	shalt  }
0x47: {  	_ =	shalt  }
0x48: {  	_ =	shalt  }
0x49: {  	_ =	shalt  }
0x4a: {  	_ =	shalt  }
0x4b: {  	_ =	shalt  }
0x4c: {  	_ =	shalt  }
0x4d: {  	_ =	shalt  }
0x4e: {  	_ =	shalt  }
0x4f: {  	_ =	shalt  }
0x50: {  	_ =	shalt  }
0x51: {  	_ =	shalt  }
0x52: {  	_ =	shalt  }
0x53: {  	_ =	shalt  }
0x54: {  	_ =	shalt  }
0x55: {  	_ =	shalt  }
0x56: {  	_ =	shalt  }
0x57: {  	_ =	shalt  }
0x58: {  	_ =	shalt  }
0x59: {  	_ =	shalt  }
0x5a: {  	_ =	shalt  }
0x5b: {  	_ =	shalt  }
0x5c: {  	_ =	shalt  }
0x5d: {  	_ =	shalt  }
0x5e: {  	_ =	shalt  }
0x5f: {  	_ =	shalt  }
0x60: {  	_ =	shalt  }
0x61: {  	_ =	shalt  }
0x62: {  	_ =	shalt  }
0x63: {  	_ =	shalt  }
0x64: {  	_ =	shalt  }
0x65: {  	_ =	shalt  }
0x66: {  	_ =	shalt  }
0x67: {  	_ =	shalt  }
0x68: {  	_ =	shalt  }
0x69: {  	_ =	shalt  }
0x6a: {  	_ =	shalt  }
0x6b: {  	_ =	shalt  }
0x6c: {  	_ =	shalt  }
0x6d: {  	_ =	shalt  }
0x6e: {  	_ =	shalt  }
0x6f: {  	_ =	shalt  }
0x70: {  	_ =	shalt  }
0x71: {  	_ =	shalt  }
0x72: {  	_ =	shalt  }
0x73: {  	_ =	shalt  }
0x74: {  	_ =	shalt  }
0x75: {  	_ =	shalt  }
0x76: {  	_ =	shalt  }
0x77: {  	_ =	shalt  }
0x78: {  	_ =	shalt  }
0x79: {  	_ =	shalt  }
0x7a: {  	_ =	shalt  }
0x7b: {  	_ =	shalt  }
0x7c: {  	_ =	shalt  }
0x7d: {  	_ =	shalt  }
0x7e: {  	_ =	shalt  }
0x7f: {  	_ =	shalt  }
0x80: {  	_ =	shalt  }
0x81: {  	_ =	shalt  }
0x82: {  	_ =	shalt  }
0x83: {  	_ =	shalt  }
0x84: {  	_ =	shalt  }
0x85: {  	_ =	shalt  }
0x86: {  	_ =	shalt  }
0x87: {  	_ =	shalt  }
.Lfunc_end0:
.L_simem_size_0:
called_computation_lowered:
.L_overlay_start_0:
0x88: {  	s2 =	sld [smem:$0x3FD9]  }
0x89: {  	s3 =	sld [smem:$0x3FFE];
	_ =	sdelay $0x1  }
0x8a: {  	s1 =	srdreg.scid  }
0x8b: {  	s0 =	sand.u32 $0x1, s1  }
0x8c: {  	s14 =	sshll.u32 s0, $0xA;
	s2 =	sadd.s32 s3, s2  }
0x8d: {  	s2 =	sadd.s32 s2, s14  }
0x8e: {  	[smem:$0x3FC5] =	sst s2  }
0x8f: {  	_ = 	snop  }
0x90: {  	s2 =	sld [smem:$0x3FD0];
	_ =	sdelay $0x2  }
0x91: {  	s15 =	simm.s32 $0xA;
	s4 =	simm.s32 $0x10  }
0x92: {  	[smem:s4], [sflag:s15] =	dma.local [hbm:s2], $0x1  }
0x93: {  	_ =	swait.eq [sflag:s15], $0x1  }
0x94: {  	s16 =	sld [smem:$0x10];
	[sflag:s15] =	ssyncset.done $0x0  }
0x95: {  	s17 =	sld [smem:$0x11];
	[sflag:s15] =	ssyncadd.s32 $0xFFFFFFFF  }
0x96: {  	s18 =	sld [smem:$0x12];
	(tm) =	ssettm $0x1  }
0x97: {  	s5 =	sld [smem:$0x3FFB];
	_ =	sdelay $0x3  }
0x98: {  	_ =	strace s5  }
0x99: {  	s5 =	sld [smem:$0x3FFC];
	_ =	sdelay $0x3  }
0x9a: {  	_ =	strace s5  }
0x9b: {  	s5 =	sld [smem:$0x3FFD];
	_ =	sdelay $0x3  }
0x9c: {  	_ =	strace s5  }
0x9d: {  	_ =	strace $0x8FFFFFFF  }
0x9e: {  	s19 =	sld [smem:$0x3FDB];
	_ =	sdelay $0x1  }
0x9f: {  	s6 =	simm.s32 $_scs_section_size  }
0xa0: {  	s7 =	simm.s32 $_size__tile_overlayer_lowered;
	s8 =	simm.s32 $_tile_overlayer_lowered  }
0xa1: {  	s22 =	simm.s32 $0x1BFF;
	s21 =	sshll.u32 s8, $0x1;
	s5 =	sadd.s32 s6, s19  }
0xa2: {  	s9 =	simm.s32 $0x0;
	s20 =	sshll.u32 s7, $0x1;
	s7 =	sadd.s32 s21, s5  }
0xa3: {  	[timem:s9], [sflag:s22] =	dma.local [hbm:s7], s20  }
0xa4: {  	_ =	swait.ge [sflag:s22], s20  }
0xa5: {  	s6 =	ssub.s32 $0x0, s20;
	[sflag:s22] =	ssyncset.done $0x0  }
0xa6: {  	[sflag:s22] =	ssyncadd.s32 s6;
	_ =	sdelay $0x1  }
0xa7: {  	s23 =	simm.s32 $0x1B8B  }
0xa8: {  	_ =	swait.ge [sflag:s23], $0x1  }
0xa9: {  	[sflag:s23] =	ssyncset.done $0x0  }
0xaa: {  	s25 =	simm.s32 $0x1B8E;
	s24 =	sld [smem:$0x3FFE];
	[sflag:s23] =	ssyncadd.s32 $0xFFFFFFFF  }
0xab: {  	s26 =	simm.s32 $execute0_lowered;
	[smem:$0x3FD2] =	sst s25  }
0xac: {  	s7 =	sshll.u32 s26, $0x1;
	_ =	strace $0x80000046;
	[dreg:$0x1] =	wrdreg $0xFFFFFFFF  }
0xad: {  	s28 =	simm.s32 $_size_execute0_lowered;
	s5 =	sadd.s32 s5, s7;
	[dreg:$0x0] =	wrdreg $0x0  }
0xae: {  	s7 =	sshll.u32 s28, $0x1;
	[dreg:$0x2] =	wrdreg s5  }
0xaf: {  	[dreg:$0x3] =	wrdreg s7  }
0xb0: {  	[dreg:$0x4] =	wrdreg $0xC0  }
0xb1: {  	_ =	task [dreg:s9], $0x5FFFF  }
0xb2: {  	[dreg:$0x1] =	wrdreg $0xFFFFFFFF  }
0xb3: {  	[dreg:$0x0] =	wrdreg $0x60  }
0xb4: {  	[dreg:$0x2] =	wrdreg s24  }
0xb5: {  	[dreg:$0x3] =	wrdreg s16  }
0xb6: {  	[dreg:$0x4] =	wrdreg s17  }
0xb7: {  	[dreg:$0x5] =	wrdreg s18  }
0xb8: {  	[dreg:$0x6] =	wrdreg $0x18C000  }
0xb9: {  	[dreg:$0x7] =	wrdreg $0x18D280  }
0xba: {  	[dreg:$0x8] =	wrdreg $0x18E500  }
0xbb: {  	[dreg:$0x9] =	wrdreg $0x18F780  }
0xbc: {  	[dreg:$0xa] =	wrdreg $0x190A00  }
0xbd: {  	[dreg:$0xb] =	wrdreg $0x9  }
0xbe: {  	_ =	task.clear_ibuf [dreg:s9], $0xCFFFF;
	_ =	strace $0x90000046  }
0xbf: {  	s29 =	simm.s32 $0x9;
	_ =	strace $0x80000048  }
0xc0: {  	_ =	swait.ge [sflag:s29], $0x1  }
0xc1: {  	[sflag:s29] =	ssyncadd.s32 $0xFFFFFFFF  }
0xc2: {  	_ =	strace $0x90000048  }
0xc3: {  	_ =	sfence  }
0xc4: {  	s30 =	sld [smem:$0x0];
	_ =	sdelay $0x2  }
0xc5: {  	s31 =	sshll.u32 s1, $0xD;
	s1 =	sshrl.u32 s1, $0x2  }
0xc6: {  	s3 =	sand.u32 $0x4000, s31;
	s1 =	sadd.s32 s1, s30  }
0xc7: {  	s0 =	sor.u32 s3, s0;
	s1 =	sshll.u32 s1, $0x11  }
0xc8: {  	s0 =	sor.u32 s1, s0  }
0xc9: {  	s0 =	sadd.s32 $0x8F2B, s0  }
0xca: {  	[sflag:s0] =	ssyncadd.remote.s32 $0x1  }
0xcb: {  	_ =	sfence.sel $0xFFFF  }
0xcc: {  	[dreg:$0x0] =	wrdreg $0xFFFFFFFF;
	(pc) =	sbr.abs _section_cstart, $3  }
0xcd: {  	[dreg:$0x1] =	wrdreg $0xFFFFFFFF  }
0xce: {  	_ =	task.clear_ibuf [dreg:s9], $0x2FFFF;
	_ =	strace $0x9FFFFFFF  }
0xcf: {  	(tm) =	ssettm $0x7FFFFFFF  }
tec
execute0_lowered:
.L_overlay_start_1:
0x0: {  	(tag) =	ssettag $0x1  }
0x1: {  	s0 =	rddreg [dreg:$0x0]  }
0x2: {  	s3 =	rddreg [dreg:$0x4]  }
0x3: {  	s4 =	rddreg [dreg:$0x5]  }
0x4: {  	s5 =	rddreg [dreg:$0x6]  }
0x5: {  	s6 =	rddreg [dreg:$0x7]  }
0x6: {  	s2 =	rddreg [dreg:$0x8];
	s1 =	simm.s32 $0x0;
	s7 =	srdreg.scid  }
0x7: {  	s9 =	stileid.u32;
	[smem:$0x7FF] =	sst s1  }
0x8: {  	s7 =	sand.u32 $0x1, s7;
	s10 =	sadd.s32 $0x1000, s0;
	s11 =	sshrl.u32 s9, $0x3  }
0x9: {  	s12 =	sadd.s32 $0x4F800, s0;
	s13 =	sadd.s32 $0x50000, s0;
	s8 =	sshll.u32 s7, $0x1  }
0xa: {  	s7 =	ssub.s32 $0x2, s7;
	s14 =	sor.u32 s11, s8;
	s11 =	smul.u32 $0x940, s11  }
0xb: {  	s8 =	sand.u32 $0x7, s9;
	s16 =	sshrl.u32 s7, $0x1;
	s15 =	smul.u32 $0x9D000, s14  }
0xc: {  	s9 =	sshll.u32 s14, $0x4;
	s17 =	sshll.u32 s8, $0x7;
	s7 =	ssub.s32 s7, s16  }
0xd: {  	s25 =	sshll.u32 s14, $0x2;
	s14 =	sshll.u32 s14, $0xC;
	s18 =	smul.u32 $0x70, s8  }
0xe: {  	s14 =	sor.u32 s17, s14;
	s19 =	sor.u32 $0x1, s25;
	s16 =	sor.u32 $0x2, s25  }
0xf: {  	s15 =	sor.u32 s17, s15;
	s14 =	sshrl.u32 s14, $0x3;
	s26 =	smul.u32 $0x27400, s19  }
0x10: {  	s19 =	sshll.u32 s19, $0xA;
	s21 =	smul.u32 $0x27400, s16;
	s16 =	sshll.u32 s16, $0xA  }
0x11: {  	s15 =	sshrl.u32 s15, $0x3;
	s29 =	sadd.s32 s12, s14;
	s30 =	sadd.s32 s13, s14  }
0x12: {  	s14 =	sadd.s32 s18, s11;
	s18 =	sor.u32 s17, s19;
	s16 =	sor.u32 s17, s16  }
0x13: {  	s20 =	sadd.s32 s10, s15;
	s15 =	sor.u32 s17, s26;
	s31 =	sadd.s32 s14, s3  }
0x14: {  	s23 =	sshrl.u32 s18, $0x3;
	s24 =	sor.u32 s17, s21;
	s21 =	sor.u32 $0x10, s8  }
0x15: {  	s26 =	sshrl.u32 s16, $0x3;
	s16 =	sadd.s32 $0x380, s14;
	s15 =	sshrl.u32 s15, $0x3  }
0x16: {  	s28 =	sadd.s32 s12, s23;
	s19 =	sadd.s32 s13, s23;
	s25 =	sshrl.u32 s24, $0x3  }
0x17: {  	s12 =	sadd.s32 s12, s26;
	s23 =	sadd.s32 s14, s4;
	s24 =	sadd.s32 s14, s5  }
0x18: {  	s17 =	sadd.s32 s16, s6;
	s22 =	sadd.s32 s10, s15;
	s10 =	sadd.s32 s10, s25  }
0x19: {  	[smem:$0x7FA] =	sst s12;
	s15 =	smul.u32 $0x70, s21;
	s25 =	sadd.s32 s14, s6  }
0x1a: {  	s12 =	sadd.s32 s16, s2;
	[smem:$0x7F9] =	sst s10;
	s10 =	sadd.s32 s13, s26  }
0x1b: {  	s13 =	sadd.s32 s14, s2;
	[smem:$0x7FB] =	sst s10;
	s10 =	sadd.s32 s11, s15  }
0x1c: {  	s14 =	sadd.s32 s16, s3;
	s26 =	sadd.s32 s16, s5;
	s18 =	sadd.s32 s10, s3  }
0x1d: {  	s15 =	sadd.s32 s16, s4;
	s3 =	sadd.s32 s11, s3;
	[dreg:$0xf] =	wrdreg s18  }
0x1e: {  	s16 =	sadd.s32 s10, s4;
	s4 =	sadd.s32 s11, s4;
	[dreg:$0x14] =	wrdreg s3  }
0x1f: {  	[dreg:$0x15] =	wrdreg s4  }
0x20: {  	s18 =	sadd.s32 s10, s5;
	s4 =	smov.u32 s15;
	s15 =	rddreg [dreg:$0x1]  }
0x21: {  	s5 =	sadd.s32 s11, s5;
	[dreg:$0x11] =	wrdreg s18  }
0x22: {  	s18 =	sadd.s32 s10, s6;
	s10 =	sadd.s32 s10, s2;
	[dreg:$0x16] =	wrdreg s5  }
0x23: {  	s2 =	sadd.s32 s11, s2;
	[dreg:$0x13] =	wrdreg s10  }
0x24: {  	[dreg:$0x18] =	wrdreg s2  }
0x25: {  	s3 =	sadd.s32 s15, s9;
	s10 =	sadd.s32 s11, s6;
	s6 =	rddreg [dreg:$0x2]  }
0x26: {  	p0 =	sgt.u32 s21, $0x14;
	[dreg:$0x19] =	wrdreg s3  }
0x27: {  	s21 =	smov.u32 s17;
	s11 =	smov.u32 s26;
	[dreg:$0x17] =	wrdreg s10  }
0x28: {  	s26 =	sadd.s32 s9, s0;
	s0 =	sadd.s32 s6, s9;
	s10 =	rddreg [dreg:$0x3]  }
0x29: {  	s17 =	smov.u32 s12;
	[dreg:$0x1a] =	wrdreg s0;
	s0 =	sadd.s32 s10, s9  }
0x2a: {  	s3 =	smov.u32 s14;
	s12 =	sadd.s32 $0x52F40, s26;
	[dreg:$0x1b] =	wrdreg s0  }
0x2b: {  	s14 =	sadd.s32 $0x55680, s26;
	_ =	strace $0x80000047;
	[dreg:$0x1d] =	wrdreg s12  }
0x2c: {  	s15 =	sadd.s32 $0x57DC0, s26;
	[dreg:$0x1e] =	wrdreg s14  }
0x2d: {  	s2 =	sadd.s32 $0x5A600, s26;
	s0 =	smov.u32 s22;
	[dreg:$0x1f] =	wrdreg s15  }
0x2e: {  	s22 =	sadd.s32 $0x50800, s26;
	s26 =	smax.u32 s7, $0x1;
	[smem:$0x7FC] =	sst s2  }
0x2f: {  	[smem:$0x7FD] =	sst s26  }
0x30: {  	[dreg:$0xa] =	wrdreg s3  }
0x31: {  	[dreg:$0xb] =	wrdreg s4  }
0x32: {  	[dreg:$0xc] =	wrdreg s11  }
.Ltmp0:
0x33: {  	[dreg:$0xd] =	wrdreg s21;
	(pc) =	sbr.rel .LBB2_1-.Ltmp0, $4  }
0x34: {  	v0 =	vimm.f32 $-1.000000000e+09;
	v1 =	vlaneseq.u32;
	v7 =	vimm.f32 $0.0e+00;
	[dreg:$0xe] =	wrdreg s17  }
0x35: {  	v2 =	vor.u32 $0x80000010, v1;
	v3 =	vor.u32 $0x80000020, v1;
	v4 =	vor.u32 $0x80000030, v1;
	p1 =	sne.s32 s8, $0x5;
	s5 =	simm.s32 $0x0;
	[dreg:$0x10] =	wrdreg s16  }
0x36: {  	vm0 =	vcmask $0x300;
	v5 =	vor.u32 $0x80000040, v1;
	v6 =	vor.u32 $0x80000050, v1;
	s9 =	simm.s32 $0x200;
	s10 =	simm.s32 $0x1;
	[dreg:$0x12] =	wrdreg s18  }
0x37: {  	v8 =	vor.u32 $0x80000060, v1;
	v9 =	vor.u32 $0x80000000, v1;
	v10 =	vor.u32 $0x80000070, v1;
	s2 =	smov.u32 s13;
	s26 =	simm.s32 $0x80;
	[dreg:$0x1c] =	wrdreg s22  }
.LBB2_11:
0x38: {  	s6 =	rddreg [dreg:$0xf];
	s7 =	simm.s32 $0x18980  }
0x39: {  	[spmem:s6] =	stream.linear.scatter [tilespmem:s7], [sflag:$0x1], $0x70, $0x38;
	[tilespmem:$0x1C5C8] =	vst v63  }
0x3a: {  	_ =	swait.ge [sflag:s10], $0x70  }
0x3b: {  	[sflag:s10] =	ssyncset.done $0x0  }
0x3c: {  	s7 =	simm.s32 $0x18A00;
	[sflag:s10] =	ssyncadd.s32 $0xFFFFFF90  }
0x3d: {  	[spmem:s16] =	stream.linear.scatter [tilespmem:s7], [sflag:$0x1], $0x70, $0x38;
	[tilespmem:$0x1C5C8] =	vst v63  }
0x3e: {  	_ =	swait.ge [sflag:s10], $0x70  }
0x3f: {  	[sflag:s10] =	ssyncset.done $0x0  }
0x40: {  	s12 =	simm.s32 $0x18A80;
	s8 =	rddreg [dreg:$0x11];
	[sflag:s10] =	ssyncadd.s32 $0xFFFFFF90  }
0x41: {  	[spmem:s8] =	stream.linear.scatter [tilespmem:s12], [sflag:$0x1], $0x70, $0x38;
	[tilespmem:$0x1C5C8] =	vst v63  }
0x42: {  	_ =	swait.ge [sflag:s10], $0x70  }
0x43: {  	[sflag:s10] =	ssyncset.done $0x0  }
0x44: {  	s13 =	simm.s32 $0x18B00;
	[sflag:s10] =	ssyncadd.s32 $0xFFFFFF90  }
0x45: {  	[spmem:s18] =	stream.linear.scatter [tilespmem:s13], [sflag:$0x1], $0x70, $0x38;
	[tilespmem:$0x1C5C8] =	vst v63  }
0x46: {  	_ =	swait.ge [sflag:s10], $0x70  }
0x47: {  	[sflag:s10] =	ssyncset.done $0x0  }
0x48: {  	s15 =	simm.s32 $0x18B80;
	s14 =	rddreg [dreg:$0x13];
	[sflag:s10] =	ssyncadd.s32 $0xFFFFFF90  }
0x49: {  	[spmem:s14] =	stream.linear.scatter [tilespmem:s15], [sflag:$0x1], $0x70, $0x38;
	[tilespmem:$0x1C5C8] =	vst v63  }
0x4a: {  	_ =	swait.ge [sflag:s10], $0x70  }
0x4b: {  	[sflag:s10] =	ssyncset.done $0x0  }
0x4c: {  	[sflag:s10] =	ssyncadd.s32 $0xFFFFFF90  }
0x4d: {  	[bflag:$0x0] =	sbarrier.arrive $0xFFFF  }
.LBB2_22:
0x4e: {  	s6 =	sld [smem:$0x7FD];
	_ =	sdelay $0x1  }
0x4f: {  	s5 =	sadd.s32 $0x1, s5  }
0x50: {  	p2 =	sne.s32 s5, s6  }
.Ltmp1:
0x51: {  	_ = 	snop;
	(pc) =	sbr.rel @!p2 .LBB2_23-.Ltmp1, $1  }
0x52: {  	_ =	sdelay $0x3  }
.LBB2_1:
0x53: {  	[tilespmem:s1], [sflag:$0x1] =	stream.strided.gather [hbm4b:s22+s26], $0x4E80, s9, s26, $0x38;
	[tilespmem:$0x1C5C8] =	vst v63  }
0x54: {  	_ =	swait.ge [sflag:s10], $0x4E80  }
0x55: {  	[sflag:s10] =	ssyncset.done $0x0  }
0x56: {  	s7 =	simm.s32 $0x4E80;
	s6 =	rddreg [dreg:$0x1d];
	[sflag:s10] =	ssyncadd.s32 $0xFFFFB180  }
0x57: {  	[tilespmem:s7], [sflag:$0x1] =	stream.strided.gather [hbm4b:s6+s26], $0x4E80, s9, s26, $0x38;
	[tilespmem:$0x1C5C8] =	vst v63  }
0x58: {  	_ =	swait.ge [sflag:s10], $0x4E80  }
0x59: {  	[sflag:s10] =	ssyncset.done $0x0  }
0x5a: {  	s15 =	simm.s32 $0x9D00;
	s14 =	rddreg [dreg:$0x1e];
	[sflag:s10] =	ssyncadd.s32 $0xFFFFB180  }
0x5b: {  	[tilespmem:s15], [sflag:$0x1] =	stream.strided.gather [hbm4b:s14+s26], $0x4E80, s9, s26, $0x38;
	[tilespmem:$0x1C5C8] =	vst v63  }
0x5c: {  	_ =	swait.ge [sflag:s10], $0x4E80  }
0x5d: {  	[sflag:s10] =	ssyncset.done $0x0  }
0x5e: {  	s8 =	simm.s32 $0xEB80;
	s7 =	rddreg [dreg:$0x1f];
	[sflag:s10] =	ssyncadd.s32 $0xFFFFB180  }
0x5f: {  	[tilespmem:s8], [sflag:$0x1] =	stream.strided.gather [hbm4b:s7+s26], $0x4E80, s9, s26, $0x38;
	[tilespmem:$0x1C5C8] =	vst v63  }
0x60: {  	_ =	swait.ge [sflag:s10], $0x4E80  }
0x61: {  	[sflag:s10] =	ssyncset.done $0x0  }
0x62: {  	s12 =	simm.s32 $0x400;
	s13 =	simm.s32 $0x13A00;
	[sflag:s10] =	ssyncadd.s32 $0xFFFFB180  }
0x63: {  	[tilespmem:s13], [sflag:$0x1] =	stream.strided.gather [hbm4b:s20+s26], $0x4E80, s12, s26, $0x38;
	[tilespmem:$0x1C5C8] =	vst v63  }
0x64: {  	_ =	swait.ge [sflag:s10], $0x4E80  }
0x65: {  	[sflag:s10] =	ssyncset.done $0x0  }
0x66: {  	s14 =	simm.s32 $0x18880;
	[sflag:s10] =	ssyncadd.s32 $0xFFFFB180  }
0x67: {  	[tilespmem:s14], [sflag:$0x1] =	stream.linear.gather [hbm4b:s29+s1], $0x80, $0x38;
	[tilespmem:$0x1C5C8] =	vst v63  }
0x68: {  	_ =	swait.ge [sflag:s10], $0x80  }
0x69: {  	[sflag:s10] =	ssyncset.done $0x0  }
0x6a: {  	s15 =	simm.s32 $0x18900;
	[sflag:s10] =	ssyncadd.s32 $0xFFFFFF80  }
0x6b: {  	[tilespmem:s15], [sflag:$0x1] =	stream.linear.gather [hbm4b:s30+s1], $0x80, $0x38;
	[tilespmem:$0x1C5C8] =	vst v63  }
0x6c: {  	_ =	swait.ge [sflag:s10], $0x80  }
0x6d: {  	[sflag:s10] =	ssyncset.done $0x0  }
0x6e: {  	[sflag:s10] =	ssyncadd.s32 $0xFFFFFF80  }
0x6f: {  	v11 =	vld [tilespmem:$0x18880];
	_ =	sdelay $0x1  }
0x70: {  	v12 =	vld [tilespmem:$0x18890];
	_ =	sdelay $0x1  }
0x71: {  	v13 =	vld [tilespmem:$0x188A0]  }
0x72: {  	vm1 =	vgt.f32 v11, $-1.000000000e+09  }
0x73: {  	v14 =	vld [tilespmem:$0x188B0];
	v11 =	vnsel vm1, $0xCE6E6B28, v11  }
0x74: {  	vm2 =	vgt.f32 v12, v11  }
0x75: {  	v11 =	vsel vm2, v12, v11;
	v12 =	vld [tilespmem:$0x188C0]  }
0x76: {  	vm3 =	vgt.f32 v13, v11  }
0x77: {  	v11 =	vsel vm3, v13, v11;
	v13 =	vld [tilespmem:$0x188D0]  }
0x78: {  	vm4 =	vgt.f32 v14, v11  }
0x79: {  	v11 =	vsel vm4, v14, v11;
	v14 =	vld [tilespmem:$0x188E0]  }
0x7a: {  	vm5 =	vgt.f32 v12, v11  }
0x7b: {  	v11 =	vsel vm5, v12, v11;
	v12 =	vld [tilespmem:$0x188F0]  }
0x7c: {  	[tilespmem:$0x18980] =	vst v7;
	vm6 =	vgt.f32 v13, v11  }
0x7d: {  	[tilespmem:$0x18A00] =	vst v7;
	v11 =	vsel vm6, v13, v11  }
0x7e: {  	[tilespmem:$0x18A80] =	vst v7;
	vm7 =	vgt.f32 v14, v11  }
0x7f: {  	[tilespmem:$0x18B00] =	vst v7;
	v11 =	vsel vm7, v14, v11  }
0x80: {  	[tilespmem:$0x18B80] =	vst v0;
	vm8 =	vgt.f32 v12, v11  }
0x81: {  	[tilespmem:$0x18990] =	vst v7;
	v11 =	vsel vm8, v12, v11  }
0x82: {  	[tilespmem:$0x18A10] =	vst v7;
	(xrf0) =	vmax.scan.msk.f32 $0xffff, v11  }
0x83: {  	[tilespmem:$0x18A90] =	vst v7  }
0x84: {  	[tilespmem:$0x18B10] =	vst v7  }
0x85: {  	[tilespmem:$0x18B90] =	vst v0  }
0x86: {  	[tilespmem:$0x189A0] =	vst v7  }
0x87: {  	[tilespmem:$0x18A20] =	vst v7  }
0x88: {  	[tilespmem:$0x18AA0] =	vst v7;
	v12, _, _ =	vpop (xrf0)  }
0x89: {  	[tilespmem:$0x18B20] =	vst v7;
	(v2sf) =	vpush v12, $0xF  }
0x8a: {  	[tilespmem:$0x18BA0] =	vst v0  }
0x8b: {  	[tilespmem:$0x189B0] =	vst v7  }
0x8c: {  	[tilespmem:$0x18A30] =	vst v7  }
0x8d: {  	[tilespmem:$0x18AB0] =	vst v7  }
0x8e: {  	[tilespmem:$0x18B30] =	vst v7  }
0x8f: {  	[tilespmem:$0x18BB0] =	vst v0  }
0x90: {  	[tilespmem:$0x189C0] =	vst v7  }
0x91: {  	[tilespmem:$0x18A40] =	vst v7  }
0x92: {  	[tilespmem:$0x18AC0] =	vst v7  }
0x93: {  	[tilespmem:$0x18B40] =	vst v7  }
0x94: {  	[tilespmem:$0x18BC0] =	vst v0  }
0x95: {  	[tilespmem:$0x189D0] =	vst v7  }
0x96: {  	[tilespmem:$0x18A50] =	vst v7  }
0x97: {  	[tilespmem:$0x18AD0] =	vst v7  }
0x98: {  	[tilespmem:$0x18B50] =	vst v7;
	s8 =	spop (v2sf)  }
0x99: {  	[tilespmem:$0x18BD0] =	vst v0;
	p2 =	sgt.f32 s8, $0.0e+00  }
.Ltmp2:
0x9a: {  	[tilespmem:$0x189E0] =	vst v7;
	(pc) =	sbr.rel @!p2 .LBB2_4-.Ltmp2, $4  }
0x9b: {  	[tilespmem:$0x18A60] =	vst v7  }
0x9c: {  	[tilespmem:$0x18AE0] =	vst v7  }
0x9d: {  	[tilespmem:$0x18B60] =	vst v7  }
0x9e: {  	[tilespmem:$0x18BE0] =	vst v0  }
0x9f: {  	v13 =	vnsel vm1, $0x80000000, v9  }
0xa0: {  	v13 =	vsel vm2, v2, v13  }
0xa1: {  	v13 =	vsel vm3, v3, v13  }
0xa2: {  	v13 =	vsel vm4, v4, v13  }
0xa3: {  	v13 =	vsel vm5, v5, v13  }
0xa4: {  	v12 =	vbroadcast v12, $0xF;
	v13 =	vsel vm6, v6, v13  }
0xa5: {  	v13 =	vsel vm7, v8, v13  }
0xa6: {  	vm1 =	veq.f32 v11, v12;
	v11 =	vsel vm8, v10, v13  }
0xa7: {  	v11 =	vnsel vm1, $0xC0000000, v11  }
0xa8: {  	(xrf0) =	vmin.scan.msk.u32 $0xffff, v11;
	_ =	sdelay $0x5  }
0xa9: {  	v11, _, _ =	vpop (xrf0)  }
0xaa: {  	(v2sf) =	vpush v11, $0xF;
	_ =	sdelay $0xe  }
0xab: {  	s6 =	simm.s32 $0x0;
	s7 =	spop (v2sf)  }
.LBB2_3:
0xac: {  	s12 =	sxor.u32 $0x80000000, s7;
	s15 =	sand.u32 $0xF, s7  }
0xad: {  	s13 =	sshra.s32 s12, $0x1F;
	p2 =	slt.s32 s12, $0x1;
	p3 =	sne.s32 s15, $0x0  }
0xae: {  	s13 =	sshrl.u32 s13, $0x1C;
	p2 =	por !p2, !p3  }
0xaf: {  	s7 =	sadd.s32 s13, s12;
	p2 =	por !p2, !p2;
	s13 =	simm.s32 $0x1  }
0xb0: {  	s7 =	sshrl.u32 s7, $0x4;
	s13 =	simm.s32 @!p2 $0x0  }
0xb1: {  	s7 =	ssub.s32 s7, s13  }
0xb2: {  	s7 =	sshll.u32 s7, $0x4  }
0xb3: {  	v11 =	vld [tilespmem:s7+$0x18900];
	_ =	sdelay $0x1  }
0xb4: {  	s14 =	ssub.s32 s12, s7  }
0xb5: {  	v12 =	vmov s14  }
0xb6: {  	vm1 =	veq.s32 v12, v1  }
0xb7: {  	v11 =	vnsel vm1, $0x0, v11  }
0xb8: {  	(xrf0) =	vadd.scan.msk.s32 $0xffff, v11;
	_ =	sdelay $0x5  }
0xb9: {  	v11, _, _ =	vpop (xrf0)  }
0xba: {  	(v2sf) =	vpush v11, $0xF;
	_ =	sdelay $0xe  }
0xbb: {  	s14 =	spop (v2sf)  }
0xbc: {  	v18 =	vld [tilespmem:$0x18980];
	s13 =	sand.u32 $0xF, s14  }
0xbd: {  	v19 =	vld [tilespmem:$0x18A00];
	s15 =	sshra.s32 s14, $0x1F;
	p5 =	slt.s32 s14, $0x1;
	p6 =	sne.s32 s13, $0x0  }
0xbe: {  	v21 =	vld [tilespmem:$0x18A80];
	s15 =	sshrl.u32 s15, $0x1C;
	p2 =	por !p5, !p6  }
0xbf: {  	v22 =	vld [tilespmem:$0x18B00];
	s13 =	sadd.s32 s15, s14;
	s15 =	simm.s32 $0x1;
	p2 =	por !p2, !p2  }
0xc0: {  	v52 =	vld [tilespmem:$0x18990];
	s13 =	sshrl.u32 s13, $0x4;
	s15 =	simm.s32 @!p2 $0x0  }
0xc1: {  	v54 =	vld [tilespmem:$0x18A10];
	s13 =	ssub.s32 s13, s15  }
0xc2: {  	v56 =	vld [tilespmem:$0x18A90];
	s13 =	sshll.u32 s13, $0x4  }
0xc3: {  	v50 =	vld [tilespmem:s13+$0x0]  }
0xc4: {  	v13 =	vld [tilespmem:s13+$0x4E80];
	s14 =	ssub.s32 s14, s13  }
0xc5: {  	v16 =	vld [tilespmem:s13+$0x9D00];
	v11 =	vmov s14  }
0xc6: {  	v17 =	vld [tilespmem:s13+$0xEB80];
	v14 =	vshrl.u32 v11, $0x1B  }
0xc7: {  	v59 =	vld [tilespmem:$0x18B10];
	v14 =	vand.u32 $0x10, v14  }
0xc8: {  	v60 =	vld [tilespmem:$0x189A0];
	v20 =	vadd.s32 s14, v14  }
0xc9: {  	v61 =	vld [tilespmem:$0x18A20];
	v15 =	vperm.xlane v50, v20  }
0xca: {  	v62 =	vld [tilespmem:$0x18AA0];
	v14 =	vperm.xlane v13, v20;
	v13 =	vperm.xlane v16, v20  }
0xcb: {  	v28 =	vld [tilespmem:$0x18B20];
	v12 =	vperm.xlane v17, v20  }
0xcc: {  	v63 =	vld [tilespmem:$0x189B0];
	v16 =	vsub.f32 v13, v15  }
0xcd: {  	v42 =	vld [tilespmem:$0x18AB0];
	v17 =	vsub.f32 v12, v14;
	v51 =	vmax.f32 v15, v18;
	v23 =	vmax.f32 v14, v19  }
0xce: {  	v32 =	vld [tilespmem:$0x18B30];
	v24 =	vmin.f32 v13, v21;
	v25 =	vmin.f32 v12, v22;
	v18 =	vsub.f32 v21, v18  }
0xcf: {  	v45 =	vld [tilespmem:$0x189C0];
	v19 =	vsub.f32 v22, v19;
	v26 =	vmax.f32 v15, v52;
	v27 =	vmin.f32 v13, v56  }
0xd0: {  	v33 =	vld [tilespmem:$0x18A40];
	v29 =	vmax.f32 v14, v54;
	v30 =	vmin.f32 v12, v59;
	v43 =	vmax.f32 v15, v60  }
0xd1: {  	v49 =	vld [tilespmem:$0x18AC0];
	v44 =	vmin.f32 v13, v62;
	v22 =	vsub.f32 v59, v54;
	v46 =	vmax.f32 v14, v61  }
0xd2: {  	v36 =	vld [tilespmem:$0x189D0];
	v47 =	vmin.f32 v12, v28;
	v50 =	vmax.f32 v15, v63;
	v20 =	vsub.f32 v24, v51  }
0xd3: {  	v31 =	vld [tilespmem:$0x18A30];
	v34 =	vmin.f32 v13, v42;
	v53 =	vsub.f32 v25, v23;
	v26 =	vsub.f32 v27, v26  }
0xd4: {  	v35 =	vmin.f32 v12, v32;
	v41 =	vsub.f32 v30, v29;
	v21 =	vsub.f32 v44, v43  }
0xd5: {  	v59 =	vmax.f32 v15, v45;
	v48 =	vsub.f32 v47, v46;
	v24 =	vsub.f32 v28, v61  }
0xd6: {  	v37 =	vmax.f32 v14, v33;
	v25 =	vsub.f32 v34, v50;
	v27 =	vsub.f32 v42, v63  }
0xd7: {  	v23 =	vsub.f32 v49, v45;
	v43 =	vmax.f32 v15, v36;
	v16 =	vmul.f32 v17, v16  }
0xd8: {  	v55 =	vmul.f32 v19, v18;
	v18 =	vsub.f32 v56, v52;
	v52 =	vmax.f32 v14, v31  }
0xd9: {  	v54 =	vld [tilespmem:$0x18AD0];
	v57 =	vmax.f32 v20, $0.0e+00;
	v58 =	vmax.f32 v53, $0.0e+00;
	v40 =	vmax.f32 v26, $0.0e+00  }
0xda: {  	v51 =	vld [tilespmem:$0x18B40];
	v26 =	vmax.f32 v41, $0.0e+00;
	v21 =	vmax.f32 v21, $0.0e+00;
	v20 =	vsub.f32 v62, v60  }
0xdb: {  	v61 =	vld [tilespmem:$0x189E0];
	v30 =	vsub.f32 v35, v52;
	v60 =	vmin.f32 v13, v49;
	v19 =	vmul.f32 v58, v57  }
0xdc: {  	v42 =	vld [tilespmem:$0x18AE0];
	v17 =	vadd.f32 v55, v16;
	v18 =	vmul.f32 v22, v18;
	v22 =	vmax.f32 v48, $0.0e+00  }
0xdd: {  	v45 =	vld [tilespmem:$0x18B60];
	v55 =	vmax.f32 v25, $0.0e+00;
	v58 =	vsub.f32 v32, v31;
	v31 =	vsub.f32 v60, v59  }
0xde: {  	v21 =	vmul.f32 v22, v21;
	v20 =	vmul.f32 v24, v20;
	v56 =	vmax.f32 v30, $0.0e+00  }
0xdf: {  	v53 =	vld [tilespmem:$0x18A50];
	v44 =	vmin.f32 v13, v54;
	v22 =	vsub.f32 v54, v36;
	v17 =	vsub.f32 v17, v19  }
0xe0: {  	v62 =	vld [tilespmem:$0x18A60];
	v38 =	vmin.f32 v12, v51;
	v24 =	vmul.f32 v56, v55;
	v28 =	vsub.f32 v51, v33  }
0xe1: {  	v57 =	vld [tilespmem:$0x18B50];
	v33 =	vsub.f32 v44, v43;
	v27 =	vmul.f32 v58, v27;
	v18 =	vadd.f32 v18, v16  }
0xe2: {  	v49 =	vmax.f32 v15, v61;
	v35 =	vsub.f32 v42, v61;
	v51 =	vmin.f32 v12, v45  }
0xe3: {  	v31 =	vmax.f32 v31, $0.0e+00;
	v63 =	vsub.f32 v38, v37;
	v20 =	vadd.f32 v20, v16  }
0xe4: {  	v17 =	vadd.f32 $9.999999930e-09, v17;
	v39 =	vmax.f32 v14, v53;
	v23 =	vmul.f32 v28, v23  }
0xe5: {  	v50 =	vmax.f32 v14, v62;
	v32 =	vsub.f32 v45, v62;
	v27 =	vadd.f32 v27, v16  }
0xe6: {  	v54 =	vmax.f32 v33, $0.0e+00;
	v46 =	vmin.f32 v12, v57;
	v48 =	vsub.f32 v57, v53  }
0xe7: {  	v52 =	vsub.f32 v51, v50;
	v25 =	vmax.f32 v63, $0.0e+00;
	v20 =	vsub.f32 v20, v21  }
0xe8: {  	(erf) = vrcp.f32 v17;
	v17 =	vmul.f32 v26, v40;
	v47 =	vsub.f32 v46, v39  }
0xe9: {  	v26 =	vmin.f32 v13, v42;
	v53 =	vmul.f32 v32, v35;
	v25 =	vmul.f32 v25, v31  }
0xea: {  	v23 =	vadd.f32 v23, v16;
	v27 =	vsub.f32 v27, v24;
	v22 =	vmul.f32 v48, v22  }
0xeb: {  	v26 =	vsub.f32 v26, v49;
	v28 =	vmax.f32 v52, $0.0e+00;
	v18 =	vsub.f32 v18, v17  }
0xec: {  	v20 =	vadd.f32 $9.999999930e-09, v20;
	v30 =	vmax.f32 v47, $0.0e+00;
	v22 =	vadd.f32 v22, v16  }
0xed: {  	v29 =	vmul.f32 v30, v54;
	v26 =	vmax.f32 v26, $0.0e+00;
	v18 =	vadd.f32 $9.999999930e-09, v18  }
0xee: {  	v23 =	vsub.f32 v23, v25;
	v16 =	vadd.f32 v53, v16;
	v26 =	vmul.f32 v28, v26  }
0xef: {  	v55 =	vadd.f32 $9.999999930e-09, v27;
	v22 =	vsub.f32 v22, v29;
	(erf) = vrcp.f32 v18  }
0xf0: {  	v56 =	vadd.f32 $9.999999930e-09, v23;
	v16 =	vsub.f32 v16, v26;
	(erf) = vrcp.f32 v20  }
0xf1: {  	v57 =	vadd.f32 $9.999999930e-09, v22;
	(erf) = vrcp.f32 v55  }
0xf2: {  	v16 =	vadd.f32 $9.999999930e-09, v16;
	(erf) = vrcp.f32 v56  }
0xf3: {  	(erf) = vrcp.f32 v57  }
0xf4: {  	(erf) = vrcp.f32 v16;
	_ =	sdelay $0x2  }
0xf5: {  	v58 =	vpop (erf)  }
0xf6: {  	v59 =	vpop (erf)  }
0xf7: {  	v16 =	vmul.f32 v58, v19;
	v60 =	vpop (erf);
	v17 =	vmul.f32 v59, v17  }
0xf8: {  	v61 =	vpop (erf);
	v62 =	vmul.f32 v60, v21  }
0xf9: {  	vm2 =	vgt.f32 v16, $5.000000000e-01;
	v63 =	vpop (erf);
	vm3 =	vgt.f32 v17, $5.000000000e-01;
	v21 =	vmul.f32 v61, v24  }
0xfa: {  	v22 =	vpop (erf);
	vm2 =	vmor vm2, vm3;
	vm3 =	vgt.f32 v62, $5.000000000e-01;
	v23 =	vmul.f32 v63, v25  }
0xfb: {  	vm2 =	vmor vm2, vm3;
	vm3 =	vgt.f32 v21, $5.000000000e-01;
	v24 =	vmul.f32 v22, v29;
	v25 =	vpop (erf)  }
0xfc: {  	vm2 =	vmor vm2, vm3;
	vm3 =	vgt.f32 v23, $5.000000000e-01;
	v17 =	vmul.f32 v25, v26  }
0xfd: {  	vm2 =	vmor vm2, vm3;
	vm3 =	vgt.f32 v24, $5.000000000e-01  }
0xfe: {  	vm2 =	vmor vm2, vm3;
	vm3 =	vgt.f32 v17, $5.000000000e-01  }
0xff: {  	vm2 =	vmor vm2, vm3  }
0x100: {  	v27 =	vsel vm2, $0x3F800000, v7  }
0x101: {  	(xrf0) =	vmax.scan.msk.f32 $0xffff, v27;
	_ =	sdelay $0x5  }
0x102: {  	v16, _, _ =	vpop (xrf0)  }
0x103: {  	(v2sf) =	vpush v16, $0xF;
	_ =	sdelay $0xc  }
0x104: {  	s14 =	sand.u32 $0x70, s6  }
0x105: {  	v28 =	vld [tilespmem:s14+$0x18980]  }
0x106: {  	v29 =	vld [tilespmem:s14+$0x18A00];
	s15 =	spop (v2sf)  }
0x107: {  	v30 =	vld [tilespmem:s14+$0x18A80];
	p2 =	sgt.f32 s15, $0.0e+00;
	s15 =	sand.u32 $0xF, s6  }
0x108: {  	v32 =	vld [tilespmem:s14+$0x18B00];
	v31 =	vmov s15  }
0x109: {  	v33 =	vld [tilespmem:s14+$0x18B80];
	v15 =	vpsel p2, $0x0, v15;
	vm2 =	veq.s32 v31, v1  }
0x10a: {  	v14 =	vpsel p2, $0x0, v14;
	v15 =	vsel vm2, v15, v28  }
0x10b: {  	v13 =	vpsel p2, $0x0, v13;
	v14 =	vsel vm2, v14, v29;
	[tilespmem:s14+$0x18980] =	vst v15  }
0x10c: {  	v12 =	vpsel p2, $0x0, v12;
	v13 =	vsel vm2, v13, v30;
	[tilespmem:s14+$0x18A00] =	vst v14  }
0x10d: {  	s8 =	simm.s32 @p2 $0xCE6E6B28;
	v12 =	vsel vm2, v12, v32;
	[tilespmem:s14+$0x18A80] =	vst v13  }
0x10e: {  	v34 =	vsel vm2, s8, v33;
	[tilespmem:s14+$0x18B00] =	vst v12  }
0x10f: {  	[tilespmem:s14+$0x18B80] =	vst v34  }
0x110: {  	v12 =	vld [tilespmem:s13+$0x13A00];
	_ =	sdelay $0x3  }
0x111: {  	vm2 =	veq.s32 v11, v1  }
0x112: {  	s8 =	smul.u32 $0xA0, s12;
	v11 =	vsel vm2, $0xCE6E6B28, v12  }
0x113: {  	[tilespmem:s13+$0x13A00] =	vst v11  }
0x114: {  	v11 =	vld [tilespmem:s8+$0x13A00];
	_ =	sdelay $0x1  }
0x115: {  	v35 =	vld [tilespmem:s8+$0x13A10];
	_ =	sdelay $0x1  }
0x116: {  	v13 =	vld [tilespmem:s8+$0x13A20]  }
0x117: {  	vm6 =	vgt.f32 v11, $-1.000000000e+09  }
0x118: {  	v14 =	vld [tilespmem:s8+$0x13A30];
	v11 =	vnsel vm6, $0xCE6E6B28, v11  }
0x119: {  	vm5 =	vgt.f32 v35, v11  }
0x11a: {  	v36 =	vld [tilespmem:s8+$0x13A40];
	v11 =	vsel vm5, v35, v11  }
0x11b: {  	vm2 =	vgt.f32 v13, v11  }
0x11c: {  	v37 =	vld [tilespmem:s8+$0x13A50];
	v11 =	vsel vm2, v13, v11  }
0x11d: {  	vm3 =	vgt.f32 v14, v11  }
0x11e: {  	v38 =	vld [tilespmem:s8+$0x13A60];
	v11 =	vsel vm3, v14, v11  }
0x11f: {  	s12 =	sadd.s32 $0x80, s8;
	vm4 =	vgt.f32 v36, v11  }
0x120: {  	s15 =	sand.u32 $0x60, s8;
	s14 =	sand.u32 $0xFFFFFF80, s12;
	v39 =	vld [tilespmem:s8+$0x13A70];
	v11 =	vsel vm4, v36, v11  }
0x121: {  	s13 =	sor.u32 s15, s14;
	vm7 =	vgt.f32 v37, v11  }
0x122: {  	v40 =	vld [tilespmem:s13+$0x13A00];
	v11 =	vsel vm7, v37, v11  }
0x123: {  	vm8 =	vgt.f32 v38, v11  }
0x124: {  	v41 =	vld [tilespmem:s8+$0x13A90];
	v11 =	vsel vm8, v38, v11  }
0x125: {  	vm9 =	vgt.f32 v39, v11  }
0x126: {  	v11 =	vsel vm9, v39, v11  }
0x127: {  	vm10 =	vgt.f32 v40, v11  }
0x128: {  	v11 =	vsel vm10, v40, v11  }
0x129: {  	v42 =	vor.u32 s8, v1;
	s14 =	sor.u32 $0x10, s8;
	vm11 =	vgt.f32 v41, v11  }
0x12a: {  	s15 =	sadd.s32 $0x20, s8;
	v43 =	vor.u32 s14, v1;
	v12 =	vnsel vm6, $0x0, v42;
	v11 =	vsel vm11, v41, v11  }
0x12b: {  	v44 =	vor.u32 s15, v1;
	s14 =	sadd.s32 $0x30, s8;
	v12 =	vsel vm5, v43, v12;
	(xrf0) =	vmax.scan.msk.f32 $0xffff, v11  }
0x12c: {  	s15 =	sadd.s32 $0x40, s8;
	v45 =	vor.u32 s14, v1;
	v12 =	vsel vm2, v44, v12  }
0x12d: {  	v46 =	vor.u32 s15, v1;
	s14 =	sadd.s32 $0x50, s8;
	v12 =	vsel vm3, v45, v12  }
0x12e: {  	s15 =	sadd.s32 $0x60, s8;
	v47 =	vor.u32 s14, v1;
	v12 =	vsel vm4, v46, v12  }
0x12f: {  	v48 =	vor.u32 s15, v1;
	s14 =	sadd.s32 $0x70, s8;
	v12 =	vsel vm7, v47, v12  }
0x130: {  	v49 =	vor.u32 s14, v1;
	v12 =	vsel vm8, v48, v12  }
0x131: {  	v50 =	vor.u32 s12, v1;
	s8 =	sadd.s32 $0x90, s8;
	v12 =	vsel vm9, v49, v12;
	v51, _, _ =	vpop (xrf0)  }
0x132: {  	v52 =	vor.u32 s8, v1;
	v12 =	vsel vm10, v50, v12;
	v14 =	vbroadcast v51, $0xF  }
0x133: {  	v12 =	vsel vm11, v52, v12  }
0x134: {  	vm2 =	veq.f32 v11, v14;
	v11 =	vxor.u32 $0x80000000, v12  }
0x135: {  	v11 =	vnsel vm2, $0xC0000000, v11  }
0x136: {  	(xrf0) =	vmin.scan.msk.u32 $0xffff, v11;
	_ =	sdelay $0x5  }
0x137: {  	v11, _, _ =	vpop (xrf0)  }
0x138: {  	(v2sf) =	vpush v11, $0xF;
	_ =	sdelay $0xa  }
0x139: {  	v11 =	vld [tilespmem:s7+$0x18880]  }
0x13a: {  	v53 =	vld [tilespmem:s7+$0x18900];
	_ =	sdelay $0x2  }
0x13b: {  	s15 =	spop (v2sf)  }
0x13c: {  	v11 =	vsel vm1, v14, v11;
	s8 =	sxor.u32 $0x80000000, s15  }
0x13d: {  	[tilespmem:s7+$0x18880] =	vst v11;
	v11 =	vsel vm1, s8, v53  }
0x13e: {  	[tilespmem:s7+$0x18900] =	vst v11  }
0x13f: {  	v11 =	vld [tilespmem:$0x18880];
	_ =	sdelay $0x1  }
0x140: {  	v54 =	vld [tilespmem:$0x18890];
	_ =	sdelay $0x1  }
0x141: {  	v55 =	vld [tilespmem:$0x188A0]  }
0x142: {  	vm1 =	vgt.f32 v11, $-1.000000000e+09  }
0x143: {  	v56 =	vld [tilespmem:$0x188B0];
	v11 =	vnsel vm1, $0xCE6E6B28, v11  }
0x144: {  	vm2 =	vgt.f32 v54, v11  }
0x145: {  	v57 =	vld [tilespmem:$0x188C0];
	v11 =	vsel vm2, v54, v11  }
0x146: {  	vm3 =	vgt.f32 v55, v11  }
0x147: {  	v58 =	vld [tilespmem:$0x188D0];
	v11 =	vsel vm3, v55, v11  }
0x148: {  	vm4 =	vgt.f32 v56, v11  }
0x149: {  	v59 =	vld [tilespmem:$0x188E0];
	v11 =	vsel vm4, v56, v11  }
0x14a: {  	vm12 =	vgt.f32 v57, v11  }
0x14b: {  	v60 =	vld [tilespmem:$0x188F0];
	v11 =	vsel vm12, v57, v11  }
0x14c: {  	vm13 =	vgt.f32 v58, v11  }
0x14d: {  	v11 =	vsel vm13, v58, v11  }
0x14e: {  	vm14 =	vgt.f32 v59, v11  }
0x14f: {  	v11 =	vsel vm14, v59, v11  }
0x150: {  	vm15 =	vgt.f32 v60, v11  }
0x151: {  	v11 =	vsel vm15, v60, v11  }
0x152: {  	(xrf0) =	vmax.scan.msk.f32 $0xffff, v11;
	_ =	sdelay $0x1  }
0x153: {  	v61 =	vnsel vm1, $0x80000000, v9  }
0x154: {  	v12 =	vsel vm2, v2, v61  }
0x155: {  	v12 =	vsel vm3, v3, v12  }
0x156: {  	v12 =	vsel vm4, v4, v12  }
0x157: {  	v12 =	vsel vm12, v5, v12;
	v62, _, _ =	vpop (xrf0)  }
0x158: {  	v12 =	vsel vm13, v6, v12;
	v63 =	vbroadcast v62, $0xF  }
0x159: {  	v12 =	vsel vm14, v8, v12  }
0x15a: {  	vm1 =	veq.f32 v11, v63;
	v11 =	vsel vm15, v10, v12  }
0x15b: {  	(v2sf) =	vpush v62, $0xF;
	v11 =	vnsel vm1, $0xC0000000, v11  }
0x15c: {  	(xrf0) =	vmin.scan.msk.u32 $0xffff, v11;
	_ =	sdelay $0x5  }
0x15d: {  	v11, _, _ =	vpop (xrf0)  }
0x15e: {  	(v2sf) =	vpush v11, $0xF;
	_ =	sdelay $0x3  }
0x15f: {  	p2 =	por !p2, !p2;
	s7 =	simm.s32 $0x1  }
0x160: {  	s7 =	simm.s32 @!p2 $0x0  }
0x161: {  	s6 =	sadd.s32 s7, s6  }
0x162: {  	p2 =	sgt.u32 s6, $0x63;
	s8 =	spop (v2sf)  }
0x163: {  	p3 =	sgt.f32 @!p2 s8, $0.0e+00;
	_ =	sdelay $0x1  }
0x164: {  	p2 =	por p2, !p3  }
.Ltmp3:
0x165: {  	_ = 	snop;
	(pc) =	sbr.rel @!p2 .LBB2_3-.Ltmp3, $2  }
0x166: {  	_ =	sdelay $0x2  }
0x167: {  	s7 =	spop (v2sf)  }
.LBB2_4:
0x168: {  	s6 =	simm.s32 $0x18980  }
0x169: {  	[spmem:s31] =	stream.linear.scatter [tilespmem:s6], [sflag:$0x1], $0x70, $0x38;
	[tilespmem:$0x1C5C8] =	vst v63  }
0x16a: {  	_ =	swait.ge [sflag:s10], $0x70  }
0x16b: {  	[sflag:s10] =	ssyncset.done $0x0  }
0x16c: {  	s15 =	simm.s32 $0x18A00;
	[sflag:s10] =	ssyncadd.s32 $0xFFFFFF90  }
0x16d: {  	[spmem:s23] =	stream.linear.scatter [tilespmem:s15], [sflag:$0x1], $0x70, $0x38;
	[tilespmem:$0x1C5C8] =	vst v63  }
0x16e: {  	_ =	swait.ge [sflag:s10], $0x70  }
0x16f: {  	[sflag:s10] =	ssyncset.done $0x0  }
0x170: {  	s7 =	simm.s32 $0x18A80;
	[sflag:s10] =	ssyncadd.s32 $0xFFFFFF90  }
0x171: {  	[spmem:s24] =	stream.linear.scatter [tilespmem:s7], [sflag:$0x1], $0x70, $0x38;
	[tilespmem:$0x1C5C8] =	vst v63  }
0x172: {  	_ =	swait.ge [sflag:s10], $0x70  }
0x173: {  	[sflag:s10] =	ssyncset.done $0x0  }
0x174: {  	s8 =	simm.s32 $0x18B00;
	[sflag:s10] =	ssyncadd.s32 $0xFFFFFF90  }
0x175: {  	[spmem:s25] =	stream.linear.scatter [tilespmem:s8], [sflag:$0x1], $0x70, $0x38;
	[tilespmem:$0x1C5C8] =	vst v63  }
0x176: {  	_ =	swait.ge [sflag:s10], $0x70  }
0x177: {  	[sflag:s10] =	ssyncset.done $0x0  }
0x178: {  	s12 =	simm.s32 $0x18B80;
	[sflag:s10] =	ssyncadd.s32 $0xFFFFFF90  }
0x179: {  	[spmem:s2] =	stream.linear.scatter [tilespmem:s12], [sflag:$0x1], $0x70, $0x38;
	[tilespmem:$0x1C5C8] =	vst v63  }
0x17a: {  	_ =	swait.ge [sflag:s10], $0x70  }
0x17b: {  	[sflag:s10] =	ssyncset.done $0x0  }
0x17c: {  	s13 =	simm.s32 $0x400;
	s7 =	simm.s32 $0x13A00;
	[sflag:s10] =	ssyncadd.s32 $0xFFFFFF90  }
0x17d: {  	[tilespmem:s7], [sflag:$0x1] =	stream.strided.gather [hbm4b:s0+s26], $0x4E80, s13, s26, $0x38;
	[tilespmem:$0x1C5C8] =	vst v63  }
0x17e: {  	_ =	swait.ge [sflag:s10], $0x4E80  }
0x17f: {  	[sflag:s10] =	ssyncset.done $0x0  }
0x180: {  	s14 =	simm.s32 $0x18880;
	[sflag:s10] =	ssyncadd.s32 $0xFFFFB180  }
0x181: {  	[tilespmem:s14], [sflag:$0x1] =	stream.linear.gather [hbm4b:s28+s1], $0x80, $0x38;
	[tilespmem:$0x1C5C8] =	vst v63  }
0x182: {  	_ =	swait.ge [sflag:s10], $0x80  }
0x183: {  	[sflag:s10] =	ssyncset.done $0x0  }
0x184: {  	s15 =	simm.s32 $0x18900;
	[sflag:s10] =	ssyncadd.s32 $0xFFFFFF80  }
0x185: {  	[tilespmem:s15], [sflag:$0x1] =	stream.linear.gather [hbm4b:s19+s1], $0x80, $0x38;
	[tilespmem:$0x1C5C8] =	vst v63  }
0x186: {  	_ =	swait.ge [sflag:s10], $0x80  }
0x187: {  	[sflag:s10] =	ssyncset.done $0x0  }
0x188: {  	[sflag:s10] =	ssyncadd.s32 $0xFFFFFF80  }
0x189: {  	v11 =	vld [tilespmem:$0x18880];
	_ =	sdelay $0x1  }
0x18a: {  	v12 =	vld [tilespmem:$0x18890];
	_ =	sdelay $0x1  }
0x18b: {  	v13 =	vld [tilespmem:$0x188A0]  }
0x18c: {  	vm1 =	vgt.f32 v11, $-1.000000000e+09  }
0x18d: {  	v14 =	vld [tilespmem:$0x188B0];
	v11 =	vnsel vm1, $0xCE6E6B28, v11  }
0x18e: {  	vm2 =	vgt.f32 v12, v11  }
0x18f: {  	v11 =	vsel vm2, v12, v11;
	v12 =	vld [tilespmem:$0x188C0]  }
0x190: {  	vm3 =	vgt.f32 v13, v11  }
0x191: {  	v11 =	vsel vm3, v13, v11;
	v13 =	vld [tilespmem:$0x188D0]  }
0x192: {  	vm4 =	vgt.f32 v14, v11  }
0x193: {  	v11 =	vsel vm4, v14, v11;
	v14 =	vld [tilespmem:$0x188E0]  }
0x194: {  	vm5 =	vgt.f32 v12, v11  }
0x195: {  	v11 =	vsel vm5, v12, v11;
	v12 =	vld [tilespmem:$0x188F0]  }
0x196: {  	[tilespmem:$0x18980] =	vst v7;
	vm6 =	vgt.f32 v13, v11  }
0x197: {  	[tilespmem:$0x18A00] =	vst v7;
	v11 =	vsel vm6, v13, v11  }
0x198: {  	[tilespmem:$0x18A80] =	vst v7;
	vm7 =	vgt.f32 v14, v11  }
0x199: {  	[tilespmem:$0x18B00] =	vst v7;
	v11 =	vsel vm7, v14, v11  }
0x19a: {  	[tilespmem:$0x18B80] =	vst v0;
	vm8 =	vgt.f32 v12, v11  }
0x19b: {  	[tilespmem:$0x18990] =	vst v7;
	v11 =	vsel vm8, v12, v11  }
0x19c: {  	[tilespmem:$0x18A10] =	vst v7;
	(xrf0) =	vmax.scan.msk.f32 $0xffff, v11  }
0x19d: {  	[tilespmem:$0x18A90] =	vst v7  }
0x19e: {  	[tilespmem:$0x18B10] =	vst v7  }
0x19f: {  	[tilespmem:$0x18B90] =	vst v0  }
0x1a0: {  	[tilespmem:$0x189A0] =	vst v7  }
0x1a1: {  	[tilespmem:$0x18A20] =	vst v7  }
0x1a2: {  	[tilespmem:$0x18AA0] =	vst v7;
	v12, _, _ =	vpop (xrf0)  }
0x1a3: {  	[tilespmem:$0x18B20] =	vst v7;
	(v2sf) =	vpush v12, $0xF  }
0x1a4: {  	[tilespmem:$0x18BA0] =	vst v0  }
0x1a5: {  	[tilespmem:$0x189B0] =	vst v7  }
0x1a6: {  	[tilespmem:$0x18A30] =	vst v7  }
0x1a7: {  	[tilespmem:$0x18AB0] =	vst v7  }
0x1a8: {  	[tilespmem:$0x18B30] =	vst v7  }
0x1a9: {  	[tilespmem:$0x18BB0] =	vst v0  }
0x1aa: {  	[tilespmem:$0x189C0] =	vst v7  }
0x1ab: {  	[tilespmem:$0x18A40] =	vst v7  }
0x1ac: {  	[tilespmem:$0x18AC0] =	vst v7  }
0x1ad: {  	[tilespmem:$0x18B40] =	vst v7  }
0x1ae: {  	[tilespmem:$0x18BC0] =	vst v0  }
0x1af: {  	[tilespmem:$0x189D0] =	vst v7  }
0x1b0: {  	[tilespmem:$0x18A50] =	vst v7  }
0x1b1: {  	[tilespmem:$0x18AD0] =	vst v7  }
0x1b2: {  	[tilespmem:$0x18B50] =	vst v7;
	s8 =	spop (v2sf)  }
0x1b3: {  	[tilespmem:$0x18BD0] =	vst v0;
	p2 =	sgt.f32 s8, $0.0e+00  }
.Ltmp4:
0x1b4: {  	[tilespmem:$0x189E0] =	vst v7;
	(pc) =	sbr.rel @!p2 .LBB2_7-.Ltmp4, $4  }
0x1b5: {  	[tilespmem:$0x18A60] =	vst v7  }
0x1b6: {  	[tilespmem:$0x18AE0] =	vst v7  }
0x1b7: {  	[tilespmem:$0x18B60] =	vst v7  }
0x1b8: {  	[tilespmem:$0x18BE0] =	vst v0  }
0x1b9: {  	v13 =	vnsel vm1, $0x80000000, v9  }
0x1ba: {  	v13 =	vsel vm2, v2, v13  }
0x1bb: {  	v13 =	vsel vm3, v3, v13  }
0x1bc: {  	v13 =	vsel vm4, v4, v13  }
0x1bd: {  	v13 =	vsel vm5, v5, v13  }
0x1be: {  	v12 =	vbroadcast v12, $0xF;
	v13 =	vsel vm6, v6, v13  }
0x1bf: {  	v13 =	vsel vm7, v8, v13  }
0x1c0: {  	vm1 =	veq.f32 v11, v12;
	v11 =	vsel vm8, v10, v13  }
0x1c1: {  	v11 =	vnsel vm1, $0xC0000000, v11  }
0x1c2: {  	(xrf0) =	vmin.scan.msk.u32 $0xffff, v11;
	_ =	sdelay $0x5  }
0x1c3: {  	v11, _, _ =	vpop (xrf0)  }
0x1c4: {  	(v2sf) =	vpush v11, $0xF;
	_ =	sdelay $0xe  }
0x1c5: {  	s6 =	simm.s32 $0x0;
	s7 =	spop (v2sf)  }
.LBB2_6:
0x1c6: {  	s12 =	sxor.u32 $0x80000000, s7;
	s15 =	sand.u32 $0xF, s7  }
0x1c7: {  	s13 =	sshra.s32 s12, $0x1F;
	p2 =	slt.s32 s12, $0x1;
	p3 =	sne.s32 s15, $0x0  }
0x1c8: {  	s13 =	sshrl.u32 s13, $0x1C;
	p2 =	por !p2, !p3  }
0x1c9: {  	s7 =	sadd.s32 s13, s12;
	p2 =	por !p2, !p2;
	s13 =	simm.s32 $0x1  }
0x1ca: {  	s7 =	sshrl.u32 s7, $0x4;
	s13 =	simm.s32 @!p2 $0x0  }
0x1cb: {  	s7 =	ssub.s32 s7, s13  }
0x1cc: {  	s7 =	sshll.u32 s7, $0x4  }
0x1cd: {  	v11 =	vld [tilespmem:s7+$0x18900];
	_ =	sdelay $0x1  }
0x1ce: {  	s14 =	ssub.s32 s12, s7  }
0x1cf: {  	v12 =	vmov s14  }
0x1d0: {  	vm1 =	veq.s32 v12, v1  }
0x1d1: {  	v11 =	vnsel vm1, $0x0, v11  }
0x1d2: {  	(xrf0) =	vadd.scan.msk.s32 $0xffff, v11;
	_ =	sdelay $0x5  }
0x1d3: {  	v11, _, _ =	vpop (xrf0)  }
0x1d4: {  	(v2sf) =	vpush v11, $0xF;
	_ =	sdelay $0xe  }
0x1d5: {  	s14 =	spop (v2sf)  }
0x1d6: {  	v18 =	vld [tilespmem:$0x18980];
	s13 =	sand.u32 $0xF, s14  }
0x1d7: {  	v19 =	vld [tilespmem:$0x18A00];
	s15 =	sshra.s32 s14, $0x1F;
	p5 =	slt.s32 s14, $0x1;
	p6 =	sne.s32 s13, $0x0  }
0x1d8: {  	v21 =	vld [tilespmem:$0x18A80];
	s15 =	sshrl.u32 s15, $0x1C;
	p2 =	por !p5, !p6  }
0x1d9: {  	v22 =	vld [tilespmem:$0x18B00];
	s13 =	sadd.s32 s15, s14;
	s15 =	simm.s32 $0x1;
	p2 =	por !p2, !p2  }
0x1da: {  	v52 =	vld [tilespmem:$0x18990];
	s13 =	sshrl.u32 s13, $0x4;
	s15 =	simm.s32 @!p2 $0x0  }
0x1db: {  	v54 =	vld [tilespmem:$0x18A10];
	s13 =	ssub.s32 s13, s15  }
0x1dc: {  	v56 =	vld [tilespmem:$0x18A90];
	s13 =	sshll.u32 s13, $0x4  }
0x1dd: {  	v50 =	vld [tilespmem:s13+$0x0]  }
0x1de: {  	v13 =	vld [tilespmem:s13+$0x4E80];
	s14 =	ssub.s32 s14, s13  }
0x1df: {  	v16 =	vld [tilespmem:s13+$0x9D00];
	v11 =	vmov s14  }
0x1e0: {  	v17 =	vld [tilespmem:s13+$0xEB80];
	v14 =	vshrl.u32 v11, $0x1B  }
0x1e1: {  	v59 =	vld [tilespmem:$0x18B10];
	v14 =	vand.u32 $0x10, v14  }
0x1e2: {  	v60 =	vld [tilespmem:$0x189A0];
	v20 =	vadd.s32 s14, v14  }
0x1e3: {  	v61 =	vld [tilespmem:$0x18A20];
	v15 =	vperm.xlane v50, v20  }
0x1e4: {  	v62 =	vld [tilespmem:$0x18AA0];
	v14 =	vperm.xlane v13, v20;
	v13 =	vperm.xlane v16, v20  }
0x1e5: {  	v28 =	vld [tilespmem:$0x18B20];
	v12 =	vperm.xlane v17, v20  }
0x1e6: {  	v63 =	vld [tilespmem:$0x189B0];
	v16 =	vsub.f32 v13, v15  }
0x1e7: {  	v42 =	vld [tilespmem:$0x18AB0];
	v17 =	vsub.f32 v12, v14;
	v51 =	vmax.f32 v15, v18;
	v23 =	vmax.f32 v14, v19  }
0x1e8: {  	v32 =	vld [tilespmem:$0x18B30];
	v24 =	vmin.f32 v13, v21;
	v25 =	vmin.f32 v12, v22;
	v18 =	vsub.f32 v21, v18  }
0x1e9: {  	v45 =	vld [tilespmem:$0x189C0];
	v19 =	vsub.f32 v22, v19;
	v26 =	vmax.f32 v15, v52;
	v27 =	vmin.f32 v13, v56  }
0x1ea: {  	v33 =	vld [tilespmem:$0x18A40];
	v29 =	vmax.f32 v14, v54;
	v30 =	vmin.f32 v12, v59;
	v43 =	vmax.f32 v15, v60  }
0x1eb: {  	v49 =	vld [tilespmem:$0x18AC0];
	v44 =	vmin.f32 v13, v62;
	v22 =	vsub.f32 v59, v54;
	v46 =	vmax.f32 v14, v61  }
0x1ec: {  	v36 =	vld [tilespmem:$0x189D0];
	v47 =	vmin.f32 v12, v28;
	v50 =	vmax.f32 v15, v63;
	v20 =	vsub.f32 v24, v51  }
0x1ed: {  	v31 =	vld [tilespmem:$0x18A30];
	v34 =	vmin.f32 v13, v42;
	v53 =	vsub.f32 v25, v23;
	v26 =	vsub.f32 v27, v26  }
0x1ee: {  	v35 =	vmin.f32 v12, v32;
	v41 =	vsub.f32 v30, v29;
	v21 =	vsub.f32 v44, v43  }
0x1ef: {  	v59 =	vmax.f32 v15, v45;
	v48 =	vsub.f32 v47, v46;
	v24 =	vsub.f32 v28, v61  }
0x1f0: {  	v37 =	vmax.f32 v14, v33;
	v25 =	vsub.f32 v34, v50;
	v27 =	vsub.f32 v42, v63  }
0x1f1: {  	v23 =	vsub.f32 v49, v45;
	v43 =	vmax.f32 v15, v36;
	v16 =	vmul.f32 v17, v16  }
0x1f2: {  	v55 =	vmul.f32 v19, v18;
	v18 =	vsub.f32 v56, v52;
	v52 =	vmax.f32 v14, v31  }
0x1f3: {  	v54 =	vld [tilespmem:$0x18AD0];
	v57 =	vmax.f32 v20, $0.0e+00;
	v58 =	vmax.f32 v53, $0.0e+00;
	v40 =	vmax.f32 v26, $0.0e+00  }
0x1f4: {  	v51 =	vld [tilespmem:$0x18B40];
	v26 =	vmax.f32 v41, $0.0e+00;
	v21 =	vmax.f32 v21, $0.0e+00;
	v20 =	vsub.f32 v62, v60  }
0x1f5: {  	v61 =	vld [tilespmem:$0x189E0];
	v30 =	vsub.f32 v35, v52;
	v60 =	vmin.f32 v13, v49;
	v19 =	vmul.f32 v58, v57  }
0x1f6: {  	v42 =	vld [tilespmem:$0x18AE0];
	v17 =	vadd.f32 v55, v16;
	v18 =	vmul.f32 v22, v18;
	v22 =	vmax.f32 v48, $0.0e+00  }
0x1f7: {  	v45 =	vld [tilespmem:$0x18B60];
	v55 =	vmax.f32 v25, $0.0e+00;
	v58 =	vsub.f32 v32, v31;
	v31 =	vsub.f32 v60, v59  }
0x1f8: {  	v21 =	vmul.f32 v22, v21;
	v20 =	vmul.f32 v24, v20;
	v56 =	vmax.f32 v30, $0.0e+00  }
0x1f9: {  	v53 =	vld [tilespmem:$0x18A50];
	v44 =	vmin.f32 v13, v54;
	v22 =	vsub.f32 v54, v36;
	v17 =	vsub.f32 v17, v19  }
0x1fa: {  	v62 =	vld [tilespmem:$0x18A60];
	v38 =	vmin.f32 v12, v51;
	v24 =	vmul.f32 v56, v55;
	v28 =	vsub.f32 v51, v33  }
0x1fb: {  	v57 =	vld [tilespmem:$0x18B50];
	v33 =	vsub.f32 v44, v43;
	v27 =	vmul.f32 v58, v27;
	v18 =	vadd.f32 v18, v16  }
0x1fc: {  	v49 =	vmax.f32 v15, v61;
	v35 =	vsub.f32 v42, v61;
	v51 =	vmin.f32 v12, v45  }
0x1fd: {  	v31 =	vmax.f32 v31, $0.0e+00;
	v63 =	vsub.f32 v38, v37;
	v20 =	vadd.f32 v20, v16  }
0x1fe: {  	v17 =	vadd.f32 $9.999999930e-09, v17;
	v39 =	vmax.f32 v14, v53;
	v23 =	vmul.f32 v28, v23  }
0x1ff: {  	v50 =	vmax.f32 v14, v62;
	v32 =	vsub.f32 v45, v62;
	v27 =	vadd.f32 v27, v16  }
0x200: {  	v54 =	vmax.f32 v33, $0.0e+00;
	v46 =	vmin.f32 v12, v57;
	v48 =	vsub.f32 v57, v53  }
0x201: {  	v52 =	vsub.f32 v51, v50;
	v25 =	vmax.f32 v63, $0.0e+00;
	v20 =	vsub.f32 v20, v21  }
0x202: {  	(erf) = vrcp.f32 v17;
	v17 =	vmul.f32 v26, v40;
	v47 =	vsub.f32 v46, v39  }
0x203: {  	v26 =	vmin.f32 v13, v42;
	v53 =	vmul.f32 v32, v35;
	v25 =	vmul.f32 v25, v31  }
0x204: {  	v23 =	vadd.f32 v23, v16;
	v27 =	vsub.f32 v27, v24;
	v22 =	vmul.f32 v48, v22  }
0x205: {  	v26 =	vsub.f32 v26, v49;
	v28 =	vmax.f32 v52, $0.0e+00;
	v18 =	vsub.f32 v18, v17  }
0x206: {  	v20 =	vadd.f32 $9.999999930e-09, v20;
	v30 =	vmax.f32 v47, $0.0e+00;
	v22 =	vadd.f32 v22, v16  }
0x207: {  	v29 =	vmul.f32 v30, v54;
	v26 =	vmax.f32 v26, $0.0e+00;
	v18 =	vadd.f32 $9.999999930e-09, v18  }
0x208: {  	v23 =	vsub.f32 v23, v25;
	v16 =	vadd.f32 v53, v16;
	v26 =	vmul.f32 v28, v26  }
0x209: {  	v55 =	vadd.f32 $9.999999930e-09, v27;
	v22 =	vsub.f32 v22, v29;
	(erf) = vrcp.f32 v18  }
0x20a: {  	v56 =	vadd.f32 $9.999999930e-09, v23;
	v16 =	vsub.f32 v16, v26;
	(erf) = vrcp.f32 v20  }
0x20b: {  	v57 =	vadd.f32 $9.999999930e-09, v22;
	(erf) = vrcp.f32 v55  }
0x20c: {  	v16 =	vadd.f32 $9.999999930e-09, v16;
	(erf) = vrcp.f32 v56  }
0x20d: {  	(erf) = vrcp.f32 v57  }
0x20e: {  	(erf) = vrcp.f32 v16;
	_ =	sdelay $0x2  }
0x20f: {  	v58 =	vpop (erf)  }
0x210: {  	v59 =	vpop (erf)  }
0x211: {  	v16 =	vmul.f32 v58, v19;
	v60 =	vpop (erf);
	v17 =	vmul.f32 v59, v17  }
0x212: {  	v61 =	vpop (erf);
	v62 =	vmul.f32 v60, v21  }
0x213: {  	vm2 =	vgt.f32 v16, $5.000000000e-01;
	v63 =	vpop (erf);
	vm3 =	vgt.f32 v17, $5.000000000e-01;
	v21 =	vmul.f32 v61, v24  }
0x214: {  	v22 =	vpop (erf);
	vm2 =	vmor vm2, vm3;
	vm3 =	vgt.f32 v62, $5.000000000e-01;
	v23 =	vmul.f32 v63, v25  }
0x215: {  	vm2 =	vmor vm2, vm3;
	vm3 =	vgt.f32 v21, $5.000000000e-01;
	v24 =	vmul.f32 v22, v29;
	v25 =	vpop (erf)  }
0x216: {  	vm2 =	vmor vm2, vm3;
	vm3 =	vgt.f32 v23, $5.000000000e-01;
	v17 =	vmul.f32 v25, v26  }
0x217: {  	vm2 =	vmor vm2, vm3;
	vm3 =	vgt.f32 v24, $5.000000000e-01  }
0x218: {  	vm2 =	vmor vm2, vm3;
	vm3 =	vgt.f32 v17, $5.000000000e-01  }
0x219: {  	vm2 =	vmor vm2, vm3  }
0x21a: {  	v27 =	vsel vm2, $0x3F800000, v7  }
0x21b: {  	(xrf0) =	vmax.scan.msk.f32 $0xffff, v27;
	_ =	sdelay $0x5  }
0x21c: {  	v16, _, _ =	vpop (xrf0)  }
0x21d: {  	(v2sf) =	vpush v16, $0xF;
	_ =	sdelay $0xc  }
0x21e: {  	s14 =	sand.u32 $0x70, s6  }
0x21f: {  	v28 =	vld [tilespmem:s14+$0x18980]  }
0x220: {  	v29 =	vld [tilespmem:s14+$0x18A00];
	s15 =	spop (v2sf)  }
0x221: {  	v30 =	vld [tilespmem:s14+$0x18A80];
	p2 =	sgt.f32 s15, $0.0e+00;
	s15 =	sand.u32 $0xF, s6  }
0x222: {  	v32 =	vld [tilespmem:s14+$0x18B00];
	v31 =	vmov s15  }
0x223: {  	v33 =	vld [tilespmem:s14+$0x18B80];
	v15 =	vpsel p2, $0x0, v15;
	vm2 =	veq.s32 v31, v1  }
0x224: {  	v14 =	vpsel p2, $0x0, v14;
	v15 =	vsel vm2, v15, v28  }
0x225: {  	v13 =	vpsel p2, $0x0, v13;
	v14 =	vsel vm2, v14, v29;
	[tilespmem:s14+$0x18980] =	vst v15  }
0x226: {  	v12 =	vpsel p2, $0x0, v12;
	v13 =	vsel vm2, v13, v30;
	[tilespmem:s14+$0x18A00] =	vst v14  }
0x227: {  	s8 =	simm.s32 @p2 $0xCE6E6B28;
	v12 =	vsel vm2, v12, v32;
	[tilespmem:s14+$0x18A80] =	vst v13  }
0x228: {  	v34 =	vsel vm2, s8, v33;
	[tilespmem:s14+$0x18B00] =	vst v12  }
0x229: {  	[tilespmem:s14+$0x18B80] =	vst v34  }
0x22a: {  	v12 =	vld [tilespmem:s13+$0x13A00];
	_ =	sdelay $0x3  }
0x22b: {  	vm2 =	veq.s32 v11, v1  }
0x22c: {  	s8 =	smul.u32 $0xA0, s12;
	v11 =	vsel vm2, $0xCE6E6B28, v12  }
0x22d: {  	[tilespmem:s13+$0x13A00] =	vst v11  }
0x22e: {  	v11 =	vld [tilespmem:s8+$0x13A00];
	_ =	sdelay $0x1  }
0x22f: {  	v35 =	vld [tilespmem:s8+$0x13A10];
	_ =	sdelay $0x1  }
0x230: {  	v13 =	vld [tilespmem:s8+$0x13A20]  }
0x231: {  	vm6 =	vgt.f32 v11, $-1.000000000e+09  }
0x232: {  	v14 =	vld [tilespmem:s8+$0x13A30];
	v11 =	vnsel vm6, $0xCE6E6B28, v11  }
0x233: {  	vm5 =	vgt.f32 v35, v11  }
0x234: {  	v36 =	vld [tilespmem:s8+$0x13A40];
	v11 =	vsel vm5, v35, v11  }
0x235: {  	vm2 =	vgt.f32 v13, v11  }
0x236: {  	v37 =	vld [tilespmem:s8+$0x13A50];
	v11 =	vsel vm2, v13, v11  }
0x237: {  	vm3 =	vgt.f32 v14, v11  }
0x238: {  	v38 =	vld [tilespmem:s8+$0x13A60];
	v11 =	vsel vm3, v14, v11  }
0x239: {  	s12 =	sadd.s32 $0x80, s8;
	vm4 =	vgt.f32 v36, v11  }
0x23a: {  	s15 =	sand.u32 $0x60, s8;
	s14 =	sand.u32 $0xFFFFFF80, s12;
	v39 =	vld [tilespmem:s8+$0x13A70];
	v11 =	vsel vm4, v36, v11  }
0x23b: {  	s13 =	sor.u32 s15, s14;
	vm7 =	vgt.f32 v37, v11  }
0x23c: {  	v40 =	vld [tilespmem:s13+$0x13A00];
	v11 =	vsel vm7, v37, v11  }
0x23d: {  	vm8 =	vgt.f32 v38, v11  }
0x23e: {  	v41 =	vld [tilespmem:s8+$0x13A90];
	v11 =	vsel vm8, v38, v11  }
0x23f: {  	vm9 =	vgt.f32 v39, v11  }
0x240: {  	v11 =	vsel vm9, v39, v11  }
0x241: {  	vm10 =	vgt.f32 v40, v11  }
0x242: {  	v11 =	vsel vm10, v40, v11  }
0x243: {  	v42 =	vor.u32 s8, v1;
	s14 =	sor.u32 $0x10, s8;
	vm11 =	vgt.f32 v41, v11  }
0x244: {  	s15 =	sadd.s32 $0x20, s8;
	v43 =	vor.u32 s14, v1;
	v12 =	vnsel vm6, $0x0, v42;
	v11 =	vsel vm11, v41, v11  }
0x245: {  	v44 =	vor.u32 s15, v1;
	s14 =	sadd.s32 $0x30, s8;
	v12 =	vsel vm5, v43, v12;
	(xrf0) =	vmax.scan.msk.f32 $0xffff, v11  }
0x246: {  	s15 =	sadd.s32 $0x40, s8;
	v45 =	vor.u32 s14, v1;
	v12 =	vsel vm2, v44, v12  }
0x247: {  	v46 =	vor.u32 s15, v1;
	s14 =	sadd.s32 $0x50, s8;
	v12 =	vsel vm3, v45, v12  }
0x248: {  	s15 =	sadd.s32 $0x60, s8;
	v47 =	vor.u32 s14, v1;
	v12 =	vsel vm4, v46, v12  }
0x249: {  	v48 =	vor.u32 s15, v1;
	s14 =	sadd.s32 $0x70, s8;
	v12 =	vsel vm7, v47, v12  }
0x24a: {  	v49 =	vor.u32 s14, v1;
	v12 =	vsel vm8, v48, v12  }
0x24b: {  	v50 =	vor.u32 s12, v1;
	s8 =	sadd.s32 $0x90, s8;
	v12 =	vsel vm9, v49, v12;
	v51, _, _ =	vpop (xrf0)  }
0x24c: {  	v52 =	vor.u32 s8, v1;
	v12 =	vsel vm10, v50, v12;
	v14 =	vbroadcast v51, $0xF  }
0x24d: {  	v12 =	vsel vm11, v52, v12  }
0x24e: {  	vm2 =	veq.f32 v11, v14;
	v11 =	vxor.u32 $0x80000000, v12  }
0x24f: {  	v11 =	vnsel vm2, $0xC0000000, v11  }
0x250: {  	(xrf0) =	vmin.scan.msk.u32 $0xffff, v11;
	_ =	sdelay $0x5  }
0x251: {  	v11, _, _ =	vpop (xrf0)  }
0x252: {  	(v2sf) =	vpush v11, $0xF;
	_ =	sdelay $0xa  }
0x253: {  	v11 =	vld [tilespmem:s7+$0x18880]  }
0x254: {  	v53 =	vld [tilespmem:s7+$0x18900];
	_ =	sdelay $0x2  }
0x255: {  	s15 =	spop (v2sf)  }
0x256: {  	v11 =	vsel vm1, v14, v11;
	s8 =	sxor.u32 $0x80000000, s15  }
0x257: {  	[tilespmem:s7+$0x18880] =	vst v11;
	v11 =	vsel vm1, s8, v53  }
0x258: {  	[tilespmem:s7+$0x18900] =	vst v11  }
0x259: {  	v11 =	vld [tilespmem:$0x18880];
	_ =	sdelay $0x1  }
0x25a: {  	v54 =	vld [tilespmem:$0x18890];
	_ =	sdelay $0x1  }
0x25b: {  	v55 =	vld [tilespmem:$0x188A0]  }
0x25c: {  	vm1 =	vgt.f32 v11, $-1.000000000e+09  }
0x25d: {  	v56 =	vld [tilespmem:$0x188B0];
	v11 =	vnsel vm1, $0xCE6E6B28, v11  }
0x25e: {  	vm2 =	vgt.f32 v54, v11  }
0x25f: {  	v57 =	vld [tilespmem:$0x188C0];
	v11 =	vsel vm2, v54, v11  }
0x260: {  	vm3 =	vgt.f32 v55, v11  }
0x261: {  	v58 =	vld [tilespmem:$0x188D0];
	v11 =	vsel vm3, v55, v11  }
0x262: {  	vm4 =	vgt.f32 v56, v11  }
0x263: {  	v59 =	vld [tilespmem:$0x188E0];
	v11 =	vsel vm4, v56, v11  }
0x264: {  	vm12 =	vgt.f32 v57, v11  }
0x265: {  	v60 =	vld [tilespmem:$0x188F0];
	v11 =	vsel vm12, v57, v11  }
0x266: {  	vm13 =	vgt.f32 v58, v11  }
0x267: {  	v11 =	vsel vm13, v58, v11  }
0x268: {  	vm14 =	vgt.f32 v59, v11  }
0x269: {  	v11 =	vsel vm14, v59, v11  }
0x26a: {  	vm15 =	vgt.f32 v60, v11  }
0x26b: {  	v11 =	vsel vm15, v60, v11  }
0x26c: {  	(xrf0) =	vmax.scan.msk.f32 $0xffff, v11;
	_ =	sdelay $0x1  }
0x26d: {  	v61 =	vnsel vm1, $0x80000000, v9  }
0x26e: {  	v12 =	vsel vm2, v2, v61  }
0x26f: {  	v12 =	vsel vm3, v3, v12  }
0x270: {  	v12 =	vsel vm4, v4, v12  }
0x271: {  	v12 =	vsel vm12, v5, v12;
	v62, _, _ =	vpop (xrf0)  }
0x272: {  	v12 =	vsel vm13, v6, v12;
	v63 =	vbroadcast v62, $0xF  }
0x273: {  	v12 =	vsel vm14, v8, v12  }
0x274: {  	vm1 =	veq.f32 v11, v63;
	v11 =	vsel vm15, v10, v12  }
0x275: {  	(v2sf) =	vpush v62, $0xF;
	v11 =	vnsel vm1, $0xC0000000, v11  }
0x276: {  	(xrf0) =	vmin.scan.msk.u32 $0xffff, v11;
	_ =	sdelay $0x5  }
0x277: {  	v11, _, _ =	vpop (xrf0)  }
0x278: {  	(v2sf) =	vpush v11, $0xF;
	_ =	sdelay $0x3  }
0x279: {  	p2 =	por !p2, !p2;
	s7 =	simm.s32 $0x1  }
0x27a: {  	s7 =	simm.s32 @!p2 $0x0  }
0x27b: {  	s6 =	sadd.s32 s7, s6  }
0x27c: {  	p2 =	sgt.u32 s6, $0x63;
	s8 =	spop (v2sf)  }
0x27d: {  	p3 =	sgt.f32 @!p2 s8, $0.0e+00;
	_ =	sdelay $0x1  }
0x27e: {  	p2 =	por p2, !p3  }
.Ltmp5:
0x27f: {  	_ = 	snop;
	(pc) =	sbr.rel @!p2 .LBB2_6-.Ltmp5, $2  }
0x280: {  	_ =	sdelay $0x2  }
0x281: {  	s7 =	spop (v2sf)  }
.LBB2_7:
0x282: {  	s6 =	simm.s32 $0x18980  }
0x283: {  	[spmem:s3] =	stream.linear.scatter [tilespmem:s6], [sflag:$0x1], $0x70, $0x38;
	[tilespmem:$0x1C5C8] =	vst v63  }
0x284: {  	_ =	swait.ge [sflag:s10], $0x70  }
0x285: {  	[sflag:s10] =	ssyncset.done $0x0  }
0x286: {  	s12 =	simm.s32 $0x18A00;
	[sflag:s10] =	ssyncadd.s32 $0xFFFFFF90  }
0x287: {  	[spmem:s4] =	stream.linear.scatter [tilespmem:s12], [sflag:$0x1], $0x70, $0x38;
	[tilespmem:$0x1C5C8] =	vst v63  }
0x288: {  	_ =	swait.ge [sflag:s10], $0x70  }
0x289: {  	[sflag:s10] =	ssyncset.done $0x0  }
0x28a: {  	s13 =	simm.s32 $0x18A80;
	[sflag:s10] =	ssyncadd.s32 $0xFFFFFF90  }
0x28b: {  	[spmem:s11] =	stream.linear.scatter [tilespmem:s13], [sflag:$0x1], $0x70, $0x38;
	[tilespmem:$0x1C5C8] =	vst v63  }
0x28c: {  	_ =	swait.ge [sflag:s10], $0x70  }
0x28d: {  	[sflag:s10] =	ssyncset.done $0x0  }
0x28e: {  	s14 =	simm.s32 $0x18B00;
	[sflag:s10] =	ssyncadd.s32 $0xFFFFFF90  }
0x28f: {  	[spmem:s21] =	stream.linear.scatter [tilespmem:s14], [sflag:$0x1], $0x70, $0x38;
	[tilespmem:$0x1C5C8] =	vst v63  }
0x290: {  	_ =	swait.ge [sflag:s10], $0x70  }
0x291: {  	[sflag:s10] =	ssyncset.done $0x0  }
.Ltmp6:
0x292: {  	s15 =	simm.s32 $0x18B80;
	[sflag:s10] =	ssyncadd.s32 $0xFFFFFF90;
	(pc) =	sbr.rel @p0 .LBB2_12-.Ltmp6, $4  }
0x293: {  	[spmem:s17] =	stream.linear.scatter [tilespmem:s15], [sflag:$0x1], $0x70, $0x38;
	[tilespmem:$0x1C5C8] =	vst v63  }
0x294: {  	_ =	swait.ge [sflag:s10], $0x70  }
0x295: {  	[sflag:s10] =	ssyncset.done $0x0  }
0x296: {  	[sflag:s10] =	ssyncadd.s32 $0xFFFFFF90  }
0x297: {  	s8 =	sld [smem:$0x7F9];
	_ =	sdelay $0x1  }
0x298: {  	s6 =	simm.s32 $0x400;
	s7 =	simm.s32 $0x13A00  }
0x299: {  	[tilespmem:s7], [sflag:$0x1] =	stream.strided.gather [hbm4b:s8+s26], $0x4E80, s6, s26, $0x38;
	[tilespmem:$0x1C5C8] =	vst v63  }
0x29a: {  	_ =	swait.ge [sflag:s10], $0x4E80  }
0x29b: {  	s13 =	sld [smem:$0x7FA]  }
0x29c: {  	[sflag:s10] =	ssyncset.done $0x0  }
0x29d: {  	s12 =	simm.s32 $0x18880;
	[sflag:s10] =	ssyncadd.s32 $0xFFFFB180  }
0x29e: {  	[tilespmem:s12], [sflag:$0x1] =	stream.linear.gather [hbm4b:s13+s1], $0x80, $0x38;
	[tilespmem:$0x1C5C8] =	vst v63  }
0x29f: {  	_ =	swait.ge [sflag:s10], $0x80  }
0x2a0: {  	s15 =	sld [smem:$0x7FB]  }
0x2a1: {  	[sflag:s10] =	ssyncset.done $0x0  }
0x2a2: {  	s14 =	simm.s32 $0x18900;
	[sflag:s10] =	ssyncadd.s32 $0xFFFFFF80  }
0x2a3: {  	[tilespmem:s14], [sflag:$0x1] =	stream.linear.gather [hbm4b:s15+s1], $0x80, $0x38;
	[tilespmem:$0x1C5C8] =	vst v63  }
0x2a4: {  	_ =	swait.ge [sflag:s10], $0x80  }
0x2a5: {  	[sflag:s10] =	ssyncset.done $0x0  }
0x2a6: {  	[sflag:s10] =	ssyncadd.s32 $0xFFFFFF80  }
0x2a7: {  	v11 =	vld [tilespmem:$0x18880];
	_ =	sdelay $0x1  }
0x2a8: {  	v12 =	vld [tilespmem:$0x18890];
	_ =	sdelay $0x1  }
0x2a9: {  	v13 =	vld [tilespmem:$0x188A0]  }
0x2aa: {  	vm1 =	vgt.f32 v11, $-1.000000000e+09  }
0x2ab: {  	v14 =	vld [tilespmem:$0x188B0];
	v11 =	vnsel vm1, $0xCE6E6B28, v11  }
0x2ac: {  	vm2 =	vgt.f32 v12, v11  }
0x2ad: {  	v11 =	vsel vm2, v12, v11;
	v12 =	vld [tilespmem:$0x188C0]  }
0x2ae: {  	vm3 =	vgt.f32 v13, v11  }
0x2af: {  	v11 =	vsel vm3, v13, v11;
	v13 =	vld [tilespmem:$0x188D0]  }
0x2b0: {  	vm4 =	vgt.f32 v14, v11  }
0x2b1: {  	v11 =	vsel vm4, v14, v11;
	v14 =	vld [tilespmem:$0x188E0]  }
0x2b2: {  	vm5 =	vgt.f32 v12, v11  }
0x2b3: {  	v11 =	vsel vm5, v12, v11;
	v12 =	vld [tilespmem:$0x188F0]  }
0x2b4: {  	[tilespmem:$0x18980] =	vst v7;
	vm6 =	vgt.f32 v13, v11  }
0x2b5: {  	[tilespmem:$0x18A00] =	vst v7;
	v11 =	vsel vm6, v13, v11  }
0x2b6: {  	[tilespmem:$0x18A80] =	vst v7;
	vm7 =	vgt.f32 v14, v11  }
0x2b7: {  	[tilespmem:$0x18B00] =	vst v7;
	v11 =	vsel vm7, v14, v11  }
0x2b8: {  	[tilespmem:$0x18B80] =	vst v0;
	vm8 =	vgt.f32 v12, v11  }
0x2b9: {  	[tilespmem:$0x18990] =	vst v7;
	v11 =	vsel vm8, v12, v11  }
0x2ba: {  	[tilespmem:$0x18A10] =	vst v7;
	(xrf0) =	vmax.scan.msk.f32 $0xffff, v11  }
0x2bb: {  	[tilespmem:$0x18A90] =	vst v7  }
0x2bc: {  	[tilespmem:$0x18B10] =	vst v7  }
0x2bd: {  	[tilespmem:$0x18B90] =	vst v0  }
0x2be: {  	[tilespmem:$0x189A0] =	vst v7  }
0x2bf: {  	[tilespmem:$0x18A20] =	vst v7  }
0x2c0: {  	[tilespmem:$0x18AA0] =	vst v7;
	v12, _, _ =	vpop (xrf0)  }
0x2c1: {  	[tilespmem:$0x18B20] =	vst v7;
	(v2sf) =	vpush v12, $0xF  }
0x2c2: {  	[tilespmem:$0x18BA0] =	vst v0  }
0x2c3: {  	[tilespmem:$0x189B0] =	vst v7  }
0x2c4: {  	[tilespmem:$0x18A30] =	vst v7  }
0x2c5: {  	[tilespmem:$0x18AB0] =	vst v7  }
0x2c6: {  	[tilespmem:$0x18B30] =	vst v7  }
0x2c7: {  	[tilespmem:$0x18BB0] =	vst v0  }
0x2c8: {  	[tilespmem:$0x189C0] =	vst v7  }
0x2c9: {  	[tilespmem:$0x18A40] =	vst v7  }
0x2ca: {  	[tilespmem:$0x18AC0] =	vst v7  }
0x2cb: {  	[tilespmem:$0x18B40] =	vst v7  }
0x2cc: {  	[tilespmem:$0x18BC0] =	vst v0  }
0x2cd: {  	[tilespmem:$0x189D0] =	vst v7  }
0x2ce: {  	[tilespmem:$0x18A50] =	vst v7  }
0x2cf: {  	[tilespmem:$0x18AD0] =	vst v7  }
0x2d0: {  	[tilespmem:$0x18B50] =	vst v7;
	s8 =	spop (v2sf)  }
0x2d1: {  	[tilespmem:$0x18BD0] =	vst v0;
	p2 =	sgt.f32 s8, $0.0e+00  }
.Ltmp7:
0x2d2: {  	[tilespmem:$0x189E0] =	vst v7;
	(pc) =	sbr.rel @!p2 .LBB2_11-.Ltmp7, $4  }
0x2d3: {  	[tilespmem:$0x18A60] =	vst v7  }
0x2d4: {  	[tilespmem:$0x18AE0] =	vst v7  }
0x2d5: {  	[tilespmem:$0x18B60] =	vst v7  }
0x2d6: {  	[tilespmem:$0x18BE0] =	vst v0  }
0x2d7: {  	v13 =	vnsel vm1, $0x80000000, v9  }
0x2d8: {  	v13 =	vsel vm2, v2, v13  }
0x2d9: {  	v13 =	vsel vm3, v3, v13  }
0x2da: {  	v13 =	vsel vm4, v4, v13  }
0x2db: {  	v13 =	vsel vm5, v5, v13  }
0x2dc: {  	v12 =	vbroadcast v12, $0xF;
	v13 =	vsel vm6, v6, v13  }
0x2dd: {  	v13 =	vsel vm7, v8, v13  }
0x2de: {  	vm1 =	veq.f32 v11, v12;
	v11 =	vsel vm8, v10, v13  }
0x2df: {  	v11 =	vnsel vm1, $0xC0000000, v11  }
0x2e0: {  	(xrf0) =	vmin.scan.msk.u32 $0xffff, v11;
	_ =	sdelay $0x5  }
0x2e1: {  	v11, _, _ =	vpop (xrf0)  }
0x2e2: {  	(v2sf) =	vpush v11, $0xF;
	_ =	sdelay $0xe  }
0x2e3: {  	s6 =	simm.s32 $0x0;
	s7 =	spop (v2sf)  }
.LBB2_10:
0x2e4: {  	s12 =	sxor.u32 $0x80000000, s7;
	s15 =	sand.u32 $0xF, s7  }
0x2e5: {  	s13 =	sshra.s32 s12, $0x1F;
	p2 =	slt.s32 s12, $0x1;
	p3 =	sne.s32 s15, $0x0  }
0x2e6: {  	s13 =	sshrl.u32 s13, $0x1C;
	p2 =	por !p2, !p3  }
0x2e7: {  	s7 =	sadd.s32 s13, s12;
	p2 =	por !p2, !p2;
	s13 =	simm.s32 $0x1  }
0x2e8: {  	s7 =	sshrl.u32 s7, $0x4;
	s13 =	simm.s32 @!p2 $0x0  }
0x2e9: {  	s7 =	ssub.s32 s7, s13  }
0x2ea: {  	s7 =	sshll.u32 s7, $0x4  }
0x2eb: {  	v11 =	vld [tilespmem:s7+$0x18900];
	_ =	sdelay $0x1  }
0x2ec: {  	s14 =	ssub.s32 s12, s7  }
0x2ed: {  	v12 =	vmov s14  }
0x2ee: {  	vm1 =	veq.s32 v12, v1  }
0x2ef: {  	v11 =	vnsel vm1, $0x0, v11  }
0x2f0: {  	(xrf0) =	vadd.scan.msk.s32 $0xffff, v11;
	_ =	sdelay $0x5  }
0x2f1: {  	v11, _, _ =	vpop (xrf0)  }
0x2f2: {  	(v2sf) =	vpush v11, $0xF;
	_ =	sdelay $0xe  }
0x2f3: {  	s14 =	spop (v2sf)  }
0x2f4: {  	v18 =	vld [tilespmem:$0x18980];
	s13 =	sand.u32 $0xF, s14  }
0x2f5: {  	v19 =	vld [tilespmem:$0x18A00];
	s15 =	sshra.s32 s14, $0x1F;
	p5 =	slt.s32 s14, $0x1;
	p6 =	sne.s32 s13, $0x0  }
0x2f6: {  	v21 =	vld [tilespmem:$0x18A80];
	s15 =	sshrl.u32 s15, $0x1C;
	p2 =	por !p5, !p6  }
0x2f7: {  	v22 =	vld [tilespmem:$0x18B00];
	s13 =	sadd.s32 s15, s14;
	s15 =	simm.s32 $0x1;
	p2 =	por !p2, !p2  }
0x2f8: {  	v52 =	vld [tilespmem:$0x18990];
	s13 =	sshrl.u32 s13, $0x4;
	s15 =	simm.s32 @!p2 $0x0  }
0x2f9: {  	v54 =	vld [tilespmem:$0x18A10];
	s13 =	ssub.s32 s13, s15  }
0x2fa: {  	v56 =	vld [tilespmem:$0x18A90];
	s13 =	sshll.u32 s13, $0x4  }
0x2fb: {  	v50 =	vld [tilespmem:s13+$0x0]  }
0x2fc: {  	v13 =	vld [tilespmem:s13+$0x4E80];
	s14 =	ssub.s32 s14, s13  }
0x2fd: {  	v16 =	vld [tilespmem:s13+$0x9D00];
	v11 =	vmov s14  }
0x2fe: {  	v17 =	vld [tilespmem:s13+$0xEB80];
	v14 =	vshrl.u32 v11, $0x1B  }
0x2ff: {  	v59 =	vld [tilespmem:$0x18B10];
	v14 =	vand.u32 $0x10, v14  }
0x300: {  	v60 =	vld [tilespmem:$0x189A0];
	v20 =	vadd.s32 s14, v14  }
0x301: {  	v61 =	vld [tilespmem:$0x18A20];
	v15 =	vperm.xlane v50, v20  }
0x302: {  	v62 =	vld [tilespmem:$0x18AA0];
	v14 =	vperm.xlane v13, v20;
	v13 =	vperm.xlane v16, v20  }
0x303: {  	v28 =	vld [tilespmem:$0x18B20];
	v12 =	vperm.xlane v17, v20  }
0x304: {  	v63 =	vld [tilespmem:$0x189B0];
	v16 =	vsub.f32 v13, v15  }
0x305: {  	v42 =	vld [tilespmem:$0x18AB0];
	v17 =	vsub.f32 v12, v14;
	v51 =	vmax.f32 v15, v18;
	v23 =	vmax.f32 v14, v19  }
0x306: {  	v32 =	vld [tilespmem:$0x18B30];
	v24 =	vmin.f32 v13, v21;
	v25 =	vmin.f32 v12, v22;
	v18 =	vsub.f32 v21, v18  }
0x307: {  	v45 =	vld [tilespmem:$0x189C0];
	v19 =	vsub.f32 v22, v19;
	v26 =	vmax.f32 v15, v52;
	v27 =	vmin.f32 v13, v56  }
0x308: {  	v33 =	vld [tilespmem:$0x18A40];
	v29 =	vmax.f32 v14, v54;
	v30 =	vmin.f32 v12, v59;
	v43 =	vmax.f32 v15, v60  }
0x309: {  	v49 =	vld [tilespmem:$0x18AC0];
	v44 =	vmin.f32 v13, v62;
	v22 =	vsub.f32 v59, v54;
	v46 =	vmax.f32 v14, v61  }
0x30a: {  	v36 =	vld [tilespmem:$0x189D0];
	v47 =	vmin.f32 v12, v28;
	v50 =	vmax.f32 v15, v63;
	v20 =	vsub.f32 v24, v51  }
0x30b: {  	v31 =	vld [tilespmem:$0x18A30];
	v34 =	vmin.f32 v13, v42;
	v53 =	vsub.f32 v25, v23;
	v26 =	vsub.f32 v27, v26  }
0x30c: {  	v35 =	vmin.f32 v12, v32;
	v41 =	vsub.f32 v30, v29;
	v21 =	vsub.f32 v44, v43  }
0x30d: {  	v59 =	vmax.f32 v15, v45;
	v48 =	vsub.f32 v47, v46;
	v24 =	vsub.f32 v28, v61  }
0x30e: {  	v37 =	vmax.f32 v14, v33;
	v25 =	vsub.f32 v34, v50;
	v27 =	vsub.f32 v42, v63  }
0x30f: {  	v23 =	vsub.f32 v49, v45;
	v43 =	vmax.f32 v15, v36;
	v16 =	vmul.f32 v17, v16  }
0x310: {  	v55 =	vmul.f32 v19, v18;
	v18 =	vsub.f32 v56, v52;
	v52 =	vmax.f32 v14, v31  }
0x311: {  	v54 =	vld [tilespmem:$0x18AD0];
	v57 =	vmax.f32 v20, $0.0e+00;
	v58 =	vmax.f32 v53, $0.0e+00;
	v40 =	vmax.f32 v26, $0.0e+00  }
0x312: {  	v51 =	vld [tilespmem:$0x18B40];
	v26 =	vmax.f32 v41, $0.0e+00;
	v21 =	vmax.f32 v21, $0.0e+00;
	v20 =	vsub.f32 v62, v60  }
0x313: {  	v61 =	vld [tilespmem:$0x189E0];
	v30 =	vsub.f32 v35, v52;
	v60 =	vmin.f32 v13, v49;
	v19 =	vmul.f32 v58, v57  }
0x314: {  	v42 =	vld [tilespmem:$0x18AE0];
	v17 =	vadd.f32 v55, v16;
	v18 =	vmul.f32 v22, v18;
	v22 =	vmax.f32 v48, $0.0e+00  }
0x315: {  	v45 =	vld [tilespmem:$0x18B60];
	v55 =	vmax.f32 v25, $0.0e+00;
	v58 =	vsub.f32 v32, v31;
	v31 =	vsub.f32 v60, v59  }
0x316: {  	v21 =	vmul.f32 v22, v21;
	v20 =	vmul.f32 v24, v20;
	v56 =	vmax.f32 v30, $0.0e+00  }
0x317: {  	v53 =	vld [tilespmem:$0x18A50];
	v44 =	vmin.f32 v13, v54;
	v22 =	vsub.f32 v54, v36;
	v17 =	vsub.f32 v17, v19  }
0x318: {  	v62 =	vld [tilespmem:$0x18A60];
	v38 =	vmin.f32 v12, v51;
	v24 =	vmul.f32 v56, v55;
	v28 =	vsub.f32 v51, v33  }
0x319: {  	v57 =	vld [tilespmem:$0x18B50];
	v33 =	vsub.f32 v44, v43;
	v27 =	vmul.f32 v58, v27;
	v18 =	vadd.f32 v18, v16  }
0x31a: {  	v49 =	vmax.f32 v15, v61;
	v35 =	vsub.f32 v42, v61;
	v51 =	vmin.f32 v12, v45  }
0x31b: {  	v31 =	vmax.f32 v31, $0.0e+00;
	v63 =	vsub.f32 v38, v37;
	v20 =	vadd.f32 v20, v16  }
0x31c: {  	v17 =	vadd.f32 $9.999999930e-09, v17;
	v39 =	vmax.f32 v14, v53;
	v23 =	vmul.f32 v28, v23  }
0x31d: {  	v50 =	vmax.f32 v14, v62;
	v32 =	vsub.f32 v45, v62;
	v27 =	vadd.f32 v27, v16  }
0x31e: {  	v54 =	vmax.f32 v33, $0.0e+00;
	v46 =	vmin.f32 v12, v57;
	v48 =	vsub.f32 v57, v53  }
0x31f: {  	v52 =	vsub.f32 v51, v50;
	v25 =	vmax.f32 v63, $0.0e+00;
	v20 =	vsub.f32 v20, v21  }
0x320: {  	(erf) = vrcp.f32 v17;
	v17 =	vmul.f32 v26, v40;
	v47 =	vsub.f32 v46, v39  }
0x321: {  	v26 =	vmin.f32 v13, v42;
	v53 =	vmul.f32 v32, v35;
	v25 =	vmul.f32 v25, v31  }
0x322: {  	v23 =	vadd.f32 v23, v16;
	v27 =	vsub.f32 v27, v24;
	v22 =	vmul.f32 v48, v22  }
0x323: {  	v26 =	vsub.f32 v26, v49;
	v28 =	vmax.f32 v52, $0.0e+00;
	v18 =	vsub.f32 v18, v17  }
0x324: {  	v20 =	vadd.f32 $9.999999930e-09, v20;
	v30 =	vmax.f32 v47, $0.0e+00;
	v22 =	vadd.f32 v22, v16  }
0x325: {  	v29 =	vmul.f32 v30, v54;
	v26 =	vmax.f32 v26, $0.0e+00;
	v18 =	vadd.f32 $9.999999930e-09, v18  }
0x326: {  	v23 =	vsub.f32 v23, v25;
	v16 =	vadd.f32 v53, v16;
	v26 =	vmul.f32 v28, v26  }
0x327: {  	v55 =	vadd.f32 $9.999999930e-09, v27;
	v22 =	vsub.f32 v22, v29;
	(erf) = vrcp.f32 v18  }
0x328: {  	v56 =	vadd.f32 $9.999999930e-09, v23;
	v16 =	vsub.f32 v16, v26;
	(erf) = vrcp.f32 v20  }
0x329: {  	v57 =	vadd.f32 $9.999999930e-09, v22;
	(erf) = vrcp.f32 v55  }
0x32a: {  	v16 =	vadd.f32 $9.999999930e-09, v16;
	(erf) = vrcp.f32 v56  }
0x32b: {  	(erf) = vrcp.f32 v57  }
0x32c: {  	(erf) = vrcp.f32 v16;
	_ =	sdelay $0x2  }
0x32d: {  	v58 =	vpop (erf)  }
0x32e: {  	v59 =	vpop (erf)  }
0x32f: {  	v16 =	vmul.f32 v58, v19;
	v60 =	vpop (erf);
	v17 =	vmul.f32 v59, v17  }
0x330: {  	v61 =	vpop (erf);
	v62 =	vmul.f32 v60, v21  }
0x331: {  	vm2 =	vgt.f32 v16, $5.000000000e-01;
	v63 =	vpop (erf);
	vm3 =	vgt.f32 v17, $5.000000000e-01;
	v21 =	vmul.f32 v61, v24  }
0x332: {  	v22 =	vpop (erf);
	vm2 =	vmor vm2, vm3;
	vm3 =	vgt.f32 v62, $5.000000000e-01;
	v23 =	vmul.f32 v63, v25  }
0x333: {  	vm2 =	vmor vm2, vm3;
	vm3 =	vgt.f32 v21, $5.000000000e-01;
	v24 =	vmul.f32 v22, v29;
	v25 =	vpop (erf)  }
0x334: {  	vm2 =	vmor vm2, vm3;
	vm3 =	vgt.f32 v23, $5.000000000e-01;
	v17 =	vmul.f32 v25, v26  }
0x335: {  	vm2 =	vmor vm2, vm3;
	vm3 =	vgt.f32 v24, $5.000000000e-01  }
0x336: {  	vm2 =	vmor vm2, vm3;
	vm3 =	vgt.f32 v17, $5.000000000e-01  }
0x337: {  	vm2 =	vmor vm2, vm3  }
0x338: {  	v27 =	vsel vm2, $0x3F800000, v7  }
0x339: {  	(xrf0) =	vmax.scan.msk.f32 $0xffff, v27;
	_ =	sdelay $0x5  }
0x33a: {  	v16, _, _ =	vpop (xrf0)  }
0x33b: {  	(v2sf) =	vpush v16, $0xF;
	_ =	sdelay $0xc  }
0x33c: {  	s14 =	sand.u32 $0x70, s6  }
0x33d: {  	v28 =	vld [tilespmem:s14+$0x18980]  }
0x33e: {  	v29 =	vld [tilespmem:s14+$0x18A00];
	s15 =	spop (v2sf)  }
0x33f: {  	v30 =	vld [tilespmem:s14+$0x18A80];
	p2 =	sgt.f32 s15, $0.0e+00;
	s15 =	sand.u32 $0xF, s6  }
0x340: {  	v32 =	vld [tilespmem:s14+$0x18B00];
	v31 =	vmov s15  }
0x341: {  	v33 =	vld [tilespmem:s14+$0x18B80];
	v15 =	vpsel p2, $0x0, v15;
	vm2 =	veq.s32 v31, v1  }
0x342: {  	v14 =	vpsel p2, $0x0, v14;
	v15 =	vsel vm2, v15, v28  }
0x343: {  	v13 =	vpsel p2, $0x0, v13;
	v14 =	vsel vm2, v14, v29;
	[tilespmem:s14+$0x18980] =	vst v15  }
0x344: {  	v12 =	vpsel p2, $0x0, v12;
	v13 =	vsel vm2, v13, v30;
	[tilespmem:s14+$0x18A00] =	vst v14  }
0x345: {  	s8 =	simm.s32 @p2 $0xCE6E6B28;
	v12 =	vsel vm2, v12, v32;
	[tilespmem:s14+$0x18A80] =	vst v13  }
0x346: {  	v34 =	vsel vm2, s8, v33;
	[tilespmem:s14+$0x18B00] =	vst v12  }
0x347: {  	[tilespmem:s14+$0x18B80] =	vst v34  }
0x348: {  	v12 =	vld [tilespmem:s13+$0x13A00];
	_ =	sdelay $0x3  }
0x349: {  	vm2 =	veq.s32 v11, v1  }
0x34a: {  	s8 =	smul.u32 $0xA0, s12;
	v11 =	vsel vm2, $0xCE6E6B28, v12  }
0x34b: {  	[tilespmem:s13+$0x13A00] =	vst v11  }
0x34c: {  	v11 =	vld [tilespmem:s8+$0x13A00];
	_ =	sdelay $0x1  }
0x34d: {  	v35 =	vld [tilespmem:s8+$0x13A10];
	_ =	sdelay $0x1  }
0x34e: {  	v13 =	vld [tilespmem:s8+$0x13A20]  }
0x34f: {  	vm6 =	vgt.f32 v11, $-1.000000000e+09  }
0x350: {  	v14 =	vld [tilespmem:s8+$0x13A30];
	v11 =	vnsel vm6, $0xCE6E6B28, v11  }
0x351: {  	vm5 =	vgt.f32 v35, v11  }
0x352: {  	v36 =	vld [tilespmem:s8+$0x13A40];
	v11 =	vsel vm5, v35, v11  }
0x353: {  	vm2 =	vgt.f32 v13, v11  }
0x354: {  	v37 =	vld [tilespmem:s8+$0x13A50];
	v11 =	vsel vm2, v13, v11  }
0x355: {  	vm3 =	vgt.f32 v14, v11  }
0x356: {  	v38 =	vld [tilespmem:s8+$0x13A60];
	v11 =	vsel vm3, v14, v11  }
0x357: {  	s12 =	sadd.s32 $0x80, s8;
	vm4 =	vgt.f32 v36, v11  }
0x358: {  	s15 =	sand.u32 $0x60, s8;
	s14 =	sand.u32 $0xFFFFFF80, s12;
	v39 =	vld [tilespmem:s8+$0x13A70];
	v11 =	vsel vm4, v36, v11  }
0x359: {  	s13 =	sor.u32 s15, s14;
	vm7 =	vgt.f32 v37, v11  }
0x35a: {  	v40 =	vld [tilespmem:s13+$0x13A00];
	v11 =	vsel vm7, v37, v11  }
0x35b: {  	vm8 =	vgt.f32 v38, v11  }
0x35c: {  	v41 =	vld [tilespmem:s8+$0x13A90];
	v11 =	vsel vm8, v38, v11  }
0x35d: {  	vm9 =	vgt.f32 v39, v11  }
0x35e: {  	v11 =	vsel vm9, v39, v11  }
0x35f: {  	vm10 =	vgt.f32 v40, v11  }
0x360: {  	v11 =	vsel vm10, v40, v11  }
0x361: {  	v42 =	vor.u32 s8, v1;
	s14 =	sor.u32 $0x10, s8;
	vm11 =	vgt.f32 v41, v11  }
0x362: {  	s15 =	sadd.s32 $0x20, s8;
	v43 =	vor.u32 s14, v1;
	v12 =	vnsel vm6, $0x0, v42;
	v11 =	vsel vm11, v41, v11  }
0x363: {  	v44 =	vor.u32 s15, v1;
	s14 =	sadd.s32 $0x30, s8;
	v12 =	vsel vm5, v43, v12;
	(xrf0) =	vmax.scan.msk.f32 $0xffff, v11  }
0x364: {  	s15 =	sadd.s32 $0x40, s8;
	v45 =	vor.u32 s14, v1;
	v12 =	vsel vm2, v44, v12  }
0x365: {  	v46 =	vor.u32 s15, v1;
	s14 =	sadd.s32 $0x50, s8;
	v12 =	vsel vm3, v45, v12  }
0x366: {  	s15 =	sadd.s32 $0x60, s8;
	v47 =	vor.u32 s14, v1;
	v12 =	vsel vm4, v46, v12  }
0x367: {  	v48 =	vor.u32 s15, v1;
	s14 =	sadd.s32 $0x70, s8;
	v12 =	vsel vm7, v47, v12  }
0x368: {  	v49 =	vor.u32 s14, v1;
	v12 =	vsel vm8, v48, v12  }
0x369: {  	v50 =	vor.u32 s12, v1;
	s8 =	sadd.s32 $0x90, s8;
	v12 =	vsel vm9, v49, v12;
	v51, _, _ =	vpop (xrf0)  }
0x36a: {  	v52 =	vor.u32 s8, v1;
	v12 =	vsel vm10, v50, v12;
	v14 =	vbroadcast v51, $0xF  }
0x36b: {  	v12 =	vsel vm11, v52, v12  }
0x36c: {  	vm2 =	veq.f32 v11, v14;
	v11 =	vxor.u32 $0x80000000, v12  }
0x36d: {  	v11 =	vnsel vm2, $0xC0000000, v11  }
0x36e: {  	(xrf0) =	vmin.scan.msk.u32 $0xffff, v11;
	_ =	sdelay $0x5  }
0x36f: {  	v11, _, _ =	vpop (xrf0)  }
0x370: {  	(v2sf) =	vpush v11, $0xF;
	_ =	sdelay $0xa  }
0x371: {  	v11 =	vld [tilespmem:s7+$0x18880]  }
0x372: {  	v53 =	vld [tilespmem:s7+$0x18900];
	_ =	sdelay $0x2  }
0x373: {  	s15 =	spop (v2sf)  }
0x374: {  	v11 =	vsel vm1, v14, v11;
	s8 =	sxor.u32 $0x80000000, s15  }
0x375: {  	[tilespmem:s7+$0x18880] =	vst v11;
	v11 =	vsel vm1, s8, v53  }
0x376: {  	[tilespmem:s7+$0x18900] =	vst v11  }
0x377: {  	v11 =	vld [tilespmem:$0x18880];
	_ =	sdelay $0x1  }
0x378: {  	v54 =	vld [tilespmem:$0x18890];
	_ =	sdelay $0x1  }
0x379: {  	v55 =	vld [tilespmem:$0x188A0]  }
0x37a: {  	vm1 =	vgt.f32 v11, $-1.000000000e+09  }
0x37b: {  	v56 =	vld [tilespmem:$0x188B0];
	v11 =	vnsel vm1, $0xCE6E6B28, v11  }
0x37c: {  	vm2 =	vgt.f32 v54, v11  }
0x37d: {  	v57 =	vld [tilespmem:$0x188C0];
	v11 =	vsel vm2, v54, v11  }
0x37e: {  	vm3 =	vgt.f32 v55, v11  }
0x37f: {  	v58 =	vld [tilespmem:$0x188D0];
	v11 =	vsel vm3, v55, v11  }
0x380: {  	vm4 =	vgt.f32 v56, v11  }
0x381: {  	v59 =	vld [tilespmem:$0x188E0];
	v11 =	vsel vm4, v56, v11  }
0x382: {  	vm12 =	vgt.f32 v57, v11  }
0x383: {  	v60 =	vld [tilespmem:$0x188F0];
	v11 =	vsel vm12, v57, v11  }
0x384: {  	vm13 =	vgt.f32 v58, v11  }
0x385: {  	v11 =	vsel vm13, v58, v11  }
0x386: {  	vm14 =	vgt.f32 v59, v11  }
0x387: {  	v11 =	vsel vm14, v59, v11  }
0x388: {  	vm15 =	vgt.f32 v60, v11  }
0x389: {  	v11 =	vsel vm15, v60, v11  }
0x38a: {  	(xrf0) =	vmax.scan.msk.f32 $0xffff, v11;
	_ =	sdelay $0x1  }
0x38b: {  	v61 =	vnsel vm1, $0x80000000, v9  }
0x38c: {  	v12 =	vsel vm2, v2, v61  }
0x38d: {  	v12 =	vsel vm3, v3, v12  }
0x38e: {  	v12 =	vsel vm4, v4, v12  }
0x38f: {  	v12 =	vsel vm12, v5, v12;
	v62, _, _ =	vpop (xrf0)  }
0x390: {  	v12 =	vsel vm13, v6, v12;
	v63 =	vbroadcast v62, $0xF  }
0x391: {  	v12 =	vsel vm14, v8, v12  }
0x392: {  	vm1 =	veq.f32 v11, v63;
	v11 =	vsel vm15, v10, v12  }
0x393: {  	(v2sf) =	vpush v62, $0xF;
	v11 =	vnsel vm1, $0xC0000000, v11  }
0x394: {  	(xrf0) =	vmin.scan.msk.u32 $0xffff, v11;
	_ =	sdelay $0x5  }
0x395: {  	v11, _, _ =	vpop (xrf0)  }
0x396: {  	(v2sf) =	vpush v11, $0xF;
	_ =	sdelay $0x3  }
0x397: {  	p2 =	por !p2, !p2;
	s7 =	simm.s32 $0x1  }
0x398: {  	s7 =	simm.s32 @!p2 $0x0  }
0x399: {  	s6 =	sadd.s32 s7, s6  }
0x39a: {  	p2 =	sgt.u32 s6, $0x63;
	s8 =	spop (v2sf)  }
0x39b: {  	p3 =	sgt.f32 @!p2 s8, $0.0e+00;
	_ =	sdelay $0x1  }
0x39c: {  	p2 =	por p2, !p3  }
.Ltmp8:
0x39d: {  	_ = 	snop;
	(pc) =	sbr.rel @!p2 .LBB2_10-.Ltmp8, $2  }
0x39e: {  	_ =	sdelay $0x2  }
0x39f: {  	s7 =	spop (v2sf)  }
.Ltmp9:
0x3a0: {  	_ = 	snop;
	(pc) =	sbr.rel .LBB2_11-.Ltmp9, $1  }
0x3a1: {  	_ =	sdelay $0x3  }
.LBB2_12:
.Ltmp10:
0x3a2: {  	(pc) =	sbr.rel @p1 .LBB2_22-.Ltmp10, $2  }
0x3a3: {  	_ =	sdelay $0x1  }
0x3a4: {  	[bflag:$0x0] =	sbarrier.arrive $0xFFFF;
	_ =	sdelay $0x1  }
0x3a5: {  	s4 =	smov.u32 s2;
	s2 =	smov.u32 s24  }
0x3a6: {  	s11 =	smov.u32 s28;
	s6 =	rddreg [dreg:$0x14];
	s7 =	simm.s32 $0x191C8  }
0x3a7: {  	[tilespmem:s7], [sflag:$0x1] =	stream.linear.gather [spmem:s6], $0x940, $0x38;
	[tilespmem:$0x1C5C8] =	vst v63  }
0x3a8: {  	s28 =	smov.u32 s0;
	s0 =	smov.u32 s31;
	_ =	swait.ge [sflag:s10], $0x940  }
0x3a9: {  	s31 =	smov.u32 s30;
	s30 =	smov.u32 s29;
	[sflag:s10] =	ssyncset.done $0x0  }
0x3aa: {  	s29 =	simm.s32 $0x19B48;
	s24 =	rddreg [dreg:$0x15];
	[sflag:s10] =	ssyncadd.s32 $0xFFFFF6C0  }
0x3ab: {  	[tilespmem:s29], [sflag:$0x1] =	stream.linear.gather [spmem:s24], $0x940, $0x38;
	[tilespmem:$0x1C5C8] =	vst v63  }
0x3ac: {  	_ =	swait.ge [sflag:s10], $0x940  }
0x3ad: {  	[sflag:s10] =	ssyncset.done $0x0  }
0x3ae: {  	s8 =	simm.s32 $0x1A4C8;
	s7 =	rddreg [dreg:$0x16];
	[sflag:s10] =	ssyncadd.s32 $0xFFFFF6C0  }
0x3af: {  	[tilespmem:s8], [sflag:$0x1] =	stream.linear.gather [spmem:s7], $0x940, $0x38;
	[tilespmem:$0x1C5C8] =	vst v63  }
0x3b0: {  	_ =	swait.ge [sflag:s10], $0x940  }
0x3b1: {  	[sflag:s10] =	ssyncset.done $0x0  }
0x3b2: {  	s13 =	simm.s32 $0x1AE48;
	s12 =	rddreg [dreg:$0x17];
	[sflag:s10] =	ssyncadd.s32 $0xFFFFF6C0  }
0x3b3: {  	[tilespmem:s13], [sflag:$0x1] =	stream.linear.gather [spmem:s12], $0x940, $0x38;
	[tilespmem:$0x1C5C8] =	vst v63  }
0x3b4: {  	_ =	swait.ge [sflag:s10], $0x940  }
0x3b5: {  	[sflag:s10] =	ssyncset.done $0x0  }
0x3b6: {  	s15 =	simm.s32 $0x1B7C8;
	s14 =	rddreg [dreg:$0x18];
	[sflag:s10] =	ssyncadd.s32 $0xFFFFF6C0  }
0x3b7: {  	[tilespmem:s15], [sflag:$0x1] =	stream.linear.gather [spmem:s14], $0x930, $0x38;
	[tilespmem:$0x1C5C8] =	vst v63  }
0x3b8: {  	_ =	swait.ge [sflag:s10], $0x930  }
0x3b9: {  	[sflag:s10] =	ssyncset.done $0x0  }
0x3ba: {  	s6 =	simm.s32 $0x1B7F8;
	[sflag:s10] =	ssyncadd.s32 $0xFFFFF6D0  }
0x3bb: {  	v11 =	vld [tilespmem:s6+$0xFFFFFFD0];
	_ =	sdelay $0x1  }
0x3bc: {  	v12 =	vld [tilespmem:s6+$0xFFFFFFE0];
	_ =	sdelay $0x1  }
0x3bd: {  	v13 =	vld [tilespmem:s6+$0xFFFFFFF0]  }
0x3be: {  	vm1 =	vgt.f32 v11, $-1.000000000e+09  }
0x3bf: {  	v14 =	vld [tilespmem:s6+$0x0];
	v11 =	vnsel vm1, $0xCE6E6B28, v11  }
0x3c0: {  	vm2 =	vgt.f32 v12, v11  }
0x3c1: {  	v52 =	vld [tilespmem:s6+$0x10];
	v11 =	vsel vm2, v12, v11  }
0x3c2: {  	vm3 =	vgt.f32 v13, v11  }
0x3c3: {  	v53 =	vld [tilespmem:s6+$0x20];
	v11 =	vsel vm3, v13, v11  }
0x3c4: {  	vm4 =	vgt.f32 v14, v11  }
0x3c5: {  	v54 =	vld [tilespmem:s6+$0x30];
	v11 =	vsel vm4, v14, v11  }
0x3c6: {  	vm5 =	vgt.f32 v52, v11  }
0x3c7: {  	v11 =	vsel vm5, v52, v11  }
0x3c8: {  	vm6 =	vgt.f32 v53, v11  }
0x3c9: {  	v11 =	vsel vm6, v53, v11  }
0x3ca: {  	vm7 =	vgt.f32 v54, v11  }
0x3cb: {  	v11 =	vsel vm7, v54, v11  }
0x3cc: {  	s16 =	simm.s32 $0x0;
	(xrf0) =	vmax.scan.msk.f32 $0xffff, v11  }
0x3cd: {  	v55 =	vor.u32 s16, v1;
	s8 =	simm.s32 $0x10  }
0x3ce: {  	s17 =	simm.s32 $0x20;
	v56 =	vor.u32 s8, v1;
	v12 =	vnsel vm1, $0x0, v55  }
0x3cf: {  	s18 =	simm.s32 $0x30;
	v57 =	vor.u32 s17, v1;
	v12 =	vsel vm2, v56, v12  }
0x3d0: {  	s21 =	simm.s32 $0x40;
	v58 =	vor.u32 s18, v1;
	v12 =	vsel vm3, v57, v12  }
0x3d1: {  	s22 =	simm.s32 $0x50;
	v59 =	vor.u32 s21, v1;
	v12 =	vsel vm4, v58, v12  }
0x3d2: {  	s3 =	smov.u32 s25;
	s25 =	smov.u32 s23;
	s23 =	simm.s32 $0x60;
	v60 =	vor.u32 s22, v1;
	v12 =	vsel vm5, v59, v12;
	v61, _, _ =	vpop (xrf0)  }
0x3d3: {  	v62 =	vor.u32 s23, v1;
	v12 =	vsel vm6, v60, v12;
	v14 =	vbroadcast v61, $0xF  }
0x3d4: {  	v12 =	vsel vm7, v62, v12  }
0x3d5: {  	vm1 =	veq.f32 v11, v14;
	v11 =	vxor.u32 $0x80000000, v12  }
0x3d6: {  	v11 =	vnsel vm1, $0xC0000000, v11  }
0x3d7: {  	(xrf0) =	vmin.scan.msk.u32 $0xffff, v11;
	_ =	sdelay $0x5  }
0x3d8: {  	v11, _, _ =	vpop (xrf0)  }
0x3d9: {  	(v2sf) =	vpush v11, $0xF;
	_ =	sdelay $0x4  }
0x3da: {  	s12 =	sand.u32 $0x10, s16  }
0x3db: {  	v11 =	vld [tilespmem:s12+$0x1C148];
	_ =	sdelay $0x1  }
0x3dc: {  	s7 =	sand.u32 $0xF, s16  }
0x3dd: {  	v63 =	vmov s7  }
0x3de: {  	vm1 =	veq.s32 v63, v1  }
0x3df: {  	v11 =	vsel vm1, v14, v11  }
0x3e0: {  	[tilespmem:s12+$0x1C148] =	vst v11;
	v11 =	vld [tilespmem:s12+$0x1C1C8];
	_ =	sdelay $0x2  }
0x3e1: {  	s24 =	spop (v2sf)  }
0x3e2: {  	s29 =	sxor.u32 $0x80000000, s24  }
0x3e3: {  	s7 =	simm.s32 $0x70;
	s8 =	simm.s32 $0x1;
	v11 =	vsel vm1, s29, v11  }
.LBB2_14:
0x3e4: {  	s13 =	sand.u32 $0xF, s8;
	p2 =	sne.s32 s7, $0x8C0;
	[tilespmem:s12+$0x1C1C8] =	vst v11;
	s6 =	sadd.s32 $0x70, s6  }
0x3e5: {  	s12 =	smov.u32 s7;
	s7 =	sadd.s32 $0x70, s7;
	v11 =	vld [tilespmem:s6+$0xFFFFFFD0];
	v12 =	vmov s13;
	_ =	sdelay $0x1  }
0x3e6: {  	v13 =	vld [tilespmem:s6+$0xFFFFFFE0];
	_ =	sdelay $0x1  }
0x3e7: {  	v14 =	vld [tilespmem:s6+$0xFFFFFFF0]  }
0x3e8: {  	vm1 =	vgt.f32 v11, $-1.000000000e+09  }
0x3e9: {  	v11 =	vnsel vm1, $0xCE6E6B28, v11;
	v15 =	vld [tilespmem:s6+$0x0]  }
0x3ea: {  	vm2 =	vgt.f32 v13, v11  }
0x3eb: {  	v16 =	vor.u32 s12, v1;
	s13 =	sadd.s32 $0x10, s12;
	v11 =	vsel vm2, v13, v11;
	v13 =	vld [tilespmem:s6+$0x10]  }
0x3ec: {  	v17 =	vor.u32 s13, v1;
	s13 =	sadd.s32 $0x20, s12;
	v16 =	vnsel vm1, $0x0, v16;
	vm1 =	vgt.f32 v14, v11  }
0x3ed: {  	v16 =	vsel vm2, v17, v16;
	v11 =	vsel vm1, v14, v11;
	v14 =	vor.u32 s13, v1;
	s13 =	sadd.s32 $0x30, s12;
	v17 =	vld [tilespmem:s6+$0x20]  }
0x3ee: {  	v14 =	vsel vm1, v14, v16;
	vm1 =	vgt.f32 v15, v11;
	v16 =	vor.u32 s13, v1  }
0x3ef: {  	s13 =	sadd.s32 $0x40, s12;
	v11 =	vsel vm1, v15, v11;
	v14 =	vsel vm1, v16, v14;
	v15 =	vld [tilespmem:s6+$0x30]  }
0x3f0: {  	v16 =	vor.u32 s13, v1;
	vm1 =	vgt.f32 v13, v11  }
0x3f1: {  	v11 =	vsel vm1, v13, v11;
	v13 =	vsel vm1, v16, v14  }
0x3f2: {  	s13 =	sadd.s32 $0x50, s12;
	vm1 =	vgt.f32 v17, v11  }
0x3f3: {  	s12 =	sadd.s32 $0x60, s12;
	v14 =	vor.u32 s13, v1;
	v11 =	vsel vm1, v17, v11  }
0x3f4: {  	v13 =	vsel vm1, v14, v13;
	v14 =	vor.u32 s12, v1;
	vm1 =	vgt.f32 v15, v11  }
0x3f5: {  	v11 =	vsel vm1, v15, v11;
	v13 =	vsel vm1, v14, v13  }
0x3f6: {  	(xrf0) =	vmax.scan.msk.f32 $0xffff, v11;
	_ =	sdelay $0x2  }
0x3f7: {  	s12 =	sand.u32 $0x10, s8  }
0x3f8: {  	v14 =	vld [tilespmem:s12+$0x1C148];
	_ =	sdelay $0x1  }
0x3f9: {  	v15, _, _ =	vpop (xrf0)  }
0x3fa: {  	v15 =	vbroadcast v15, $0xF  }
0x3fb: {  	vm1 =	veq.s32 v12, v1  }
0x3fc: {  	vm2 =	veq.f32 v11, v15;
	v11 =	vxor.u32 $0x80000000, v13;
	v12 =	vsel vm1, v15, v14  }
0x3fd: {  	v11 =	vnsel vm2, $0xC0000000, v11;
	[tilespmem:s12+$0x1C148] =	vst v12  }
0x3fe: {  	(xrf0) =	vmin.scan.msk.u32 $0xffff, v11;
	_ =	sdelay $0x5  }
0x3ff: {  	v11, _, _ =	vpop (xrf0)  }
0x400: {  	(v2sf) =	vpush v11, $0xF;
	_ =	sdelay $0xb  }
0x401: {  	v11 =	vld [tilespmem:s12+$0x1C1C8]  }
.Ltmp11:
0x402: {  	(pc) =	sbr.rel @p2 .LBB2_14-.Ltmp11, $4  }
0x403: {  	_ = 	snop  }
0x404: {  	s13 =	spop (v2sf)  }
0x405: {  	s13 =	sxor.u32 $0x80000000, s13  }
0x406: {  	s8 =	sadd.s32 $0x1, s8;
	v11 =	vsel vm1, s13, v11  }
0x407: {  	s6 =	simm.s32 $0x15  }
0x408: {  	[tilespmem:s12+$0x1C1C8] =	vst v11;
	s6 =	sand.u32 $0x30, s6  }
0x409: {  	v11 =	vld [tilespmem:s6+$0x1C148]  }
0x40a: {  	v12 =	vld [tilespmem:s6+$0x1C1C8]  }
0x40b: {  	s7 =	simm.s32 $0x5  }
0x40c: {  	v13 =	vmov s7  }
0x40d: {  	vm1 =	veq.s32 v13, v1  }
0x40e: {  	s21 =	smov.u32 s19;
	s29 =	smov.u32 s20;
	s8 =	simm.s32 $0x16;
	v11 =	vsel vm1, $0xCE6E6B28, v11  }
0x40f: {  	s7 =	simm.s32 $0x6;
	s12 =	sand.u32 $0x30, s8;
	s8 =	simm.s32 $0x7;
	[tilespmem:s6+$0x1C148] =	vst v11;
	v11 =	vsel vm1, $0x0, v12  }
.LBB2_16:
0x410: {  	p2 =	sne.s32 s8, $0xF;
	v12 =	vld [tilespmem:s12+$0x1C148];
	[tilespmem:s6+$0x1C1C8] =	vst v11;
	s6 =	smov.u32 s12  }
0x411: {  	v11 =	vld [tilespmem:s6+$0x1C1C8]  }
.Ltmp12:
0x412: {  	(pc) =	sbr.rel @p2 .LBB2_16-.Ltmp12, $4  }
0x413: {  	v13 =	vmov s7;
	s7 =	smov.u32 s8  }
0x414: {  	vm1 =	veq.s32 v13, v1  }
0x415: {  	s12 =	sadd.s32 $0x10, s8;
	v12 =	vsel vm1, $0xCE6E6B28, v12  }
0x416: {  	s8 =	sadd.s32 $0x1, s8;
	s12 =	sand.u32 $0x30, s12;
	[tilespmem:s6+$0x1C148] =	vst v12;
	v11 =	vsel vm1, $0x0, v11  }
0x417: {  	v12 =	vld [tilespmem:s12+$0x1C148];
	[tilespmem:s6+$0x1C1C8] =	vst v11  }
0x418: {  	v11 =	vld [tilespmem:s12+$0x1C1C8];
	_ =	sdelay $0x1  }
0x419: {  	v13 =	vmov s7  }
0x41a: {  	vm1 =	veq.s32 v13, v1  }
0x41b: {  	v12 =	vsel vm1, $0xCE6E6B28, v12  }
0x41c: {  	[tilespmem:s12+$0x1C148] =	vst v12;
	v11 =	vsel vm1, $0x0, v11  }
0x41d: {  	[tilespmem:s12+$0x1C1C8] =	vst v11  }
0x41e: {  	v11 =	vld [tilespmem:$0x1C148];
	_ =	sdelay $0x1  }
0x41f: {  	v12 =	vld [tilespmem:$0x1C158];
	_ =	sdelay $0x2  }
0x420: {  	vm1 =	vgt.f32 v11, $-1.000000000e+09  }
0x421: {  	v11 =	vnsel vm1, $0xCE6E6B28, v11  }
0x422: {  	vm2 =	vgt.f32 v12, v11  }
0x423: {  	v11 =	vsel vm2, v12, v11  }
0x424: {  	(xrf0) =	vmax.scan.msk.f32 $0xffff, v11;
	_ =	sdelay $0x5  }
0x425: {  	v33, _, _ =	vpop (xrf0)  }
0x426: {  	v34 =	vbroadcast v33, $0xF  }
0x427: {  	v14 =	vnsel vm1, $0x80000000, v9  }
0x428: {  	v14 =	vsel vm2, v2, v14;
	vm1 =	veq.f32 v11, v34  }
0x429: {  	v11 =	vnsel vm1, $0xC0000000, v14  }
0x42a: {  	(xrf0) =	vmin.scan.msk.u32 $0xffff, v11;
	_ =	sdelay $0x5  }
0x42b: {  	v11, _, _ =	vpop (xrf0)  }
0x42c: {  	(v2sf) =	vpush v11, $0xF;
	_ =	sdelay $0xe  }
0x42d: {  	s20 =	spop (v2sf)  }
0x42e: {  	s8 =	sxor.u32 $0x80000000, s20  }
0x42f: {  	s22 =	sand.u32 $0xF, s20;
	p3 =	sgt.s32 s20, $0xFFFFFFFF;
	p2 =	slt.s32 s8, $0x1  }
0x430: {  	s23 =	sshra.s32 s8, $0x1F;
	p6 =	sne.s32 s22, $0x0;
	p2 =	por p3, p2  }
0x431: {  	s6 =	sshrl.u32 s23, $0x1C;
	p2 =	por !p6, !p2  }
0x432: {  	s7 =	simm.s32 $0x1;
	s6 =	sadd.s32 s6, s8;
	p2 =	por !p2, !p2  }
0x433: {  	s6 =	sshrl.u32 s6, $0x4;
	s7 =	simm.s32 @!p2 $0x0  }
0x434: {  	s6 =	ssub.s32 s6, s7  }
0x435: {  	s7 =	sshll.u32 s6, $0x4  }
0x436: {  	v11 =	vld [tilespmem:s7+$0x1C1C8];
	_ =	sdelay $0x1  }
0x437: {  	s6 =	ssub.s32 s8, s7  }
0x438: {  	v35 =	vmov s6  }
0x439: {  	vm1 =	veq.s32 v35, v1  }
0x43a: {  	v11 =	vnsel vm1, $0x0, v11  }
0x43b: {  	(xrf0) =	vadd.scan.msk.s32 $0xffff, v11;
	_ =	sdelay $0x5  }
0x43c: {  	v11, _, _ =	vpop (xrf0)  }
0x43d: {  	(v2sf) =	vpush v11, $0xF;
	_ =	sdelay $0xc  }
0x43e: {  	(v2sf) =	vpush v33, $0xF;
	_ =	sdelay $0x1  }
0x43f: {  	s24 =	spop (v2sf)  }
0x440: {  	s18 =	smulhi.u32 $0x92492493, s24;
	s13 =	sshra.s32 s24, $0x1F  }
0x441: {  	s14 =	smul.u32 $0x92492493, s13  }
0x442: {  	s6 =	ssub.s32 s18, s24  }
0x443: {  	s14 =	sadd.s32 s14, s6  }
0x444: {  	s17 =	simm.s32 $0x1;
	s14 =	sadd.s32 s24, s14  }
0x445: {  	s15 =	sand.u32 $0xF, s24;
	s16 =	sshrl.u32 s14, $0x1F;
	s14 =	sshra.s32 s14, $0x6  }
0x446: {  	p4 =	slt.s32 s24, $0x1;
	s20 =	ssub.s32 $0x0, s24;
	s14 =	sadd.s32 s16, s14  }
0x447: {  	p5 =	sne.s32 s15, $0x0;
	s13 =	sshrl.u32 s13, $0x1C;
	s19 =	smul.u32 $0xFFFFFF90, s14  }
0x448: {  	p3 =	por !p4, !p5;
	s13 =	sadd.s32 s13, s24;
	s6 =	simm.s32 $0x0  }
0x449: {  	p3 =	por !p3, !p3;
	s13 =	sshrl.u32 s13, $0x4;
	p6 =	sne.s32 s19, s20  }
0x44a: {  	s17 =	simm.s32 @!p3 $0x0;
	s22 =	sand.u32 $0x70, s6;
	p2 =	por !p4, !p6  }
0x44b: {  	s18 =	sand.u32 $0xF, s6;
	v11 =	vld [tilespmem:s22+$0x1C448];
	s16 =	simm.s32 $0x1;
	p2 =	por !p2, !p2  }
0x44c: {  	s13 =	ssub.s32 s13, s17;
	s17 =	spop (v2sf);
	v36 =	vld [tilespmem:s22+$0x1C4C8];
	s16 =	simm.s32 @!p2 $0x0  }
0x44d: {  	s13 =	sshll.u32 s13, $0x4;
	p2 =	sgt.f32 s17, $-5.000000000e+08;
	s14 =	ssub.s32 s14, s16  }
0x44e: {  	v38 =	vmov s18;
	v37 =	vld [tilespmem:s13+$0x1AE48];
	s14 =	scvt.s32.f32 s14  }
0x44f: {  	vm2 =	veq.s32 v38, v1;
	v15 =	vld [tilespmem:s13+$0x191C8];
	s17 =	simm.s32 @!p2 $0x0  }
0x450: {  	s12 =	ssub.s32 s24, s13;
	v39 =	vld [tilespmem:s13+$0x1A4C8];
	v11 =	vsel vm2, s17, v11;
	s14 =	simm.s32 @!p2 $0x0  }
0x451: {  	v17 =	vld [tilespmem:s13+$0x19B48];
	v16 =	vmov s12;
	[tilespmem:s22+$0x1C448] =	vst v11;
	v11 =	vsel vm2, s14, v36  }
0x452: {  	s23 =	sand.u32 $0x1F0, s6;
	v18 =	vshrl.u32 v16, $0x1B;
	[tilespmem:s22+$0x1C4C8] =	vst v11  }
0x453: {  	s24 =	sand.u32 $0xC, s6;
	v40 =	vand.u32 $0x10, v18;
	v41 =	vld [tilespmem:s23+$0x1C248]  }
0x454: {  	v42 =	vmov s24;
	s18 =	sor.u32 $0x1, s24;
	v11 =	vadd.s32 s12, v40  }
0x455: {  	v44 =	vmov s18;
	v13 =	vperm.xlane v37, v11;
	v15 =	vperm.xlane v15, v11  }
0x456: {  	vm4 =	veq.s32 v44, v1;
	s17 =	sor.u32 $0x2, s24;
	v14 =	vperm.xlane v39, v11;
	v11 =	vperm.xlane v17, v11  }
0x457: {  	v43 =	vmov s17;
	vm2 =	veq.s32 v42, v1;
	v15 =	vpsel !p2, $0x0, v15  }
0x458: {  	vm3 =	veq.s32 v43, v1;
	s12 =	sor.u32 $0x3, s24;
	v11 =	vpsel !p2, $0x0, v11;
	v12 =	vsel vm2, v15, v41  }
0x459: {  	v45 =	vmov s12;
	v14 =	vpsel !p2, $0x0, v14;
	v11 =	vsel vm4, v11, v12  }
0x45a: {  	v46 =	vpsel !p2, $0x0, v13;
	vm2 =	veq.s32 v45, v1;
	v11 =	vsel vm3, v14, v11  }
0x45b: {  	v11 =	vsel vm2, v46, v11  }
0x45c: {  	[tilespmem:s23+$0x1C248] =	vst v11  }
0x45d: {  	v11 =	vld [tilespmem:s13+$0x1B7C8];
	_ =	sdelay $0x3  }
0x45e: {  	vm2 =	veq.s32 v16, v1  }
0x45f: {  	s8 =	smul.u32 $0x70, s8;
	v11 =	vsel vm2, $0xCE6E6B28, v11  }
0x460: {  	[tilespmem:s13+$0x1B7C8] =	vst v11  }
0x461: {  	v11 =	vld [tilespmem:s8+$0x1B7C8];
	_ =	sdelay $0x1  }
0x462: {  	v47 =	vld [tilespmem:s8+$0x1B7D8];
	_ =	sdelay $0x1  }
0x463: {  	v48 =	vld [tilespmem:s8+$0x1B7E8]  }
0x464: {  	vm2 =	vgt.f32 v11, $-1.000000000e+09  }
0x465: {  	v49 =	vld [tilespmem:s8+$0x1B7F8];
	v11 =	vnsel vm2, $0xCE6E6B28, v11  }
0x466: {  	vm3 =	vgt.f32 v47, v11  }
0x467: {  	v50 =	vld [tilespmem:s8+$0x1B808];
	v11 =	vsel vm3, v47, v11  }
0x468: {  	vm15 =	vgt.f32 v48, v11  }
0x469: {  	v51 =	vld [tilespmem:s8+$0x1B818];
	v11 =	vsel vm15, v48, v11  }
0x46a: {  	vm5 =	vgt.f32 v49, v11  }
0x46b: {  	v52 =	vld [tilespmem:s8+$0x1B828];
	v11 =	vsel vm5, v49, v11  }
0x46c: {  	vm6 =	vgt.f32 v50, v11  }
0x46d: {  	v11 =	vsel vm6, v50, v11  }
0x46e: {  	vm7 =	vgt.f32 v51, v11  }
0x46f: {  	v11 =	vsel vm7, v51, v11  }
0x470: {  	vm8 =	vgt.f32 v52, v11  }
0x471: {  	v11 =	vsel vm8, v52, v11  }
0x472: {  	(xrf0) =	vmax.scan.msk.f32 $0xffff, v11  }
0x473: {  	v53 =	vor.u32 s8, v1;
	s19 =	sadd.s32 $0x10, s8  }
0x474: {  	s20 =	sadd.s32 $0x20, s8;
	v54 =	vor.u32 s19, v1;
	v12 =	vnsel vm2, $0x0, v53  }
0x475: {  	v55 =	vor.u32 s20, v1;
	s22 =	sadd.s32 $0x30, s8;
	v12 =	vsel vm3, v54, v12  }
0x476: {  	v56 =	vor.u32 s22, v1;
	s23 =	sadd.s32 $0x40, s8;
	v12 =	vsel vm15, v55, v12  }
0x477: {  	s24 =	sadd.s32 $0x50, s8;
	v57 =	vor.u32 s23, v1;
	v12 =	vsel vm5, v56, v12  }
0x478: {  	v58 =	vor.u32 s24, v1;
	s8 =	sadd.s32 $0x60, s8;
	v12 =	vsel vm6, v57, v12;
	v59, _, _ =	vpop (xrf0)  }
0x479: {  	v60 =	vor.u32 s8, v1;
	v12 =	vsel vm7, v58, v12;
	v61 =	vbroadcast v59, $0xF  }
0x47a: {  	v12 =	vsel vm8, v60, v12  }
0x47b: {  	vm2 =	veq.f32 v11, v61;
	v11 =	vxor.u32 $0x80000000, v12  }
0x47c: {  	v11 =	vnsel vm2, $0xC0000000, v11  }
0x47d: {  	(xrf0) =	vmin.scan.msk.u32 $0xffff, v11  }
0x47e: {  	v62 =	vld [tilespmem:s7+$0x1C148];
	_ =	sdelay $0x3  }
0x47f: {  	s8 =	simm.s32 $0x1  }
0x480: {  	s8 =	simm.s32 @!p2 $0x0;
	v12 =	vsel vm1, v61, v62;
	v63, _, _ =	vpop (xrf0)  }
0x481: {  	s12 =	simm.s32 $0x1;
	s8 =	sadd.s32 $0x0, s8;
	[tilespmem:s7+$0x1C148] =	vst v12;
	v11 =	vld [tilespmem:s7+$0x1C1C8];
	(v2sf) =	vpush v63, $0xF  }
.LBB2_18:
0x482: {  	_ =	sdelay $0xa  }
0x483: {  	p2 =	sne.s32 s12, $0x63  }
0x484: {  	s6 =	sadd.s32 $0x4, s6;
	s14 =	smov.u32 s12;
	s12 =	sadd.s32 $0x1, s12  }
0x485: {  	_ = 	snop  }
0x486: {  	s13 =	spop (v2sf)  }
0x487: {  	s13 =	sxor.u32 $0x80000000, s13  }
0x488: {  	v11 =	vsel vm1, s13, v11  }
0x489: {  	[tilespmem:s7+$0x1C1C8] =	vst v11  }
0x48a: {  	v11 =	vld [tilespmem:$0x1C148];
	_ =	sdelay $0x1  }
0x48b: {  	v12 =	vld [tilespmem:$0x1C158];
	_ =	sdelay $0x2  }
0x48c: {  	vm1 =	vgt.f32 v11, $-1.000000000e+09  }
0x48d: {  	v11 =	vnsel vm1, $0xCE6E6B28, v11  }
0x48e: {  	vm2 =	vgt.f32 v12, v11  }
0x48f: {  	v11 =	vsel vm2, v12, v11  }
0x490: {  	(xrf0) =	vmax.scan.msk.f32 $0xffff, v11;
	_ =	sdelay $0x5  }
0x491: {  	v12 =	vnsel vm1, $0x80000000, v9;
	v13, _, _ =	vpop (xrf0)  }
0x492: {  	v12 =	vsel vm2, v2, v12;
	v14 =	vbroadcast v13, $0xF;
	_ =	sdelay $0x1  }
0x493: {  	vm1 =	veq.f32 v11, v14  }
0x494: {  	v11 =	vnsel vm1, $0xC0000000, v12  }
0x495: {  	(xrf0) =	vmin.scan.msk.u32 $0xffff, v11;
	_ =	sdelay $0x5  }
0x496: {  	v11, _, _ =	vpop (xrf0)  }
0x497: {  	(v2sf) =	vpush v11, $0xF;
	_ =	sdelay $0xe  }
0x498: {  	s7 =	spop (v2sf)  }
0x499: {  	s13 =	sxor.u32 $0x80000000, s7;
	s15 =	sand.u32 $0xF, s7  }
0x49a: {  	p4 =	sgt.s32 s7, $0xFFFFFFFF;
	s16 =	sshra.s32 s13, $0x1F;
	p3 =	slt.s32 s13, $0x1  }
0x49b: {  	s7 =	sshrl.u32 s16, $0x1C;
	p3 =	por p4, p3;
	p4 =	sne.s32 s15, $0x0  }
0x49c: {  	s7 =	sadd.s32 s7, s13;
	p3 =	por !p4, !p3  }
0x49d: {  	s15 =	simm.s32 $0x1;
	p3 =	por !p3, !p3  }
0x49e: {  	s7 =	sshrl.u32 s7, $0x4;
	s15 =	simm.s32 @!p3 $0x0  }
0x49f: {  	s7 =	ssub.s32 s7, s15  }
0x4a0: {  	s7 =	sshll.u32 s7, $0x4  }
0x4a1: {  	v11 =	vld [tilespmem:s7+$0x1C1C8];
	s15 =	ssub.s32 s13, s7  }
0x4a2: {  	v12 =	vmov s15  }
0x4a3: {  	vm1 =	veq.s32 v12, v1;
	_ =	sdelay $0x2  }
0x4a4: {  	v11 =	vnsel vm1, $0x0, v11  }
0x4a5: {  	(xrf0) =	vadd.scan.msk.s32 $0xffff, v11;
	_ =	sdelay $0x5  }
0x4a6: {  	v11, _, _ =	vpop (xrf0)  }
0x4a7: {  	(v2sf) =	vpush v11, $0xF;
	_ =	sdelay $0x9  }
0x4a8: {  	(v2sf) =	vpush v13, $0xF;
	_ =	sdelay $0x4  }
0x4a9: {  	s16 =	spop (v2sf)  }
0x4aa: {  	s15 =	smulhi.u32 $0x92492493, s16;
	s17 =	sshra.s32 s16, $0x1F  }
0x4ab: {  	s18 =	smul.u32 $0x92492493, s17;
	s17 =	sshrl.u32 s17, $0x1C  }
0x4ac: {  	s15 =	ssub.s32 s15, s16;
	s17 =	sadd.s32 s17, s16  }
0x4ad: {  	s19 =	sand.u32 $0xF, s16;
	s15 =	sadd.s32 s18, s15;
	s18 =	ssub.s32 $0x0, s16  }
0x4ae: {  	p3 =	slt.s32 s16, $0x1;
	p4 =	sne.s32 s19, $0x0;
	s15 =	sadd.s32 s16, s15  }
0x4af: {  	p4 =	por !p3, !p4;
	s19 =	sshrl.u32 s15, $0x1F;
	s15 =	sshra.s32 s15, $0x6  }
0x4b0: {  	s20 =	simm.s32 $0x1;
	p4 =	por !p4, !p4;
	s19 =	sadd.s32 s19, s15  }
0x4b1: {  	s17 =	sshrl.u32 s17, $0x4;
	s20 =	simm.s32 @!p4 $0x0;
	s15 =	smul.u32 $0xFFFFFF90, s19  }
0x4b2: {  	s17 =	ssub.s32 s17, s20;
	s20 =	sand.u32 $0x70, s14  }
0x4b3: {  	p4 =	sne.s32 s15, s18;
	s15 =	sshll.u32 s17, $0x4;
	v11 =	vld [tilespmem:s20+$0x1C448];
	s17 =	spop (v2sf)  }
0x4b4: {  	s14 =	sand.u32 $0xF, s14;
	p4 =	por !p3, !p4;
	s16 =	ssub.s32 s16, s15;
	v12 =	vld [tilespmem:s20+$0x1C4C8]  }
0x4b5: {  	v14 =	vmov s14;
	s14 =	simm.s32 $0x1;
	p3 =	sgt.f32 s17, $-5.000000000e+08;
	p4 =	por !p4, !p4;
	v13 =	vmov s16  }
0x4b6: {  	s18 =	simm.s32 $0x1;
	s14 =	simm.s32 @!p4 $0x0;
	v15 =	vshrl.u32 v13, $0x1B  }
0x4b7: {  	vm2 =	veq.s32 v14, v1;
	s17 =	simm.s32 @!p3 $0x0;
	s18 =	simm.s32 @!p3 $0x0;
	s14 =	ssub.s32 s19, s14;
	v15 =	vand.u32 $0x10, v15;
	v16 =	vld [tilespmem:s15+$0x1AE48]  }
0x4b8: {  	s8 =	sadd.s32 s18, s8;
	v14 =	vld [tilespmem:s15+$0x191C8];
	v15 =	vadd.s32 s16, v15;
	s14 =	scvt.s32.f32 s14;
	v11 =	vsel vm2, s17, v11  }
0x4b9: {  	s16 =	sand.u32 $0x1F0, s6;
	v17 =	vld [tilespmem:s15+$0x1A4C8]  }
0x4ba: {  	v18 =	vld [tilespmem:s15+$0x19B48];
	s14 =	simm.s32 @!p3 $0x0  }
0x4bb: {  	[tilespmem:s20+$0x1C448] =	vst v11;
	v11 =	vsel vm2, s14, v12  }
0x4bc: {  	s14 =	sand.u32 $0xC, s6;
	v12 =	vperm.xlane v16, v15;
	[tilespmem:s20+$0x1C4C8] =	vst v11  }
0x4bd: {  	v16 =	vmov s14;
	s17 =	sor.u32 $0x1, s14;
	s18 =	sor.u32 $0x2, s14;
	s14 =	sor.u32 $0x3, s14;
	v11 =	vperm.xlane v14, v15;
	v14 =	vld [tilespmem:s16+$0x1C248]  }
0x4be: {  	vm2 =	veq.s32 v16, v1;
	v16 =	vmov s18;
	v17 =	vperm.xlane v17, v15  }
0x4bf: {  	v15 =	vperm.xlane v18, v15;
	v11 =	vpsel !p3, $0x0, v11;
	v18 =	vmov s17  }
0x4c0: {  	vm3 =	veq.s32 v16, v1;
	v16 =	vpsel !p3, $0x0, v17;
	v17 =	vmov s14  }
0x4c1: {  	v12 =	vpsel !p3, $0x0, v12;
	vm4 =	veq.s32 v18, v1;
	vm5 =	veq.s32 v17, v1  }
0x4c2: {  	v11 =	vsel vm2, v11, v14;
	v14 =	vpsel !p3, $0x0, v15  }
0x4c3: {  	v11 =	vsel vm4, v14, v11  }
0x4c4: {  	v11 =	vsel vm3, v16, v11  }
0x4c5: {  	v11 =	vsel vm5, v12, v11  }
0x4c6: {  	[tilespmem:s16+$0x1C248] =	vst v11  }
0x4c7: {  	v11 =	vld [tilespmem:s15+$0x1B7C8];
	_ =	sdelay $0x1  }
0x4c8: {  	s13 =	smul.u32 $0x70, s13;
	_ =	sdelay $0x1  }
0x4c9: {  	s17 =	sadd.s32 $0x30, s13;
	s14 =	sadd.s32 $0x10, s13;
	vm2 =	veq.s32 v13, v1;
	s16 =	sadd.s32 $0x20, s13  }
0x4ca: {  	s19 =	sadd.s32 $0x50, s13;
	s20 =	sadd.s32 $0x60, s13;
	s18 =	sadd.s32 $0x40, s13;
	v11 =	vsel vm2, $0xCE6E6B28, v11  }
0x4cb: {  	[tilespmem:s15+$0x1B7C8] =	vst v11  }
0x4cc: {  	v11 =	vld [tilespmem:s13+$0x1B7C8]  }
0x4cd: {  	v12 =	vld [tilespmem:s13+$0x1B7D8]  }
0x4ce: {  	v13 =	vld [tilespmem:s13+$0x1B7E8]  }
0x4cf: {  	v14 =	vld [tilespmem:s13+$0x1B7F8]  }
0x4d0: {  	v15 =	vld [tilespmem:s13+$0x1B808]  }
0x4d1: {  	v16 =	vor.u32 s13, v1;
	vm2 =	vgt.f32 v11, $-1.000000000e+09;
	v17 =	vld [tilespmem:s13+$0x1B818]  }
0x4d2: {  	v18 =	vor.u32 s14, v1;
	v11 =	vnsel vm2, $0xCE6E6B28, v11;
	v16 =	vnsel vm2, $0x0, v16;
	v19 =	vld [tilespmem:s13+$0x1B828]  }
0x4d3: {  	v20 =	vor.u32 s16, v1;
	vm2 =	vgt.f32 v12, v11;
	v21 =	vld [tilespmem:s7+$0x1C148]  }
0x4d4: {  	v12 =	vsel vm2, v12, v11;
	v16 =	vsel vm2, v18, v16;
	v11 =	vld [tilespmem:s7+$0x1C1C8]  }
0x4d5: {  	v18 =	vor.u32 s17, v1;
	vm2 =	vgt.f32 v13, v12  }
0x4d6: {  	v12 =	vsel vm2, v13, v12;
	v13 =	vsel vm2, v20, v16  }
0x4d7: {  	vm2 =	vgt.f32 v14, v12  }
0x4d8: {  	v12 =	vsel vm2, v14, v12;
	v13 =	vsel vm2, v18, v13  }
0x4d9: {  	v14 =	vor.u32 s18, v1;
	vm2 =	vgt.f32 v15, v12  }
0x4da: {  	v12 =	vsel vm2, v15, v12;
	v13 =	vsel vm2, v14, v13;
	v14 =	vor.u32 s19, v1  }
0x4db: {  	v15 =	vor.u32 s20, v1;
	vm2 =	vgt.f32 v17, v12  }
0x4dc: {  	v12 =	vsel vm2, v17, v12;
	v13 =	vsel vm2, v14, v13  }
0x4dd: {  	vm2 =	vgt.f32 v19, v12  }
0x4de: {  	v12 =	vsel vm2, v19, v12;
	v13 =	vsel vm2, v15, v13  }
0x4df: {  	(xrf0) =	vmax.scan.msk.f32 $0xffff, v12;
	_ =	sdelay $0x5  }
0x4e0: {  	v14, _, _ =	vpop (xrf0)  }
0x4e1: {  	v14 =	vbroadcast v14, $0xF;
	_ =	sdelay $0x1  }
0x4e2: {  	vm2 =	veq.f32 v12, v14;
	v12 =	vxor.u32 $0x80000000, v13;
	v13 =	vsel vm1, v14, v21  }
0x4e3: {  	v12 =	vnsel vm2, $0xC0000000, v12;
	[tilespmem:s7+$0x1C148] =	vst v13  }
0x4e4: {  	(xrf0) =	vmin.scan.msk.u32 $0xffff, v12;
	_ =	sdelay $0x2  }
.Ltmp13:
0x4e5: {  	(pc) =	sbr.rel @p2 .LBB2_18-.Ltmp13, $3  }
0x4e6: {  	_ =	sdelay $0x1  }
0x4e7: {  	v12, _, _ =	vpop (xrf0)  }
0x4e8: {  	(v2sf) =	vpush v12, $0xF  }
0x4e9: {  	_ =	sdelay $0xd  }
0x4ea: {  	s6 =	spop (v2sf)  }
0x4eb: {  	s6 =	sxor.u32 $0x80000000, s6  }
0x4ec: {  	s12 =	simm.s32 $0x64;
	v11 =	vsel vm1, s6, v11  }
0x4ed: {  	s6 =	sand.u32 $0x70, s12;
	[tilespmem:s7+$0x1C1C8] =	vst v11  }
0x4ee: {  	s7 =	simm.s32 $0x65;
	v11 =	vld [tilespmem:s6+$0x1C448]  }
.LBB2_20:
0x4ef: {  	p2 =	sne.s32 s7, $0x6F;
	v12 =	vld [tilespmem:s6+$0x1C4C8]  }
0x4f0: {  	s13 =	sadd.s32 $0xFFFFFFA0, s12;
	s12 =	smov.u32 s7  }
.Ltmp14:
0x4f1: {  	v13 =	vmov s13;
	(pc) =	sbr.rel @p2 .LBB2_20-.Ltmp14, $4  }
0x4f2: {  	vm1 =	veq.s32 v13, v1  }
0x4f3: {  	v11 =	vsel vm1, $0x0, v11  }
0x4f4: {  	s13 =	sand.u32 $0x70, s7;
	[tilespmem:s6+$0x1C448] =	vst v11;
	v12 =	vsel vm1, $0x0, v12  }
0x4f5: {  	s7 =	sadd.s32 $0x1, s7;
	v11 =	vld [tilespmem:s13+$0x1C448];
	[tilespmem:s6+$0x1C4C8] =	vst v12;
	s6 =	smov.u32 s13  }
0x4f6: {  	v12 =	vld [tilespmem:s6+$0x1C4C8]  }
0x4f7: {  	s7 =	sadd.s32 $0xFFFFFFA0, s12  }
0x4f8: {  	v13 =	vmov s7  }
0x4f9: {  	vm1 =	veq.s32 v13, v1  }
0x4fa: {  	v11 =	vsel vm1, $0x0, v11  }
0x4fb: {  	[tilespmem:s6+$0x1C448] =	vst v11;
	v11 =	vsel vm1, $0x0, v12  }
0x4fc: {  	[tilespmem:s6+$0x1C4C8] =	vst v11  }
0x4fd: {  	[tilespmem:$0x1C3D8] =	vst v7  }
0x4fe: {  	v11 =	vmov s8;
	[tilespmem:$0x1C3E8] =	vst v7  }
0x4ff: {  	[tilespmem:$0x1C3F8] =	vst v7;
	v11 =	vnsel vm0, $0x0, v11  }
0x500: {  	s16 =	rddreg [dreg:$0x19];
	s17 =	simm.s32 $0x1C248;
	[tilespmem:$0x1C548] =	vst v11  }
0x501: {  	[hbm4b:s16+s26] =	stream.strided.scatter [tilespmem:s17], [sflag:$0x1], $0x200, s9, s26, $0x38;
	[tilespmem:$0x1C5C8] =	vst v63  }
0x502: {  	_ =	swait.ge [sflag:s10], $0x200  }
0x503: {  	[sflag:s10] =	ssyncset.done $0x0  }
0x504: {  	s19 =	simm.s32 $0x1C448;
	s18 =	rddreg [dreg:$0x1a];
	[sflag:s10] =	ssyncadd.s32 $0xFFFFFE00  }
0x505: {  	[hbm4b:s18+s1] =	stream.linear.scatter [tilespmem:s19], [sflag:$0x1], $0x80, $0x38;
	[tilespmem:$0x1C5C8] =	vst v63  }
0x506: {  	_ =	swait.ge [sflag:s10], $0x80  }
0x507: {  	[sflag:s10] =	ssyncset.done $0x0  }
0x508: {  	s22 =	simm.s32 $0x1C4C8;
	s20 =	rddreg [dreg:$0x1b];
	[sflag:s10] =	ssyncadd.s32 $0xFFFFFF80  }
0x509: {  	[hbm4b:s20+s1] =	stream.linear.scatter [tilespmem:s22], [sflag:$0x1], $0x80, $0x38;
	[tilespmem:$0x1C5C8] =	vst v63  }
0x50a: {  	_ =	swait.ge [sflag:s10], $0x80  }
0x50b: {  	s23 =	sld [smem:$0x7FC]  }
0x50c: {  	s24 =	simm.s32 $0x1C548;
	[sflag:s10] =	ssyncset.done $0x0  }
0x50d: {  	s20 =	smov.u32 s29;
	s29 =	smov.u32 s30;
	[sflag:s10] =	ssyncadd.s32 $0xFFFFFF80  }
0x50e: {  	[hbm4b:s23+s1] =	stream.linear.scatter [tilespmem:s24], [sflag:$0x1], $0x80, $0x38;
	[tilespmem:$0x1C5C8] =	vst v63  }
0x50f: {  	s30 =	smov.u32 s31;
	s31 =	smov.u32 s0;
	_ =	swait.ge [sflag:s10], $0x80  }
0x510: {  	s23 =	smov.u32 s25;
	s25 =	smov.u32 s3;
	s3 =	rddreg [dreg:$0xa]  }
0x511: {  	s24 =	smov.u32 s2;
	s2 =	smov.u32 s4;
	s4 =	rddreg [dreg:$0xb]  }
0x512: {  	s0 =	smov.u32 s28;
	s28 =	smov.u32 s11;
	s11 =	rddreg [dreg:$0xc]  }
.Ltmp15:
0x513: {  	s19 =	smov.u32 s21;
	s21 =	rddreg [dreg:$0xd];
	(pc) =	sbr.rel .LBB2_22-.Ltmp15, $4  }
0x514: {  	s17 =	rddreg [dreg:$0xe]  }
0x515: {  	s16 =	rddreg [dreg:$0x10]  }
0x516: {  	[sflag:s10] =	ssyncset.done $0x0;
	s18 =	rddreg [dreg:$0x12]  }
0x517: {  	s22 =	rddreg [dreg:$0x1c];
	[sflag:s10] =	ssyncadd.s32 $0xFFFFFF80  }
.LBB2_23:
0x518: {  	_ =	sfence.sel $0x180000  }
0x519: {  	[bflag:$0x0] =	sbarrier.arrive $0xFFFF  }
0x51a: {  	_ =	strace $0x90000047  }
0x51b: {  	s0 =	stileid.u32;
	[bflag:$0x2] =	sbarrier.arrive $0xFFFF  }
0x51c: {  	p0 =	sne.s32 s0, $0x0;
	s0 =	rddreg [dreg:$0x9]  }
0x51d: {  	s0 =	sadd.s32 @!p0 $0x100000, s0  }
0x51e: {  	[sflag:s0] =	ssyncadd.tile.s32 @!p0 $0x1;
	_ =	shalt  }
.Lfunc_end2:
_tile_overlayer_lowered:
.L_overlay_start_2:
0x51f: {  	(tag) =	ssettag $0x2  }
0x520: {  	s0 =	rddreg [dreg:$0x0];
	s2 =	stileid.u32  }
0x521: {  	s1 =	rddreg [dreg:$0x1];
	p0 =	sne.s32 s2, $0x0  }
0x522: {  	s3 =	rddreg [dreg:$0x2];
	[bflag:$0x3] =	sbarrier.arrive $0xFFFF;
	s2 =	simm.s32 @!p0 $0x1C01  }
0x523: {  	[timem:s3], [sflag:s2] =	dma.local @!p0 [hbm:s0], s1  }
0x524: {  	s0 =	simm.s32 @!p0 $0x1  }
0x525: {  	_ =	swait.ge @!p0 [sflag:s0], s1  }
0x526: {  	s1 =	ssub.s32 @!p0 $0x0, s1;
	[sflag:s0] =	ssyncset.done @!p0 $0x0  }
0x527: {  	[sflag:s0] =	ssyncadd.s32 @!p0 s1  }
0x528: {  	[bflag:$0x3] =	sbarrier.arrive $0xFFFF  }
0x529: {  	_ =	shalt  }

</sc_bundles>
